<compile_context>
chip_gen: v7x
topology: tpu7x:2x2x1
jax: 0.10.2.dev20260603
libtpu: 0.0.44.dev20260713+nightly
codegen_flags: <defaults>
</compile_context>

<pallas_src>
import functools

import jax
import jax.numpy as jnp
from jax import lax
from jax.experimental import pallas as pl
from jax.experimental.pallas import tpu as pltpu
from jax.experimental.pallas import tpu_sc as plsc

N = 10000
E = 160000
T = 5
DS = 4
H = 64
K = 4
DH = 64
TEMP = 0.5

NC = 2
NS = 16
NW = NC * NS
EP = 163840
NACC = 10240
BE = 2048
BN = 2048

_f32 = jnp.float32
_bf16 = jnp.bfloat16


def _relu(v):
    return jnp.maximum(v, 0.0)


def _dot(a, b):
    return jnp.dot(a.astype(_bf16), b.astype(_bf16),
                   preferred_element_type=_f32)


def _dotf(a, b):
    return jnp.dot(a, b, preferred_element_type=_f32)


def _full_spec(shape):
    return pl.BlockSpec(shape, lambda i: (0,) * len(shape))



def _sc_gather(tab, idx, d, nch, gch, dtype=_f32):
    rows_w = nch * 128
    grows = gch * 128
    ngroups = nch // gch
    mesh = plsc.VectorSubcoreMesh(core_axis_name="c", subcore_axis_name="s")

    @functools.partial(
        pl.kernel,
        out_type=jax.ShapeDtypeStruct((NW * rows_w, d), dtype),
        mesh=mesh,
        compiler_params=pltpu.CompilerParams(use_tc_tiling_on_sc=False),
        scratch_types=[
            pltpu.VMEM((nch, 128), jnp.int32),
            pltpu.VMEM((grows, d), dtype),
            pltpu.SemaphoreType.DMA,
        ],
    )
    def body(tab_h, idx_h, out_h, idxv, rowsv, sem):
        wid = lax.axis_index("s") * NC + lax.axis_index("c")
        pltpu.sync_copy(idx_h.at[wid], idxv)
        base = wid * rows_w

        def per_group(g, carry):
            descs = []
            for c in range(gch):
                descs.append(pltpu.async_copy(
                    tab_h.at[idxv.at[g * gch + c]],
                    rowsv.at[pl.ds(c * 128, 128)], sem))
            for dsc in descs:
                dsc.wait()
            pltpu.sync_copy(rowsv, out_h.at[pl.ds(base + g * grows, grows)])
            return carry

        lax.fori_loop(0, ngroups, per_group, 0)

    return body(tab, idx)


def _sc_scatter(msgs, idx, zeros_acc):
    tn = msgs.shape[0]
    rows_w = EP // NW
    acc_sl = NACC // NS
    mesh = plsc.VectorSubcoreMesh(core_axis_name="c", subcore_axis_name="s")

    @functools.partial(
        pl.kernel,
        out_type=jax.ShapeDtypeStruct((NC, tn, NACC, 128), _f32),
        mesh=mesh,
        compiler_params=pltpu.CompilerParams(use_tc_tiling_on_sc=False),
        scratch_types=[
            pltpu.VMEM((40, 128), jnp.int32),
            pltpu.VMEM((256, 128), _f32),
            pltpu.VMEM_SHARED((NACC, 128), _f32),
        ],
    )
    def body(m_h, idx_h, z_h, out_h, idxv, datav, acc):
        cid = lax.axis_index("c")
        sid = lax.axis_index("s")
        wid = sid * NC + cid
        pltpu.sync_copy(idx_h.at[wid], idxv)
        base = wid * rows_w

        def per_t(t, carry):
            pltpu.sync_copy(z_h.at[pl.ds(sid * acc_sl, acc_sl)],
                            acc.at[pl.ds(sid * acc_sl, acc_sl)])
            plsc.subcore_barrier()

            def per_group(g, c2):
                pltpu.sync_copy(m_h.at[t].at[pl.ds(base + g * 256, 256)],
                                datav)
                for c in range(2):
                    pltpu.sync_copy(datav.at[pl.ds(c * 128, 128)],
                                    acc.at[idxv.at[g * 2 + c]], add=True)
                return c2

            lax.fori_loop(0, 20, per_group, 0)
            plsc.subcore_barrier()
            pltpu.sync_copy(acc.at[pl.ds(sid * acc_sl, acc_sl)],
                            out_h.at[cid].at[t].at[pl.ds(sid * acc_sl, acc_sl)])
            plsc.subcore_barrier()
            return carry

        lax.fori_loop(0, tn, per_t, 0)

    return body(msgs, idx, zeros_acc)



def _enc1_body(xgd, xgs, ea,
               wnp, bnp, wep, bep,
               a1, b1, c1, be1, we2, be2,
               d1, d2, bn1, wn2, bn2,
               ea2_o, m_o):
    xd = xgd[...]
    xs_ = xgs[...]
    eaa = ea[...]
    for t in range(T):
        sl = slice(4 * t, 4 * t + 4)
        xi = _relu(_dot(xd[:, sl], wnp[...]) + bnp[...])
        xj = _relu(_dot(xs_[:, sl], wnp[...]) + bnp[...])
        he = _relu(_dot(eaa[:, sl], wep[...]) + bep[...])
        h = _relu(_dot(xi, a1[...]) + _dot(xj, b1[...]) + _dot(he, c1[...])
                  + be1[...])
        ea2 = _dot(h, we2[...]) + be2[...]
        mm = _dot(_relu(_dot(xi, d1[...]) + _dot(ea2, d2[...]) + bn1[...]),
                  wn2[...]) + bn2[...]
        ea2_o[t] = ea2.astype(_bf16)
        m_o[t] = mm


def _mega_body(ea2, g0d, g0s, g1d, g1s, g2d, g2s, g3d, g3s, g4d, g4s,
               xgd, xgs, gum,
               a2, b2, c2, be1, we2, be2, wh, bh,
               wir_f, wiz_f, win_f, whr_f, whz_f, whn_f,
               bir_f, biz_f, bin_f, bhr_f, bhz_f, bhn_f,
               wir_b, wiz_b, win_b, whr_b, whz_b, whn_b,
               bir_b, biz_b, bin_b, bhr_b, bhz_b, bhn_b,
               wof, wob, bo,
               w1d, w1s, b1c, w2bd, b2c, rep, summ,
               msg_o):
    gds = [g0d, g1d, g2d, g3d, g4d]
    gss = [g0s, g1s, g2s, g3s, g4s]
    logits = []
    for t in range(T):
        xi2 = gds[t][...]
        xj2 = gss[t][...]
        e2t = ea2[t]
        h = _relu(_dot(xi2, a2[...]) + _dot(xj2, b2[...]) + _dot(e2t, c2[...])
                  + be1[...])
        ea3 = _dot(h, we2[...]) + be2[...]
        logits.append(_dot(ea3, wh[...]) + bh[...])

    def gru_step(xt, hprev, wir, wiz, win, whr, whz, whn,
                 bir, biz, binn, bhr, bhz, bhn):
        r = jax.nn.sigmoid(_dot(xt, wir[...]) + bir[...]
                           + _dot(hprev, whr[...]) + bhr[...])
        z = jax.nn.sigmoid(_dot(xt, wiz[...]) + biz[...]
                           + _dot(hprev, whz[...]) + bhz[...])
        c = jnp.tanh(_dot(xt, win[...]) + binn[...]
                     + r * (_dot(hprev, whn[...]) + bhn[...]))
        return (1.0 - z) * c + z * hprev

    nb = logits[0].shape[0]
    hf = jnp.zeros((nb, H), _f32)
    yf = []
    for t in range(T):
        hf = gru_step(logits[t], hf, wir_f, wiz_f, win_f, whr_f, whz_f,
                      whn_f, bir_f, biz_f, bin_f, bhr_f, bhz_f, bhn_f)
        yf.append(hf)
    hb = jnp.zeros((nb, H), _f32)
    yb = [None] * T
    for t in reversed(range(T)):
        hb = gru_step(logits[t], hb, wir_b, wiz_b, win_b, whr_b, whz_b,
                      whn_b, bir_b, biz_b, bin_b, bhr_b, bhz_b, bhn_b)
        yb[t] = hb

    xd = xgd[...]
    xs_ = xgs[...]
    gu = gum[...]
    for t in range(T - 1):
        sm = _dot(yf[t], wof[...]) + _dot(yb[t], wob[...]) + bo[...]
        a = (sm + gu[:, 4 * t:4 * t + 4]) * (1.0 / TEMP)
        ex = jnp.exp(a)
        pr = ex / jnp.sum(ex, axis=1, keepdims=True)
        pbig = _dotf(pr, rep[...])
        sl = slice(4 * t, 4 * t + 4)
        xdt = xd[:, sl]
        xst = xs_[:, sl]
        h1 = _relu(_dot(xdt, w1d[...]) + _dot(xst, w1s[...]) + b1c[...])
        hc = _relu(_dot(h1, w2bd[...]) + b2c[...])
        msg_o[t] = _dotf(hc * pbig, summ[...])


def _addp_body(p, o):
    o[...] = (p[0, 0, :, :64] + p[1, 0, :, :64]).astype(_bf16)


def _node_body(xr, p2, o1a, o1b, bo1, w2, bo2, w3, bo3, out):
    xx = xr[...]
    for t in range(T - 1):
        aggr = p2[0, t, :, :64] + p2[1, t, :, :64]
        xt = xx[:, 4 * t:4 * t + 4]
        h = _relu(_dotf(xt, o1a[...]) + _dotf(aggr, o1b[...]) + bo1[...])
        h = _relu(_dotf(h, w2[...]) + bo2[...])
        delta = _dotf(h, w3[...]) + bo3[...]
        out[:, t, :] = xt + delta



def _edge_spec_d(be):
    return pl.BlockSpec((be, 32), lambda i: (i, 0))


def _edge_spec_s(be):
    return pl.BlockSpec((be, 32), lambda i: (EP // be + i, 0))


def _enc1(xg, eaP, ws):
    grid = (EP // BE,)
    in_specs = [_edge_spec_d(BE), _edge_spec_s(BE),
                pl.BlockSpec((BE, 20), lambda i: (i, 0))]
    in_specs += [_full_spec(w.shape) for w in ws]
    out_specs = [pl.BlockSpec((T, BE, 64), lambda i: (0, i, 0)),
                 pl.BlockSpec((T, BE, 128), lambda i: (0, i, 0))]
    out_shape = [jax.ShapeDtypeStruct((T, EP, 64), _bf16),
                 jax.ShapeDtypeStruct((T, EP, 128), _f32)]
    return pl.pallas_call(
        _enc1_body, grid=grid, in_specs=in_specs, out_specs=out_specs,
        out_shape=out_shape)(xg, xg, eaP, *ws)


def _mega(ea2, g2flat, xg, gum, ws):
    bm = 1024
    grid = (EP // bm,)
    nb = EP // bm
    in_specs = [pl.BlockSpec((T, bm, 64), lambda i: (0, i, 0))]
    in_specs += [
        pl.BlockSpec((bm, 64), functools.partial(
            lambda tp, i: (tp * nb + i, 0), tp))
        for tp in range(2 * T)
    ]
    in_specs += [
        _edge_spec_d(bm), _edge_spec_s(bm),
        pl.BlockSpec((bm, 16), lambda i: (i, 0)),
    ]
    in_specs += [_full_spec(w.shape) for w in ws]
    out_specs = pl.BlockSpec((T - 1, bm, 128), lambda i: (0, i, 0))
    out_shape = jax.ShapeDtypeStruct((T - 1, EP, 128), _f32)
    return pl.pallas_call(
        _mega_body, grid=grid, in_specs=in_specs, out_specs=out_specs,
        out_shape=out_shape)(ea2, *([g2flat] * (2 * T)), xg, xg, gum, *ws)


def _addp(p):
    tn = p.shape[1]
    grid = (tn, NACC // BN)
    return pl.pallas_call(
        _addp_body, grid=grid,
        in_specs=[pl.BlockSpec((NC, 1, BN, 128), lambda t, i: (0, t, i, 0))],
        out_specs=pl.BlockSpec((BN, 64),
                               lambda t, i: (t * (NACC // BN) + i, 0)),
        out_shape=jax.ShapeDtypeStruct((tn * NACC, 64), _bf16))(p)


def _node(xnP, p2, ws):
    grid = (NACC // BN,)
    in_specs = [pl.BlockSpec((BN, 20), lambda i: (i, 0)),
                pl.BlockSpec((NC, T - 1, BN, 128), lambda i: (0, 0, i, 0))]
    in_specs += [_full_spec(w.shape) for w in ws]
    out_specs = pl.BlockSpec((BN, T - 1, DS), lambda i: (i, 0, 0))
    out_shape = jax.ShapeDtypeStruct((NACC, T - 1, DS), _f32)
    return pl.pallas_call(
        _node_body, grid=grid, in_specs=in_specs, out_specs=out_specs,
        out_shape=out_shape)(xnP, p2, *ws)



def _b2(b):
    return b.reshape(1, -1)


def _enc1_weights(params):
    wnp, bnp = params['node_proj']
    wep, bep = params['edge_proj']
    p1 = params['mpnn1']
    we1, be1 = p1['e1']
    we2, be2 = p1['e2']
    wn1, bn1 = p1['n1']
    wn2, bn2 = p1['n2']
    we1t = we1.T
    wn1t = wn1.T
    return [wnp.T, _b2(bnp), wep.T, _b2(bep),
            we1t[:H], we1t[H:2 * H], we1t[2 * H:], _b2(be1),
            we2.T, _b2(be2),
            wn1t[:H], wn1t[H:], _b2(bn1),
            jnp.pad(wn2.T, ((0, 0), (0, 64))), _b2(jnp.pad(bn2, (0, 64)))]


def _gru_weights(p):
    wih, whh, bih, bhh = p
    out = []
    for wmat in (wih, whh):
        wt = wmat.T
        out += [wt[:, :H], wt[:, H:2 * H], wt[:, 2 * H:]]
    for bvec in (bih, bhh):
        out += [_b2(bvec[:H]), _b2(bvec[H:2 * H]), _b2(bvec[2 * H:])]
    return out


def _mega_weights(params):
    p2 = params['mpnn2']
    we1, be1 = p2['e1']
    we2, be2 = p2['e2']
    wh, bh = params['edge_head']
    we1t = we1.T
    ws = [we1t[:H], we1t[H:2 * H], we1t[2 * H:], _b2(be1),
          we2.T, _b2(be2), wh.T, _b2(bh)]
    ws += _gru_weights(params['gru_f'])
    ws += _gru_weights(params['gru_b'])
    wo, bo = params['gru_out']
    wot = wo.T
    ws += [wot[:H], wot[H:], _b2(bo)]
    w1ds, w1ss, b1s, w2s, b2s = [], [], [], [], []
    for k in range(K):
        (w1, b1), (w2, b2) = params['dec']['msg'][k]
        w1t = w1.T
        w1ds.append(w1t[:DS])
        w1ss.append(w1t[DS:])
        b1s.append(b1)
        w2s.append(w2.T)
        b2s.append(b2)
    w2bd = jax.scipy.linalg.block_diag(*w2s)
    rep = jnp.kron(jnp.eye(K, dtype=_f32), jnp.ones((1, DH), _f32))
    summ = jnp.pad(jnp.concatenate([jnp.eye(DH, dtype=_f32)] * K, axis=0),
                   ((0, 0), (0, 64)))
    ws += [jnp.concatenate(w1ds, axis=1), jnp.concatenate(w1ss, axis=1),
           _b2(jnp.concatenate(b1s)), w2bd, _b2(jnp.concatenate(b2s)),
           rep, summ]
    return ws


def _node_weights(params):
    d = params['dec']
    wo1, bo1 = d['o1']
    wo2, bo2 = d['o2']
    wo3, bo3 = d['o3']
    wo1t = wo1.T
    return [wo1t[:DS], wo1t[DS:], _b2(bo1), wo2.T, _b2(bo2), wo3.T, _b2(bo3)]



def kernel(x, edge_attr, edge_index, params):
    src = edge_index[0].astype(jnp.int32)
    dst = edge_index[1].astype(jnp.int32)
    epad = EP - E

    x32 = jnp.pad(x, ((0, 0), (0, 32 - T * DS))).astype(_bf16)
    eaP = jnp.pad(edge_attr, ((0, epad), (0, 0)))
    dst0 = jnp.pad(dst, (0, epad))
    src0 = jnp.pad(src, (0, epad))
    dstD = jnp.pad(dst, (0, epad), constant_values=N)

    idx1 = jnp.concatenate([dst0, src0]).reshape(NW, 80, 128)
    idxS = dstD.reshape(NW, 40, 128)
    idx2 = jnp.concatenate(
        [arr for t in range(T) for arr in (dst0 + t * NACC, src0 + t * NACC)]
    ).reshape(NW, 400, 128)
    zeros_acc = jnp.zeros((NACC, 128), _f32)

    u = jax.random.uniform(jax.random.key(42), (E, T, K),
                           minval=1e-10, maxval=1.0)
    g = -jnp.log(-jnp.log(u))
    gum = jnp.pad(g.reshape(E, T * K)[:, :4 * K], ((0, epad), (0, 0)))

    xg = _sc_gather(x32, idx1, 32, 80, 8, _bf16)

    ea2, m = _enc1(xg, eaP, _enc1_weights(params))

    pP = _sc_scatter(m, idxS, zeros_acc)
    x2tab = _addp(pP)

    g2 = _sc_gather(x2tab, idx2, 64, 400, 4, _bf16)

    msgs = _mega(ea2, g2, xg, gum, _mega_weights(params))

    p2P = _sc_scatter(msgs, idxS, zeros_acc)
    xnP = jnp.pad(x, ((0, NACC - N), (0, 0)))
    preds = _node(xnP, p2P, _node_weights(params))
    return preds[:N]

# --- scband reference (transcript-rebuilt; emitter-appended) ---
"""Pipeline reference for scband-switching-nrimodel-73461120631441 (READ-ONLY COPY).

The authoritative reference and input builder live on the scoring server;
editing this copy changes nothing except your own understanding.
"""

import jax, jax.numpy as jnp
import numpy as np

N = 10000
E = 160000
T = 5
DS = 4
ES = 4
H = 64
MH = 128
K = 4
DH = 64
TEMP = 0.5

def _lin_init(key, out_d, in_d):
    k1, k2 = jax.random.split(key)
    s = 1.0 / np.sqrt(in_d)
    W = jax.random.uniform(k1, (out_d, in_d), minval=-s, maxval=s, dtype=jnp.float32)
    b = jax.random.uniform(k2, (out_d,), minval=-s, maxval=s, dtype=jnp.float32)
    return (W, b)

def _gru_init(key):
    k1, k2, k3, k4 = jax.random.split(key, 4)
    s = 1.0 / np.sqrt(H)
    u = lambda k, shp: jax.random.uniform(k, shp, minval=-s, maxval=s, dtype=jnp.float32)
    return (u(k1, (3 * H, K)), u(k2, (3 * H, H)), u(k3, (3 * H,)), u(k4, (3 * H,)))

def _lin(x, p):
    W, b = p
    return x @ W.T + b

def _mpnn(x, ea, src, dst, p, n):
    xi = x[dst]
    xj = x[src]
    h = jax.nn.relu(_lin(jnp.concatenate([xi, xj, ea], axis=1), p['e1']))
    ea2 = _lin(h, p['e2'])
    m = _lin(jax.nn.relu(_lin(jnp.concatenate([xi, ea2], axis=1), p['n1'])), p['n2'])
    x2 = jnp.zeros((n, m.shape[1]), dtype=m.dtype).at[dst].add(m)
    return x2, ea2

def _gru_dir(xs, p):
    Wih, Whh, bih, bhh = p
    def step(h, xt):
        gi = xt @ Wih.T + bih
        gh = h @ Whh.T + bhh
        ir, iz, inn = jnp.split(gi, 3, axis=1)
        hr, hz, hn = jnp.split(gh, 3, axis=1)
        r = jax.nn.sigmoid(ir + hr)
        z = jax.nn.sigmoid(iz + hz)
        c = jnp.tanh(inn + r * hn)
        h2 = (1.0 - z) * c + z * h
        return h2, h2
    h0 = jnp.zeros((xs.shape[1], H), dtype=xs.dtype)
    _, ys = jax.lax.scan(step, h0, xs)
    return ys

def _decoder(x, src, dst, probs, p, n):
    pre = jnp.concatenate([x[dst], x[src]], axis=1)
    msgs = jnp.zeros((pre.shape[0], DH), dtype=x.dtype)
    for k in range(K):
        l1, l2 = p['msg'][k]
        hk = jax.nn.relu(_lin(jax.nn.relu(_lin(pre, l1)), l2))
        msgs = msgs + hk * probs[:, k:k + 1]
    aggr = jnp.zeros((n, DH), dtype=x.dtype).at[dst].add(msgs)
    h = jax.nn.relu(_lin(jnp.concatenate([x, aggr], axis=1), p['o1']))
    h = jax.nn.relu(_lin(h, p['o2']))
    delta = _lin(h, p['o3'])
    return x + delta

def _forward(x, edge_attr, params, edge_index):
    src = edge_index[0]
    dst = edge_index[1]
    n = x.shape[0]
    e = edge_attr.shape[0]
    xs = x.reshape(n, T, DS)
    eas = edge_attr.reshape(e, T, ES)
    logits = []
    for t in range(T):
        hx = jax.nn.relu(_lin(xs[:, t], params['node_proj']))
        he = jax.nn.relu(_lin(eas[:, t], params['edge_proj']))
        hx, he = _mpnn(hx, he, src, dst, params['mpnn1'], n)
        hx, he = _mpnn(hx, he, src, dst, params['mpnn2'], n)
        logits.append(_lin(he, params['edge_head']))
    lg = jnp.stack(logits, axis=1)
    seq = jnp.transpose(lg, (1, 0, 2))
    yf = _gru_dir(seq, params['gru_f'])
    yb = _gru_dir(seq[::-1], params['gru_b'])[::-1]
    y = jnp.concatenate([yf, yb], axis=-1)
    sm = _lin(y.reshape(T * e, 2 * H), params['gru_out']).reshape(T, e, K)
    sm = jnp.transpose(sm, (1, 0, 2))
    u = jax.random.uniform(jax.random.key(42), sm.shape, minval=1e-10, maxval=1.0)
    g = -jnp.log(-jnp.log(u))
    probs = jax.nn.softmax((sm + g) / TEMP, axis=-1)
    preds = []
    for t in range(T - 1):
        preds.append(_decoder(xs[:, t], src, dst, probs[:, t], params['dec'], n))
    return jnp.stack(preds, axis=1)

def setup_inputs(seed: int = 0):
    key = jax.random.key(seed)
    ks = list(jax.random.split(key, 64))
    it = iter(ks)
    x = jax.random.normal(next(it), (N, T * DS), dtype=jnp.float32)
    edge_attr = jax.random.normal(next(it), (E, T * ES), dtype=jnp.float32)
    edge_index = jax.random.randint(next(it), (2, E), 0, N)
    def mpnn_p():
        return {'e1': _lin_init(next(it), MH, 3 * H), 'e2': _lin_init(next(it), H, MH), 'n1': _lin_init(next(it), MH, 2 * H), 'n2': _lin_init(next(it), H, MH)}
    params = {
        'node_proj': _lin_init(next(it), H, DS),
        'edge_proj': _lin_init(next(it), H, ES),
        'mpnn1': mpnn_p(),
        'mpnn2': mpnn_p(),
        'edge_head': _lin_init(next(it), K, H),
        'gru_f': _gru_init(next(it)),
        'gru_b': _gru_init(next(it)),
        'gru_out': _lin_init(next(it), K, 2 * H),
        'dec': {'msg': [(_lin_init(next(it), DH, 2 * DS), _lin_init(next(it), DH, DH)) for _ in range(K)], 'o1': _lin_init(next(it), DH, DS + DH), 'o2': _lin_init(next(it), DH, DH), 'o3': _lin_init(next(it), DS, DH)},
    }
    return {'x': x, 'edge_attr': edge_attr, 'edge_index': edge_index, 'params': params}

def reference(x, edge_attr, edge_index, params):
    return _forward(x, edge_attr, params, edge_index)

if __name__ == "__main__":
    import jax
    _d = setup_inputs()
    print(jax.jit(kernel)(*tuple(_d.values())))

</pallas_src>

<mosaic_0001>
#map = affine_map<(d0, d1) -> (0, 0, 0)>
#map1 = affine_map<(d0, d1) -> (0, 0)>
#map2 = affine_map<(d0, d1) -> (0, 0, 0, 0)>
module attributes {stable_mosaic.version = 14 : i64} {
  func.func @body(%arg0: i32, %arg1: i32, %arg2: memref<4x163840x128xf32, #tpu.memory_space<hbm>>, %arg3: memref<32x40x128xi32, #tpu.memory_space<hbm>>, %arg4: memref<10240x128xf32, #tpu.memory_space<hbm>>, %arg5: memref<2x4x10240x128xf32, #tpu.memory_space<hbm>>, %arg6: memref<40x128xi32, #tpu.memory_space<vmem>>, %arg7: memref<256x128xf32, #tpu.memory_space<vmem>>, %arg8: memref<10240x128xf32, #tpu.memory_space<vmem_shared>>) attributes {dimension_semantics = [#tpu.dimension_semantics<core_parallel>, #tpu.dimension_semantics<subcore_parallel>], iteration_bounds = array<i64: 2, 16>, scalar_prefetch = 0 : i64, scratch_operands = 3 : i64, tpu.core_type = #tpu.core_type<sc_vector_subcore>, window_params = [{transform_indices = #map}, {transform_indices = #map}, {transform_indices = #map1}, {transform_indices = #map2}]} {
    %mul3A = arith.constant 2 : i32
    %mul3A_0 = arith.muli %arg1, %mul3A : i32
    %add3A = arith.addi %mul3A_0, %arg0 : i32
    "tpu.region"() ({
      %run_scoped3A = tpu.sem_alloc : memref<!tpu.dma_semaphore, #tpu.memory_space<semaphore_mem>>
      %dma_start3A = arith.constant 0 : i32
      %dma_start3A_8 = arith.constant 0 : i32
      %dma_start3A_9 = tpu.memref_slice %arg3[%add3A, %dma_start3A, %dma_start3A_8] : memref<32x40x128xi32, #tpu.memory_space<hbm>> -> memref<1x40x128xi32, #tpu.memory_space<hbm>>
      %dma_start3A_10 = tpu.memref_squeeze %dma_start3A_9 : memref<1x40x128xi32, #tpu.memory_space<hbm>> -> memref<40x128xi32, #tpu.memory_space<hbm>>
      %dma_start3A_11 = arith.constant 0 : i32
      %dma_start3A_12 = arith.constant 0 : i32
      %dma_start3A_13 = tpu.memref_slice %arg3[%add3A, %dma_start3A_11, %dma_start3A_12] : memref<32x40x128xi32, #tpu.memory_space<hbm>> -> memref<1x40x128xi32, #tpu.memory_space<hbm>>
      %dma_start3A_14 = tpu.memref_squeeze %dma_start3A_13 : memref<1x40x128xi32, #tpu.memory_space<hbm>> -> memref<40x128xi32, #tpu.memory_space<hbm>>
      tpu.enqueue_dma source(%dma_start3A_14 : memref<40x128xi32, #tpu.memory_space<hbm>>) target(%arg6 : memref<40x128xi32, #tpu.memory_space<vmem>>) target_semaphore(%run_scoped3A : memref<!tpu.dma_semaphore, #tpu.memory_space<semaphore_mem>>)
      %dma_wait3A = arith.constant 0 : i32
      %dma_wait3A_15 = arith.constant 0 : i32
      %dma_wait3A_16 = tpu.memref_slice %arg3[%add3A, %dma_wait3A, %dma_wait3A_15] : memref<32x40x128xi32, #tpu.memory_space<hbm>> -> memref<1x40x128xi32, #tpu.memory_space<hbm>>
      %dma_wait3A_17 = tpu.memref_squeeze %dma_wait3A_16 : memref<1x40x128xi32, #tpu.memory_space<hbm>> -> memref<40x128xi32, #tpu.memory_space<hbm>>
      %dma_wait3A_18 = arith.constant 0 : i32
      %dma_wait3A_19 = arith.constant 0 : i32
      %dma_wait3A_20 = tpu.memref_slice %arg3[%add3A, %dma_wait3A_18, %dma_wait3A_19] : memref<32x40x128xi32, #tpu.memory_space<hbm>> -> memref<1x40x128xi32, #tpu.memory_space<hbm>>
      %dma_wait3A_21 = tpu.memref_squeeze %dma_wait3A_20 : memref<1x40x128xi32, #tpu.memory_space<hbm>> -> memref<40x128xi32, #tpu.memory_space<hbm>>
      tpu.wait_dma2 semaphore(%run_scoped3A : memref<!tpu.dma_semaphore, #tpu.memory_space<semaphore_mem>>) src(%dma_wait3A_21 : memref<40x128xi32, #tpu.memory_space<hbm>>) dst(%arg6 : memref<40x128xi32, #tpu.memory_space<vmem>>)
      tpu.yield
    }) : () -> ()
    %mul3A_1 = arith.constant 5120 : i32
    %mul3A_2 = arith.muli %add3A, %mul3A_1 : i32
    %scan3A = arith.constant 0 : i32
    %scan3A_3 = arith.constant 0 : i32
    %scan3A_4 = arith.constant 4 : i32
    %scan3A_5 = arith.addi %scan3A_3, %scan3A_4 : i32
    %scan3A_6 = arith.constant 1 : i32
    scf.for %scan3A_8 = %scan3A_3 to %scan3A_5 step %scan3A_6  : i32 {
      %mul3A_9 = arith.constant 640 : i32
      %mul3A_10 = arith.muli %arg1, %mul3A_9 : i32
      %mul3A_11 = arith.constant 640 : i32
      %mul3A_12 = arith.muli %arg1, %mul3A_11 : i32
      "tpu.region"() ({
        %run_scoped3A = tpu.sem_alloc : memref<!tpu.dma_semaphore, #tpu.memory_space<semaphore_mem>>
        %dma_start3A = arith.constant 0 : i32
        %dma_start3A_25 = tpu.memref_slice %arg8[%mul3A_12, %dma_start3A] : memref<10240x128xf32, #tpu.memory_space<vmem_shared>> -> memref<640x128xf32, #tpu.memory_space<vmem_shared>>
        %dma_start3A_26 = arith.constant 0 : i32
        %dma_start3A_27 = tpu.memref_slice %arg4[%mul3A_10, %dma_start3A_26] : memref<10240x128xf32, #tpu.memory_space<hbm>> -> memref<640x128xf32, #tpu.memory_space<hbm>>
        tpu.enqueue_dma source(%dma_start3A_27 : memref<640x128xf32, #tpu.memory_space<hbm>>) target(%dma_start3A_25 : memref<640x128xf32, #tpu.memory_space<vmem_shared>>) target_semaphore(%run_scoped3A : memref<!tpu.dma_semaphore, #tpu.memory_space<semaphore_mem>>)
        %dma_wait3A = arith.constant 0 : i32
        %dma_wait3A_28 = tpu.memref_slice %arg8[%mul3A_12, %dma_wait3A] : memref<10240x128xf32, #tpu.memory_space<vmem_shared>> -> memref<640x128xf32, #tpu.memory_space<vmem_shared>>
        %dma_wait3A_29 = arith.constant 0 : i32
        %dma_wait3A_30 = tpu.memref_slice %arg4[%mul3A_10, %dma_wait3A_29] : memref<10240x128xf32, #tpu.memory_space<hbm>> -> memref<640x128xf32, #tpu.memory_space<hbm>>
        tpu.wait_dma2 semaphore(%run_scoped3A : memref<!tpu.dma_semaphore, #tpu.memory_space<semaphore_mem>>) src(%dma_wait3A_30 : memref<640x128xf32, #tpu.memory_space<hbm>>) dst(%dma_wait3A_28 : memref<640x128xf32, #tpu.memory_space<vmem_shared>>)
        tpu.yield
      }) : () -> ()
      %barrier3A = arith.constant 0 : index
      tpu.barrier barrier_id(%barrier3A)
      %scan3A_13 = arith.constant 0 : i32
      %scan3A_14 = arith.constant 0 : i32
      %scan3A_15 = arith.constant 20 : i32
      %scan3A_16 = arith.addi %scan3A_14, %scan3A_15 : i32
      %scan3A_17 = arith.constant 1 : i32
      scf.for %scan3A_25 = %scan3A_14 to %scan3A_16 step %scan3A_17  : i32 {
        %mul3A_26 = arith.constant 256 : i32
        %mul3A_27 = arith.muli %scan3A_25, %mul3A_26 : i32
        %add3A_28 = arith.addi %mul3A_2, %mul3A_27 : i32
        "tpu.region"() ({
          %run_scoped3A = tpu.sem_alloc : memref<!tpu.dma_semaphore, #tpu.memory_space<semaphore_mem>>
          %dma_start3A = arith.constant 0 : i32
          %dma_start3A_37 = arith.constant 0 : i32
          %dma_start3A_38 = tpu.memref_slice %arg2[%scan3A_8, %dma_start3A, %dma_start3A_37] : memref<4x163840x128xf32, #tpu.memory_space<hbm>> -> memref<1x163840x128xf32, #tpu.memory_space<hbm>>
          %dma_start3A_39 = tpu.memref_squeeze %dma_start3A_38 : memref<1x163840x128xf32, #tpu.memory_space<hbm>> -> memref<163840x128xf32, #tpu.memory_space<hbm>>
          %dma_start3A_40 = arith.constant 0 : i32
          %dma_start3A_41 = tpu.memref_slice %dma_start3A_39[%add3A_28, %dma_start3A_40] : memref<163840x128xf32, #tpu.memory_space<hbm>> -> memref<256x128xf32, #tpu.memory_space<hbm>>
          %dma_start3A_42 = arith.constant 0 : i32
          %dma_start3A_43 = arith.constant 0 : i32
          %dma_start3A_44 = tpu.memref_slice %arg2[%scan3A_8, %dma_start3A_42, %dma_start3A_43] : memref<4x163840x128xf32, #tpu.memory_space<hbm>> -> memref<1x163840x128xf32, #tpu.memory_space<hbm>>
          %dma_start3A_45 = tpu.memref_squeeze %dma_start3A_44 : memref<1x163840x128xf32, #tpu.memory_space<hbm>> -> memref<163840x128xf32, #tpu.memory_space<hbm>>
          %dma_start3A_46 = arith.constant 0 : i32
          %dma_start3A_47 = tpu.memref_slice %dma_start3A_45[%add3A_28, %dma_start3A_46] : memref<163840x128xf32, #tpu.memory_space<hbm>> -> memref<256x128xf32, #tpu.memory_space<hbm>>
          tpu.enqueue_dma source(%dma_start3A_47 : memref<256x128xf32, #tpu.memory_space<hbm>>) target(%arg7 : memref<256x128xf32, #tpu.memory_space<vmem>>) target_semaphore(%run_scoped3A : memref<!tpu.dma_semaphore, #tpu.memory_space<semaphore_mem>>)
          %dma_wait3A = arith.constant 0 : i32
          %dma_wait3A_48 = arith.constant 0 : i32
          %dma_wait3A_49 = tpu.memref_slice %arg2[%scan3A_8, %dma_wait3A, %dma_wait3A_48] : memref<4x163840x128xf32, #tpu.memory_space<hbm>> -> memref<1x163840x128xf32, #tpu.memory_space<hbm>>
          %dma_wait3A_50 = tpu.memref_squeeze %dma_wait3A_49 : memref<1x163840x128xf32, #tpu.memory_space<hbm>> -> memref<163840x128xf32, #tpu.memory_space<hbm>>
          %dma_wait3A_51 = arith.constant 0 : i32
          %dma_wait3A_52 = tpu.memref_slice %dma_wait3A_50[%add3A_28, %dma_wait3A_51] : memref<163840x128xf32, #tpu.memory_space<hbm>> -> memref<256x128xf32, #tpu.memory_space<hbm>>
          %dma_wait3A_53 = arith.constant 0 : i32
          %dma_wait3A_54 = arith.constant 0 : i32
          %dma_wait3A_55 = tpu.memref_slice %arg2[%scan3A_8, %dma_wait3A_53, %dma_wait3A_54] : memref<4x163840x128xf32, #tpu.memory_space<hbm>> -> memref<1x163840x128xf32, #tpu.memory_space<hbm>>
          %dma_wait3A_56 = tpu.memref_squeeze %dma_wait3A_55 : memref<1x163840x128xf32, #tpu.memory_space<hbm>> -> memref<163840x128xf32, #tpu.memory_space<hbm>>
          %dma_wait3A_57 = arith.constant 0 : i32
          %dma_wait3A_58 = tpu.memref_slice %dma_wait3A_56[%add3A_28, %dma_wait3A_57] : memref<163840x128xf32, #tpu.memory_space<hbm>> -> memref<256x128xf32, #tpu.memory_space<hbm>>
          tpu.wait_dma2 semaphore(%run_scoped3A : memref<!tpu.dma_semaphore, #tpu.memory_space<semaphore_mem>>) src(%dma_wait3A_58 : memref<256x128xf32, #tpu.memory_space<hbm>>) dst(%arg7 : memref<256x128xf32, #tpu.memory_space<vmem>>)
          tpu.yield
        }) : () -> ()
        %mul3A_29 = arith.constant 2 : i32
        %mul3A_30 = arith.muli %scan3A_25, %mul3A_29 : i32
        %add3A_31 = arith.constant 0 : i32
        %add3A_32 = arith.addi %mul3A_30, %add3A_31 : i32
        "tpu.region"() ({
          %run_scoped3A = tpu.sem_alloc : memref<!tpu.dma_semaphore, #tpu.memory_space<semaphore_mem>>
          %dma_start3A = arith.constant 0 : i32
          %dma_start3A_37 = arith.constant 0 : i32
          %dma_start3A_38 = tpu.memref_slice %arg7[%dma_start3A, %dma_start3A_37] : memref<256x128xf32, #tpu.memory_space<vmem>> -> memref<128x128xf32, #tpu.memory_space<vmem>>
          %dma_start3A_39 = arith.constant 0 : i32
          %dma_start3A_40 = tpu.memref_slice %arg6[%add3A_32, %dma_start3A_39] : memref<40x128xi32, #tpu.memory_space<vmem>> -> memref<1x128xi32, #tpu.memory_space<vmem>>
          %dma_start3A_41 = tpu.memref_squeeze %dma_start3A_40 : memref<1x128xi32, #tpu.memory_space<vmem>> -> memref<128xi32, #tpu.memory_space<vmem>>
          %dma_start3A_42 = arith.constant 0 : i32
          %dma_start3A_43 = arith.constant 0 : i32
          %dma_start3A_44 = tpu.memref_slice %arg8[%dma_start3A_42, %dma_start3A_43] : memref<10240x128xf32, #tpu.memory_space<vmem_shared>> -> memref<10240x128xf32, #tpu.memory_space<vmem_shared>>
          tpu.enqueue_indirect_dma source(%dma_start3A_38 : memref<128x128xf32, #tpu.memory_space<vmem>>) target(%dma_start3A_44 : memref<10240x128xf32, #tpu.memory_space<vmem_shared>>) offsets(%dma_start3A_41 : memref<128xi32, #tpu.memory_space<vmem>>) semaphore(%run_scoped3A : memref<!tpu.dma_semaphore, #tpu.memory_space<semaphore_mem>>) {add = true}
          %dma_wait3A = arith.constant 0 : i32
          %dma_wait3A_45 = arith.constant 0 : i32
          %dma_wait3A_46 = tpu.memref_slice %arg7[%dma_wait3A, %dma_wait3A_45] : memref<256x128xf32, #tpu.memory_space<vmem>> -> memref<128x128xf32, #tpu.memory_space<vmem>>
          %dma_wait3A_47 = arith.constant 0 : i32
          %dma_wait3A_48 = tpu.memref_slice %arg6[%add3A_32, %dma_wait3A_47] : memref<40x128xi32, #tpu.memory_space<vmem>> -> memref<1x128xi32, #tpu.memory_space<vmem>>
          %dma_wait3A_49 = tpu.memref_squeeze %dma_wait3A_48 : memref<1x128xi32, #tpu.memory_space<vmem>> -> memref<128xi32, #tpu.memory_space<vmem>>
          %dma_wait3A_50 = arith.constant 0 : i32
          %dma_wait3A_51 = arith.constant 0 : i32
          %dma_wait3A_52 = tpu.memref_slice %arg8[%dma_wait3A_50, %dma_wait3A_51] : memref<10240x128xf32, #tpu.memory_space<vmem_shared>> -> memref<10240x128xf32, #tpu.memory_space<vmem_shared>>
          tpu.wait_indirect_dma semaphore(%run_scoped3A : memref<!tpu.dma_semaphore, #tpu.memory_space<semaphore_mem>>) src(%dma_wait3A_46 : memref<128x128xf32, #tpu.memory_space<vmem>>) dst(%dma_wait3A_52 : memref<10240x128xf32, #tpu.memory_space<vmem_shared>>)
          tpu.yield
        }) : () -> ()
        %mul3A_33 = arith.constant 2 : i32
        %mul3A_34 = arith.muli %scan3A_25, %mul3A_33 : i32
        %add3A_35 = arith.constant 1 : i32
        %add3A_36 = arith.addi %mul3A_34, %add3A_35 : i32
        "tpu.region"() ({
          %run_scoped3A = tpu.sem_alloc : memref<!tpu.dma_semaphore, #tpu.memory_space<semaphore_mem>>
          %dma_start3A = arith.constant 128 : i32
          %dma_start3A_37 = arith.constant 0 : i32
          %dma_start3A_38 = tpu.memref_slice %arg7[%dma_start3A, %dma_start3A_37] : memref<256x128xf32, #tpu.memory_space<vmem>> -> memref<128x128xf32, #tpu.memory_space<vmem>>
          %dma_start3A_39 = arith.constant 0 : i32
          %dma_start3A_40 = tpu.memref_slice %arg6[%add3A_36, %dma_start3A_39] : memref<40x128xi32, #tpu.memory_space<vmem>> -> memref<1x128xi32, #tpu.memory_space<vmem>>
          %dma_start3A_41 = tpu.memref_squeeze %dma_start3A_40 : memref<1x128xi32, #tpu.memory_space<vmem>> -> memref<128xi32, #tpu.memory_space<vmem>>
          %dma_start3A_42 = arith.constant 0 : i32
          %dma_start3A_43 = arith.constant 0 : i32
          %dma_start3A_44 = tpu.memref_slice %arg8[%dma_start3A_42, %dma_start3A_43] : memref<10240x128xf32, #tpu.memory_space<vmem_shared>> -> memref<10240x128xf32, #tpu.memory_space<vmem_shared>>
          tpu.enqueue_indirect_dma source(%dma_start3A_38 : memref<128x128xf32, #tpu.memory_space<vmem>>) target(%dma_start3A_44 : memref<10240x128xf32, #tpu.memory_space<vmem_shared>>) offsets(%dma_start3A_41 : memref<128xi32, #tpu.memory_space<vmem>>) semaphore(%run_scoped3A : memref<!tpu.dma_semaphore, #tpu.memory_space<semaphore_mem>>) {add = true}
          %dma_wait3A = arith.constant 128 : i32
          %dma_wait3A_45 = arith.constant 0 : i32
          %dma_wait3A_46 = tpu.memref_slice %arg7[%dma_wait3A, %dma_wait3A_45] : memref<256x128xf32, #tpu.memory_space<vmem>> -> memref<128x128xf32, #tpu.memory_space<vmem>>
          %dma_wait3A_47 = arith.constant 0 : i32
          %dma_wait3A_48 = tpu.memref_slice %arg6[%add3A_36, %dma_wait3A_47] : memref<40x128xi32, #tpu.memory_space<vmem>> -> memref<1x128xi32, #tpu.memory_space<vmem>>
          %dma_wait3A_49 = tpu.memref_squeeze %dma_wait3A_48 : memref<1x128xi32, #tpu.memory_space<vmem>> -> memref<128xi32, #tpu.memory_space<vmem>>
          %dma_wait3A_50 = arith.constant 0 : i32
          %dma_wait3A_51 = arith.constant 0 : i32
          %dma_wait3A_52 = tpu.memref_slice %arg8[%dma_wait3A_50, %dma_wait3A_51] : memref<10240x128xf32, #tpu.memory_space<vmem_shared>> -> memref<10240x128xf32, #tpu.memory_space<vmem_shared>>
          tpu.wait_indirect_dma semaphore(%run_scoped3A : memref<!tpu.dma_semaphore, #tpu.memory_space<semaphore_mem>>) src(%dma_wait3A_46 : memref<128x128xf32, #tpu.memory_space<vmem>>) dst(%dma_wait3A_52 : memref<10240x128xf32, #tpu.memory_space<vmem_shared>>)
          tpu.yield
        }) : () -> ()
      }
      %scan3A_18 = arith.constant 20 : i32
      %barrier3A_19 = arith.constant 0 : index
      tpu.barrier barrier_id(%barrier3A_19)
      %mul3A_20 = arith.constant 640 : i32
      %mul3A_21 = arith.muli %arg1, %mul3A_20 : i32
      %mul3A_22 = arith.constant 640 : i32
      %mul3A_23 = arith.muli %arg1, %mul3A_22 : i32
      "tpu.region"() ({
        %run_scoped3A = tpu.sem_alloc : memref<!tpu.dma_semaphore, #tpu.memory_space<semaphore_mem>>
        %dma_start3A = arith.constant 0 : i32
        %dma_start3A_25 = arith.constant 0 : i32
        %dma_start3A_26 = arith.constant 0 : i32
        %dma_start3A_27 = tpu.memref_slice %arg5[%arg0, %dma_start3A, %dma_start3A_25, %dma_start3A_26] : memref<2x4x10240x128xf32, #tpu.memory_space<hbm>> -> memref<1x4x10240x128xf32, #tpu.memory_space<hbm>>
        %dma_start3A_28 = tpu.memref_squeeze %dma_start3A_27 : memref<1x4x10240x128xf32, #tpu.memory_space<hbm>> -> memref<4x10240x128xf32, #tpu.memory_space<hbm>>
        %dma_start3A_29 = arith.constant 0 : i32
        %dma_start3A_30 = arith.constant 0 : i32
        %dma_start3A_31 = tpu.memref_slice %dma_start3A_28[%scan3A_8, %dma_start3A_29, %dma_start3A_30] : memref<4x10240x128xf32, #tpu.memory_space<hbm>> -> memref<1x10240x128xf32, #tpu.memory_space<hbm>>
        %dma_start3A_32 = tpu.memref_squeeze %dma_start3A_31 : memref<1x10240x128xf32, #tpu.memory_space<hbm>> -> memref<10240x128xf32, #tpu.memory_space<hbm>>
        %dma_start3A_33 = arith.constant 0 : i32
        %dma_start3A_34 = tpu.memref_slice %dma_start3A_32[%mul3A_23, %dma_start3A_33] : memref<10240x128xf32, #tpu.memory_space<hbm>> -> memref<640x128xf32, #tpu.memory_space<hbm>>
        %dma_start3A_35 = arith.constant 0 : i32
        %dma_start3A_36 = tpu.memref_slice %arg8[%mul3A_21, %dma_start3A_35] : memref<10240x128xf32, #tpu.memory_space<vmem_shared>> -> memref<640x128xf32, #tpu.memory_space<vmem_shared>>
        tpu.enqueue_dma source(%dma_start3A_36 : memref<640x128xf32, #tpu.memory_space<vmem_shared>>) target(%dma_start3A_34 : memref<640x128xf32, #tpu.memory_space<hbm>>) target_semaphore(%run_scoped3A : memref<!tpu.dma_semaphore, #tpu.memory_space<semaphore_mem>>)
        %dma_wait3A = arith.constant 0 : i32
        %dma_wait3A_37 = arith.constant 0 : i32
        %dma_wait3A_38 = arith.constant 0 : i32
        %dma_wait3A_39 = tpu.memref_slice %arg5[%arg0, %dma_wait3A, %dma_wait3A_37, %dma_wait3A_38] : memref<2x4x10240x128xf32, #tpu.memory_space<hbm>> -> memref<1x4x10240x128xf32, #tpu.memory_space<hbm>>
        %dma_wait3A_40 = tpu.memref_squeeze %dma_wait3A_39 : memref<1x4x10240x128xf32, #tpu.memory_space<hbm>> -> memref<4x10240x128xf32, #tpu.memory_space<hbm>>
        %dma_wait3A_41 = arith.constant 0 : i32
        %dma_wait3A_42 = arith.constant 0 : i32
        %dma_wait3A_43 = tpu.memref_slice %dma_wait3A_40[%scan3A_8, %dma_wait3A_41, %dma_wait3A_42] : memref<4x10240x128xf32, #tpu.memory_space<hbm>> -> memref<1x10240x128xf32, #tpu.memory_space<hbm>>
        %dma_wait3A_44 = tpu.memref_squeeze %dma_wait3A_43 : memref<1x10240x128xf32, #tpu.memory_space<hbm>> -> memref<10240x128xf32, #tpu.memory_space<hbm>>
        %dma_wait3A_45 = arith.constant 0 : i32
        %dma_wait3A_46 = tpu.memref_slice %dma_wait3A_44[%mul3A_23, %dma_wait3A_45] : memref<10240x128xf32, #tpu.memory_space<hbm>> -> memref<640x128xf32, #tpu.memory_space<hbm>>
        %dma_wait3A_47 = arith.constant 0 : i32
        %dma_wait3A_48 = tpu.memref_slice %arg8[%mul3A_21, %dma_wait3A_47] : memref<10240x128xf32, #tpu.memory_space<vmem_shared>> -> memref<640x128xf32, #tpu.memory_space<vmem_shared>>
        tpu.wait_dma2 semaphore(%run_scoped3A : memref<!tpu.dma_semaphore, #tpu.memory_space<semaphore_mem>>) src(%dma_wait3A_48 : memref<640x128xf32, #tpu.memory_space<vmem_shared>>) dst(%dma_wait3A_46 : memref<640x128xf32, #tpu.memory_space<hbm>>)
        tpu.yield
      }) : () -> ()
      %barrier3A_24 = arith.constant 0 : index
      tpu.barrier barrier_id(%barrier3A_24)
    }
    %scan3A_7 = arith.constant 4 : i32
    return
  }
}

#map = affine_map<(d0, d1) -> (0, 0)>
#map1 = affine_map<(d0, d1) -> (0, 0, 0)>
module attributes {stable_mosaic.version = 14 : i64} {
  func.func @body(%arg0: i32, %arg1: i32, %arg2: memref<51200x64xbf16, #tpu.memory_space<hbm>>, %arg3: memref<32x400x128xi32, #tpu.memory_space<hbm>>, %arg4: memref<1638400x64xbf16, #tpu.memory_space<hbm>>, %arg5: memref<400x128xi32, #tpu.memory_space<vmem>>, %arg6: memref<512x64xbf16, #tpu.memory_space<vmem>>, %arg7: memref<!tpu.dma_semaphore, #tpu.memory_space<semaphore_mem>>) attributes {dimension_semantics = [#tpu.dimension_semantics<core_parallel>, #tpu.dimension_semantics<subcore_parallel>], iteration_bounds = array<i64: 2, 16>, scalar_prefetch = 0 : i64, scratch_operands = 3 : i64, tpu.core_type = #tpu.core_type<sc_vector_subcore>, window_params = [{transform_indices = #map}, {transform_indices = #map1}, {transform_indices = #map}]} {
    %mul3A = arith.constant 2 : i32
    %mul3A_0 = arith.muli %arg1, %mul3A : i32
    %add3A = arith.addi %mul3A_0, %arg0 : i32
    "tpu.region"() ({
      %run_scoped3A = tpu.sem_alloc : memref<!tpu.dma_semaphore, #tpu.memory_space<semaphore_mem>>
      %dma_start3A = arith.constant 0 : i32
      %dma_start3A_8 = arith.constant 0 : i32
      %dma_start3A_9 = tpu.memref_slice %arg3[%add3A, %dma_start3A, %dma_start3A_8] : memref<32x400x128xi32, #tpu.memory_space<hbm>> -> memref<1x400x128xi32, #tpu.memory_space<hbm>>
      %dma_start3A_10 = tpu.memref_squeeze %dma_start3A_9 : memref<1x400x128xi32, #tpu.memory_space<hbm>> -> memref<400x128xi32, #tpu.memory_space<hbm>>
      %dma_start3A_11 = arith.constant 0 : i32
      %dma_start3A_12 = arith.constant 0 : i32
      %dma_start3A_13 = tpu.memref_slice %arg3[%add3A, %dma_start3A_11, %dma_start3A_12] : memref<32x400x128xi32, #tpu.memory_space<hbm>> -> memref<1x400x128xi32, #tpu.memory_space<hbm>>
      %dma_start3A_14 = tpu.memref_squeeze %dma_start3A_13 : memref<1x400x128xi32, #tpu.memory_space<hbm>> -> memref<400x128xi32, #tpu.memory_space<hbm>>
      tpu.enqueue_dma source(%dma_start3A_14 : memref<400x128xi32, #tpu.memory_space<hbm>>) target(%arg5 : memref<400x128xi32, #tpu.memory_space<vmem>>) target_semaphore(%run_scoped3A : memref<!tpu.dma_semaphore, #tpu.memory_space<semaphore_mem>>)
      %dma_wait3A = arith.constant 0 : i32
      %dma_wait3A_15 = arith.constant 0 : i32
      %dma_wait3A_16 = tpu.memref_slice %arg3[%add3A, %dma_wait3A, %dma_wait3A_15] : memref<32x400x128xi32, #tpu.memory_space<hbm>> -> memref<1x400x128xi32, #tpu.memory_space<hbm>>
      %dma_wait3A_17 = tpu.memref_squeeze %dma_wait3A_16 : memref<1x400x128xi32, #tpu.memory_space<hbm>> -> memref<400x128xi32, #tpu.memory_space<hbm>>
      %dma_wait3A_18 = arith.constant 0 : i32
      %dma_wait3A_19 = arith.constant 0 : i32
      %dma_wait3A_20 = tpu.memref_slice %arg3[%add3A, %dma_wait3A_18, %dma_wait3A_19] : memref<32x400x128xi32, #tpu.memory_space<hbm>> -> memref<1x400x128xi32, #tpu.memory_space<hbm>>
      %dma_wait3A_21 = tpu.memref_squeeze %dma_wait3A_20 : memref<1x400x128xi32, #tpu.memory_space<hbm>> -> memref<400x128xi32, #tpu.memory_space<hbm>>
      tpu.wait_dma2 semaphore(%run_scoped3A : memref<!tpu.dma_semaphore, #tpu.memory_space<semaphore_mem>>) src(%dma_wait3A_21 : memref<400x128xi32, #tpu.memory_space<hbm>>) dst(%arg5 : memref<400x128xi32, #tpu.memory_space<vmem>>)
      tpu.yield
    }) : () -> ()
    %mul3A_1 = arith.constant 51200 : i32
    %mul3A_2 = arith.muli %add3A, %mul3A_1 : i32
    %scan3A = arith.constant 0 : i32
    %scan3A_3 = arith.constant 0 : i32
    %scan3A_4 = arith.constant 100 : i32
    %scan3A_5 = arith.addi %scan3A_3, %scan3A_4 : i32
    %scan3A_6 = arith.constant 1 : i32
    scf.for %scan3A_8 = %scan3A_3 to %scan3A_5 step %scan3A_6  : i32 {
      %mul3A_9 = arith.constant 4 : i32
      %mul3A_10 = arith.muli %scan3A_8, %mul3A_9 : i32
      %add3A_11 = arith.constant 0 : i32
      %add3A_12 = arith.addi %mul3A_10, %add3A_11 : i32
      %dma_start3A = arith.constant 0 : i32
      %dma_start3A_13 = arith.constant 0 : i32
      %dma_start3A_14 = tpu.memref_slice %arg6[%dma_start3A, %dma_start3A_13] : memref<512x64xbf16, #tpu.memory_space<vmem>> -> memref<128x64xbf16, #tpu.memory_space<vmem>>
      %dma_start3A_15 = arith.constant 0 : i32
      %dma_start3A_16 = tpu.memref_slice %arg5[%add3A_12, %dma_start3A_15] : memref<400x128xi32, #tpu.memory_space<vmem>> -> memref<1x128xi32, #tpu.memory_space<vmem>>
      %dma_start3A_17 = tpu.memref_squeeze %dma_start3A_16 : memref<1x128xi32, #tpu.memory_space<vmem>> -> memref<128xi32, #tpu.memory_space<vmem>>
      %dma_start3A_18 = arith.constant 0 : i32
      %dma_start3A_19 = arith.constant 0 : i32
      %dma_start3A_20 = tpu.memref_slice %arg2[%dma_start3A_18, %dma_start3A_19] : memref<51200x64xbf16, #tpu.memory_space<hbm>> -> memref<51200x64xbf16, #tpu.memory_space<hbm>>
      tpu.enqueue_indirect_dma source(%dma_start3A_20 : memref<51200x64xbf16, #tpu.memory_space<hbm>>) target(%dma_start3A_14 : memref<128x64xbf16, #tpu.memory_space<vmem>>) offsets(%dma_start3A_17 : memref<128xi32, #tpu.memory_space<vmem>>) semaphore(%arg7 : memref<!tpu.dma_semaphore, #tpu.memory_space<semaphore_mem>>)
      %mul3A_21 = arith.constant 4 : i32
      %mul3A_22 = arith.muli %scan3A_8, %mul3A_21 : i32
      %add3A_23 = arith.constant 1 : i32
      %add3A_24 = arith.addi %mul3A_22, %add3A_23 : i32
      %dma_start3A_25 = arith.constant 128 : i32
      %dma_start3A_26 = arith.constant 0 : i32
      %dma_start3A_27 = tpu.memref_slice %arg6[%dma_start3A_25, %dma_start3A_26] : memref<512x64xbf16, #tpu.memory_space<vmem>> -> memref<128x64xbf16, #tpu.memory_space<vmem>>
      %dma_start3A_28 = arith.constant 0 : i32
      %dma_start3A_29 = tpu.memref_slice %arg5[%add3A_24, %dma_start3A_28] : memref<400x128xi32, #tpu.memory_space<vmem>> -> memref<1x128xi32, #tpu.memory_space<vmem>>
      %dma_start3A_30 = tpu.memref_squeeze %dma_start3A_29 : memref<1x128xi32, #tpu.memory_space<vmem>> -> memref<128xi32, #tpu.memory_space<vmem>>
      %dma_start3A_31 = arith.constant 0 : i32
      %dma_start3A_32 = arith.constant 0 : i32
      %dma_start3A_33 = tpu.memref_slice %arg2[%dma_start3A_31, %dma_start3A_32] : memref<51200x64xbf16, #tpu.memory_space<hbm>> -> memref<51200x64xbf16, #tpu.memory_space<hbm>>
      tpu.enqueue_indirect_dma source(%dma_start3A_33 : memref<51200x64xbf16, #tpu.memory_space<hbm>>) target(%dma_start3A_27 : memref<128x64xbf16, #tpu.memory_space<vmem>>) offsets(%dma_start3A_30 : memref<128xi32, #tpu.memory_space<vmem>>) semaphore(%arg7 : memref<!tpu.dma_semaphore, #tpu.memory_space<semaphore_mem>>)
      %mul3A_34 = arith.constant 4 : i32
      %mul3A_35 = arith.muli %scan3A_8, %mul3A_34 : i32
      %add3A_36 = arith.constant 2 : i32
      %add3A_37 = arith.addi %mul3A_35, %add3A_36 : i32
      %dma_start3A_38 = arith.constant 256 : i32
      %dma_start3A_39 = arith.constant 0 : i32
      %dma_start3A_40 = tpu.memref_slice %arg6[%dma_start3A_38, %dma_start3A_39] : memref<512x64xbf16, #tpu.memory_space<vmem>> -> memref<128x64xbf16, #tpu.memory_space<vmem>>
      %dma_start3A_41 = arith.constant 0 : i32
      %dma_start3A_42 = tpu.memref_slice %arg5[%add3A_37, %dma_start3A_41] : memref<400x128xi32, #tpu.memory_space<vmem>> -> memref<1x128xi32, #tpu.memory_space<vmem>>
      %dma_start3A_43 = tpu.memref_squeeze %dma_start3A_42 : memref<1x128xi32, #tpu.memory_space<vmem>> -> memref<128xi32, #tpu.memory_space<vmem>>
      %dma_start3A_44 = arith.constant 0 : i32
      %dma_start3A_45 = arith.constant 0 : i32
      %dma_start3A_46 = tpu.memref_slice %arg2[%dma_start3A_44, %dma_start3A_45] : memref<51200x64xbf16, #tpu.memory_space<hbm>> -> memref<51200x64xbf16, #tpu.memory_space<hbm>>
      tpu.enqueue_indirect_dma source(%dma_start3A_46 : memref<51200x64xbf16, #tpu.memory_space<hbm>>) target(%dma_start3A_40 : memref<128x64xbf16, #tpu.memory_space<vmem>>) offsets(%dma_start3A_43 : memref<128xi32, #tpu.memory_space<vmem>>) semaphore(%arg7 : memref<!tpu.dma_semaphore, #tpu.memory_space<semaphore_mem>>)
      %mul3A_47 = arith.constant 4 : i32
      %mul3A_48 = arith.muli %scan3A_8, %mul3A_47 : i32
      %add3A_49 = arith.constant 3 : i32
      %add3A_50 = arith.addi %mul3A_48, %add3A_49 : i32
      %dma_start3A_51 = arith.constant 384 : i32
      %dma_start3A_52 = arith.constant 0 : i32
      %dma_start3A_53 = tpu.memref_slice %arg6[%dma_start3A_51, %dma_start3A_52] : memref<512x64xbf16, #tpu.memory_space<vmem>> -> memref<128x64xbf16, #tpu.memory_space<vmem>>
      %dma_start3A_54 = arith.constant 0 : i32
      %dma_start3A_55 = tpu.memref_slice %arg5[%add3A_50, %dma_start3A_54] : memref<400x128xi32, #tpu.memory_space<vmem>> -> memref<1x128xi32, #tpu.memory_space<vmem>>
      %dma_start3A_56 = tpu.memref_squeeze %dma_start3A_55 : memref<1x128xi32, #tpu.memory_space<vmem>> -> memref<128xi32, #tpu.memory_space<vmem>>
      %dma_start3A_57 = arith.constant 0 : i32
      %dma_start3A_58 = arith.constant 0 : i32
      %dma_start3A_59 = tpu.memref_slice %arg2[%dma_start3A_57, %dma_start3A_58] : memref<51200x64xbf16, #tpu.memory_space<hbm>> -> memref<51200x64xbf16, #tpu.memory_space<hbm>>
      tpu.enqueue_indirect_dma source(%dma_start3A_59 : memref<51200x64xbf16, #tpu.memory_space<hbm>>) target(%dma_start3A_53 : memref<128x64xbf16, #tpu.memory_space<vmem>>) offsets(%dma_start3A_56 : memref<128xi32, #tpu.memory_space<vmem>>) semaphore(%arg7 : memref<!tpu.dma_semaphore, #tpu.memory_space<semaphore_mem>>)
      %dma_wait3A = arith.constant 0 : i32
      %dma_wait3A_60 = arith.constant 0 : i32
      %dma_wait3A_61 = tpu.memref_slice %arg6[%dma_wait3A, %dma_wait3A_60] : memref<512x64xbf16, #tpu.memory_space<vmem>> -> memref<128x64xbf16, #tpu.memory_space<vmem>>
      %dma_wait3A_62 = arith.constant 0 : i32
      %dma_wait3A_63 = tpu.memref_slice %arg5[%add3A_12, %dma_wait3A_62] : memref<400x128xi32, #tpu.memory_space<vmem>> -> memref<1x128xi32, #tpu.memory_space<vmem>>
      %dma_wait3A_64 = tpu.memref_squeeze %dma_wait3A_63 : memref<1x128xi32, #tpu.memory_space<vmem>> -> memref<128xi32, #tpu.memory_space<vmem>>
      %dma_wait3A_65 = arith.constant 0 : i32
      %dma_wait3A_66 = arith.constant 0 : i32
      %dma_wait3A_67 = tpu.memref_slice %arg2[%dma_wait3A_65, %dma_wait3A_66] : memref<51200x64xbf16, #tpu.memory_space<hbm>> -> memref<51200x64xbf16, #tpu.memory_space<hbm>>
      tpu.wait_indirect_dma semaphore(%arg7 : memref<!tpu.dma_semaphore, #tpu.memory_space<semaphore_mem>>) src(%dma_wait3A_67 : memref<51200x64xbf16, #tpu.memory_space<hbm>>) dst(%dma_wait3A_61 : memref<128x64xbf16, #tpu.memory_space<vmem>>)
      %dma_wait3A_68 = arith.constant 128 : i32
      %dma_wait3A_69 = arith.constant 0 : i32
      %dma_wait3A_70 = tpu.memref_slice %arg6[%dma_wait3A_68, %dma_wait3A_69] : memref<512x64xbf16, #tpu.memory_space<vmem>> -> memref<128x64xbf16, #tpu.memory_space<vmem>>
      %dma_wait3A_71 = arith.constant 0 : i32
      %dma_wait3A_72 = tpu.memref_slice %arg5[%add3A_24, %dma_wait3A_71] : memref<400x128xi32, #tpu.memory_space<vmem>> -> memref<1x128xi32, #tpu.memory_space<vmem>>
      %dma_wait3A_73 = tpu.memref_squeeze %dma_wait3A_72 : memref<1x128xi32, #tpu.memory_space<vmem>> -> memref<128xi32, #tpu.memory_space<vmem>>
      %dma_wait3A_74 = arith.constant 0 : i32
      %dma_wait3A_75 = arith.constant 0 : i32
      %dma_wait3A_76 = tpu.memref_slice %arg2[%dma_wait3A_74, %dma_wait3A_75] : memref<51200x64xbf16, #tpu.memory_space<hbm>> -> memref<51200x64xbf16, #tpu.memory_space<hbm>>
      tpu.wait_indirect_dma semaphore(%arg7 : memref<!tpu.dma_semaphore, #tpu.memory_space<semaphore_mem>>) src(%dma_wait3A_76 : memref<51200x64xbf16, #tpu.memory_space<hbm>>) dst(%dma_wait3A_70 : memref<128x64xbf16, #tpu.memory_space<vmem>>)
      %dma_wait3A_77 = arith.constant 256 : i32
      %dma_wait3A_78 = arith.constant 0 : i32
      %dma_wait3A_79 = tpu.memref_slice %arg6[%dma_wait3A_77, %dma_wait3A_78] : memref<512x64xbf16, #tpu.memory_space<vmem>> -> memref<128x64xbf16, #tpu.memory_space<vmem>>
      %dma_wait3A_80 = arith.constant 0 : i32
      %dma_wait3A_81 = tpu.memref_slice %arg5[%add3A_37, %dma_wait3A_80] : memref<400x128xi32, #tpu.memory_space<vmem>> -> memref<1x128xi32, #tpu.memory_space<vmem>>
      %dma_wait3A_82 = tpu.memref_squeeze %dma_wait3A_81 : memref<1x128xi32, #tpu.memory_space<vmem>> -> memref<128xi32, #tpu.memory_space<vmem>>
      %dma_wait3A_83 = arith.constant 0 : i32
      %dma_wait3A_84 = arith.constant 0 : i32
      %dma_wait3A_85 = tpu.memref_slice %arg2[%dma_wait3A_83, %dma_wait3A_84] : memref<51200x64xbf16, #tpu.memory_space<hbm>> -> memref<51200x64xbf16, #tpu.memory_space<hbm>>
      tpu.wait_indirect_dma semaphore(%arg7 : memref<!tpu.dma_semaphore, #tpu.memory_space<semaphore_mem>>) src(%dma_wait3A_85 : memref<51200x64xbf16, #tpu.memory_space<hbm>>) dst(%dma_wait3A_79 : memref<128x64xbf16, #tpu.memory_space<vmem>>)
      %dma_wait3A_86 = arith.constant 384 : i32
      %dma_wait3A_87 = arith.constant 0 : i32
      %dma_wait3A_88 = tpu.memref_slice %arg6[%dma_wait3A_86, %dma_wait3A_87] : memref<512x64xbf16, #tpu.memory_space<vmem>> -> memref<128x64xbf16, #tpu.memory_space<vmem>>
      %dma_wait3A_89 = arith.constant 0 : i32
      %dma_wait3A_90 = tpu.memref_slice %arg5[%add3A_50, %dma_wait3A_89] : memref<400x128xi32, #tpu.memory_space<vmem>> -> memref<1x128xi32, #tpu.memory_space<vmem>>
      %dma_wait3A_91 = tpu.memref_squeeze %dma_wait3A_90 : memref<1x128xi32, #tpu.memory_space<vmem>> -> memref<128xi32, #tpu.memory_space<vmem>>
      %dma_wait3A_92 = arith.constant 0 : i32
      %dma_wait3A_93 = arith.constant 0 : i32
      %dma_wait3A_94 = tpu.memref_slice %arg2[%dma_wait3A_92, %dma_wait3A_93] : memref<51200x64xbf16, #tpu.memory_space<hbm>> -> memref<51200x64xbf16, #tpu.memory_space<hbm>>
      tpu.wait_indirect_dma semaphore(%arg7 : memref<!tpu.dma_semaphore, #tpu.memory_space<semaphore_mem>>) src(%dma_wait3A_94 : memref<51200x64xbf16, #tpu.memory_space<hbm>>) dst(%dma_wait3A_88 : memref<128x64xbf16, #tpu.memory_space<vmem>>)
      %mul3A_95 = arith.constant 512 : i32
      %mul3A_96 = arith.muli %scan3A_8, %mul3A_95 : i32
      %add3A_97 = arith.addi %mul3A_2, %mul3A_96 : i32
      "tpu.region"() ({
        %run_scoped3A = tpu.sem_alloc : memref<!tpu.dma_semaphore, #tpu.memory_space<semaphore_mem>>
        %dma_start3A_98 = arith.constant 0 : i32
        %dma_start3A_99 = tpu.memref_slice %arg4[%add3A_97, %dma_start3A_98] : memref<1638400x64xbf16, #tpu.memory_space<hbm>> -> memref<512x64xbf16, #tpu.memory_space<hbm>>
        %dma_start3A_100 = arith.constant 0 : i32
        %dma_start3A_101 = tpu.memref_slice %arg4[%add3A_97, %dma_start3A_100] : memref<1638400x64xbf16, #tpu.memory_space<hbm>> -> memref<512x64xbf16, #tpu.memory_space<hbm>>
        tpu.enqueue_dma source(%arg6 : memref<512x64xbf16, #tpu.memory_space<vmem>>) target(%dma_start3A_101 : memref<512x64xbf16, #tpu.memory_space<hbm>>) target_semaphore(%run_scoped3A : memref<!tpu.dma_semaphore, #tpu.memory_space<semaphore_mem>>)
        %dma_wait3A_102 = arith.constant 0 : i32
        %dma_wait3A_103 = tpu.memref_slice %arg4[%add3A_97, %dma_wait3A_102] : memref<1638400x64xbf16, #tpu.memory_space<hbm>> -> memref<512x64xbf16, #tpu.memory_space<hbm>>
        %dma_wait3A_104 = arith.constant 0 : i32
        %dma_wait3A_105 = tpu.memref_slice %arg4[%add3A_97, %dma_wait3A_104] : memref<1638400x64xbf16, #tpu.memory_space<hbm>> -> memref<512x64xbf16, #tpu.memory_space<hbm>>
        tpu.wait_dma2 semaphore(%run_scoped3A : memref<!tpu.dma_semaphore, #tpu.memory_space<semaphore_mem>>) src(%arg6 : memref<512x64xbf16, #tpu.memory_space<vmem>>) dst(%dma_wait3A_105 : memref<512x64xbf16, #tpu.memory_space<hbm>>)
        tpu.yield
      }) : () -> ()
    }
    %scan3A_7 = arith.constant 100 : i32
    return
  }
}

#map = affine_map<(d0, d1) -> (0, 0, 0)>
#map1 = affine_map<(d0, d1) -> (0, 0)>
#map2 = affine_map<(d0, d1) -> (0, 0, 0, 0)>
module attributes {stable_mosaic.version = 14 : i64} {
  func.func @body(%arg0: i32, %arg1: i32, %arg2: memref<5x163840x128xf32, #tpu.memory_space<hbm>>, %arg3: memref<32x40x128xi32, #tpu.memory_space<hbm>>, %arg4: memref<10240x128xf32, #tpu.memory_space<hbm>>, %arg5: memref<2x5x10240x128xf32, #tpu.memory_space<hbm>>, %arg6: memref<40x128xi32, #tpu.memory_space<vmem>>, %arg7: memref<256x128xf32, #tpu.memory_space<vmem>>, %arg8: memref<10240x128xf32, #tpu.memory_space<vmem_shared>>) attributes {dimension_semantics = [#tpu.dimension_semantics<core_parallel>, #tpu.dimension_semantics<subcore_parallel>], iteration_bounds = array<i64: 2, 16>, scalar_prefetch = 0 : i64, scratch_operands = 3 : i64, tpu.core_type = #tpu.core_type<sc_vector_subcore>, window_params = [{transform_indices = #map}, {transform_indices = #map}, {transform_indices = #map1}, {transform_indices = #map2}]} {
    %mul3A = arith.constant 2 : i32
    %mul3A_0 = arith.muli %arg1, %mul3A : i32
    %add3A = arith.addi %mul3A_0, %arg0 : i32
    "tpu.region"() ({
      %run_scoped3A = tpu.sem_alloc : memref<!tpu.dma_semaphore, #tpu.memory_space<semaphore_mem>>
      %dma_start3A = arith.constant 0 : i32
      %dma_start3A_8 = arith.constant 0 : i32
      %dma_start3A_9 = tpu.memref_slice %arg3[%add3A, %dma_start3A, %dma_start3A_8] : memref<32x40x128xi32, #tpu.memory_space<hbm>> -> memref<1x40x128xi32, #tpu.memory_space<hbm>>
      %dma_start3A_10 = tpu.memref_squeeze %dma_start3A_9 : memref<1x40x128xi32, #tpu.memory_space<hbm>> -> memref<40x128xi32, #tpu.memory_space<hbm>>
      %dma_start3A_11 = arith.constant 0 : i32
      %dma_start3A_12 = arith.constant 0 : i32
      %dma_start3A_13 = tpu.memref_slice %arg3[%add3A, %dma_start3A_11, %dma_start3A_12] : memref<32x40x128xi32, #tpu.memory_space<hbm>> -> memref<1x40x128xi32, #tpu.memory_space<hbm>>
      %dma_start3A_14 = tpu.memref_squeeze %dma_start3A_13 : memref<1x40x128xi32, #tpu.memory_space<hbm>> -> memref<40x128xi32, #tpu.memory_space<hbm>>
      tpu.enqueue_dma source(%dma_start3A_14 : memref<40x128xi32, #tpu.memory_space<hbm>>) target(%arg6 : memref<40x128xi32, #tpu.memory_space<vmem>>) target_semaphore(%run_scoped3A : memref<!tpu.dma_semaphore, #tpu.memory_space<semaphore_mem>>)
      %dma_wait3A = arith.constant 0 : i32
      %dma_wait3A_15 = arith.constant 0 : i32
      %dma_wait3A_16 = tpu.memref_slice %arg3[%add3A, %dma_wait3A, %dma_wait3A_15] : memref<32x40x128xi32, #tpu.memory_space<hbm>> -> memref<1x40x128xi32, #tpu.memory_space<hbm>>
      %dma_wait3A_17 = tpu.memref_squeeze %dma_wait3A_16 : memref<1x40x128xi32, #tpu.memory_space<hbm>> -> memref<40x128xi32, #tpu.memory_space<hbm>>
      %dma_wait3A_18 = arith.constant 0 : i32
      %dma_wait3A_19 = arith.constant 0 : i32
      %dma_wait3A_20 = tpu.memref_slice %arg3[%add3A, %dma_wait3A_18, %dma_wait3A_19] : memref<32x40x128xi32, #tpu.memory_space<hbm>> -> memref<1x40x128xi32, #tpu.memory_space<hbm>>
      %dma_wait3A_21 = tpu.memref_squeeze %dma_wait3A_20 : memref<1x40x128xi32, #tpu.memory_space<hbm>> -> memref<40x128xi32, #tpu.memory_space<hbm>>
      tpu.wait_dma2 semaphore(%run_scoped3A : memref<!tpu.dma_semaphore, #tpu.memory_space<semaphore_mem>>) src(%dma_wait3A_21 : memref<40x128xi32, #tpu.memory_space<hbm>>) dst(%arg6 : memref<40x128xi32, #tpu.memory_space<vmem>>)
      tpu.yield
    }) : () -> ()
    %mul3A_1 = arith.constant 5120 : i32
    %mul3A_2 = arith.muli %add3A, %mul3A_1 : i32
    %scan3A = arith.constant 0 : i32
    %scan3A_3 = arith.constant 0 : i32
    %scan3A_4 = arith.constant 5 : i32
    %scan3A_5 = arith.addi %scan3A_3, %scan3A_4 : i32
    %scan3A_6 = arith.constant 1 : i32
    scf.for %scan3A_8 = %scan3A_3 to %scan3A_5 step %scan3A_6  : i32 {
      %mul3A_9 = arith.constant 640 : i32
      %mul3A_10 = arith.muli %arg1, %mul3A_9 : i32
      %mul3A_11 = arith.constant 640 : i32
      %mul3A_12 = arith.muli %arg1, %mul3A_11 : i32
      "tpu.region"() ({
        %run_scoped3A = tpu.sem_alloc : memref<!tpu.dma_semaphore, #tpu.memory_space<semaphore_mem>>
        %dma_start3A = arith.constant 0 : i32
        %dma_start3A_25 = tpu.memref_slice %arg8[%mul3A_12, %dma_start3A] : memref<10240x128xf32, #tpu.memory_space<vmem_shared>> -> memref<640x128xf32, #tpu.memory_space<vmem_shared>>
        %dma_start3A_26 = arith.constant 0 : i32
        %dma_start3A_27 = tpu.memref_slice %arg4[%mul3A_10, %dma_start3A_26] : memref<10240x128xf32, #tpu.memory_space<hbm>> -> memref<640x128xf32, #tpu.memory_space<hbm>>
        tpu.enqueue_dma source(%dma_start3A_27 : memref<640x128xf32, #tpu.memory_space<hbm>>) target(%dma_start3A_25 : memref<640x128xf32, #tpu.memory_space<vmem_shared>>) target_semaphore(%run_scoped3A : memref<!tpu.dma_semaphore, #tpu.memory_space<semaphore_mem>>)
        %dma_wait3A = arith.constant 0 : i32
        %dma_wait3A_28 = tpu.memref_slice %arg8[%mul3A_12, %dma_wait3A] : memref<10240x128xf32, #tpu.memory_space<vmem_shared>> -> memref<640x128xf32, #tpu.memory_space<vmem_shared>>
        %dma_wait3A_29 = arith.constant 0 : i32
        %dma_wait3A_30 = tpu.memref_slice %arg4[%mul3A_10, %dma_wait3A_29] : memref<10240x128xf32, #tpu.memory_space<hbm>> -> memref<640x128xf32, #tpu.memory_space<hbm>>
        tpu.wait_dma2 semaphore(%run_scoped3A : memref<!tpu.dma_semaphore, #tpu.memory_space<semaphore_mem>>) src(%dma_wait3A_30 : memref<640x128xf32, #tpu.memory_space<hbm>>) dst(%dma_wait3A_28 : memref<640x128xf32, #tpu.memory_space<vmem_shared>>)
        tpu.yield
      }) : () -> ()
      %barrier3A = arith.constant 0 : index
      tpu.barrier barrier_id(%barrier3A)
      %scan3A_13 = arith.constant 0 : i32
      %scan3A_14 = arith.constant 0 : i32
      %scan3A_15 = arith.constant 20 : i32
      %scan3A_16 = arith.addi %scan3A_14, %scan3A_15 : i32
      %scan3A_17 = arith.constant 1 : i32
      scf.for %scan3A_25 = %scan3A_14 to %scan3A_16 step %scan3A_17  : i32 {
        %mul3A_26 = arith.constant 256 : i32
        %mul3A_27 = arith.muli %scan3A_25, %mul3A_26 : i32
        %add3A_28 = arith.addi %mul3A_2, %mul3A_27 : i32
        "tpu.region"() ({
          %run_scoped3A = tpu.sem_alloc : memref<!tpu.dma_semaphore, #tpu.memory_space<semaphore_mem>>
          %dma_start3A = arith.constant 0 : i32
          %dma_start3A_37 = arith.constant 0 : i32
          %dma_start3A_38 = tpu.memref_slice %arg2[%scan3A_8, %dma_start3A, %dma_start3A_37] : memref<5x163840x128xf32, #tpu.memory_space<hbm>> -> memref<1x163840x128xf32, #tpu.memory_space<hbm>>
          %dma_start3A_39 = tpu.memref_squeeze %dma_start3A_38 : memref<1x163840x128xf32, #tpu.memory_space<hbm>> -> memref<163840x128xf32, #tpu.memory_space<hbm>>
          %dma_start3A_40 = arith.constant 0 : i32
          %dma_start3A_41 = tpu.memref_slice %dma_start3A_39[%add3A_28, %dma_start3A_40] : memref<163840x128xf32, #tpu.memory_space<hbm>> -> memref<256x128xf32, #tpu.memory_space<hbm>>
          %dma_start3A_42 = arith.constant 0 : i32
          %dma_start3A_43 = arith.constant 0 : i32
          %dma_start3A_44 = tpu.memref_slice %arg2[%scan3A_8, %dma_start3A_42, %dma_start3A_43] : memref<5x163840x128xf32, #tpu.memory_space<hbm>> -> memref<1x163840x128xf32, #tpu.memory_space<hbm>>
          %dma_start3A_45 = tpu.memref_squeeze %dma_start3A_44 : memref<1x163840x128xf32, #tpu.memory_space<hbm>> -> memref<163840x128xf32, #tpu.memory_space<hbm>>
          %dma_start3A_46 = arith.constant 0 : i32
          %dma_start3A_47 = tpu.memref_slice %dma_start3A_45[%add3A_28, %dma_start3A_46] : memref<163840x128xf32, #tpu.memory_space<hbm>> -> memref<256x128xf32, #tpu.memory_space<hbm>>
          tpu.enqueue_dma source(%dma_start3A_47 : memref<256x128xf32, #tpu.memory_space<hbm>>) target(%arg7 : memref<256x128xf32, #tpu.memory_space<vmem>>) target_semaphore(%run_scoped3A : memref<!tpu.dma_semaphore, #tpu.memory_space<semaphore_mem>>)
          %dma_wait3A = arith.constant 0 : i32
          %dma_wait3A_48 = arith.constant 0 : i32
          %dma_wait3A_49 = tpu.memref_slice %arg2[%scan3A_8, %dma_wait3A, %dma_wait3A_48] : memref<5x163840x128xf32, #tpu.memory_space<hbm>> -> memref<1x163840x128xf32, #tpu.memory_space<hbm>>
          %dma_wait3A_50 = tpu.memref_squeeze %dma_wait3A_49 : memref<1x163840x128xf32, #tpu.memory_space<hbm>> -> memref<163840x128xf32, #tpu.memory_space<hbm>>
          %dma_wait3A_51 = arith.constant 0 : i32
          %dma_wait3A_52 = tpu.memref_slice %dma_wait3A_50[%add3A_28, %dma_wait3A_51] : memref<163840x128xf32, #tpu.memory_space<hbm>> -> memref<256x128xf32, #tpu.memory_space<hbm>>
          %dma_wait3A_53 = arith.constant 0 : i32
          %dma_wait3A_54 = arith.constant 0 : i32
          %dma_wait3A_55 = tpu.memref_slice %arg2[%scan3A_8, %dma_wait3A_53, %dma_wait3A_54] : memref<5x163840x128xf32, #tpu.memory_space<hbm>> -> memref<1x163840x128xf32, #tpu.memory_space<hbm>>
          %dma_wait3A_56 = tpu.memref_squeeze %dma_wait3A_55 : memref<1x163840x128xf32, #tpu.memory_space<hbm>> -> memref<163840x128xf32, #tpu.memory_space<hbm>>
          %dma_wait3A_57 = arith.constant 0 : i32
          %dma_wait3A_58 = tpu.memref_slice %dma_wait3A_56[%add3A_28, %dma_wait3A_57] : memref<163840x128xf32, #tpu.memory_space<hbm>> -> memref<256x128xf32, #tpu.memory_space<hbm>>
          tpu.wait_dma2 semaphore(%run_scoped3A : memref<!tpu.dma_semaphore, #tpu.memory_space<semaphore_mem>>) src(%dma_wait3A_58 : memref<256x128xf32, #tpu.memory_space<hbm>>) dst(%arg7 : memref<256x128xf32, #tpu.memory_space<vmem>>)
          tpu.yield
        }) : () -> ()
        %mul3A_29 = arith.constant 2 : i32
        %mul3A_30 = arith.muli %scan3A_25, %mul3A_29 : i32
        %add3A_31 = arith.constant 0 : i32
        %add3A_32 = arith.addi %mul3A_30, %add3A_31 : i32
        "tpu.region"() ({
          %run_scoped3A = tpu.sem_alloc : memref<!tpu.dma_semaphore, #tpu.memory_space<semaphore_mem>>
          %dma_start3A = arith.constant 0 : i32
          %dma_start3A_37 = arith.constant 0 : i32
          %dma_start3A_38 = tpu.memref_slice %arg7[%dma_start3A, %dma_start3A_37] : memref<256x128xf32, #tpu.memory_space<vmem>> -> memref<128x128xf32, #tpu.memory_space<vmem>>
          %dma_start3A_39 = arith.constant 0 : i32
          %dma_start3A_40 = tpu.memref_slice %arg6[%add3A_32, %dma_start3A_39] : memref<40x128xi32, #tpu.memory_space<vmem>> -> memref<1x128xi32, #tpu.memory_space<vmem>>
          %dma_start3A_41 = tpu.memref_squeeze %dma_start3A_40 : memref<1x128xi32, #tpu.memory_space<vmem>> -> memref<128xi32, #tpu.memory_space<vmem>>
          %dma_start3A_42 = arith.constant 0 : i32
          %dma_start3A_43 = arith.constant 0 : i32
          %dma_start3A_44 = tpu.memref_slice %arg8[%dma_start3A_42, %dma_start3A_43] : memref<10240x128xf32, #tpu.memory_space<vmem_shared>> -> memref<10240x128xf32, #tpu.memory_space<vmem_shared>>
          tpu.enqueue_indirect_dma source(%dma_start3A_38 : memref<128x128xf32, #tpu.memory_space<vmem>>) target(%dma_start3A_44 : memref<10240x128xf32, #tpu.memory_space<vmem_shared>>) offsets(%dma_start3A_41 : memref<128xi32, #tpu.memory_space<vmem>>) semaphore(%run_scoped3A : memref<!tpu.dma_semaphore, #tpu.memory_space<semaphore_mem>>) {add = true}
          %dma_wait3A = arith.constant 0 : i32
          %dma_wait3A_45 = arith.constant 0 : i32
          %dma_wait3A_46 = tpu.memref_slice %arg7[%dma_wait3A, %dma_wait3A_45] : memref<256x128xf32, #tpu.memory_space<vmem>> -> memref<128x128xf32, #tpu.memory_space<vmem>>
          %dma_wait3A_47 = arith.constant 0 : i32
          %dma_wait3A_48 = tpu.memref_slice %arg6[%add3A_32, %dma_wait3A_47] : memref<40x128xi32, #tpu.memory_space<vmem>> -> memref<1x128xi32, #tpu.memory_space<vmem>>
          %dma_wait3A_49 = tpu.memref_squeeze %dma_wait3A_48 : memref<1x128xi32, #tpu.memory_space<vmem>> -> memref<128xi32, #tpu.memory_space<vmem>>
          %dma_wait3A_50 = arith.constant 0 : i32
          %dma_wait3A_51 = arith.constant 0 : i32
          %dma_wait3A_52 = tpu.memref_slice %arg8[%dma_wait3A_50, %dma_wait3A_51] : memref<10240x128xf32, #tpu.memory_space<vmem_shared>> -> memref<10240x128xf32, #tpu.memory_space<vmem_shared>>
          tpu.wait_indirect_dma semaphore(%run_scoped3A : memref<!tpu.dma_semaphore, #tpu.memory_space<semaphore_mem>>) src(%dma_wait3A_46 : memref<128x128xf32, #tpu.memory_space<vmem>>) dst(%dma_wait3A_52 : memref<10240x128xf32, #tpu.memory_space<vmem_shared>>)
          tpu.yield
        }) : () -> ()
        %mul3A_33 = arith.constant 2 : i32
        %mul3A_34 = arith.muli %scan3A_25, %mul3A_33 : i32
        %add3A_35 = arith.constant 1 : i32
        %add3A_36 = arith.addi %mul3A_34, %add3A_35 : i32
        "tpu.region"() ({
          %run_scoped3A = tpu.sem_alloc : memref<!tpu.dma_semaphore, #tpu.memory_space<semaphore_mem>>
          %dma_start3A = arith.constant 128 : i32
          %dma_start3A_37 = arith.constant 0 : i32
          %dma_start3A_38 = tpu.memref_slice %arg7[%dma_start3A, %dma_start3A_37] : memref<256x128xf32, #tpu.memory_space<vmem>> -> memref<128x128xf32, #tpu.memory_space<vmem>>
          %dma_start3A_39 = arith.constant 0 : i32
          %dma_start3A_40 = tpu.memref_slice %arg6[%add3A_36, %dma_start3A_39] : memref<40x128xi32, #tpu.memory_space<vmem>> -> memref<1x128xi32, #tpu.memory_space<vmem>>
          %dma_start3A_41 = tpu.memref_squeeze %dma_start3A_40 : memref<1x128xi32, #tpu.memory_space<vmem>> -> memref<128xi32, #tpu.memory_space<vmem>>
          %dma_start3A_42 = arith.constant 0 : i32
          %dma_start3A_43 = arith.constant 0 : i32
          %dma_start3A_44 = tpu.memref_slice %arg8[%dma_start3A_42, %dma_start3A_43] : memref<10240x128xf32, #tpu.memory_space<vmem_shared>> -> memref<10240x128xf32, #tpu.memory_space<vmem_shared>>
          tpu.enqueue_indirect_dma source(%dma_start3A_38 : memref<128x128xf32, #tpu.memory_space<vmem>>) target(%dma_start3A_44 : memref<10240x128xf32, #tpu.memory_space<vmem_shared>>) offsets(%dma_start3A_41 : memref<128xi32, #tpu.memory_space<vmem>>) semaphore(%run_scoped3A : memref<!tpu.dma_semaphore, #tpu.memory_space<semaphore_mem>>) {add = true}
          %dma_wait3A = arith.constant 128 : i32
          %dma_wait3A_45 = arith.constant 0 : i32
          %dma_wait3A_46 = tpu.memref_slice %arg7[%dma_wait3A, %dma_wait3A_45] : memref<256x128xf32, #tpu.memory_space<vmem>> -> memref<128x128xf32, #tpu.memory_space<vmem>>
          %dma_wait3A_47 = arith.constant 0 : i32
          %dma_wait3A_48 = tpu.memref_slice %arg6[%add3A_36, %dma_wait3A_47] : memref<40x128xi32, #tpu.memory_space<vmem>> -> memref<1x128xi32, #tpu.memory_space<vmem>>
          %dma_wait3A_49 = tpu.memref_squeeze %dma_wait3A_48 : memref<1x128xi32, #tpu.memory_space<vmem>> -> memref<128xi32, #tpu.memory_space<vmem>>
          %dma_wait3A_50 = arith.constant 0 : i32
          %dma_wait3A_51 = arith.constant 0 : i32
          %dma_wait3A_52 = tpu.memref_slice %arg8[%dma_wait3A_50, %dma_wait3A_51] : memref<10240x128xf32, #tpu.memory_space<vmem_shared>> -> memref<10240x128xf32, #tpu.memory_space<vmem_shared>>
          tpu.wait_indirect_dma semaphore(%run_scoped3A : memref<!tpu.dma_semaphore, #tpu.memory_space<semaphore_mem>>) src(%dma_wait3A_46 : memref<128x128xf32, #tpu.memory_space<vmem>>) dst(%dma_wait3A_52 : memref<10240x128xf32, #tpu.memory_space<vmem_shared>>)
          tpu.yield
        }) : () -> ()
      }
      %scan3A_18 = arith.constant 20 : i32
      %barrier3A_19 = arith.constant 0 : index
      tpu.barrier barrier_id(%barrier3A_19)
      %mul3A_20 = arith.constant 640 : i32
      %mul3A_21 = arith.muli %arg1, %mul3A_20 : i32
      %mul3A_22 = arith.constant 640 : i32
      %mul3A_23 = arith.muli %arg1, %mul3A_22 : i32
      "tpu.region"() ({
        %run_scoped3A = tpu.sem_alloc : memref<!tpu.dma_semaphore, #tpu.memory_space<semaphore_mem>>
        %dma_start3A = arith.constant 0 : i32
        %dma_start3A_25 = arith.constant 0 : i32
        %dma_start3A_26 = arith.constant 0 : i32
        %dma_start3A_27 = tpu.memref_slice %arg5[%arg0, %dma_start3A, %dma_start3A_25, %dma_start3A_26] : memref<2x5x10240x128xf32, #tpu.memory_space<hbm>> -> memref<1x5x10240x128xf32, #tpu.memory_space<hbm>>
        %dma_start3A_28 = tpu.memref_squeeze %dma_start3A_27 : memref<1x5x10240x128xf32, #tpu.memory_space<hbm>> -> memref<5x10240x128xf32, #tpu.memory_space<hbm>>
        %dma_start3A_29 = arith.constant 0 : i32
        %dma_start3A_30 = arith.constant 0 : i32
        %dma_start3A_31 = tpu.memref_slice %dma_start3A_28[%scan3A_8, %dma_start3A_29, %dma_start3A_30] : memref<5x10240x128xf32, #tpu.memory_space<hbm>> -> memref<1x10240x128xf32, #tpu.memory_space<hbm>>
        %dma_start3A_32 = tpu.memref_squeeze %dma_start3A_31 : memref<1x10240x128xf32, #tpu.memory_space<hbm>> -> memref<10240x128xf32, #tpu.memory_space<hbm>>
        %dma_start3A_33 = arith.constant 0 : i32
        %dma_start3A_34 = tpu.memref_slice %dma_start3A_32[%mul3A_23, %dma_start3A_33] : memref<10240x128xf32, #tpu.memory_space<hbm>> -> memref<640x128xf32, #tpu.memory_space<hbm>>
        %dma_start3A_35 = arith.constant 0 : i32
        %dma_start3A_36 = tpu.memref_slice %arg8[%mul3A_21, %dma_start3A_35] : memref<10240x128xf32, #tpu.memory_space<vmem_shared>> -> memref<640x128xf32, #tpu.memory_space<vmem_shared>>
        tpu.enqueue_dma source(%dma_start3A_36 : memref<640x128xf32, #tpu.memory_space<vmem_shared>>) target(%dma_start3A_34 : memref<640x128xf32, #tpu.memory_space<hbm>>) target_semaphore(%run_scoped3A : memref<!tpu.dma_semaphore, #tpu.memory_space<semaphore_mem>>)
        %dma_wait3A = arith.constant 0 : i32
        %dma_wait3A_37 = arith.constant 0 : i32
        %dma_wait3A_38 = arith.constant 0 : i32
        %dma_wait3A_39 = tpu.memref_slice %arg5[%arg0, %dma_wait3A, %dma_wait3A_37, %dma_wait3A_38] : memref<2x5x10240x128xf32, #tpu.memory_space<hbm>> -> memref<1x5x10240x128xf32, #tpu.memory_space<hbm>>
        %dma_wait3A_40 = tpu.memref_squeeze %dma_wait3A_39 : memref<1x5x10240x128xf32, #tpu.memory_space<hbm>> -> memref<5x10240x128xf32, #tpu.memory_space<hbm>>
        %dma_wait3A_41 = arith.constant 0 : i32
        %dma_wait3A_42 = arith.constant 0 : i32
        %dma_wait3A_43 = tpu.memref_slice %dma_wait3A_40[%scan3A_8, %dma_wait3A_41, %dma_wait3A_42] : memref<5x10240x128xf32, #tpu.memory_space<hbm>> -> memref<1x10240x128xf32, #tpu.memory_space<hbm>>
        %dma_wait3A_44 = tpu.memref_squeeze %dma_wait3A_43 : memref<1x10240x128xf32, #tpu.memory_space<hbm>> -> memref<10240x128xf32, #tpu.memory_space<hbm>>
        %dma_wait3A_45 = arith.constant 0 : i32
        %dma_wait3A_46 = tpu.memref_slice %dma_wait3A_44[%mul3A_23, %dma_wait3A_45] : memref<10240x128xf32, #tpu.memory_space<hbm>> -> memref<640x128xf32, #tpu.memory_space<hbm>>
        %dma_wait3A_47 = arith.constant 0 : i32
        %dma_wait3A_48 = tpu.memref_slice %arg8[%mul3A_21, %dma_wait3A_47] : memref<10240x128xf32, #tpu.memory_space<vmem_shared>> -> memref<640x128xf32, #tpu.memory_space<vmem_shared>>
        tpu.wait_dma2 semaphore(%run_scoped3A : memref<!tpu.dma_semaphore, #tpu.memory_space<semaphore_mem>>) src(%dma_wait3A_48 : memref<640x128xf32, #tpu.memory_space<vmem_shared>>) dst(%dma_wait3A_46 : memref<640x128xf32, #tpu.memory_space<hbm>>)
        tpu.yield
      }) : () -> ()
      %barrier3A_24 = arith.constant 0 : index
      tpu.barrier barrier_id(%barrier3A_24)
    }
    %scan3A_7 = arith.constant 5 : i32
    return
  }
}

#map = affine_map<(d0, d1) -> (0, 0)>
#map1 = affine_map<(d0, d1) -> (0, 0, 0)>
module attributes {stable_mosaic.version = 14 : i64} {
  func.func @body(%arg0: i32, %arg1: i32, %arg2: memref<10000x32xbf16, #tpu.memory_space<hbm>>, %arg3: memref<32x80x128xi32, #tpu.memory_space<hbm>>, %arg4: memref<327680x32xbf16, #tpu.memory_space<hbm>>, %arg5: memref<80x128xi32, #tpu.memory_space<vmem>>, %arg6: memref<1024x32xbf16, #tpu.memory_space<vmem>>, %arg7: memref<!tpu.dma_semaphore, #tpu.memory_space<semaphore_mem>>) attributes {dimension_semantics = [#tpu.dimension_semantics<core_parallel>, #tpu.dimension_semantics<subcore_parallel>], iteration_bounds = array<i64: 2, 16>, scalar_prefetch = 0 : i64, scratch_operands = 3 : i64, tpu.core_type = #tpu.core_type<sc_vector_subcore>, window_params = [{transform_indices = #map}, {transform_indices = #map1}, {transform_indices = #map}]} {
    %mul3A = arith.constant 2 : i32
    %mul3A_0 = arith.muli %arg1, %mul3A : i32
    %add3A = arith.addi %mul3A_0, %arg0 : i32
    "tpu.region"() ({
      %run_scoped3A = tpu.sem_alloc : memref<!tpu.dma_semaphore, #tpu.memory_space<semaphore_mem>>
      %dma_start3A = arith.constant 0 : i32
      %dma_start3A_8 = arith.constant 0 : i32
      %dma_start3A_9 = tpu.memref_slice %arg3[%add3A, %dma_start3A, %dma_start3A_8] : memref<32x80x128xi32, #tpu.memory_space<hbm>> -> memref<1x80x128xi32, #tpu.memory_space<hbm>>
      %dma_start3A_10 = tpu.memref_squeeze %dma_start3A_9 : memref<1x80x128xi32, #tpu.memory_space<hbm>> -> memref<80x128xi32, #tpu.memory_space<hbm>>
      %dma_start3A_11 = arith.constant 0 : i32
      %dma_start3A_12 = arith.constant 0 : i32
      %dma_start3A_13 = tpu.memref_slice %arg3[%add3A, %dma_start3A_11, %dma_start3A_12] : memref<32x80x128xi32, #tpu.memory_space<hbm>> -> memref<1x80x128xi32, #tpu.memory_space<hbm>>
      %dma_start3A_14 = tpu.memref_squeeze %dma_start3A_13 : memref<1x80x128xi32, #tpu.memory_space<hbm>> -> memref<80x128xi32, #tpu.memory_space<hbm>>
      tpu.enqueue_dma source(%dma_start3A_14 : memref<80x128xi32, #tpu.memory_space<hbm>>) target(%arg5 : memref<80x128xi32, #tpu.memory_space<vmem>>) target_semaphore(%run_scoped3A : memref<!tpu.dma_semaphore, #tpu.memory_space<semaphore_mem>>)
      %dma_wait3A = arith.constant 0 : i32
      %dma_wait3A_15 = arith.constant 0 : i32
      %dma_wait3A_16 = tpu.memref_slice %arg3[%add3A, %dma_wait3A, %dma_wait3A_15] : memref<32x80x128xi32, #tpu.memory_space<hbm>> -> memref<1x80x128xi32, #tpu.memory_space<hbm>>
      %dma_wait3A_17 = tpu.memref_squeeze %dma_wait3A_16 : memref<1x80x128xi32, #tpu.memory_space<hbm>> -> memref<80x128xi32, #tpu.memory_space<hbm>>
      %dma_wait3A_18 = arith.constant 0 : i32
      %dma_wait3A_19 = arith.constant 0 : i32
      %dma_wait3A_20 = tpu.memref_slice %arg3[%add3A, %dma_wait3A_18, %dma_wait3A_19] : memref<32x80x128xi32, #tpu.memory_space<hbm>> -> memref<1x80x128xi32, #tpu.memory_space<hbm>>
      %dma_wait3A_21 = tpu.memref_squeeze %dma_wait3A_20 : memref<1x80x128xi32, #tpu.memory_space<hbm>> -> memref<80x128xi32, #tpu.memory_space<hbm>>
      tpu.wait_dma2 semaphore(%run_scoped3A : memref<!tpu.dma_semaphore, #tpu.memory_space<semaphore_mem>>) src(%dma_wait3A_21 : memref<80x128xi32, #tpu.memory_space<hbm>>) dst(%arg5 : memref<80x128xi32, #tpu.memory_space<vmem>>)
      tpu.yield
    }) : () -> ()
    %mul3A_1 = arith.constant 10240 : i32
    %mul3A_2 = arith.muli %add3A, %mul3A_1 : i32
    %scan3A = arith.constant 0 : i32
    %scan3A_3 = arith.constant 0 : i32
    %scan3A_4 = arith.constant 10 : i32
    %scan3A_5 = arith.addi %scan3A_3, %scan3A_4 : i32
    %scan3A_6 = arith.constant 1 : i32
    scf.for %scan3A_8 = %scan3A_3 to %scan3A_5 step %scan3A_6  : i32 {
      %mul3A_9 = arith.constant 8 : i32
      %mul3A_10 = arith.muli %scan3A_8, %mul3A_9 : i32
      %add3A_11 = arith.constant 0 : i32
      %add3A_12 = arith.addi %mul3A_10, %add3A_11 : i32
      %dma_start3A = arith.constant 0 : i32
      %dma_start3A_13 = arith.constant 0 : i32
      %dma_start3A_14 = tpu.memref_slice %arg6[%dma_start3A, %dma_start3A_13] : memref<1024x32xbf16, #tpu.memory_space<vmem>> -> memref<128x32xbf16, #tpu.memory_space<vmem>>
      %dma_start3A_15 = arith.constant 0 : i32
      %dma_start3A_16 = tpu.memref_slice %arg5[%add3A_12, %dma_start3A_15] : memref<80x128xi32, #tpu.memory_space<vmem>> -> memref<1x128xi32, #tpu.memory_space<vmem>>
      %dma_start3A_17 = tpu.memref_squeeze %dma_start3A_16 : memref<1x128xi32, #tpu.memory_space<vmem>> -> memref<128xi32, #tpu.memory_space<vmem>>
      %dma_start3A_18 = arith.constant 0 : i32
      %dma_start3A_19 = arith.constant 0 : i32
      %dma_start3A_20 = tpu.memref_slice %arg2[%dma_start3A_18, %dma_start3A_19] : memref<10000x32xbf16, #tpu.memory_space<hbm>> -> memref<10000x32xbf16, #tpu.memory_space<hbm>>
      tpu.enqueue_indirect_dma source(%dma_start3A_20 : memref<10000x32xbf16, #tpu.memory_space<hbm>>) target(%dma_start3A_14 : memref<128x32xbf16, #tpu.memory_space<vmem>>) offsets(%dma_start3A_17 : memref<128xi32, #tpu.memory_space<vmem>>) semaphore(%arg7 : memref<!tpu.dma_semaphore, #tpu.memory_space<semaphore_mem>>)
      %mul3A_21 = arith.constant 8 : i32
      %mul3A_22 = arith.muli %scan3A_8, %mul3A_21 : i32
      %add3A_23 = arith.constant 1 : i32
      %add3A_24 = arith.addi %mul3A_22, %add3A_23 : i32
      %dma_start3A_25 = arith.constant 128 : i32
      %dma_start3A_26 = arith.constant 0 : i32
      %dma_start3A_27 = tpu.memref_slice %arg6[%dma_start3A_25, %dma_start3A_26] : memref<1024x32xbf16, #tpu.memory_space<vmem>> -> memref<128x32xbf16, #tpu.memory_space<vmem>>
      %dma_start3A_28 = arith.constant 0 : i32
      %dma_start3A_29 = tpu.memref_slice %arg5[%add3A_24, %dma_start3A_28] : memref<80x128xi32, #tpu.memory_space<vmem>> -> memref<1x128xi32, #tpu.memory_space<vmem>>
      %dma_start3A_30 = tpu.memref_squeeze %dma_start3A_29 : memref<1x128xi32, #tpu.memory_space<vmem>> -> memref<128xi32, #tpu.memory_space<vmem>>
      %dma_start3A_31 = arith.constant 0 : i32
      %dma_start3A_32 = arith.constant 0 : i32
      %dma_start3A_33 = tpu.memref_slice %arg2[%dma_start3A_31, %dma_start3A_32] : memref<10000x32xbf16, #tpu.memory_space<hbm>> -> memref<10000x32xbf16, #tpu.memory_space<hbm>>
      tpu.enqueue_indirect_dma source(%dma_start3A_33 : memref<10000x32xbf16, #tpu.memory_space<hbm>>) target(%dma_start3A_27 : memref<128x32xbf16, #tpu.memory_space<vmem>>) offsets(%dma_start3A_30 : memref<128xi32, #tpu.memory_space<vmem>>) semaphore(%arg7 : memref<!tpu.dma_semaphore, #tpu.memory_space<semaphore_mem>>)
      %mul3A_34 = arith.constant 8 : i32
      %mul3A_35 = arith.muli %scan3A_8, %mul3A_34 : i32
      %add3A_36 = arith.constant 2 : i32
      %add3A_37 = arith.addi %mul3A_35, %add3A_36 : i32
      %dma_start3A_38 = arith.constant 256 : i32
      %dma_start3A_39 = arith.constant 0 : i32
      %dma_start3A_40 = tpu.memref_slice %arg6[%dma_start3A_38, %dma_start3A_39] : memref<1024x32xbf16, #tpu.memory_space<vmem>> -> memref<128x32xbf16, #tpu.memory_space<vmem>>
      %dma_start3A_41 = arith.constant 0 : i32
      %dma_start3A_42 = tpu.memref_slice %arg5[%add3A_37, %dma_start3A_41] : memref<80x128xi32, #tpu.memory_space<vmem>> -> memref<1x128xi32, #tpu.memory_space<vmem>>
      %dma_start3A_43 = tpu.memref_squeeze %dma_start3A_42 : memref<1x128xi32, #tpu.memory_space<vmem>> -> memref<128xi32, #tpu.memory_space<vmem>>
      %dma_start3A_44 = arith.constant 0 : i32
      %dma_start3A_45 = arith.constant 0 : i32
      %dma_start3A_46 = tpu.memref_slice %arg2[%dma_start3A_44, %dma_start3A_45] : memref<10000x32xbf16, #tpu.memory_space<hbm>> -> memref<10000x32xbf16, #tpu.memory_space<hbm>>
      tpu.enqueue_indirect_dma source(%dma_start3A_46 : memref<10000x32xbf16, #tpu.memory_space<hbm>>) target(%dma_start3A_40 : memref<128x32xbf16, #tpu.memory_space<vmem>>) offsets(%dma_start3A_43 : memref<128xi32, #tpu.memory_space<vmem>>) semaphore(%arg7 : memref<!tpu.dma_semaphore, #tpu.memory_space<semaphore_mem>>)
      %mul3A_47 = arith.constant 8 : i32
      %mul3A_48 = arith.muli %scan3A_8, %mul3A_47 : i32
      %add3A_49 = arith.constant 3 : i32
      %add3A_50 = arith.addi %mul3A_48, %add3A_49 : i32
      %dma_start3A_51 = arith.constant 384 : i32
      %dma_start3A_52 = arith.constant 0 : i32
      %dma_start3A_53 = tpu.memref_slice %arg6[%dma_start3A_51, %dma_start3A_52] : memref<1024x32xbf16, #tpu.memory_space<vmem>> -> memref<128x32xbf16, #tpu.memory_space<vmem>>
      %dma_start3A_54 = arith.constant 0 : i32
      %dma_start3A_55 = tpu.memref_slice %arg5[%add3A_50, %dma_start3A_54] : memref<80x128xi32, #tpu.memory_space<vmem>> -> memref<1x128xi32, #tpu.memory_space<vmem>>
      %dma_start3A_56 = tpu.memref_squeeze %dma_start3A_55 : memref<1x128xi32, #tpu.memory_space<vmem>> -> memref<128xi32, #tpu.memory_space<vmem>>
      %dma_start3A_57 = arith.constant 0 : i32
      %dma_start3A_58 = arith.constant 0 : i32
      %dma_start3A_59 = tpu.memref_slice %arg2[%dma_start3A_57, %dma_start3A_58] : memref<10000x32xbf16, #tpu.memory_space<hbm>> -> memref<10000x32xbf16, #tpu.memory_space<hbm>>
      tpu.enqueue_indirect_dma source(%dma_start3A_59 : memref<10000x32xbf16, #tpu.memory_space<hbm>>) target(%dma_start3A_53 : memref<128x32xbf16, #tpu.memory_space<vmem>>) offsets(%dma_start3A_56 : memref<128xi32, #tpu.memory_space<vmem>>) semaphore(%arg7 : memref<!tpu.dma_semaphore, #tpu.memory_space<semaphore_mem>>)
      %mul3A_60 = arith.constant 8 : i32
      %mul3A_61 = arith.muli %scan3A_8, %mul3A_60 : i32
      %add3A_62 = arith.constant 4 : i32
      %add3A_63 = arith.addi %mul3A_61, %add3A_62 : i32
      %dma_start3A_64 = arith.constant 512 : i32
      %dma_start3A_65 = arith.constant 0 : i32
      %dma_start3A_66 = tpu.memref_slice %arg6[%dma_start3A_64, %dma_start3A_65] : memref<1024x32xbf16, #tpu.memory_space<vmem>> -> memref<128x32xbf16, #tpu.memory_space<vmem>>
      %dma_start3A_67 = arith.constant 0 : i32
      %dma_start3A_68 = tpu.memref_slice %arg5[%add3A_63, %dma_start3A_67] : memref<80x128xi32, #tpu.memory_space<vmem>> -> memref<1x128xi32, #tpu.memory_space<vmem>>
      %dma_start3A_69 = tpu.memref_squeeze %dma_start3A_68 : memref<1x128xi32, #tpu.memory_space<vmem>> -> memref<128xi32, #tpu.memory_space<vmem>>
      %dma_start3A_70 = arith.constant 0 : i32
      %dma_start3A_71 = arith.constant 0 : i32
      %dma_start3A_72 = tpu.memref_slice %arg2[%dma_start3A_70, %dma_start3A_71] : memref<10000x32xbf16, #tpu.memory_space<hbm>> -> memref<10000x32xbf16, #tpu.memory_space<hbm>>
      tpu.enqueue_indirect_dma source(%dma_start3A_72 : memref<10000x32xbf16, #tpu.memory_space<hbm>>) target(%dma_start3A_66 : memref<128x32xbf16, #tpu.memory_space<vmem>>) offsets(%dma_start3A_69 : memref<128xi32, #tpu.memory_space<vmem>>) semaphore(%arg7 : memref<!tpu.dma_semaphore, #tpu.memory_space<semaphore_mem>>)
      %mul3A_73 = arith.constant 8 : i32
      %mul3A_74 = arith.muli %scan3A_8, %mul3A_73 : i32
      %add3A_75 = arith.constant 5 : i32
      %add3A_76 = arith.addi %mul3A_74, %add3A_75 : i32
      %dma_start3A_77 = arith.constant 640 : i32
      %dma_start3A_78 = arith.constant 0 : i32
      %dma_start3A_79 = tpu.memref_slice %arg6[%dma_start3A_77, %dma_start3A_78] : memref<1024x32xbf16, #tpu.memory_space<vmem>> -> memref<128x32xbf16, #tpu.memory_space<vmem>>
      %dma_start3A_80 = arith.constant 0 : i32
      %dma_start3A_81 = tpu.memref_slice %arg5[%add3A_76, %dma_start3A_80] : memref<80x128xi32, #tpu.memory_space<vmem>> -> memref<1x128xi32, #tpu.memory_space<vmem>>
      %dma_start3A_82 = tpu.memref_squeeze %dma_start3A_81 : memref<1x128xi32, #tpu.memory_space<vmem>> -> memref<128xi32, #tpu.memory_space<vmem>>
      %dma_start3A_83 = arith.constant 0 : i32
      %dma_start3A_84 = arith.constant 0 : i32
      %dma_start3A_85 = tpu.memref_slice %arg2[%dma_start3A_83, %dma_start3A_84] : memref<10000x32xbf16, #tpu.memory_space<hbm>> -> memref<10000x32xbf16, #tpu.memory_space<hbm>>
      tpu.enqueue_indirect_dma source(%dma_start3A_85 : memref<10000x32xbf16, #tpu.memory_space<hbm>>) target(%dma_start3A_79 : memref<128x32xbf16, #tpu.memory_space<vmem>>) offsets(%dma_start3A_82 : memref<128xi32, #tpu.memory_space<vmem>>) semaphore(%arg7 : memref<!tpu.dma_semaphore, #tpu.memory_space<semaphore_mem>>)
      %mul3A_86 = arith.constant 8 : i32
      %mul3A_87 = arith.muli %scan3A_8, %mul3A_86 : i32
      %add3A_88 = arith.constant 6 : i32
      %add3A_89 = arith.addi %mul3A_87, %add3A_88 : i32
      %dma_start3A_90 = arith.constant 768 : i32
      %dma_start3A_91 = arith.constant 0 : i32
      %dma_start3A_92 = tpu.memref_slice %arg6[%dma_start3A_90, %dma_start3A_91] : memref<1024x32xbf16, #tpu.memory_space<vmem>> -> memref<128x32xbf16, #tpu.memory_space<vmem>>
      %dma_start3A_93 = arith.constant 0 : i32
      %dma_start3A_94 = tpu.memref_slice %arg5[%add3A_89, %dma_start3A_93] : memref<80x128xi32, #tpu.memory_space<vmem>> -> memref<1x128xi32, #tpu.memory_space<vmem>>
      %dma_start3A_95 = tpu.memref_squeeze %dma_start3A_94 : memref<1x128xi32, #tpu.memory_space<vmem>> -> memref<128xi32, #tpu.memory_space<vmem>>
      %dma_start3A_96 = arith.constant 0 : i32
      %dma_start3A_97 = arith.constant 0 : i32
      %dma_start3A_98 = tpu.memref_slice %arg2[%dma_start3A_96, %dma_start3A_97] : memref<10000x32xbf16, #tpu.memory_space<hbm>> -> memref<10000x32xbf16, #tpu.memory_space<hbm>>
      tpu.enqueue_indirect_dma source(%dma_start3A_98 : memref<10000x32xbf16, #tpu.memory_space<hbm>>) target(%dma_start3A_92 : memref<128x32xbf16, #tpu.memory_space<vmem>>) offsets(%dma_start3A_95 : memref<128xi32, #tpu.memory_space<vmem>>) semaphore(%arg7 : memref<!tpu.dma_semaphore, #tpu.memory_space<semaphore_mem>>)
      %mul3A_99 = arith.constant 8 : i32
      %mul3A_100 = arith.muli %scan3A_8, %mul3A_99 : i32
      %add3A_101 = arith.constant 7 : i32
      %add3A_102 = arith.addi %mul3A_100, %add3A_101 : i32
      %dma_start3A_103 = arith.constant 896 : i32
      %dma_start3A_104 = arith.constant 0 : i32
      %dma_start3A_105 = tpu.memref_slice %arg6[%dma_start3A_103, %dma_start3A_104] : memref<1024x32xbf16, #tpu.memory_space<vmem>> -> memref<128x32xbf16, #tpu.memory_space<vmem>>
      %dma_start3A_106 = arith.constant 0 : i32
      %dma_start3A_107 = tpu.memref_slice %arg5[%add3A_102, %dma_start3A_106] : memref<80x128xi32, #tpu.memory_space<vmem>> -> memref<1x128xi32, #tpu.memory_space<vmem>>
      %dma_start3A_108 = tpu.memref_squeeze %dma_start3A_107 : memref<1x128xi32, #tpu.memory_space<vmem>> -> memref<128xi32, #tpu.memory_space<vmem>>
      %dma_start3A_109 = arith.constant 0 : i32
      %dma_start3A_110 = arith.constant 0 : i32
      %dma_start3A_111 = tpu.memref_slice %arg2[%dma_start3A_109, %dma_start3A_110] : memref<10000x32xbf16, #tpu.memory_space<hbm>> -> memref<10000x32xbf16, #tpu.memory_space<hbm>>
      tpu.enqueue_indirect_dma source(%dma_start3A_111 : memref<10000x32xbf16, #tpu.memory_space<hbm>>) target(%dma_start3A_105 : memref<128x32xbf16, #tpu.memory_space<vmem>>) offsets(%dma_start3A_108 : memref<128xi32, #tpu.memory_space<vmem>>) semaphore(%arg7 : memref<!tpu.dma_semaphore, #tpu.memory_space<semaphore_mem>>)
      %dma_wait3A = arith.constant 0 : i32
      %dma_wait3A_112 = arith.constant 0 : i32
      %dma_wait3A_113 = tpu.memref_slice %arg6[%dma_wait3A, %dma_wait3A_112] : memref<1024x32xbf16, #tpu.memory_space<vmem>> -> memref<128x32xbf16, #tpu.memory_space<vmem>>
      %dma_wait3A_114 = arith.constant 0 : i32
      %dma_wait3A_115 = tpu.memref_slice %arg5[%add3A_12, %dma_wait3A_114] : memref<80x128xi32, #tpu.memory_space<vmem>> -> memref<1x128xi32, #tpu.memory_space<vmem>>
      %dma_wait3A_116 = tpu.memref_squeeze %dma_wait3A_115 : memref<1x128xi32, #tpu.memory_space<vmem>> -> memref<128xi32, #tpu.memory_space<vmem>>
      %dma_wait3A_117 = arith.constant 0 : i32
      %dma_wait3A_118 = arith.constant 0 : i32
      %dma_wait3A_119 = tpu.memref_slice %arg2[%dma_wait3A_117, %dma_wait3A_118] : memref<10000x32xbf16, #tpu.memory_space<hbm>> -> memref<10000x32xbf16, #tpu.memory_space<hbm>>
      tpu.wait_indirect_dma semaphore(%arg7 : memref<!tpu.dma_semaphore, #tpu.memory_space<semaphore_mem>>) src(%dma_wait3A_119 : memref<10000x32xbf16, #tpu.memory_space<hbm>>) dst(%dma_wait3A_113 : memref<128x32xbf16, #tpu.memory_space<vmem>>)
      %dma_wait3A_120 = arith.constant 128 : i32
      %dma_wait3A_121 = arith.constant 0 : i32
      %dma_wait3A_122 = tpu.memref_slice %arg6[%dma_wait3A_120, %dma_wait3A_121] : memref<1024x32xbf16, #tpu.memory_space<vmem>> -> memref<128x32xbf16, #tpu.memory_space<vmem>>
      %dma_wait3A_123 = arith.constant 0 : i32
      %dma_wait3A_124 = tpu.memref_slice %arg5[%add3A_24, %dma_wait3A_123] : memref<80x128xi32, #tpu.memory_space<vmem>> -> memref<1x128xi32, #tpu.memory_space<vmem>>
      %dma_wait3A_125 = tpu.memref_squeeze %dma_wait3A_124 : memref<1x128xi32, #tpu.memory_space<vmem>> -> memref<128xi32, #tpu.memory_space<vmem>>
      %dma_wait3A_126 = arith.constant 0 : i32
      %dma_wait3A_127 = arith.constant 0 : i32
      %dma_wait3A_128 = tpu.memref_slice %arg2[%dma_wait3A_126, %dma_wait3A_127] : memref<10000x32xbf16, #tpu.memory_space<hbm>> -> memref<10000x32xbf16, #tpu.memory_space<hbm>>
      tpu.wait_indirect_dma semaphore(%arg7 : memref<!tpu.dma_semaphore, #tpu.memory_space<semaphore_mem>>) src(%dma_wait3A_128 : memref<10000x32xbf16, #tpu.memory_space<hbm>>) dst(%dma_wait3A_122 : memref<128x32xbf16, #tpu.memory_space<vmem>>)
      %dma_wait3A_129 = arith.constant 256 : i32
      %dma_wait3A_130 = arith.constant 0 : i32
      %dma_wait3A_131 = tpu.memref_slice %arg6[%dma_wait3A_129, %dma_wait3A_130] : memref<1024x32xbf16, #tpu.memory_space<vmem>> -> memref<128x32xbf16, #tpu.memory_space<vmem>>
      %dma_wait3A_132 = arith.constant 0 : i32
      %dma_wait3A_133 = tpu.memref_slice %arg5[%add3A_37, %dma_wait3A_132] : memref<80x128xi32, #tpu.memory_space<vmem>> -> memref<1x128xi32, #tpu.memory_space<vmem>>
      %dma_wait3A_134 = tpu.memref_squeeze %dma_wait3A_133 : memref<1x128xi32, #tpu.memory_space<vmem>> -> memref<128xi32, #tpu.memory_space<vmem>>
      %dma_wait3A_135 = arith.constant 0 : i32
      %dma_wait3A_136 = arith.constant 0 : i32
      %dma_wait3A_137 = tpu.memref_slice %arg2[%dma_wait3A_135, %dma_wait3A_136] : memref<10000x32xbf16, #tpu.memory_space<hbm>> -> memref<10000x32xbf16, #tpu.memory_space<hbm>>
      tpu.wait_indirect_dma semaphore(%arg7 : memref<!tpu.dma_semaphore, #tpu.memory_space<semaphore_mem>>) src(%dma_wait3A_137 : memref<10000x32xbf16, #tpu.memory_space<hbm>>) dst(%dma_wait3A_131 : memref<128x32xbf16, #tpu.memory_space<vmem>>)
      %dma_wait3A_138 = arith.constant 384 : i32
      %dma_wait3A_139 = arith.constant 0 : i32
      %dma_wait3A_140 = tpu.memref_slice %arg6[%dma_wait3A_138, %dma_wait3A_139] : memref<1024x32xbf16, #tpu.memory_space<vmem>> -> memref<128x32xbf16, #tpu.memory_space<vmem>>
      %dma_wait3A_141 = arith.constant 0 : i32
      %dma_wait3A_142 = tpu.memref_slice %arg5[%add3A_50, %dma_wait3A_141] : memref<80x128xi32, #tpu.memory_space<vmem>> -> memref<1x128xi32, #tpu.memory_space<vmem>>
      %dma_wait3A_143 = tpu.memref_squeeze %dma_wait3A_142 : memref<1x128xi32, #tpu.memory_space<vmem>> -> memref<128xi32, #tpu.memory_space<vmem>>
      %dma_wait3A_144 = arith.constant 0 : i32
      %dma_wait3A_145 = arith.constant 0 : i32
      %dma_wait3A_146 = tpu.memref_slice %arg2[%dma_wait3A_144, %dma_wait3A_145] : memref<10000x32xbf16, #tpu.memory_space<hbm>> -> memref<10000x32xbf16, #tpu.memory_space<hbm>>
      tpu.wait_indirect_dma semaphore(%arg7 : memref<!tpu.dma_semaphore, #tpu.memory_space<semaphore_mem>>) src(%dma_wait3A_146 : memref<10000x32xbf16, #tpu.memory_space<hbm>>) dst(%dma_wait3A_140 : memref<128x32xbf16, #tpu.memory_space<vmem>>)
      %dma_wait3A_147 = arith.constant 512 : i32
      %dma_wait3A_148 = arith.constant 0 : i32
      %dma_wait3A_149 = tpu.memref_slice %arg6[%dma_wait3A_147, %dma_wait3A_148] : memref<1024x32xbf16, #tpu.memory_space<vmem>> -> memref<128x32xbf16, #tpu.memory_space<vmem>>
      %dma_wait3A_150 = arith.constant 0 : i32
      %dma_wait3A_151 = tpu.memref_slice %arg5[%add3A_63, %dma_wait3A_150] : memref<80x128xi32, #tpu.memory_space<vmem>> -> memref<1x128xi32, #tpu.memory_space<vmem>>
      %dma_wait3A_152 = tpu.memref_squeeze %dma_wait3A_151 : memref<1x128xi32, #tpu.memory_space<vmem>> -> memref<128xi32, #tpu.memory_space<vmem>>
      %dma_wait3A_153 = arith.constant 0 : i32
      %dma_wait3A_154 = arith.constant 0 : i32
      %dma_wait3A_155 = tpu.memref_slice %arg2[%dma_wait3A_153, %dma_wait3A_154] : memref<10000x32xbf16, #tpu.memory_space<hbm>> -> memref<10000x32xbf16, #tpu.memory_space<hbm>>
      tpu.wait_indirect_dma semaphore(%arg7 : memref<!tpu.dma_semaphore, #tpu.memory_space<semaphore_mem>>) src(%dma_wait3A_155 : memref<10000x32xbf16, #tpu.memory_space<hbm>>) dst(%dma_wait3A_149 : memref<128x32xbf16, #tpu.memory_space<vmem>>)
      %dma_wait3A_156 = arith.constant 640 : i32
      %dma_wait3A_157 = arith.constant 0 : i32
      %dma_wait3A_158 = tpu.memref_slice %arg6[%dma_wait3A_156, %dma_wait3A_157] : memref<1024x32xbf16, #tpu.memory_space<vmem>> -> memref<128x32xbf16, #tpu.memory_space<vmem>>
      %dma_wait3A_159 = arith.constant 0 : i32
      %dma_wait3A_160 = tpu.memref_slice %arg5[%add3A_76, %dma_wait3A_159] : memref<80x128xi32, #tpu.memory_space<vmem>> -> memref<1x128xi32, #tpu.memory_space<vmem>>
      %dma_wait3A_161 = tpu.memref_squeeze %dma_wait3A_160 : memref<1x128xi32, #tpu.memory_space<vmem>> -> memref<128xi32, #tpu.memory_space<vmem>>
      %dma_wait3A_162 = arith.constant 0 : i32
      %dma_wait3A_163 = arith.constant 0 : i32
      %dma_wait3A_164 = tpu.memref_slice %arg2[%dma_wait3A_162, %dma_wait3A_163] : memref<10000x32xbf16, #tpu.memory_space<hbm>> -> memref<10000x32xbf16, #tpu.memory_space<hbm>>
      tpu.wait_indirect_dma semaphore(%arg7 : memref<!tpu.dma_semaphore, #tpu.memory_space<semaphore_mem>>) src(%dma_wait3A_164 : memref<10000x32xbf16, #tpu.memory_space<hbm>>) dst(%dma_wait3A_158 : memref<128x32xbf16, #tpu.memory_space<vmem>>)
      %dma_wait3A_165 = arith.constant 768 : i32
      %dma_wait3A_166 = arith.constant 0 : i32
      %dma_wait3A_167 = tpu.memref_slice %arg6[%dma_wait3A_165, %dma_wait3A_166] : memref<1024x32xbf16, #tpu.memory_space<vmem>> -> memref<128x32xbf16, #tpu.memory_space<vmem>>
      %dma_wait3A_168 = arith.constant 0 : i32
      %dma_wait3A_169 = tpu.memref_slice %arg5[%add3A_89, %dma_wait3A_168] : memref<80x128xi32, #tpu.memory_space<vmem>> -> memref<1x128xi32, #tpu.memory_space<vmem>>
      %dma_wait3A_170 = tpu.memref_squeeze %dma_wait3A_169 : memref<1x128xi32, #tpu.memory_space<vmem>> -> memref<128xi32, #tpu.memory_space<vmem>>
      %dma_wait3A_171 = arith.constant 0 : i32
      %dma_wait3A_172 = arith.constant 0 : i32
      %dma_wait3A_173 = tpu.memref_slice %arg2[%dma_wait3A_171, %dma_wait3A_172] : memref<10000x32xbf16, #tpu.memory_space<hbm>> -> memref<10000x32xbf16, #tpu.memory_space<hbm>>
      tpu.wait_indirect_dma semaphore(%arg7 : memref<!tpu.dma_semaphore, #tpu.memory_space<semaphore_mem>>) src(%dma_wait3A_173 : memref<10000x32xbf16, #tpu.memory_space<hbm>>) dst(%dma_wait3A_167 : memref<128x32xbf16, #tpu.memory_space<vmem>>)
      %dma_wait3A_174 = arith.constant 896 : i32
      %dma_wait3A_175 = arith.constant 0 : i32
      %dma_wait3A_176 = tpu.memref_slice %arg6[%dma_wait3A_174, %dma_wait3A_175] : memref<1024x32xbf16, #tpu.memory_space<vmem>> -> memref<128x32xbf16, #tpu.memory_space<vmem>>
      %dma_wait3A_177 = arith.constant 0 : i32
      %dma_wait3A_178 = tpu.memref_slice %arg5[%add3A_102, %dma_wait3A_177] : memref<80x128xi32, #tpu.memory_space<vmem>> -> memref<1x128xi32, #tpu.memory_space<vmem>>
      %dma_wait3A_179 = tpu.memref_squeeze %dma_wait3A_178 : memref<1x128xi32, #tpu.memory_space<vmem>> -> memref<128xi32, #tpu.memory_space<vmem>>
      %dma_wait3A_180 = arith.constant 0 : i32
      %dma_wait3A_181 = arith.constant 0 : i32
      %dma_wait3A_182 = tpu.memref_slice %arg2[%dma_wait3A_180, %dma_wait3A_181] : memref<10000x32xbf16, #tpu.memory_space<hbm>> -> memref<10000x32xbf16, #tpu.memory_space<hbm>>
      tpu.wait_indirect_dma semaphore(%arg7 : memref<!tpu.dma_semaphore, #tpu.memory_space<semaphore_mem>>) src(%dma_wait3A_182 : memref<10000x32xbf16, #tpu.memory_space<hbm>>) dst(%dma_wait3A_176 : memref<128x32xbf16, #tpu.memory_space<vmem>>)
      %mul3A_183 = arith.constant 1024 : i32
      %mul3A_184 = arith.muli %scan3A_8, %mul3A_183 : i32
      %add3A_185 = arith.addi %mul3A_2, %mul3A_184 : i32
      "tpu.region"() ({
        %run_scoped3A = tpu.sem_alloc : memref<!tpu.dma_semaphore, #tpu.memory_space<semaphore_mem>>
        %dma_start3A_186 = arith.constant 0 : i32
        %dma_start3A_187 = tpu.memref_slice %arg4[%add3A_185, %dma_start3A_186] : memref<327680x32xbf16, #tpu.memory_space<hbm>> -> memref<1024x32xbf16, #tpu.memory_space<hbm>>
        %dma_start3A_188 = arith.constant 0 : i32
        %dma_start3A_189 = tpu.memref_slice %arg4[%add3A_185, %dma_start3A_188] : memref<327680x32xbf16, #tpu.memory_space<hbm>> -> memref<1024x32xbf16, #tpu.memory_space<hbm>>
        tpu.enqueue_dma source(%arg6 : memref<1024x32xbf16, #tpu.memory_space<vmem>>) target(%dma_start3A_189 : memref<1024x32xbf16, #tpu.memory_space<hbm>>) target_semaphore(%run_scoped3A : memref<!tpu.dma_semaphore, #tpu.memory_space<semaphore_mem>>)
        %dma_wait3A_190 = arith.constant 0 : i32
        %dma_wait3A_191 = tpu.memref_slice %arg4[%add3A_185, %dma_wait3A_190] : memref<327680x32xbf16, #tpu.memory_space<hbm>> -> memref<1024x32xbf16, #tpu.memory_space<hbm>>
        %dma_wait3A_192 = arith.constant 0 : i32
        %dma_wait3A_193 = tpu.memref_slice %arg4[%add3A_185, %dma_wait3A_192] : memref<327680x32xbf16, #tpu.memory_space<hbm>> -> memref<1024x32xbf16, #tpu.memory_space<hbm>>
        tpu.wait_dma2 semaphore(%run_scoped3A : memref<!tpu.dma_semaphore, #tpu.memory_space<semaphore_mem>>) src(%arg6 : memref<1024x32xbf16, #tpu.memory_space<vmem>>) dst(%dma_wait3A_193 : memref<1024x32xbf16, #tpu.memory_space<hbm>>)
        tpu.yield
      }) : () -> ()
    }
    %scan3A_7 = arith.constant 10 : i32
    return
  }
}

module attributes {stable_mosaic.version = 14 : i64} {
  func.func @_enc1_body(%arg0: i32, %arg1: memref<2048x32xbf16, #tpu.memory_space<vmem>>, %arg2: memref<2048x32xbf16, #tpu.memory_space<vmem>>, %arg3: memref<2048x20xf32, #tpu.memory_space<vmem>>, %arg4: memref<4x64xf32, #tpu.memory_space<vmem>>, %arg5: memref<1x64xf32, #tpu.memory_space<vmem>>, %arg6: memref<4x64xf32, #tpu.memory_space<vmem>>, %arg7: memref<1x64xf32, #tpu.memory_space<vmem>>, %arg8: memref<64x128xf32, #tpu.memory_space<vmem>>, %arg9: memref<64x128xf32, #tpu.memory_space<vmem>>, %arg10: memref<64x128xf32, #tpu.memory_space<vmem>>, %arg11: memref<1x128xf32, #tpu.memory_space<vmem>>, %arg12: memref<128x64xf32, #tpu.memory_space<vmem>>, %arg13: memref<1x64xf32, #tpu.memory_space<vmem>>, %arg14: memref<64x128xf32, #tpu.memory_space<vmem>>, %arg15: memref<64x128xf32, #tpu.memory_space<vmem>>, %arg16: memref<1x128xf32, #tpu.memory_space<vmem>>, %arg17: memref<128x128xf32, #tpu.memory_space<vmem>>, %arg18: memref<1x128xf32, #tpu.memory_space<vmem>>, %arg19: memref<5x2048x64xbf16, #tpu.memory_space<vmem>>, %arg20: memref<5x2048x128xf32, #tpu.memory_space<vmem>>) attributes {dimension_semantics = [#tpu.dimension_semantics<arbitrary>], iteration_bounds = array<i64: 80>, scalar_prefetch = 0 : i64, scratch_operands = 0 : i64, tpu.core_type = #tpu.core_type<tc>, window_params = [{transform_indices = @transform_0, window_bounds = array<i64: 2048, 32>}, {transform_indices = @transform_1, window_bounds = array<i64: 2048, 32>}, {transform_indices = @transform_2, window_bounds = array<i64: 2048, 20>}, {pipeline_mode = #tpu.pipeline_mode<synchronous>, transform_indices = @transform_3, window_bounds = array<i64: 4, 64>}, {pipeline_mode = #tpu.pipeline_mode<synchronous>, transform_indices = @transform_4, window_bounds = array<i64: 1, 64>}, {pipeline_mode = #tpu.pipeline_mode<synchronous>, transform_indices = @transform_5, window_bounds = array<i64: 4, 64>}, {pipeline_mode = #tpu.pipeline_mode<synchronous>, transform_indices = @transform_6, window_bounds = array<i64: 1, 64>}, {pipeline_mode = #tpu.pipeline_mode<synchronous>, transform_indices = @transform_7, window_bounds = array<i64: 64, 128>}, {pipeline_mode = #tpu.pipeline_mode<synchronous>, transform_indices = @transform_8, window_bounds = array<i64: 64, 128>}, {pipeline_mode = #tpu.pipeline_mode<synchronous>, transform_indices = @transform_9, window_bounds = array<i64: 64, 128>}, {pipeline_mode = #tpu.pipeline_mode<synchronous>, transform_indices = @transform_10, window_bounds = array<i64: 1, 128>}, {pipeline_mode = #tpu.pipeline_mode<synchronous>, transform_indices = @transform_11, window_bounds = array<i64: 128, 64>}, {pipeline_mode = #tpu.pipeline_mode<synchronous>, transform_indices = @transform_12, window_bounds = array<i64: 1, 64>}, {pipeline_mode = #tpu.pipeline_mode<synchronous>, transform_indices = @transform_13, window_bounds = array<i64: 64, 128>}, {pipeline_mode = #tpu.pipeline_mode<synchronous>, transform_indices = @transform_14, window_bounds = array<i64: 64, 128>}, {pipeline_mode = #tpu.pipeline_mode<synchronous>, transform_indices = @transform_15, window_bounds = array<i64: 1, 128>}, {pipeline_mode = #tpu.pipeline_mode<synchronous>, transform_indices = @transform_16, window_bounds = array<i64: 128, 128>}, {pipeline_mode = #tpu.pipeline_mode<synchronous>, transform_indices = @transform_17, window_bounds = array<i64: 1, 128>}, {transform_indices = @transform_18, window_bounds = array<i64: 5, 2048, 64>}, {transform_indices = @transform_19, window_bounds = array<i64: 5, 2048, 128>}]} {
    %get3A = arith.constant 0 : index
    %get3A_0 = arith.constant 0 : index
    %get3A_1 = vector.load %arg1[%get3A, %get3A_0] : memref<2048x32xbf16, #tpu.memory_space<vmem>>, vector<2048x32xbf16>
    %get3A_2 = arith.constant 0 : index
    %get3A_3 = arith.constant 0 : index
    %get3A_4 = vector.load %arg2[%get3A_2, %get3A_3] : memref<2048x32xbf16, #tpu.memory_space<vmem>>, vector<2048x32xbf16>
    %get3A_5 = arith.constant 0 : index
    %get3A_6 = arith.constant 0 : index
    %get3A_7 = vector.load %arg3[%get3A_5, %get3A_6] : memref<2048x20xf32, #tpu.memory_space<vmem>>, vector<2048x20xf32>
    %slice3A = vector.extract_strided_slice %get3A_1 {offsets = [0, 0], sizes = [2048, 4], strides = [1, 1]} : vector<2048x32xbf16> to vector<2048x4xbf16>
    %get3A_8 = arith.constant 0 : index
    %get3A_9 = arith.constant 0 : index
    %get3A_10 = vector.load %arg4[%get3A_8, %get3A_9] : memref<4x64xf32, #tpu.memory_space<vmem>>, vector<4x64xf32>
    %convert_element_type3A = arith.truncf %get3A_10 : vector<4x64xf32> to vector<4x64xbf16>
    %dot_general3A = arith.constant dense<0.000000e+00> : vector<2048x64xf32>
    %dot_general3A_11 = tpu.matmul %slice3A, %convert_element_type3A, %dot_general3A {dimension_numbers = #tpu.dot_dimension_numbers<[1], [0], [0], [1], [0, 0, 1, 1], [], []>, transpose_lhs_hint = false} : vector<2048x4xbf16>, vector<4x64xbf16>, vector<2048x64xf32> -> vector<2048x64xf32>
    %get3A_12 = arith.constant 0 : index
    %get3A_13 = arith.constant 0 : index
    %get3A_14 = vector.load %arg5[%get3A_12, %get3A_13] : memref<1x64xf32, #tpu.memory_space<vmem>>, vector<1x64xf32>
    %add3A = vector.broadcast %get3A_14 : vector<1x64xf32> to vector<2048x64xf32>
    %add3A_15 = arith.addf %dot_general3A_11, %add3A : vector<2048x64xf32>
    %max3A = arith.constant 0.000000e+00 : f32
    %max3A_16 = vector.broadcast %max3A : f32 to vector<2048x64xf32>
    %max3A_17 = arith.maximumf %add3A_15, %max3A_16 : vector<2048x64xf32>
    %slice3A_18 = vector.extract_strided_slice %get3A_4 {offsets = [0, 0], sizes = [2048, 4], strides = [1, 1]} : vector<2048x32xbf16> to vector<2048x4xbf16>
    %get3A_19 = arith.constant 0 : index
    %get3A_20 = arith.constant 0 : index
    %get3A_21 = vector.load %arg4[%get3A_19, %get3A_20] : memref<4x64xf32, #tpu.memory_space<vmem>>, vector<4x64xf32>
    %convert_element_type3A_22 = arith.truncf %get3A_21 : vector<4x64xf32> to vector<4x64xbf16>
    %dot_general3A_23 = arith.constant dense<0.000000e+00> : vector<2048x64xf32>
    %dot_general3A_24 = tpu.matmul %slice3A_18, %convert_element_type3A_22, %dot_general3A_23 {dimension_numbers = #tpu.dot_dimension_numbers<[1], [0], [0], [1], [0, 0, 1, 1], [], []>, transpose_lhs_hint = false} : vector<2048x4xbf16>, vector<4x64xbf16>, vector<2048x64xf32> -> vector<2048x64xf32>
    %get3A_25 = arith.constant 0 : index
    %get3A_26 = arith.constant 0 : index
    %get3A_27 = vector.load %arg5[%get3A_25, %get3A_26] : memref<1x64xf32, #tpu.memory_space<vmem>>, vector<1x64xf32>
    %add3A_28 = vector.broadcast %get3A_27 : vector<1x64xf32> to vector<2048x64xf32>
    %add3A_29 = arith.addf %dot_general3A_24, %add3A_28 : vector<2048x64xf32>
    %max3A_30 = arith.constant 0.000000e+00 : f32
    %max3A_31 = vector.broadcast %max3A_30 : f32 to vector<2048x64xf32>
    %max3A_32 = arith.maximumf %add3A_29, %max3A_31 : vector<2048x64xf32>
    %slice3A_33 = vector.extract_strided_slice %get3A_7 {offsets = [0, 0], sizes = [2048, 4], strides = [1, 1]} : vector<2048x20xf32> to vector<2048x4xf32>
    %get3A_34 = arith.constant 0 : index
    %get3A_35 = arith.constant 0 : index
    %get3A_36 = vector.load %arg6[%get3A_34, %get3A_35] : memref<4x64xf32, #tpu.memory_space<vmem>>, vector<4x64xf32>
    %convert_element_type3A_37 = arith.truncf %slice3A_33 : vector<2048x4xf32> to vector<2048x4xbf16>
    %convert_element_type3A_38 = arith.truncf %get3A_36 : vector<4x64xf32> to vector<4x64xbf16>
    %dot_general3A_39 = arith.constant dense<0.000000e+00> : vector<2048x64xf32>
    %dot_general3A_40 = tpu.matmul %convert_element_type3A_37, %convert_element_type3A_38, %dot_general3A_39 {dimension_numbers = #tpu.dot_dimension_numbers<[1], [0], [0], [1], [0, 0, 1, 1], [], []>, transpose_lhs_hint = false} : vector<2048x4xbf16>, vector<4x64xbf16>, vector<2048x64xf32> -> vector<2048x64xf32>
    %get3A_41 = arith.constant 0 : index
    %get3A_42 = arith.constant 0 : index
    %get3A_43 = vector.load %arg7[%get3A_41, %get3A_42] : memref<1x64xf32, #tpu.memory_space<vmem>>, vector<1x64xf32>
    %add3A_44 = vector.broadcast %get3A_43 : vector<1x64xf32> to vector<2048x64xf32>
    %add3A_45 = arith.addf %dot_general3A_40, %add3A_44 : vector<2048x64xf32>
    %max3A_46 = arith.constant 0.000000e+00 : f32
    %max3A_47 = vector.broadcast %max3A_46 : f32 to vector<2048x64xf32>
    %max3A_48 = arith.maximumf %add3A_45, %max3A_47 : vector<2048x64xf32>
    %get3A_49 = arith.constant 0 : index
    %get3A_50 = arith.constant 0 : index
    %get3A_51 = vector.load %arg8[%get3A_49, %get3A_50] : memref<64x128xf32, #tpu.memory_space<vmem>>, vector<64x128xf32>
    %convert_element_type3A_52 = arith.truncf %max3A_17 : vector<2048x64xf32> to vector<2048x64xbf16>
    %convert_element_type3A_53 = arith.truncf %get3A_51 : vector<64x128xf32> to vector<64x128xbf16>
    %dot_general3A_54 = arith.constant dense<0.000000e+00> : vector<2048x128xf32>
    %dot_general3A_55 = tpu.matmul %convert_element_type3A_52, %convert_element_type3A_53, %dot_general3A_54 {dimension_numbers = #tpu.dot_dimension_numbers<[1], [0], [0], [1], [0, 0, 1, 1], [], []>, transpose_lhs_hint = false} : vector<2048x64xbf16>, vector<64x128xbf16>, vector<2048x128xf32> -> vector<2048x128xf32>
    %get3A_56 = arith.constant 0 : index
    %get3A_57 = arith.constant 0 : index
    %get3A_58 = vector.load %arg9[%get3A_56, %get3A_57] : memref<64x128xf32, #tpu.memory_space<vmem>>, vector<64x128xf32>
    %convert_element_type3A_59 = arith.truncf %max3A_32 : vector<2048x64xf32> to vector<2048x64xbf16>
    %convert_element_type3A_60 = arith.truncf %get3A_58 : vector<64x128xf32> to vector<64x128xbf16>
    %dot_general3A_61 = arith.constant dense<0.000000e+00> : vector<2048x128xf32>
    %dot_general3A_62 = tpu.matmul %convert_element_type3A_59, %convert_element_type3A_60, %dot_general3A_61 {dimension_numbers = #tpu.dot_dimension_numbers<[1], [0], [0], [1], [0, 0, 1, 1], [], []>, transpose_lhs_hint = false} : vector<2048x64xbf16>, vector<64x128xbf16>, vector<2048x128xf32> -> vector<2048x128xf32>
    %add3A_63 = arith.addf %dot_general3A_55, %dot_general3A_62 : vector<2048x128xf32>
    %get3A_64 = arith.constant 0 : index
    %get3A_65 = arith.constant 0 : index
    %get3A_66 = vector.load %arg10[%get3A_64, %get3A_65] : memref<64x128xf32, #tpu.memory_space<vmem>>, vector<64x128xf32>
    %convert_element_type3A_67 = arith.truncf %max3A_48 : vector<2048x64xf32> to vector<2048x64xbf16>
    %convert_element_type3A_68 = arith.truncf %get3A_66 : vector<64x128xf32> to vector<64x128xbf16>
    %dot_general3A_69 = arith.constant dense<0.000000e+00> : vector<2048x128xf32>
    %dot_general3A_70 = tpu.matmul %convert_element_type3A_67, %convert_element_type3A_68, %dot_general3A_69 {dimension_numbers = #tpu.dot_dimension_numbers<[1], [0], [0], [1], [0, 0, 1, 1], [], []>, transpose_lhs_hint = false} : vector<2048x64xbf16>, vector<64x128xbf16>, vector<2048x128xf32> -> vector<2048x128xf32>
    %add3A_71 = arith.addf %add3A_63, %dot_general3A_70 : vector<2048x128xf32>
    %get3A_72 = arith.constant 0 : index
    %get3A_73 = arith.constant 0 : index
    %get3A_74 = vector.load %arg11[%get3A_72, %get3A_73] : memref<1x128xf32, #tpu.memory_space<vmem>>, vector<1x128xf32>
    %add3A_75 = vector.broadcast %get3A_74 : vector<1x128xf32> to vector<2048x128xf32>
    %add3A_76 = arith.addf %add3A_71, %add3A_75 : vector<2048x128xf32>
    %max3A_77 = arith.constant 0.000000e+00 : f32
    %max3A_78 = vector.broadcast %max3A_77 : f32 to vector<2048x128xf32>
    %max3A_79 = arith.maximumf %add3A_76, %max3A_78 : vector<2048x128xf32>
    %get3A_80 = arith.constant 0 : index
    %get3A_81 = arith.constant 0 : index
    %get3A_82 = vector.load %arg12[%get3A_80, %get3A_81] : memref<128x64xf32, #tpu.memory_space<vmem>>, vector<128x64xf32>
    %convert_element_type3A_83 = arith.truncf %max3A_79 : vector<2048x128xf32> to vector<2048x128xbf16>
    %convert_element_type3A_84 = arith.truncf %get3A_82 : vector<128x64xf32> to vector<128x64xbf16>
    %dot_general3A_85 = arith.constant dense<0.000000e+00> : vector<2048x64xf32>
    %dot_general3A_86 = tpu.matmul %convert_element_type3A_83, %convert_element_type3A_84, %dot_general3A_85 {dimension_numbers = #tpu.dot_dimension_numbers<[1], [0], [0], [1], [0, 0, 1, 1], [], []>, transpose_lhs_hint = false} : vector<2048x128xbf16>, vector<128x64xbf16>, vector<2048x64xf32> -> vector<2048x64xf32>
    %get3A_87 = arith.constant 0 : index
    %get3A_88 = arith.constant 0 : index
    %get3A_89 = vector.load %arg13[%get3A_87, %get3A_88] : memref<1x64xf32, #tpu.memory_space<vmem>>, vector<1x64xf32>
    %add3A_90 = vector.broadcast %get3A_89 : vector<1x64xf32> to vector<2048x64xf32>
    %add3A_91 = arith.addf %dot_general3A_86, %add3A_90 : vector<2048x64xf32>
    %get3A_92 = arith.constant 0 : index
    %get3A_93 = arith.constant 0 : index
    %get3A_94 = vector.load %arg14[%get3A_92, %get3A_93] : memref<64x128xf32, #tpu.memory_space<vmem>>, vector<64x128xf32>
    %convert_element_type3A_95 = arith.truncf %max3A_17 : vector<2048x64xf32> to vector<2048x64xbf16>
    %convert_element_type3A_96 = arith.truncf %get3A_94 : vector<64x128xf32> to vector<64x128xbf16>
    %dot_general3A_97 = arith.constant dense<0.000000e+00> : vector<2048x128xf32>
    %dot_general3A_98 = tpu.matmul %convert_element_type3A_95, %convert_element_type3A_96, %dot_general3A_97 {dimension_numbers = #tpu.dot_dimension_numbers<[1], [0], [0], [1], [0, 0, 1, 1], [], []>, transpose_lhs_hint = false} : vector<2048x64xbf16>, vector<64x128xbf16>, vector<2048x128xf32> -> vector<2048x128xf32>
    %get3A_99 = arith.constant 0 : index
    %get3A_100 = arith.constant 0 : index
    %get3A_101 = vector.load %arg15[%get3A_99, %get3A_100] : memref<64x128xf32, #tpu.memory_space<vmem>>, vector<64x128xf32>
    %convert_element_type3A_102 = arith.truncf %add3A_91 : vector<2048x64xf32> to vector<2048x64xbf16>
    %convert_element_type3A_103 = arith.truncf %get3A_101 : vector<64x128xf32> to vector<64x128xbf16>
    %dot_general3A_104 = arith.constant dense<0.000000e+00> : vector<2048x128xf32>
    %dot_general3A_105 = tpu.matmul %convert_element_type3A_102, %convert_element_type3A_103, %dot_general3A_104 {dimension_numbers = #tpu.dot_dimension_numbers<[1], [0], [0], [1], [0, 0, 1, 1], [], []>, transpose_lhs_hint = false} : vector<2048x64xbf16>, vector<64x128xbf16>, vector<2048x128xf32> -> vector<2048x128xf32>
    %add3A_106 = arith.addf %dot_general3A_98, %dot_general3A_105 : vector<2048x128xf32>
    %get3A_107 = arith.constant 0 : index
    %get3A_108 = arith.constant 0 : index
    %get3A_109 = vector.load %arg16[%get3A_107, %get3A_108] : memref<1x128xf32, #tpu.memory_space<vmem>>, vector<1x128xf32>
    %add3A_110 = vector.broadcast %get3A_109 : vector<1x128xf32> to vector<2048x128xf32>
    %add3A_111 = arith.addf %add3A_106, %add3A_110 : vector<2048x128xf32>
    %max3A_112 = arith.constant 0.000000e+00 : f32
    %max3A_113 = vector.broadcast %max3A_112 : f32 to vector<2048x128xf32>
    %max3A_114 = arith.maximumf %add3A_111, %max3A_113 : vector<2048x128xf32>
    %get3A_115 = arith.constant 0 : index
    %get3A_116 = arith.constant 0 : index
    %get3A_117 = vector.load %arg17[%get3A_115, %get3A_116] : memref<128x128xf32, #tpu.memory_space<vmem>>, vector<128x128xf32>
    %convert_element_type3A_118 = arith.truncf %max3A_114 : vector<2048x128xf32> to vector<2048x128xbf16>
    %convert_element_type3A_119 = arith.truncf %get3A_117 : vector<128x128xf32> to vector<128x128xbf16>
    %dot_general3A_120 = arith.constant dense<0.000000e+00> : vector<2048x128xf32>
    %dot_general3A_121 = tpu.matmul %convert_element_type3A_118, %convert_element_type3A_119, %dot_general3A_120 {dimension_numbers = #tpu.dot_dimension_numbers<[1], [0], [0], [1], [0, 0, 1, 1], [], []>, transpose_lhs_hint = false} : vector<2048x128xbf16>, vector<128x128xbf16>, vector<2048x128xf32> -> vector<2048x128xf32>
    %get3A_122 = arith.constant 0 : index
    %get3A_123 = arith.constant 0 : index
    %get3A_124 = vector.load %arg18[%get3A_122, %get3A_123] : memref<1x128xf32, #tpu.memory_space<vmem>>, vector<1x128xf32>
    %add3A_125 = vector.broadcast %get3A_124 : vector<1x128xf32> to vector<2048x128xf32>
    %add3A_126 = arith.addf %dot_general3A_121, %add3A_125 : vector<2048x128xf32>
    %convert_element_type3A_127 = arith.truncf %add3A_91 : vector<2048x64xf32> to vector<2048x64xbf16>
    %swap3A = arith.constant 0 : index
    %swap3A_128 = arith.constant 0 : index
    %swap3A_129 = arith.constant 0 : index
    %swap3A_130 = vector.load %arg19[%swap3A, %swap3A_128, %swap3A_129] : memref<5x2048x64xbf16, #tpu.memory_space<vmem>>, vector<1x2048x64xbf16>
    %swap3A_131 = vector.shape_cast %swap3A_130 : vector<1x2048x64xbf16> to vector<2048x64xbf16>
    %swap3A_132 = vector.shape_cast %convert_element_type3A_127 : vector<2048x64xbf16> to vector<1x2048x64xbf16>
    tpu.vector_store %arg19[%swap3A, %swap3A_128, %swap3A_129], %swap3A_132 {strides = array<i32>} : memref<5x2048x64xbf16, #tpu.memory_space<vmem>>, vector<1x2048x64xbf16>,
    %swap3A_133 = arith.constant 0 : index
    %swap3A_134 = arith.constant 0 : index
    %swap3A_135 = arith.constant 0 : index
    %swap3A_136 = vector.load %arg20[%swap3A_133, %swap3A_134, %swap3A_135] : memref<5x2048x128xf32, #tpu.memory_space<vmem>>, vector<1x2048x128xf32>
    %swap3A_137 = vector.shape_cast %swap3A_136 : vector<1x2048x128xf32> to vector<2048x128xf32>
    %swap3A_138 = vector.shape_cast %add3A_126 : vector<2048x128xf32> to vector<1x2048x128xf32>
    tpu.vector_store %arg20[%swap3A_133, %swap3A_134, %swap3A_135], %swap3A_138 {strides = array<i32>} : memref<5x2048x128xf32, #tpu.memory_space<vmem>>, vector<1x2048x128xf32>,
    %slice3A_139 = vector.extract_strided_slice %get3A_1 {offsets = [0, 4], sizes = [2048, 4], strides = [1, 1]} : vector<2048x32xbf16> to vector<2048x4xbf16>
    %get3A_140 = arith.constant 0 : index
    %get3A_141 = arith.constant 0 : index
    %get3A_142 = vector.load %arg4[%get3A_140, %get3A_141] : memref<4x64xf32, #tpu.memory_space<vmem>>, vector<4x64xf32>
    %convert_element_type3A_143 = arith.truncf %get3A_142 : vector<4x64xf32> to vector<4x64xbf16>
    %dot_general3A_144 = arith.constant dense<0.000000e+00> : vector<2048x64xf32>
    %dot_general3A_145 = tpu.matmul %slice3A_139, %convert_element_type3A_143, %dot_general3A_144 {dimension_numbers = #tpu.dot_dimension_numbers<[1], [0], [0], [1], [0, 0, 1, 1], [], []>, transpose_lhs_hint = false} : vector<2048x4xbf16>, vector<4x64xbf16>, vector<2048x64xf32> -> vector<2048x64xf32>
    %get3A_146 = arith.constant 0 : index
    %get3A_147 = arith.constant 0 : index
    %get3A_148 = vector.load %arg5[%get3A_146, %get3A_147] : memref<1x64xf32, #tpu.memory_space<vmem>>, vector<1x64xf32>
    %add3A_149 = vector.broadcast %get3A_148 : vector<1x64xf32> to vector<2048x64xf32>
    %add3A_150 = arith.addf %dot_general3A_145, %add3A_149 : vector<2048x64xf32>
    %max3A_151 = arith.constant 0.000000e+00 : f32
    %max3A_152 = vector.broadcast %max3A_151 : f32 to vector<2048x64xf32>
    %max3A_153 = arith.maximumf %add3A_150, %max3A_152 : vector<2048x64xf32>
    %slice3A_154 = vector.extract_strided_slice %get3A_4 {offsets = [0, 4], sizes = [2048, 4], strides = [1, 1]} : vector<2048x32xbf16> to vector<2048x4xbf16>
    %get3A_155 = arith.constant 0 : index
    %get3A_156 = arith.constant 0 : index
    %get3A_157 = vector.load %arg4[%get3A_155, %get3A_156] : memref<4x64xf32, #tpu.memory_space<vmem>>, vector<4x64xf32>
    %convert_element_type3A_158 = arith.truncf %get3A_157 : vector<4x64xf32> to vector<4x64xbf16>
    %dot_general3A_159 = arith.constant dense<0.000000e+00> : vector<2048x64xf32>
    %dot_general3A_160 = tpu.matmul %slice3A_154, %convert_element_type3A_158, %dot_general3A_159 {dimension_numbers = #tpu.dot_dimension_numbers<[1], [0], [0], [1], [0, 0, 1, 1], [], []>, transpose_lhs_hint = false} : vector<2048x4xbf16>, vector<4x64xbf16>, vector<2048x64xf32> -> vector<2048x64xf32>
    %get3A_161 = arith.constant 0 : index
    %get3A_162 = arith.constant 0 : index
    %get3A_163 = vector.load %arg5[%get3A_161, %get3A_162] : memref<1x64xf32, #tpu.memory_space<vmem>>, vector<1x64xf32>
    %add3A_164 = vector.broadcast %get3A_163 : vector<1x64xf32> to vector<2048x64xf32>
    %add3A_165 = arith.addf %dot_general3A_160, %add3A_164 : vector<2048x64xf32>
    %max3A_166 = arith.constant 0.000000e+00 : f32
    %max3A_167 = vector.broadcast %max3A_166 : f32 to vector<2048x64xf32>
    %max3A_168 = arith.maximumf %add3A_165, %max3A_167 : vector<2048x64xf32>
    %slice3A_169 = vector.extract_strided_slice %get3A_7 {offsets = [0, 4], sizes = [2048, 4], strides = [1, 1]} : vector<2048x20xf32> to vector<2048x4xf32>
    %get3A_170 = arith.constant 0 : index
    %get3A_171 = arith.constant 0 : index
    %get3A_172 = vector.load %arg6[%get3A_170, %get3A_171] : memref<4x64xf32, #tpu.memory_space<vmem>>, vector<4x64xf32>
    %convert_element_type3A_173 = arith.truncf %slice3A_169 : vector<2048x4xf32> to vector<2048x4xbf16>
    %convert_element_type3A_174 = arith.truncf %get3A_172 : vector<4x64xf32> to vector<4x64xbf16>
    %dot_general3A_175 = arith.constant dense<0.000000e+00> : vector<2048x64xf32>
    %dot_general3A_176 = tpu.matmul %convert_element_type3A_173, %convert_element_type3A_174, %dot_general3A_175 {dimension_numbers = #tpu.dot_dimension_numbers<[1], [0], [0], [1], [0, 0, 1, 1], [], []>, transpose_lhs_hint = false} : vector<2048x4xbf16>, vector<4x64xbf16>, vector<2048x64xf32> -> vector<2048x64xf32>
    %get3A_177 = arith.constant 0 : index
    %get3A_178 = arith.constant 0 : index
    %get3A_179 = vector.load %arg7[%get3A_177, %get3A_178] : memref<1x64xf32, #tpu.memory_space<vmem>>, vector<1x64xf32>
    %add3A_180 = vector.broadcast %get3A_179 : vector<1x64xf32> to vector<2048x64xf32>
    %add3A_181 = arith.addf %dot_general3A_176, %add3A_180 : vector<2048x64xf32>
    %max3A_182 = arith.constant 0.000000e+00 : f32
    %max3A_183 = vector.broadcast %max3A_182 : f32 to vector<2048x64xf32>
    %max3A_184 = arith.maximumf %add3A_181, %max3A_183 : vector<2048x64xf32>
    %get3A_185 = arith.constant 0 : index
    %get3A_186 = arith.constant 0 : index
    %get3A_187 = vector.load %arg8[%get3A_185, %get3A_186] : memref<64x128xf32, #tpu.memory_space<vmem>>, vector<64x128xf32>
    %convert_element_type3A_188 = arith.truncf %max3A_153 : vector<2048x64xf32> to vector<2048x64xbf16>
    %convert_element_type3A_189 = arith.truncf %get3A_187 : vector<64x128xf32> to vector<64x128xbf16>
    %dot_general3A_190 = arith.constant dense<0.000000e+00> : vector<2048x128xf32>
    %dot_general3A_191 = tpu.matmul %convert_element_type3A_188, %convert_element_type3A_189, %dot_general3A_190 {dimension_numbers = #tpu.dot_dimension_numbers<[1], [0], [0], [1], [0, 0, 1, 1], [], []>, transpose_lhs_hint = false} : vector<2048x64xbf16>, vector<64x128xbf16>, vector<2048x128xf32> -> vector<2048x128xf32>
    %get3A_192 = arith.constant 0 : index
    %get3A_193 = arith.constant 0 : index
    %get3A_194 = vector.load %arg9[%get3A_192, %get3A_193] : memref<64x128xf32, #tpu.memory_space<vmem>>, vector<64x128xf32>
    %convert_element_type3A_195 = arith.truncf %max3A_168 : vector<2048x64xf32> to vector<2048x64xbf16>
    %convert_element_type3A_196 = arith.truncf %get3A_194 : vector<64x128xf32> to vector<64x128xbf16>
    %dot_general3A_197 = arith.constant dense<0.000000e+00> : vector<2048x128xf32>
    %dot_general3A_198 = tpu.matmul %convert_element_type3A_195, %convert_element_type3A_196, %dot_general3A_197 {dimension_numbers = #tpu.dot_dimension_numbers<[1], [0], [0], [1], [0, 0, 1, 1], [], []>, transpose_lhs_hint = false} : vector<2048x64xbf16>, vector<64x128xbf16>, vector<2048x128xf32> -> vector<2048x128xf32>
    %add3A_199 = arith.addf %dot_general3A_191, %dot_general3A_198 : vector<2048x128xf32>
    %get3A_200 = arith.constant 0 : index
    %get3A_201 = arith.constant 0 : index
    %get3A_202 = vector.load %arg10[%get3A_200, %get3A_201] : memref<64x128xf32, #tpu.memory_space<vmem>>, vector<64x128xf32>
    %convert_element_type3A_203 = arith.truncf %max3A_184 : vector<2048x64xf32> to vector<2048x64xbf16>
    %convert_element_type3A_204 = arith.truncf %get3A_202 : vector<64x128xf32> to vector<64x128xbf16>
    %dot_general3A_205 = arith.constant dense<0.000000e+00> : vector<2048x128xf32>
    %dot_general3A_206 = tpu.matmul %convert_element_type3A_203, %convert_element_type3A_204, %dot_general3A_205 {dimension_numbers = #tpu.dot_dimension_numbers<[1], [0], [0], [1], [0, 0, 1, 1], [], []>, transpose_lhs_hint = false} : vector<2048x64xbf16>, vector<64x128xbf16>, vector<2048x128xf32> -> vector<2048x128xf32>
    %add3A_207 = arith.addf %add3A_199, %dot_general3A_206 : vector<2048x128xf32>
    %get3A_208 = arith.constant 0 : index
    %get3A_209 = arith.constant 0 : index
    %get3A_210 = vector.load %arg11[%get3A_208, %get3A_209] : memref<1x128xf32, #tpu.memory_space<vmem>>, vector<1x128xf32>
    %add3A_211 = vector.broadcast %get3A_210 : vector<1x128xf32> to vector<2048x128xf32>
    %add3A_212 = arith.addf %add3A_207, %add3A_211 : vector<2048x128xf32>
    %max3A_213 = arith.constant 0.000000e+00 : f32
    %max3A_214 = vector.broadcast %max3A_213 : f32 to vector<2048x128xf32>
    %max3A_215 = arith.maximumf %add3A_212, %max3A_214 : vector<2048x128xf32>
    %get3A_216 = arith.constant 0 : index
    %get3A_217 = arith.constant 0 : index
    %get3A_218 = vector.load %arg12[%get3A_216, %get3A_217] : memref<128x64xf32, #tpu.memory_space<vmem>>, vector<128x64xf32>
    %convert_element_type3A_219 = arith.truncf %max3A_215 : vector<2048x128xf32> to vector<2048x128xbf16>
    %convert_element_type3A_220 = arith.truncf %get3A_218 : vector<128x64xf32> to vector<128x64xbf16>
    %dot_general3A_221 = arith.constant dense<0.000000e+00> : vector<2048x64xf32>
    %dot_general3A_222 = tpu.matmul %convert_element_type3A_219, %convert_element_type3A_220, %dot_general3A_221 {dimension_numbers = #tpu.dot_dimension_numbers<[1], [0], [0], [1], [0, 0, 1, 1], [], []>, transpose_lhs_hint = false} : vector<2048x128xbf16>, vector<128x64xbf16>, vector<2048x64xf32> -> vector<2048x64xf32>
    %get3A_223 = arith.constant 0 : index
    %get3A_224 = arith.constant 0 : index
    %get3A_225 = vector.load %arg13[%get3A_223, %get3A_224] : memref<1x64xf32, #tpu.memory_space<vmem>>, vector<1x64xf32>
    %add3A_226 = vector.broadcast %get3A_225 : vector<1x64xf32> to vector<2048x64xf32>
    %add3A_227 = arith.addf %dot_general3A_222, %add3A_226 : vector<2048x64xf32>
    %get3A_228 = arith.constant 0 : index
    %get3A_229 = arith.constant 0 : index
    %get3A_230 = vector.load %arg14[%get3A_228, %get3A_229] : memref<64x128xf32, #tpu.memory_space<vmem>>, vector<64x128xf32>
    %convert_element_type3A_231 = arith.truncf %max3A_153 : vector<2048x64xf32> to vector<2048x64xbf16>
    %convert_element_type3A_232 = arith.truncf %get3A_230 : vector<64x128xf32> to vector<64x128xbf16>
    %dot_general3A_233 = arith.constant dense<0.000000e+00> : vector<2048x128xf32>
    %dot_general3A_234 = tpu.matmul %convert_element_type3A_231, %convert_element_type3A_232, %dot_general3A_233 {dimension_numbers = #tpu.dot_dimension_numbers<[1], [0], [0], [1], [0, 0, 1, 1], [], []>, transpose_lhs_hint = false} : vector<2048x64xbf16>, vector<64x128xbf16>, vector<2048x128xf32> -> vector<2048x128xf32>
    %get3A_235 = arith.constant 0 : index
    %get3A_236 = arith.constant 0 : index
    %get3A_237 = vector.load %arg15[%get3A_235, %get3A_236] : memref<64x128xf32, #tpu.memory_space<vmem>>, vector<64x128xf32>
    %convert_element_type3A_238 = arith.truncf %add3A_227 : vector<2048x64xf32> to vector<2048x64xbf16>
    %convert_element_type3A_239 = arith.truncf %get3A_237 : vector<64x128xf32> to vector<64x128xbf16>
    %dot_general3A_240 = arith.constant dense<0.000000e+00> : vector<2048x128xf32>
    %dot_general3A_241 = tpu.matmul %convert_element_type3A_238, %convert_element_type3A_239, %dot_general3A_240 {dimension_numbers = #tpu.dot_dimension_numbers<[1], [0], [0], [1], [0, 0, 1, 1], [], []>, transpose_lhs_hint = false} : vector<2048x64xbf16>, vector<64x128xbf16>, vector<2048x128xf32> -> vector<2048x128xf32>
    %add3A_242 = arith.addf %dot_general3A_234, %dot_general3A_241 : vector<2048x128xf32>
    %get3A_243 = arith.constant 0 : index
    %get3A_244 = arith.constant 0 : index
    %get3A_245 = vector.load %arg16[%get3A_243, %get3A_244] : memref<1x128xf32, #tpu.memory_space<vmem>>, vector<1x128xf32>
    %add3A_246 = vector.broadcast %get3A_245 : vector<1x128xf32> to vector<2048x128xf32>
    %add3A_247 = arith.addf %add3A_242, %add3A_246 : vector<2048x128xf32>
    %max3A_248 = arith.constant 0.000000e+00 : f32
    %max3A_249 = vector.broadcast %max3A_248 : f32 to vector<2048x128xf32>
    %max3A_250 = arith.maximumf %add3A_247, %max3A_249 : vector<2048x128xf32>
    %get3A_251 = arith.constant 0 : index
    %get3A_252 = arith.constant 0 : index
    %get3A_253 = vector.load %arg17[%get3A_251, %get3A_252] : memref<128x128xf32, #tpu.memory_space<vmem>>, vector<128x128xf32>
    %convert_element_type3A_254 = arith.truncf %max3A_250 : vector<2048x128xf32> to vector<2048x128xbf16>
    %convert_element_type3A_255 = arith.truncf %get3A_253 : vector<128x128xf32> to vector<128x128xbf16>
    %dot_general3A_256 = arith.constant dense<0.000000e+00> : vector<2048x128xf32>
    %dot_general3A_257 = tpu.matmul %convert_element_type3A_254, %convert_element_type3A_255, %dot_general3A_256 {dimension_numbers = #tpu.dot_dimension_numbers<[1], [0], [0], [1], [0, 0, 1, 1], [], []>, transpose_lhs_hint = false} : vector<2048x128xbf16>, vector<128x128xbf16>, vector<2048x128xf32> -> vector<2048x128xf32>
    %get3A_258 = arith.constant 0 : index
    %get3A_259 = arith.constant 0 : index
    %get3A_260 = vector.load %arg18[%get3A_258, %get3A_259] : memref<1x128xf32, #tpu.memory_space<vmem>>, vector<1x128xf32>
    %add3A_261 = vector.broadcast %get3A_260 : vector<1x128xf32> to vector<2048x128xf32>
    %add3A_262 = arith.addf %dot_general3A_257, %add3A_261 : vector<2048x128xf32>
    %convert_element_type3A_263 = arith.truncf %add3A_227 : vector<2048x64xf32> to vector<2048x64xbf16>
    %swap3A_264 = arith.constant 1 : index
    %swap3A_265 = arith.constant 0 : index
    %swap3A_266 = arith.constant 0 : index
    %swap3A_267 = vector.load %arg19[%swap3A_264, %swap3A_265, %swap3A_266] : memref<5x2048x64xbf16, #tpu.memory_space<vmem>>, vector<1x2048x64xbf16>
    %swap3A_268 = vector.shape_cast %swap3A_267 : vector<1x2048x64xbf16> to vector<2048x64xbf16>
    %swap3A_269 = vector.shape_cast %convert_element_type3A_263 : vector<2048x64xbf16> to vector<1x2048x64xbf16>
    tpu.vector_store %arg19[%swap3A_264, %swap3A_265, %swap3A_266], %swap3A_269 {strides = array<i32>} : memref<5x2048x64xbf16, #tpu.memory_space<vmem>>, vector<1x2048x64xbf16>,
    %swap3A_270 = arith.constant 1 : index
    %swap3A_271 = arith.constant 0 : index
    %swap3A_272 = arith.constant 0 : index
    %swap3A_273 = vector.load %arg20[%swap3A_270, %swap3A_271, %swap3A_272] : memref<5x2048x128xf32, #tpu.memory_space<vmem>>, vector<1x2048x128xf32>
    %swap3A_274 = vector.shape_cast %swap3A_273 : vector<1x2048x128xf32> to vector<2048x128xf32>
    %swap3A_275 = vector.shape_cast %add3A_262 : vector<2048x128xf32> to vector<1x2048x128xf32>
    tpu.vector_store %arg20[%swap3A_270, %swap3A_271, %swap3A_272], %swap3A_275 {strides = array<i32>} : memref<5x2048x128xf32, #tpu.memory_space<vmem>>, vector<1x2048x128xf32>,
    %slice3A_276 = vector.extract_strided_slice %get3A_1 {offsets = [0, 8], sizes = [2048, 4], strides = [1, 1]} : vector<2048x32xbf16> to vector<2048x4xbf16>
    %get3A_277 = arith.constant 0 : index
    %get3A_278 = arith.constant 0 : index
    %get3A_279 = vector.load %arg4[%get3A_277, %get3A_278] : memref<4x64xf32, #tpu.memory_space<vmem>>, vector<4x64xf32>
    %convert_element_type3A_280 = arith.truncf %get3A_279 : vector<4x64xf32> to vector<4x64xbf16>
    %dot_general3A_281 = arith.constant dense<0.000000e+00> : vector<2048x64xf32>
    %dot_general3A_282 = tpu.matmul %slice3A_276, %convert_element_type3A_280, %dot_general3A_281 {dimension_numbers = #tpu.dot_dimension_numbers<[1], [0], [0], [1], [0, 0, 1, 1], [], []>, transpose_lhs_hint = false} : vector<2048x4xbf16>, vector<4x64xbf16>, vector<2048x64xf32> -> vector<2048x64xf32>
    %get3A_283 = arith.constant 0 : index
    %get3A_284 = arith.constant 0 : index
    %get3A_285 = vector.load %arg5[%get3A_283, %get3A_284] : memref<1x64xf32, #tpu.memory_space<vmem>>, vector<1x64xf32>
    %add3A_286 = vector.broadcast %get3A_285 : vector<1x64xf32> to vector<2048x64xf32>
    %add3A_287 = arith.addf %dot_general3A_282, %add3A_286 : vector<2048x64xf32>
    %max3A_288 = arith.constant 0.000000e+00 : f32
    %max3A_289 = vector.broadcast %max3A_288 : f32 to vector<2048x64xf32>
    %max3A_290 = arith.maximumf %add3A_287, %max3A_289 : vector<2048x64xf32>
    %slice3A_291 = vector.extract_strided_slice %get3A_4 {offsets = [0, 8], sizes = [2048, 4], strides = [1, 1]} : vector<2048x32xbf16> to vector<2048x4xbf16>
    %get3A_292 = arith.constant 0 : index
    %get3A_293 = arith.constant 0 : index
    %get3A_294 = vector.load %arg4[%get3A_292, %get3A_293] : memref<4x64xf32, #tpu.memory_space<vmem>>, vector<4x64xf32>
    %convert_element_type3A_295 = arith.truncf %get3A_294 : vector<4x64xf32> to vector<4x64xbf16>
    %dot_general3A_296 = arith.constant dense<0.000000e+00> : vector<2048x64xf32>
    %dot_general3A_297 = tpu.matmul %slice3A_291, %convert_element_type3A_295, %dot_general3A_296 {dimension_numbers = #tpu.dot_dimension_numbers<[1], [0], [0], [1], [0, 0, 1, 1], [], []>, transpose_lhs_hint = false} : vector<2048x4xbf16>, vector<4x64xbf16>, vector<2048x64xf32> -> vector<2048x64xf32>
    %get3A_298 = arith.constant 0 : index
    %get3A_299 = arith.constant 0 : index
    %get3A_300 = vector.load %arg5[%get3A_298, %get3A_299] : memref<1x64xf32, #tpu.memory_space<vmem>>, vector<1x64xf32>
    %add3A_301 = vector.broadcast %get3A_300 : vector<1x64xf32> to vector<2048x64xf32>
    %add3A_302 = arith.addf %dot_general3A_297, %add3A_301 : vector<2048x64xf32>
    %max3A_303 = arith.constant 0.000000e+00 : f32
    %max3A_304 = vector.broadcast %max3A_303 : f32 to vector<2048x64xf32>
    %max3A_305 = arith.maximumf %add3A_302, %max3A_304 : vector<2048x64xf32>
    %slice3A_306 = vector.extract_strided_slice %get3A_7 {offsets = [0, 8], sizes = [2048, 4], strides = [1, 1]} : vector<2048x20xf32> to vector<2048x4xf32>
    %get3A_307 = arith.constant 0 : index
    %get3A_308 = arith.constant 0 : index
    %get3A_309 = vector.load %arg6[%get3A_307, %get3A_308] : memref<4x64xf32, #tpu.memory_space<vmem>>, vector<4x64xf32>
    %convert_element_type3A_310 = arith.truncf %slice3A_306 : vector<2048x4xf32> to vector<2048x4xbf16>
    %convert_element_type3A_311 = arith.truncf %get3A_309 : vector<4x64xf32> to vector<4x64xbf16>
    %dot_general3A_312 = arith.constant dense<0.000000e+00> : vector<2048x64xf32>
    %dot_general3A_313 = tpu.matmul %convert_element_type3A_310, %convert_element_type3A_311, %dot_general3A_312 {dimension_numbers = #tpu.dot_dimension_numbers<[1], [0], [0], [1], [0, 0, 1, 1], [], []>, transpose_lhs_hint = false} : vector<2048x4xbf16>, vector<4x64xbf16>, vector<2048x64xf32> -> vector<2048x64xf32>
    %get3A_314 = arith.constant 0 : index
    %get3A_315 = arith.constant 0 : index
    %get3A_316 = vector.load %arg7[%get3A_314, %get3A_315] : memref<1x64xf32, #tpu.memory_space<vmem>>, vector<1x64xf32>
    %add3A_317 = vector.broadcast %get3A_316 : vector<1x64xf32> to vector<2048x64xf32>
    %add3A_318 = arith.addf %dot_general3A_313, %add3A_317 : vector<2048x64xf32>
    %max3A_319 = arith.constant 0.000000e+00 : f32
    %max3A_320 = vector.broadcast %max3A_319 : f32 to vector<2048x64xf32>
    %max3A_321 = arith.maximumf %add3A_318, %max3A_320 : vector<2048x64xf32>
    %get3A_322 = arith.constant 0 : index
    %get3A_323 = arith.constant 0 : index
    %get3A_324 = vector.load %arg8[%get3A_322, %get3A_323] : memref<64x128xf32, #tpu.memory_space<vmem>>, vector<64x128xf32>
    %convert_element_type3A_325 = arith.truncf %max3A_290 : vector<2048x64xf32> to vector<2048x64xbf16>
    %convert_element_type3A_326 = arith.truncf %get3A_324 : vector<64x128xf32> to vector<64x128xbf16>
    %dot_general3A_327 = arith.constant dense<0.000000e+00> : vector<2048x128xf32>
    %dot_general3A_328 = tpu.matmul %convert_element_type3A_325, %convert_element_type3A_326, %dot_general3A_327 {dimension_numbers = #tpu.dot_dimension_numbers<[1], [0], [0], [1], [0, 0, 1, 1], [], []>, transpose_lhs_hint = false} : vector<2048x64xbf16>, vector<64x128xbf16>, vector<2048x128xf32> -> vector<2048x128xf32>
    %get3A_329 = arith.constant 0 : index
    %get3A_330 = arith.constant 0 : index
    %get3A_331 = vector.load %arg9[%get3A_329, %get3A_330] : memref<64x128xf32, #tpu.memory_space<vmem>>, vector<64x128xf32>
    %convert_element_type3A_332 = arith.truncf %max3A_305 : vector<2048x64xf32> to vector<2048x64xbf16>
    %convert_element_type3A_333 = arith.truncf %get3A_331 : vector<64x128xf32> to vector<64x128xbf16>
    %dot_general3A_334 = arith.constant dense<0.000000e+00> : vector<2048x128xf32>
    %dot_general3A_335 = tpu.matmul %convert_element_type3A_332, %convert_element_type3A_333, %dot_general3A_334 {dimension_numbers = #tpu.dot_dimension_numbers<[1], [0], [0], [1], [0, 0, 1, 1], [], []>, transpose_lhs_hint = false} : vector<2048x64xbf16>, vector<64x128xbf16>, vector<2048x128xf32> -> vector<2048x128xf32>
    %add3A_336 = arith.addf %dot_general3A_328, %dot_general3A_335 : vector<2048x128xf32>
    %get3A_337 = arith.constant 0 : index
    %get3A_338 = arith.constant 0 : index
    %get3A_339 = vector.load %arg10[%get3A_337, %get3A_338] : memref<64x128xf32, #tpu.memory_space<vmem>>, vector<64x128xf32>
    %convert_element_type3A_340 = arith.truncf %max3A_321 : vector<2048x64xf32> to vector<2048x64xbf16>
    %convert_element_type3A_341 = arith.truncf %get3A_339 : vector<64x128xf32> to vector<64x128xbf16>
    %dot_general3A_342 = arith.constant dense<0.000000e+00> : vector<2048x128xf32>
    %dot_general3A_343 = tpu.matmul %convert_element_type3A_340, %convert_element_type3A_341, %dot_general3A_342 {dimension_numbers = #tpu.dot_dimension_numbers<[1], [0], [0], [1], [0, 0, 1, 1], [], []>, transpose_lhs_hint = false} : vector<2048x64xbf16>, vector<64x128xbf16>, vector<2048x128xf32> -> vector<2048x128xf32>
    %add3A_344 = arith.addf %add3A_336, %dot_general3A_343 : vector<2048x128xf32>
    %get3A_345 = arith.constant 0 : index
    %get3A_346 = arith.constant 0 : index
    %get3A_347 = vector.load %arg11[%get3A_345, %get3A_346] : memref<1x128xf32, #tpu.memory_space<vmem>>, vector<1x128xf32>
    %add3A_348 = vector.broadcast %get3A_347 : vector<1x128xf32> to vector<2048x128xf32>
    %add3A_349 = arith.addf %add3A_344, %add3A_348 : vector<2048x128xf32>
    %max3A_350 = arith.constant 0.000000e+00 : f32
    %max3A_351 = vector.broadcast %max3A_350 : f32 to vector<2048x128xf32>
    %max3A_352 = arith.maximumf %add3A_349, %max3A_351 : vector<2048x128xf32>
    %get3A_353 = arith.constant 0 : index
    %get3A_354 = arith.constant 0 : index
    %get3A_355 = vector.load %arg12[%get3A_353, %get3A_354] : memref<128x64xf32, #tpu.memory_space<vmem>>, vector<128x64xf32>
    %convert_element_type3A_356 = arith.truncf %max3A_352 : vector<2048x128xf32> to vector<2048x128xbf16>
    %convert_element_type3A_357 = arith.truncf %get3A_355 : vector<128x64xf32> to vector<128x64xbf16>
    %dot_general3A_358 = arith.constant dense<0.000000e+00> : vector<2048x64xf32>
    %dot_general3A_359 = tpu.matmul %convert_element_type3A_356, %convert_element_type3A_357, %dot_general3A_358 {dimension_numbers = #tpu.dot_dimension_numbers<[1], [0], [0], [1], [0, 0, 1, 1], [], []>, transpose_lhs_hint = false} : vector<2048x128xbf16>, vector<128x64xbf16>, vector<2048x64xf32> -> vector<2048x64xf32>
    %get3A_360 = arith.constant 0 : index
    %get3A_361 = arith.constant 0 : index
    %get3A_362 = vector.load %arg13[%get3A_360, %get3A_361] : memref<1x64xf32, #tpu.memory_space<vmem>>, vector<1x64xf32>
    %add3A_363 = vector.broadcast %get3A_362 : vector<1x64xf32> to vector<2048x64xf32>
    %add3A_364 = arith.addf %dot_general3A_359, %add3A_363 : vector<2048x64xf32>
    %get3A_365 = arith.constant 0 : index
    %get3A_366 = arith.constant 0 : index
    %get3A_367 = vector.load %arg14[%get3A_365, %get3A_366] : memref<64x128xf32, #tpu.memory_space<vmem>>, vector<64x128xf32>
    %convert_element_type3A_368 = arith.truncf %max3A_290 : vector<2048x64xf32> to vector<2048x64xbf16>
    %convert_element_type3A_369 = arith.truncf %get3A_367 : vector<64x128xf32> to vector<64x128xbf16>
    %dot_general3A_370 = arith.constant dense<0.000000e+00> : vector<2048x128xf32>
    %dot_general3A_371 = tpu.matmul %convert_element_type3A_368, %convert_element_type3A_369, %dot_general3A_370 {dimension_numbers = #tpu.dot_dimension_numbers<[1], [0], [0], [1], [0, 0, 1, 1], [], []>, transpose_lhs_hint = false} : vector<2048x64xbf16>, vector<64x128xbf16>, vector<2048x128xf32> -> vector<2048x128xf32>
    %get3A_372 = arith.constant 0 : index
    %get3A_373 = arith.constant 0 : index
    %get3A_374 = vector.load %arg15[%get3A_372, %get3A_373] : memref<64x128xf32, #tpu.memory_space<vmem>>, vector<64x128xf32>
    %convert_element_type3A_375 = arith.truncf %add3A_364 : vector<2048x64xf32> to vector<2048x64xbf16>
    %convert_element_type3A_376 = arith.truncf %get3A_374 : vector<64x128xf32> to vector<64x128xbf16>
    %dot_general3A_377 = arith.constant dense<0.000000e+00> : vector<2048x128xf32>
    %dot_general3A_378 = tpu.matmul %convert_element_type3A_375, %convert_element_type3A_376, %dot_general3A_377 {dimension_numbers = #tpu.dot_dimension_numbers<[1], [0], [0], [1], [0, 0, 1, 1], [], []>, transpose_lhs_hint = false} : vector<2048x64xbf16>, vector<64x128xbf16>, vector<2048x128xf32> -> vector<2048x128xf32>
    %add3A_379 = arith.addf %dot_general3A_371, %dot_general3A_378 : vector<2048x128xf32>
    %get3A_380 = arith.constant 0 : index
    %get3A_381 = arith.constant 0 : index
    %get3A_382 = vector.load %arg16[%get3A_380, %get3A_381] : memref<1x128xf32, #tpu.memory_space<vmem>>, vector<1x128xf32>
    %add3A_383 = vector.broadcast %get3A_382 : vector<1x128xf32> to vector<2048x128xf32>
    %add3A_384 = arith.addf %add3A_379, %add3A_383 : vector<2048x128xf32>
    %max3A_385 = arith.constant 0.000000e+00 : f32
    %max3A_386 = vector.broadcast %max3A_385 : f32 to vector<2048x128xf32>
    %max3A_387 = arith.maximumf %add3A_384, %max3A_386 : vector<2048x128xf32>
    %get3A_388 = arith.constant 0 : index
    %get3A_389 = arith.constant 0 : index
    %get3A_390 = vector.load %arg17[%get3A_388, %get3A_389] : memref<128x128xf32, #tpu.memory_space<vmem>>, vector<128x128xf32>
    %convert_element_type3A_391 = arith.truncf %max3A_387 : vector<2048x128xf32> to vector<2048x128xbf16>
    %convert_element_type3A_392 = arith.truncf %get3A_390 : vector<128x128xf32> to vector<128x128xbf16>
    %dot_general3A_393 = arith.constant dense<0.000000e+00> : vector<2048x128xf32>
    %dot_general3A_394 = tpu.matmul %convert_element_type3A_391, %convert_element_type3A_392, %dot_general3A_393 {dimension_numbers = #tpu.dot_dimension_numbers<[1], [0], [0], [1], [0, 0, 1, 1], [], []>, transpose_lhs_hint = false} : vector<2048x128xbf16>, vector<128x128xbf16>, vector<2048x128xf32> -> vector<2048x128xf32>
    %get3A_395 = arith.constant 0 : index
    %get3A_396 = arith.constant 0 : index
    %get3A_397 = vector.load %arg18[%get3A_395, %get3A_396] : memref<1x128xf32, #tpu.memory_space<vmem>>, vector<1x128xf32>
    %add3A_398 = vector.broadcast %get3A_397 : vector<1x128xf32> to vector<2048x128xf32>
    %add3A_399 = arith.addf %dot_general3A_394, %add3A_398 : vector<2048x128xf32>
    %convert_element_type3A_400 = arith.truncf %add3A_364 : vector<2048x64xf32> to vector<2048x64xbf16>
    %swap3A_401 = arith.constant 2 : index
    %swap3A_402 = arith.constant 0 : index
    %swap3A_403 = arith.constant 0 : index
    %swap3A_404 = vector.load %arg19[%swap3A_401, %swap3A_402, %swap3A_403] : memref<5x2048x64xbf16, #tpu.memory_space<vmem>>, vector<1x2048x64xbf16>
    %swap3A_405 = vector.shape_cast %swap3A_404 : vector<1x2048x64xbf16> to vector<2048x64xbf16>
    %swap3A_406 = vector.shape_cast %convert_element_type3A_400 : vector<2048x64xbf16> to vector<1x2048x64xbf16>
    tpu.vector_store %arg19[%swap3A_401, %swap3A_402, %swap3A_403], %swap3A_406 {strides = array<i32>} : memref<5x2048x64xbf16, #tpu.memory_space<vmem>>, vector<1x2048x64xbf16>,
    %swap3A_407 = arith.constant 2 : index
    %swap3A_408 = arith.constant 0 : index
    %swap3A_409 = arith.constant 0 : index
    %swap3A_410 = vector.load %arg20[%swap3A_407, %swap3A_408, %swap3A_409] : memref<5x2048x128xf32, #tpu.memory_space<vmem>>, vector<1x2048x128xf32>
    %swap3A_411 = vector.shape_cast %swap3A_410 : vector<1x2048x128xf32> to vector<2048x128xf32>
    %swap3A_412 = vector.shape_cast %add3A_399 : vector<2048x128xf32> to vector<1x2048x128xf32>
    tpu.vector_store %arg20[%swap3A_407, %swap3A_408, %swap3A_409], %swap3A_412 {strides = array<i32>} : memref<5x2048x128xf32, #tpu.memory_space<vmem>>, vector<1x2048x128xf32>,
    %slice3A_413 = vector.extract_strided_slice %get3A_1 {offsets = [0, 12], sizes = [2048, 4], strides = [1, 1]} : vector<2048x32xbf16> to vector<2048x4xbf16>
    %get3A_414 = arith.constant 0 : index
    %get3A_415 = arith.constant 0 : index
    %get3A_416 = vector.load %arg4[%get3A_414, %get3A_415] : memref<4x64xf32, #tpu.memory_space<vmem>>, vector<4x64xf32>
    %convert_element_type3A_417 = arith.truncf %get3A_416 : vector<4x64xf32> to vector<4x64xbf16>
    %dot_general3A_418 = arith.constant dense<0.000000e+00> : vector<2048x64xf32>
    %dot_general3A_419 = tpu.matmul %slice3A_413, %convert_element_type3A_417, %dot_general3A_418 {dimension_numbers = #tpu.dot_dimension_numbers<[1], [0], [0], [1], [0, 0, 1, 1], [], []>, transpose_lhs_hint = false} : vector<2048x4xbf16>, vector<4x64xbf16>, vector<2048x64xf32> -> vector<2048x64xf32>
    %get3A_420 = arith.constant 0 : index
    %get3A_421 = arith.constant 0 : index
    %get3A_422 = vector.load %arg5[%get3A_420, %get3A_421] : memref<1x64xf32, #tpu.memory_space<vmem>>, vector<1x64xf32>
    %add3A_423 = vector.broadcast %get3A_422 : vector<1x64xf32> to vector<2048x64xf32>
    %add3A_424 = arith.addf %dot_general3A_419, %add3A_423 : vector<2048x64xf32>
    %max3A_425 = arith.constant 0.000000e+00 : f32
    %max3A_426 = vector.broadcast %max3A_425 : f32 to vector<2048x64xf32>
    %max3A_427 = arith.maximumf %add3A_424, %max3A_426 : vector<2048x64xf32>
    %slice3A_428 = vector.extract_strided_slice %get3A_4 {offsets = [0, 12], sizes = [2048, 4], strides = [1, 1]} : vector<2048x32xbf16> to vector<2048x4xbf16>
    %get3A_429 = arith.constant 0 : index
    %get3A_430 = arith.constant 0 : index
    %get3A_431 = vector.load %arg4[%get3A_429, %get3A_430] : memref<4x64xf32, #tpu.memory_space<vmem>>, vector<4x64xf32>
    %convert_element_type3A_432 = arith.truncf %get3A_431 : vector<4x64xf32> to vector<4x64xbf16>
    %dot_general3A_433 = arith.constant dense<0.000000e+00> : vector<2048x64xf32>
    %dot_general3A_434 = tpu.matmul %slice3A_428, %convert_element_type3A_432, %dot_general3A_433 {dimension_numbers = #tpu.dot_dimension_numbers<[1], [0], [0], [1], [0, 0, 1, 1], [], []>, transpose_lhs_hint = false} : vector<2048x4xbf16>, vector<4x64xbf16>, vector<2048x64xf32> -> vector<2048x64xf32>
    %get3A_435 = arith.constant 0 : index
    %get3A_436 = arith.constant 0 : index
    %get3A_437 = vector.load %arg5[%get3A_435, %get3A_436] : memref<1x64xf32, #tpu.memory_space<vmem>>, vector<1x64xf32>
    %add3A_438 = vector.broadcast %get3A_437 : vector<1x64xf32> to vector<2048x64xf32>
    %add3A_439 = arith.addf %dot_general3A_434, %add3A_438 : vector<2048x64xf32>
    %max3A_440 = arith.constant 0.000000e+00 : f32
    %max3A_441 = vector.broadcast %max3A_440 : f32 to vector<2048x64xf32>
    %max3A_442 = arith.maximumf %add3A_439, %max3A_441 : vector<2048x64xf32>
    %slice3A_443 = vector.extract_strided_slice %get3A_7 {offsets = [0, 12], sizes = [2048, 4], strides = [1, 1]} : vector<2048x20xf32> to vector<2048x4xf32>
    %get3A_444 = arith.constant 0 : index
    %get3A_445 = arith.constant 0 : index
    %get3A_446 = vector.load %arg6[%get3A_444, %get3A_445] : memref<4x64xf32, #tpu.memory_space<vmem>>, vector<4x64xf32>
    %convert_element_type3A_447 = arith.truncf %slice3A_443 : vector<2048x4xf32> to vector<2048x4xbf16>
    %convert_element_type3A_448 = arith.truncf %get3A_446 : vector<4x64xf32> to vector<4x64xbf16>
    %dot_general3A_449 = arith.constant dense<0.000000e+00> : vector<2048x64xf32>
    %dot_general3A_450 = tpu.matmul %convert_element_type3A_447, %convert_element_type3A_448, %dot_general3A_449 {dimension_numbers = #tpu.dot_dimension_numbers<[1], [0], [0], [1], [0, 0, 1, 1], [], []>, transpose_lhs_hint = false} : vector<2048x4xbf16>, vector<4x64xbf16>, vector<2048x64xf32> -> vector<2048x64xf32>
    %get3A_451 = arith.constant 0 : index
    %get3A_452 = arith.constant 0 : index
    %get3A_453 = vector.load %arg7[%get3A_451, %get3A_452] : memref<1x64xf32, #tpu.memory_space<vmem>>, vector<1x64xf32>
    %add3A_454 = vector.broadcast %get3A_453 : vector<1x64xf32> to vector<2048x64xf32>
    %add3A_455 = arith.addf %dot_general3A_450, %add3A_454 : vector<2048x64xf32>
    %max3A_456 = arith.constant 0.000000e+00 : f32
    %max3A_457 = vector.broadcast %max3A_456 : f32 to vector<2048x64xf32>
    %max3A_458 = arith.maximumf %add3A_455, %max3A_457 : vector<2048x64xf32>
    %get3A_459 = arith.constant 0 : index
    %get3A_460 = arith.constant 0 : index
    %get3A_461 = vector.load %arg8[%get3A_459, %get3A_460] : memref<64x128xf32, #tpu.memory_space<vmem>>, vector<64x128xf32>
    %convert_element_type3A_462 = arith.truncf %max3A_427 : vector<2048x64xf32> to vector<2048x64xbf16>
    %convert_element_type3A_463 = arith.truncf %get3A_461 : vector<64x128xf32> to vector<64x128xbf16>
    %dot_general3A_464 = arith.constant dense<0.000000e+00> : vector<2048x128xf32>
    %dot_general3A_465 = tpu.matmul %convert_element_type3A_462, %convert_element_type3A_463, %dot_general3A_464 {dimension_numbers = #tpu.dot_dimension_numbers<[1], [0], [0], [1], [0, 0, 1, 1], [], []>, transpose_lhs_hint = false} : vector<2048x64xbf16>, vector<64x128xbf16>, vector<2048x128xf32> -> vector<2048x128xf32>
    %get3A_466 = arith.constant 0 : index
    %get3A_467 = arith.constant 0 : index
    %get3A_468 = vector.load %arg9[%get3A_466, %get3A_467] : memref<64x128xf32, #tpu.memory_space<vmem>>, vector<64x128xf32>
    %convert_element_type3A_469 = arith.truncf %max3A_442 : vector<2048x64xf32> to vector<2048x64xbf16>
    %convert_element_type3A_470 = arith.truncf %get3A_468 : vector<64x128xf32> to vector<64x128xbf16>
    %dot_general3A_471 = arith.constant dense<0.000000e+00> : vector<2048x128xf32>
    %dot_general3A_472 = tpu.matmul %convert_element_type3A_469, %convert_element_type3A_470, %dot_general3A_471 {dimension_numbers = #tpu.dot_dimension_numbers<[1], [0], [0], [1], [0, 0, 1, 1], [], []>, transpose_lhs_hint = false} : vector<2048x64xbf16>, vector<64x128xbf16>, vector<2048x128xf32> -> vector<2048x128xf32>
    %add3A_473 = arith.addf %dot_general3A_465, %dot_general3A_472 : vector<2048x128xf32>
    %get3A_474 = arith.constant 0 : index
    %get3A_475 = arith.constant 0 : index
    %get3A_476 = vector.load %arg10[%get3A_474, %get3A_475] : memref<64x128xf32, #tpu.memory_space<vmem>>, vector<64x128xf32>
    %convert_element_type3A_477 = arith.truncf %max3A_458 : vector<2048x64xf32> to vector<2048x64xbf16>
    %convert_element_type3A_478 = arith.truncf %get3A_476 : vector<64x128xf32> to vector<64x128xbf16>
    %dot_general3A_479 = arith.constant dense<0.000000e+00> : vector<2048x128xf32>
    %dot_general3A_480 = tpu.matmul %convert_element_type3A_477, %convert_element_type3A_478, %dot_general3A_479 {dimension_numbers = #tpu.dot_dimension_numbers<[1], [0], [0], [1], [0, 0, 1, 1], [], []>, transpose_lhs_hint = false} : vector<2048x64xbf16>, vector<64x128xbf16>, vector<2048x128xf32> -> vector<2048x128xf32>
    %add3A_481 = arith.addf %add3A_473, %dot_general3A_480 : vector<2048x128xf32>
    %get3A_482 = arith.constant 0 : index
    %get3A_483 = arith.constant 0 : index
    %get3A_484 = vector.load %arg11[%get3A_482, %get3A_483] : memref<1x128xf32, #tpu.memory_space<vmem>>, vector<1x128xf32>
    %add3A_485 = vector.broadcast %get3A_484 : vector<1x128xf32> to vector<2048x128xf32>
    %add3A_486 = arith.addf %add3A_481, %add3A_485 : vector<2048x128xf32>
    %max3A_487 = arith.constant 0.000000e+00 : f32
    %max3A_488 = vector.broadcast %max3A_487 : f32 to vector<2048x128xf32>
    %max3A_489 = arith.maximumf %add3A_486, %max3A_488 : vector<2048x128xf32>
    %get3A_490 = arith.constant 0 : index
    %get3A_491 = arith.constant 0 : index
    %get3A_492 = vector.load %arg12[%get3A_490, %get3A_491] : memref<128x64xf32, #tpu.memory_space<vmem>>, vector<128x64xf32>
    %convert_element_type3A_493 = arith.truncf %max3A_489 : vector<2048x128xf32> to vector<2048x128xbf16>
    %convert_element_type3A_494 = arith.truncf %get3A_492 : vector<128x64xf32> to vector<128x64xbf16>
    %dot_general3A_495 = arith.constant dense<0.000000e+00> : vector<2048x64xf32>
    %dot_general3A_496 = tpu.matmul %convert_element_type3A_493, %convert_element_type3A_494, %dot_general3A_495 {dimension_numbers = #tpu.dot_dimension_numbers<[1], [0], [0], [1], [0, 0, 1, 1], [], []>, transpose_lhs_hint = false} : vector<2048x128xbf16>, vector<128x64xbf16>, vector<2048x64xf32> -> vector<2048x64xf32>
    %get3A_497 = arith.constant 0 : index
    %get3A_498 = arith.constant 0 : index
    %get3A_499 = vector.load %arg13[%get3A_497, %get3A_498] : memref<1x64xf32, #tpu.memory_space<vmem>>, vector<1x64xf32>
    %add3A_500 = vector.broadcast %get3A_499 : vector<1x64xf32> to vector<2048x64xf32>
    %add3A_501 = arith.addf %dot_general3A_496, %add3A_500 : vector<2048x64xf32>
    %get3A_502 = arith.constant 0 : index
    %get3A_503 = arith.constant 0 : index
    %get3A_504 = vector.load %arg14[%get3A_502, %get3A_503] : memref<64x128xf32, #tpu.memory_space<vmem>>, vector<64x128xf32>
    %convert_element_type3A_505 = arith.truncf %max3A_427 : vector<2048x64xf32> to vector<2048x64xbf16>
    %convert_element_type3A_506 = arith.truncf %get3A_504 : vector<64x128xf32> to vector<64x128xbf16>
    %dot_general3A_507 = arith.constant dense<0.000000e+00> : vector<2048x128xf32>
    %dot_general3A_508 = tpu.matmul %convert_element_type3A_505, %convert_element_type3A_506, %dot_general3A_507 {dimension_numbers = #tpu.dot_dimension_numbers<[1], [0], [0], [1], [0, 0, 1, 1], [], []>, transpose_lhs_hint = false} : vector<2048x64xbf16>, vector<64x128xbf16>, vector<2048x128xf32> -> vector<2048x128xf32>
    %get3A_509 = arith.constant 0 : index
    %get3A_510 = arith.constant 0 : index
    %get3A_511 = vector.load %arg15[%get3A_509, %get3A_510] : memref<64x128xf32, #tpu.memory_space<vmem>>, vector<64x128xf32>
    %convert_element_type3A_512 = arith.truncf %add3A_501 : vector<2048x64xf32> to vector<2048x64xbf16>
    %convert_element_type3A_513 = arith.truncf %get3A_511 : vector<64x128xf32> to vector<64x128xbf16>
    %dot_general3A_514 = arith.constant dense<0.000000e+00> : vector<2048x128xf32>
    %dot_general3A_515 = tpu.matmul %convert_element_type3A_512, %convert_element_type3A_513, %dot_general3A_514 {dimension_numbers = #tpu.dot_dimension_numbers<[1], [0], [0], [1], [0, 0, 1, 1], [], []>, transpose_lhs_hint = false} : vector<2048x64xbf16>, vector<64x128xbf16>, vector<2048x128xf32> -> vector<2048x128xf32>
    %add3A_516 = arith.addf %dot_general3A_508, %dot_general3A_515 : vector<2048x128xf32>
    %get3A_517 = arith.constant 0 : index
    %get3A_518 = arith.constant 0 : index
    %get3A_519 = vector.load %arg16[%get3A_517, %get3A_518] : memref<1x128xf32, #tpu.memory_space<vmem>>, vector<1x128xf32>
    %add3A_520 = vector.broadcast %get3A_519 : vector<1x128xf32> to vector<2048x128xf32>
    %add3A_521 = arith.addf %add3A_516, %add3A_520 : vector<2048x128xf32>
    %max3A_522 = arith.constant 0.000000e+00 : f32
    %max3A_523 = vector.broadcast %max3A_522 : f32 to vector<2048x128xf32>
    %max3A_524 = arith.maximumf %add3A_521, %max3A_523 : vector<2048x128xf32>
    %get3A_525 = arith.constant 0 : index
    %get3A_526 = arith.constant 0 : index
    %get3A_527 = vector.load %arg17[%get3A_525, %get3A_526] : memref<128x128xf32, #tpu.memory_space<vmem>>, vector<128x128xf32>
    %convert_element_type3A_528 = arith.truncf %max3A_524 : vector<2048x128xf32> to vector<2048x128xbf16>
    %convert_element_type3A_529 = arith.truncf %get3A_527 : vector<128x128xf32> to vector<128x128xbf16>
    %dot_general3A_530 = arith.constant dense<0.000000e+00> : vector<2048x128xf32>
    %dot_general3A_531 = tpu.matmul %convert_element_type3A_528, %convert_element_type3A_529, %dot_general3A_530 {dimension_numbers = #tpu.dot_dimension_numbers<[1], [0], [0], [1], [0, 0, 1, 1], [], []>, transpose_lhs_hint = false} : vector<2048x128xbf16>, vector<128x128xbf16>, vector<2048x128xf32> -> vector<2048x128xf32>
    %get3A_532 = arith.constant 0 : index
    %get3A_533 = arith.constant 0 : index
    %get3A_534 = vector.load %arg18[%get3A_532, %get3A_533] : memref<1x128xf32, #tpu.memory_space<vmem>>, vector<1x128xf32>
    %add3A_535 = vector.broadcast %get3A_534 : vector<1x128xf32> to vector<2048x128xf32>
    %add3A_536 = arith.addf %dot_general3A_531, %add3A_535 : vector<2048x128xf32>
    %convert_element_type3A_537 = arith.truncf %add3A_501 : vector<2048x64xf32> to vector<2048x64xbf16>
    %swap3A_538 = arith.constant 3 : index
    %swap3A_539 = arith.constant 0 : index
    %swap3A_540 = arith.constant 0 : index
    %swap3A_541 = vector.load %arg19[%swap3A_538, %swap3A_539, %swap3A_540] : memref<5x2048x64xbf16, #tpu.memory_space<vmem>>, vector<1x2048x64xbf16>
    %swap3A_542 = vector.shape_cast %swap3A_541 : vector<1x2048x64xbf16> to vector<2048x64xbf16>
    %swap3A_543 = vector.shape_cast %convert_element_type3A_537 : vector<2048x64xbf16> to vector<1x2048x64xbf16>
    tpu.vector_store %arg19[%swap3A_538, %swap3A_539, %swap3A_540], %swap3A_543 {strides = array<i32>} : memref<5x2048x64xbf16, #tpu.memory_space<vmem>>, vector<1x2048x64xbf16>,
    %swap3A_544 = arith.constant 3 : index
    %swap3A_545 = arith.constant 0 : index
    %swap3A_546 = arith.constant 0 : index
    %swap3A_547 = vector.load %arg20[%swap3A_544, %swap3A_545, %swap3A_546] : memref<5x2048x128xf32, #tpu.memory_space<vmem>>, vector<1x2048x128xf32>
    %swap3A_548 = vector.shape_cast %swap3A_547 : vector<1x2048x128xf32> to vector<2048x128xf32>
    %swap3A_549 = vector.shape_cast %add3A_536 : vector<2048x128xf32> to vector<1x2048x128xf32>
    tpu.vector_store %arg20[%swap3A_544, %swap3A_545, %swap3A_546], %swap3A_549 {strides = array<i32>} : memref<5x2048x128xf32, #tpu.memory_space<vmem>>, vector<1x2048x128xf32>,
    %slice3A_550 = vector.extract_strided_slice %get3A_1 {offsets = [0, 16], sizes = [2048, 4], strides = [1, 1]} : vector<2048x32xbf16> to vector<2048x4xbf16>
    %get3A_551 = arith.constant 0 : index
    %get3A_552 = arith.constant 0 : index
    %get3A_553 = vector.load %arg4[%get3A_551, %get3A_552] : memref<4x64xf32, #tpu.memory_space<vmem>>, vector<4x64xf32>
    %convert_element_type3A_554 = arith.truncf %get3A_553 : vector<4x64xf32> to vector<4x64xbf16>
    %dot_general3A_555 = arith.constant dense<0.000000e+00> : vector<2048x64xf32>
    %dot_general3A_556 = tpu.matmul %slice3A_550, %convert_element_type3A_554, %dot_general3A_555 {dimension_numbers = #tpu.dot_dimension_numbers<[1], [0], [0], [1], [0, 0, 1, 1], [], []>, transpose_lhs_hint = false} : vector<2048x4xbf16>, vector<4x64xbf16>, vector<2048x64xf32> -> vector<2048x64xf32>
    %get3A_557 = arith.constant 0 : index
    %get3A_558 = arith.constant 0 : index
    %get3A_559 = vector.load %arg5[%get3A_557, %get3A_558] : memref<1x64xf32, #tpu.memory_space<vmem>>, vector<1x64xf32>
    %add3A_560 = vector.broadcast %get3A_559 : vector<1x64xf32> to vector<2048x64xf32>
    %add3A_561 = arith.addf %dot_general3A_556, %add3A_560 : vector<2048x64xf32>
    %max3A_562 = arith.constant 0.000000e+00 : f32
    %max3A_563 = vector.broadcast %max3A_562 : f32 to vector<2048x64xf32>
    %max3A_564 = arith.maximumf %add3A_561, %max3A_563 : vector<2048x64xf32>
    %slice3A_565 = vector.extract_strided_slice %get3A_4 {offsets = [0, 16], sizes = [2048, 4], strides = [1, 1]} : vector<2048x32xbf16> to vector<2048x4xbf16>
    %get3A_566 = arith.constant 0 : index
    %get3A_567 = arith.constant 0 : index
    %get3A_568 = vector.load %arg4[%get3A_566, %get3A_567] : memref<4x64xf32, #tpu.memory_space<vmem>>, vector<4x64xf32>
    %convert_element_type3A_569 = arith.truncf %get3A_568 : vector<4x64xf32> to vector<4x64xbf16>
    %dot_general3A_570 = arith.constant dense<0.000000e+00> : vector<2048x64xf32>
    %dot_general3A_571 = tpu.matmul %slice3A_565, %convert_element_type3A_569, %dot_general3A_570 {dimension_numbers = #tpu.dot_dimension_numbers<[1], [0], [0], [1], [0, 0, 1, 1], [], []>, transpose_lhs_hint = false} : vector<2048x4xbf16>, vector<4x64xbf16>, vector<2048x64xf32> -> vector<2048x64xf32>
    %get3A_572 = arith.constant 0 : index
    %get3A_573 = arith.constant 0 : index
    %get3A_574 = vector.load %arg5[%get3A_572, %get3A_573] : memref<1x64xf32, #tpu.memory_space<vmem>>, vector<1x64xf32>
    %add3A_575 = vector.broadcast %get3A_574 : vector<1x64xf32> to vector<2048x64xf32>
    %add3A_576 = arith.addf %dot_general3A_571, %add3A_575 : vector<2048x64xf32>
    %max3A_577 = arith.constant 0.000000e+00 : f32
    %max3A_578 = vector.broadcast %max3A_577 : f32 to vector<2048x64xf32>
    %max3A_579 = arith.maximumf %add3A_576, %max3A_578 : vector<2048x64xf32>
    %slice3A_580 = vector.extract_strided_slice %get3A_7 {offsets = [0, 16], sizes = [2048, 4], strides = [1, 1]} : vector<2048x20xf32> to vector<2048x4xf32>
    %get3A_581 = arith.constant 0 : index
    %get3A_582 = arith.constant 0 : index
    %get3A_583 = vector.load %arg6[%get3A_581, %get3A_582] : memref<4x64xf32, #tpu.memory_space<vmem>>, vector<4x64xf32>
    %convert_element_type3A_584 = arith.truncf %slice3A_580 : vector<2048x4xf32> to vector<2048x4xbf16>
    %convert_element_type3A_585 = arith.truncf %get3A_583 : vector<4x64xf32> to vector<4x64xbf16>
    %dot_general3A_586 = arith.constant dense<0.000000e+00> : vector<2048x64xf32>
    %dot_general3A_587 = tpu.matmul %convert_element_type3A_584, %convert_element_type3A_585, %dot_general3A_586 {dimension_numbers = #tpu.dot_dimension_numbers<[1], [0], [0], [1], [0, 0, 1, 1], [], []>, transpose_lhs_hint = false} : vector<2048x4xbf16>, vector<4x64xbf16>, vector<2048x64xf32> -> vector<2048x64xf32>
    %get3A_588 = arith.constant 0 : index
    %get3A_589 = arith.constant 0 : index
    %get3A_590 = vector.load %arg7[%get3A_588, %get3A_589] : memref<1x64xf32, #tpu.memory_space<vmem>>, vector<1x64xf32>
    %add3A_591 = vector.broadcast %get3A_590 : vector<1x64xf32> to vector<2048x64xf32>
    %add3A_592 = arith.addf %dot_general3A_587, %add3A_591 : vector<2048x64xf32>
    %max3A_593 = arith.constant 0.000000e+00 : f32
    %max3A_594 = vector.broadcast %max3A_593 : f32 to vector<2048x64xf32>
    %max3A_595 = arith.maximumf %add3A_592, %max3A_594 : vector<2048x64xf32>
    %get3A_596 = arith.constant 0 : index
    %get3A_597 = arith.constant 0 : index
    %get3A_598 = vector.load %arg8[%get3A_596, %get3A_597] : memref<64x128xf32, #tpu.memory_space<vmem>>, vector<64x128xf32>
    %convert_element_type3A_599 = arith.truncf %max3A_564 : vector<2048x64xf32> to vector<2048x64xbf16>
    %convert_element_type3A_600 = arith.truncf %get3A_598 : vector<64x128xf32> to vector<64x128xbf16>
    %dot_general3A_601 = arith.constant dense<0.000000e+00> : vector<2048x128xf32>
    %dot_general3A_602 = tpu.matmul %convert_element_type3A_599, %convert_element_type3A_600, %dot_general3A_601 {dimension_numbers = #tpu.dot_dimension_numbers<[1], [0], [0], [1], [0, 0, 1, 1], [], []>, transpose_lhs_hint = false} : vector<2048x64xbf16>, vector<64x128xbf16>, vector<2048x128xf32> -> vector<2048x128xf32>
    %get3A_603 = arith.constant 0 : index
    %get3A_604 = arith.constant 0 : index
    %get3A_605 = vector.load %arg9[%get3A_603, %get3A_604] : memref<64x128xf32, #tpu.memory_space<vmem>>, vector<64x128xf32>
    %convert_element_type3A_606 = arith.truncf %max3A_579 : vector<2048x64xf32> to vector<2048x64xbf16>
    %convert_element_type3A_607 = arith.truncf %get3A_605 : vector<64x128xf32> to vector<64x128xbf16>
    %dot_general3A_608 = arith.constant dense<0.000000e+00> : vector<2048x128xf32>
    %dot_general3A_609 = tpu.matmul %convert_element_type3A_606, %convert_element_type3A_607, %dot_general3A_608 {dimension_numbers = #tpu.dot_dimension_numbers<[1], [0], [0], [1], [0, 0, 1, 1], [], []>, transpose_lhs_hint = false} : vector<2048x64xbf16>, vector<64x128xbf16>, vector<2048x128xf32> -> vector<2048x128xf32>
    %add3A_610 = arith.addf %dot_general3A_602, %dot_general3A_609 : vector<2048x128xf32>
    %get3A_611 = arith.constant 0 : index
    %get3A_612 = arith.constant 0 : index
    %get3A_613 = vector.load %arg10[%get3A_611, %get3A_612] : memref<64x128xf32, #tpu.memory_space<vmem>>, vector<64x128xf32>
    %convert_element_type3A_614 = arith.truncf %max3A_595 : vector<2048x64xf32> to vector<2048x64xbf16>
    %convert_element_type3A_615 = arith.truncf %get3A_613 : vector<64x128xf32> to vector<64x128xbf16>
    %dot_general3A_616 = arith.constant dense<0.000000e+00> : vector<2048x128xf32>
    %dot_general3A_617 = tpu.matmul %convert_element_type3A_614, %convert_element_type3A_615, %dot_general3A_616 {dimension_numbers = #tpu.dot_dimension_numbers<[1], [0], [0], [1], [0, 0, 1, 1], [], []>, transpose_lhs_hint = false} : vector<2048x64xbf16>, vector<64x128xbf16>, vector<2048x128xf32> -> vector<2048x128xf32>
    %add3A_618 = arith.addf %add3A_610, %dot_general3A_617 : vector<2048x128xf32>
    %get3A_619 = arith.constant 0 : index
    %get3A_620 = arith.constant 0 : index
    %get3A_621 = vector.load %arg11[%get3A_619, %get3A_620] : memref<1x128xf32, #tpu.memory_space<vmem>>, vector<1x128xf32>
    %add3A_622 = vector.broadcast %get3A_621 : vector<1x128xf32> to vector<2048x128xf32>
    %add3A_623 = arith.addf %add3A_618, %add3A_622 : vector<2048x128xf32>
    %max3A_624 = arith.constant 0.000000e+00 : f32
    %max3A_625 = vector.broadcast %max3A_624 : f32 to vector<2048x128xf32>
    %max3A_626 = arith.maximumf %add3A_623, %max3A_625 : vector<2048x128xf32>
    %get3A_627 = arith.constant 0 : index
    %get3A_628 = arith.constant 0 : index
    %get3A_629 = vector.load %arg12[%get3A_627, %get3A_628] : memref<128x64xf32, #tpu.memory_space<vmem>>, vector<128x64xf32>
    %convert_element_type3A_630 = arith.truncf %max3A_626 : vector<2048x128xf32> to vector<2048x128xbf16>
    %convert_element_type3A_631 = arith.truncf %get3A_629 : vector<128x64xf32> to vector<128x64xbf16>
    %dot_general3A_632 = arith.constant dense<0.000000e+00> : vector<2048x64xf32>
    %dot_general3A_633 = tpu.matmul %convert_element_type3A_630, %convert_element_type3A_631, %dot_general3A_632 {dimension_numbers = #tpu.dot_dimension_numbers<[1], [0], [0], [1], [0, 0, 1, 1], [], []>, transpose_lhs_hint = false} : vector<2048x128xbf16>, vector<128x64xbf16>, vector<2048x64xf32> -> vector<2048x64xf32>
    %get3A_634 = arith.constant 0 : index
    %get3A_635 = arith.constant 0 : index
    %get3A_636 = vector.load %arg13[%get3A_634, %get3A_635] : memref<1x64xf32, #tpu.memory_space<vmem>>, vector<1x64xf32>
    %add3A_637 = vector.broadcast %get3A_636 : vector<1x64xf32> to vector<2048x64xf32>
    %add3A_638 = arith.addf %dot_general3A_633, %add3A_637 : vector<2048x64xf32>
    %get3A_639 = arith.constant 0 : index
    %get3A_640 = arith.constant 0 : index
    %get3A_641 = vector.load %arg14[%get3A_639, %get3A_640] : memref<64x128xf32, #tpu.memory_space<vmem>>, vector<64x128xf32>
    %convert_element_type3A_642 = arith.truncf %max3A_564 : vector<2048x64xf32> to vector<2048x64xbf16>
    %convert_element_type3A_643 = arith.truncf %get3A_641 : vector<64x128xf32> to vector<64x128xbf16>
    %dot_general3A_644 = arith.constant dense<0.000000e+00> : vector<2048x128xf32>
    %dot_general3A_645 = tpu.matmul %convert_element_type3A_642, %convert_element_type3A_643, %dot_general3A_644 {dimension_numbers = #tpu.dot_dimension_numbers<[1], [0], [0], [1], [0, 0, 1, 1], [], []>, transpose_lhs_hint = false} : vector<2048x64xbf16>, vector<64x128xbf16>, vector<2048x128xf32> -> vector<2048x128xf32>
    %get3A_646 = arith.constant 0 : index
    %get3A_647 = arith.constant 0 : index
    %get3A_648 = vector.load %arg15[%get3A_646, %get3A_647] : memref<64x128xf32, #tpu.memory_space<vmem>>, vector<64x128xf32>
    %convert_element_type3A_649 = arith.truncf %add3A_638 : vector<2048x64xf32> to vector<2048x64xbf16>
    %convert_element_type3A_650 = arith.truncf %get3A_648 : vector<64x128xf32> to vector<64x128xbf16>
    %dot_general3A_651 = arith.constant dense<0.000000e+00> : vector<2048x128xf32>
    %dot_general3A_652 = tpu.matmul %convert_element_type3A_649, %convert_element_type3A_650, %dot_general3A_651 {dimension_numbers = #tpu.dot_dimension_numbers<[1], [0], [0], [1], [0, 0, 1, 1], [], []>, transpose_lhs_hint = false} : vector<2048x64xbf16>, vector<64x128xbf16>, vector<2048x128xf32> -> vector<2048x128xf32>
    %add3A_653 = arith.addf %dot_general3A_645, %dot_general3A_652 : vector<2048x128xf32>
    %get3A_654 = arith.constant 0 : index
    %get3A_655 = arith.constant 0 : index
    %get3A_656 = vector.load %arg16[%get3A_654, %get3A_655] : memref<1x128xf32, #tpu.memory_space<vmem>>, vector<1x128xf32>
    %add3A_657 = vector.broadcast %get3A_656 : vector<1x128xf32> to vector<2048x128xf32>
    %add3A_658 = arith.addf %add3A_653, %add3A_657 : vector<2048x128xf32>
    %max3A_659 = arith.constant 0.000000e+00 : f32
    %max3A_660 = vector.broadcast %max3A_659 : f32 to vector<2048x128xf32>
    %max3A_661 = arith.maximumf %add3A_658, %max3A_660 : vector<2048x128xf32>
    %get3A_662 = arith.constant 0 : index
    %get3A_663 = arith.constant 0 : index
    %get3A_664 = vector.load %arg17[%get3A_662, %get3A_663] : memref<128x128xf32, #tpu.memory_space<vmem>>, vector<128x128xf32>
    %convert_element_type3A_665 = arith.truncf %max3A_661 : vector<2048x128xf32> to vector<2048x128xbf16>
    %convert_element_type3A_666 = arith.truncf %get3A_664 : vector<128x128xf32> to vector<128x128xbf16>
    %dot_general3A_667 = arith.constant dense<0.000000e+00> : vector<2048x128xf32>
    %dot_general3A_668 = tpu.matmul %convert_element_type3A_665, %convert_element_type3A_666, %dot_general3A_667 {dimension_numbers = #tpu.dot_dimension_numbers<[1], [0], [0], [1], [0, 0, 1, 1], [], []>, transpose_lhs_hint = false} : vector<2048x128xbf16>, vector<128x128xbf16>, vector<2048x128xf32> -> vector<2048x128xf32>
    %get3A_669 = arith.constant 0 : index
    %get3A_670 = arith.constant 0 : index
    %get3A_671 = vector.load %arg18[%get3A_669, %get3A_670] : memref<1x128xf32, #tpu.memory_space<vmem>>, vector<1x128xf32>
    %add3A_672 = vector.broadcast %get3A_671 : vector<1x128xf32> to vector<2048x128xf32>
    %add3A_673 = arith.addf %dot_general3A_668, %add3A_672 : vector<2048x128xf32>
    %convert_element_type3A_674 = arith.truncf %add3A_638 : vector<2048x64xf32> to vector<2048x64xbf16>
    %swap3A_675 = arith.constant 4 : index
    %swap3A_676 = arith.constant 0 : index
    %swap3A_677 = arith.constant 0 : index
    %swap3A_678 = vector.load %arg19[%swap3A_675, %swap3A_676, %swap3A_677] : memref<5x2048x64xbf16, #tpu.memory_space<vmem>>, vector<1x2048x64xbf16>
    %swap3A_679 = vector.shape_cast %swap3A_678 : vector<1x2048x64xbf16> to vector<2048x64xbf16>
    %swap3A_680 = vector.shape_cast %convert_element_type3A_674 : vector<2048x64xbf16> to vector<1x2048x64xbf16>
    tpu.vector_store %arg19[%swap3A_675, %swap3A_676, %swap3A_677], %swap3A_680 {strides = array<i32>} : memref<5x2048x64xbf16, #tpu.memory_space<vmem>>, vector<1x2048x64xbf16>,
    %swap3A_681 = arith.constant 4 : index
    %swap3A_682 = arith.constant 0 : index
    %swap3A_683 = arith.constant 0 : index
    %swap3A_684 = vector.load %arg20[%swap3A_681, %swap3A_682, %swap3A_683] : memref<5x2048x128xf32, #tpu.memory_space<vmem>>, vector<1x2048x128xf32>
    %swap3A_685 = vector.shape_cast %swap3A_684 : vector<1x2048x128xf32> to vector<2048x128xf32>
    %swap3A_686 = vector.shape_cast %add3A_673 : vector<2048x128xf32> to vector<1x2048x128xf32>
    tpu.vector_store %arg20[%swap3A_681, %swap3A_682, %swap3A_683], %swap3A_686 {strides = array<i32>} : memref<5x2048x128xf32, #tpu.memory_space<vmem>>, vector<1x2048x128xf32>,
    return
  }
  func.func @transform_0(%arg0: i32) -> (i32, i32) {
    %c0_i32 = arith.constant 0 : i32
    %c0_i32_0 = arith.constant 0 : i32
    return %arg0, %c0_i32 : i32, i32
  }
  func.func @transform_1(%arg0: i32) -> (i32, i32) {
    %add3A = arith.constant 80 : i32
    %add3A_0 = arith.addi %add3A, %arg0 : i32
    %c0_i32 = arith.constant 0 : i32
    %c0_i32_1 = arith.constant 0 : i32
    return %add3A_0, %c0_i32 : i32, i32
  }
  func.func @transform_2(%arg0: i32) -> (i32, i32) {
    %c0_i32 = arith.constant 0 : i32
    %c0_i32_0 = arith.constant 0 : i32
    return %arg0, %c0_i32 : i32, i32
  }
  func.func @transform_3(%arg0: i32) -> (i32, i32) {
    %c0_i32 = arith.constant 0 : i32
    %c0_i32_0 = arith.constant 0 : i32
    %c0_i32_1 = arith.constant 0 : i32
    return %c0_i32, %c0_i32_0 : i32, i32
  }
  func.func @transform_4(%arg0: i32) -> (i32, i32) {
    %c0_i32 = arith.constant 0 : i32
    %c0_i32_0 = arith.constant 0 : i32
    %c0_i32_1 = arith.constant 0 : i32
    return %c0_i32, %c0_i32_0 : i32, i32
  }
  func.func @transform_5(%arg0: i32) -> (i32, i32) {
    %c0_i32 = arith.constant 0 : i32
    %c0_i32_0 = arith.constant 0 : i32
    %c0_i32_1 = arith.constant 0 : i32
    return %c0_i32, %c0_i32_0 : i32, i32
  }
  func.func @transform_6(%arg0: i32) -> (i32, i32) {
    %c0_i32 = arith.constant 0 : i32
    %c0_i32_0 = arith.constant 0 : i32
    %c0_i32_1 = arith.constant 0 : i32
    return %c0_i32, %c0_i32_0 : i32, i32
  }
  func.func @transform_7(%arg0: i32) -> (i32, i32) {
    %c0_i32 = arith.constant 0 : i32
    %c0_i32_0 = arith.constant 0 : i32
    %c0_i32_1 = arith.constant 0 : i32
    return %c0_i32, %c0_i32_0 : i32, i32
  }
  func.func @transform_8(%arg0: i32) -> (i32, i32) {
    %c0_i32 = arith.constant 0 : i32
    %c0_i32_0 = arith.constant 0 : i32
    %c0_i32_1 = arith.constant 0 : i32
    return %c0_i32, %c0_i32_0 : i32, i32
  }
  func.func @transform_9(%arg0: i32) -> (i32, i32) {
    %c0_i32 = arith.constant 0 : i32
    %c0_i32_0 = arith.constant 0 : i32
    %c0_i32_1 = arith.constant 0 : i32
    return %c0_i32, %c0_i32_0 : i32, i32
  }
  func.func @transform_10(%arg0: i32) -> (i32, i32) {
    %c0_i32 = arith.constant 0 : i32
    %c0_i32_0 = arith.constant 0 : i32
    %c0_i32_1 = arith.constant 0 : i32
    return %c0_i32, %c0_i32_0 : i32, i32
  }
  func.func @transform_11(%arg0: i32) -> (i32, i32) {
    %c0_i32 = arith.constant 0 : i32
    %c0_i32_0 = arith.constant 0 : i32
    %c0_i32_1 = arith.constant 0 : i32
    return %c0_i32, %c0_i32_0 : i32, i32
  }
  func.func @transform_12(%arg0: i32) -> (i32, i32) {
    %c0_i32 = arith.constant 0 : i32
    %c0_i32_0 = arith.constant 0 : i32
    %c0_i32_1 = arith.constant 0 : i32
    return %c0_i32, %c0_i32_0 : i32, i32
  }
  func.func @transform_13(%arg0: i32) -> (i32, i32) {
    %c0_i32 = arith.constant 0 : i32
    %c0_i32_0 = arith.constant 0 : i32
    %c0_i32_1 = arith.constant 0 : i32
    return %c0_i32, %c0_i32_0 : i32, i32
  }
  func.func @transform_14(%arg0: i32) -> (i32, i32) {
    %c0_i32 = arith.constant 0 : i32
    %c0_i32_0 = arith.constant 0 : i32
    %c0_i32_1 = arith.constant 0 : i32
    return %c0_i32, %c0_i32_0 : i32, i32
  }
  func.func @transform_15(%arg0: i32) -> (i32, i32) {
    %c0_i32 = arith.constant 0 : i32
    %c0_i32_0 = arith.constant 0 : i32
    %c0_i32_1 = arith.constant 0 : i32
    return %c0_i32, %c0_i32_0 : i32, i32
  }
  func.func @transform_16(%arg0: i32) -> (i32, i32) {
    %c0_i32 = arith.constant 0 : i32
    %c0_i32_0 = arith.constant 0 : i32
    %c0_i32_1 = arith.constant 0 : i32
    return %c0_i32, %c0_i32_0 : i32, i32
  }
  func.func @transform_17(%arg0: i32) -> (i32, i32) {
    %c0_i32 = arith.constant 0 : i32
    %c0_i32_0 = arith.constant 0 : i32
    %c0_i32_1 = arith.constant 0 : i32
    return %c0_i32, %c0_i32_0 : i32, i32
  }
  func.func @transform_18(%arg0: i32) -> (i32, i32, i32) {
    %c0_i32 = arith.constant 0 : i32
    %c0_i32_0 = arith.constant 0 : i32
    %c0_i32_1 = arith.constant 0 : i32
    return %c0_i32, %arg0, %c0_i32_0 : i32, i32, i32
  }
  func.func @transform_19(%arg0: i32) -> (i32, i32, i32) {
    %c0_i32 = arith.constant 0 : i32
    %c0_i32_0 = arith.constant 0 : i32
    %c0_i32_1 = arith.constant 0 : i32
    return %c0_i32, %arg0, %c0_i32_0 : i32, i32, i32
  }
}

module attributes {stable_mosaic.version = 14 : i64} {
  func.func @_addp_body(%arg0: i32, %arg1: i32, %arg2: memref<2x1x2048x128xf32, #tpu.memory_space<vmem>>, %arg3: memref<2048x64xbf16, #tpu.memory_space<vmem>>) attributes {dimension_semantics = [#tpu.dimension_semantics<arbitrary>, #tpu.dimension_semantics<arbitrary>], iteration_bounds = array<i64: 5, 5>, scalar_prefetch = 0 : i64, scratch_operands = 0 : i64, tpu.core_type = #tpu.core_type<tc>, window_params = [{transform_indices = @transform_0, window_bounds = array<i64: 2, 1, 2048, 128>}, {transform_indices = @transform_1, window_bounds = array<i64: 2048, 64>}]} {
    %get3A = arith.constant 0 : index
    %get3A_0 = arith.constant 0 : index
    %get3A_1 = arith.constant 0 : index
    %get3A_2 = arith.constant 0 : index
    %get3A_3 = vector.load %arg2[%get3A, %get3A_0, %get3A_1, %get3A_2] : memref<2x1x2048x128xf32, #tpu.memory_space<vmem>>, vector<1x1x2048x64xf32>
    %get3A_4 = vector.shape_cast %get3A_3 : vector<1x1x2048x64xf32> to vector<2048x64xf32>
    %get3A_5 = arith.constant 1 : index
    %get3A_6 = arith.constant 0 : index
    %get3A_7 = arith.constant 0 : index
    %get3A_8 = arith.constant 0 : index
    %get3A_9 = vector.load %arg2[%get3A_5, %get3A_6, %get3A_7, %get3A_8] : memref<2x1x2048x128xf32, #tpu.memory_space<vmem>>, vector<1x1x2048x64xf32>
    %get3A_10 = vector.shape_cast %get3A_9 : vector<1x1x2048x64xf32> to vector<2048x64xf32>
    %add3A = arith.addf %get3A_4, %get3A_10 : vector<2048x64xf32>
    %convert_element_type3A = arith.truncf %add3A : vector<2048x64xf32> to vector<2048x64xbf16>
    %swap3A = arith.constant 0 : index
    %swap3A_11 = arith.constant 0 : index
    %swap3A_12 = vector.load %arg3[%swap3A, %swap3A_11] : memref<2048x64xbf16, #tpu.memory_space<vmem>>, vector<2048x64xbf16>
    tpu.vector_store %arg3[%swap3A, %swap3A_11], %convert_element_type3A {strides = array<i32>} : memref<2048x64xbf16, #tpu.memory_space<vmem>>, vector<2048x64xbf16>,
    return
  }
  func.func @transform_0(%arg0: i32, %arg1: i32) -> (i32, i32, i32, i32) {
    %c0_i32 = arith.constant 0 : i32
    %c0_i32_0 = arith.constant 0 : i32
    %c0_i32_1 = arith.constant 0 : i32
    return %c0_i32, %arg0, %arg1, %c0_i32_0 : i32, i32, i32, i32
  }
  func.func @transform_1(%arg0: i32, %arg1: i32) -> (i32, i32) {
    %mul3A = arith.constant 5 : i32
    %mul3A_0 = arith.muli %arg0, %mul3A : i32
    %add3A = arith.addi %mul3A_0, %arg1 : i32
    %c0_i32 = arith.constant 0 : i32
    %c0_i32_1 = arith.constant 0 : i32
    return %add3A, %c0_i32 : i32, i32
  }
}

module attributes {stable_mosaic.version = 14 : i64} {
  func.func @_mega_body(%arg0: i32, %arg1: memref<5x1024x64xbf16, #tpu.memory_space<vmem>>, %arg2: memref<1024x64xbf16, #tpu.memory_space<vmem>>, %arg3: memref<1024x64xbf16, #tpu.memory_space<vmem>>, %arg4: memref<1024x64xbf16, #tpu.memory_space<vmem>>, %arg5: memref<1024x64xbf16, #tpu.memory_space<vmem>>, %arg6: memref<1024x64xbf16, #tpu.memory_space<vmem>>, %arg7: memref<1024x64xbf16, #tpu.memory_space<vmem>>, %arg8: memref<1024x64xbf16, #tpu.memory_space<vmem>>, %arg9: memref<1024x64xbf16, #tpu.memory_space<vmem>>, %arg10: memref<1024x64xbf16, #tpu.memory_space<vmem>>, %arg11: memref<1024x64xbf16, #tpu.memory_space<vmem>>, %arg12: memref<1024x32xbf16, #tpu.memory_space<vmem>>, %arg13: memref<1024x32xbf16, #tpu.memory_space<vmem>>, %arg14: memref<1024x16xf32, #tpu.memory_space<vmem>>, %arg15: memref<64x128xf32, #tpu.memory_space<vmem>>, %arg16: memref<64x128xf32, #tpu.memory_space<vmem>>, %arg17: memref<64x128xf32, #tpu.memory_space<vmem>>, %arg18: memref<1x128xf32, #tpu.memory_space<vmem>>, %arg19: memref<128x64xf32, #tpu.memory_space<vmem>>, %arg20: memref<1x64xf32, #tpu.memory_space<vmem>>, %arg21: memref<64x4xf32, #tpu.memory_space<vmem>>, %arg22: memref<1x4xf32, #tpu.memory_space<vmem>>, %arg23: memref<4x64xf32, #tpu.memory_space<vmem>>, %arg24: memref<4x64xf32, #tpu.memory_space<vmem>>, %arg25: memref<4x64xf32, #tpu.memory_space<vmem>>, %arg26: memref<64x64xf32, #tpu.memory_space<vmem>>, %arg27: memref<64x64xf32, #tpu.memory_space<vmem>>, %arg28: memref<64x64xf32, #tpu.memory_space<vmem>>, %arg29: memref<1x64xf32, #tpu.memory_space<vmem>>, %arg30: memref<1x64xf32, #tpu.memory_space<vmem>>, %arg31: memref<1x64xf32, #tpu.memory_space<vmem>>, %arg32: memref<1x64xf32, #tpu.memory_space<vmem>>, %arg33: memref<1x64xf32, #tpu.memory_space<vmem>>, %arg34: memref<1x64xf32, #tpu.memory_space<vmem>>, %arg35: memref<4x64xf32, #tpu.memory_space<vmem>>, %arg36: memref<4x64xf32, #tpu.memory_space<vmem>>, %arg37: memref<4x64xf32, #tpu.memory_space<vmem>>, %arg38: memref<64x64xf32, #tpu.memory_space<vmem>>, %arg39: memref<64x64xf32, #tpu.memory_space<vmem>>, %arg40: memref<64x64xf32, #tpu.memory_space<vmem>>, %arg41: memref<1x64xf32, #tpu.memory_space<vmem>>, %arg42: memref<1x64xf32, #tpu.memory_space<vmem>>, %arg43: memref<1x64xf32, #tpu.memory_space<vmem>>, %arg44: memref<1x64xf32, #tpu.memory_space<vmem>>, %arg45: memref<1x64xf32, #tpu.memory_space<vmem>>, %arg46: memref<1x64xf32, #tpu.memory_space<vmem>>, %arg47: memref<64x4xf32, #tpu.memory_space<vmem>>, %arg48: memref<64x4xf32, #tpu.memory_space<vmem>>, %arg49: memref<1x4xf32, #tpu.memory_space<vmem>>, %arg50: memref<4x256xf32, #tpu.memory_space<vmem>>, %arg51: memref<4x256xf32, #tpu.memory_space<vmem>>, %arg52: memref<1x256xf32, #tpu.memory_space<vmem>>, %arg53: memref<256x256xf32, #tpu.memory_space<vmem>>, %arg54: memref<1x256xf32, #tpu.memory_space<vmem>>, %arg55: memref<4x256xf32, #tpu.memory_space<vmem>>, %arg56: memref<256x128xf32, #tpu.memory_space<vmem>>, %arg57: memref<4x1024x128xf32, #tpu.memory_space<vmem>>) attributes {dimension_semantics = [#tpu.dimension_semantics<arbitrary>], iteration_bounds = array<i64: 160>, scalar_prefetch = 0 : i64, scratch_operands = 0 : i64, tpu.core_type = #tpu.core_type<tc>, window_params = [{transform_indices = @transform_0, window_bounds = array<i64: 5, 1024, 64>}, {transform_indices = @transform_1, window_bounds = array<i64: 1024, 64>}, {transform_indices = @transform_2, window_bounds = array<i64: 1024, 64>}, {transform_indices = @transform_3, window_bounds = array<i64: 1024, 64>}, {transform_indices = @transform_4, window_bounds = array<i64: 1024, 64>}, {transform_indices = @transform_5, window_bounds = array<i64: 1024, 64>}, {transform_indices = @transform_6, window_bounds = array<i64: 1024, 64>}, {transform_indices = @transform_7, window_bounds = array<i64: 1024, 64>}, {transform_indices = @transform_8, window_bounds = array<i64: 1024, 64>}, {transform_indices = @transform_9, window_bounds = array<i64: 1024, 64>}, {transform_indices = @transform_10, window_bounds = array<i64: 1024, 64>}, {transform_indices = @transform_11, window_bounds = array<i64: 1024, 32>}, {transform_indices = @transform_12, window_bounds = array<i64: 1024, 32>}, {transform_indices = @transform_13, window_bounds = array<i64: 1024, 16>}, {pipeline_mode = #tpu.pipeline_mode<synchronous>, transform_indices = @transform_14, window_bounds = array<i64: 64, 128>}, {pipeline_mode = #tpu.pipeline_mode<synchronous>, transform_indices = @transform_15, window_bounds = array<i64: 64, 128>}, {pipeline_mode = #tpu.pipeline_mode<synchronous>, transform_indices = @transform_16, window_bounds = array<i64: 64, 128>}, {pipeline_mode = #tpu.pipeline_mode<synchronous>, transform_indices = @transform_17, window_bounds = array<i64: 1, 128>}, {pipeline_mode = #tpu.pipeline_mode<synchronous>, transform_indices = @transform_18, window_bounds = array<i64: 128, 64>}, {pipeline_mode = #tpu.pipeline_mode<synchronous>, transform_indices = @transform_19, window_bounds = array<i64: 1, 64>}, {pipeline_mode = #tpu.pipeline_mode<synchronous>, transform_indices = @transform_20, window_bounds = array<i64: 64, 4>}, {pipeline_mode = #tpu.pipeline_mode<synchronous>, transform_indices = @transform_21, window_bounds = array<i64: 1, 4>}, {pipeline_mode = #tpu.pipeline_mode<synchronous>, transform_indices = @transform_22, window_bounds = array<i64: 4, 64>}, {pipeline_mode = #tpu.pipeline_mode<synchronous>, transform_indices = @transform_23, window_bounds = array<i64: 4, 64>}, {pipeline_mode = #tpu.pipeline_mode<synchronous>, transform_indices = @transform_24, window_bounds = array<i64: 4, 64>}, {pipeline_mode = #tpu.pipeline_mode<synchronous>, transform_indices = @transform_25, window_bounds = array<i64: 64, 64>}, {pipeline_mode = #tpu.pipeline_mode<synchronous>, transform_indices = @transform_26, window_bounds = array<i64: 64, 64>}, {pipeline_mode = #tpu.pipeline_mode<synchronous>, transform_indices = @transform_27, window_bounds = array<i64: 64, 64>}, {pipeline_mode = #tpu.pipeline_mode<synchronous>, transform_indices = @transform_28, window_bounds = array<i64: 1, 64>}, {pipeline_mode = #tpu.pipeline_mode<synchronous>, transform_indices = @transform_29, window_bounds = array<i64: 1, 64>}, {pipeline_mode = #tpu.pipeline_mode<synchronous>, transform_indices = @transform_30, window_bounds = array<i64: 1, 64>}, {pipeline_mode = #tpu.pipeline_mode<synchronous>, transform_indices = @transform_31, window_bounds = array<i64: 1, 64>}, {pipeline_mode = #tpu.pipeline_mode<synchronous>, transform_indices = @transform_32, window_bounds = array<i64: 1, 64>}, {pipeline_mode = #tpu.pipeline_mode<synchronous>, transform_indices = @transform_33, window_bounds = array<i64: 1, 64>}, {pipeline_mode = #tpu.pipeline_mode<synchronous>, transform_indices = @transform_34, window_bounds = array<i64: 4, 64>}, {pipeline_mode = #tpu.pipeline_mode<synchronous>, transform_indices = @transform_35, window_bounds = array<i64: 4, 64>}, {pipeline_mode = #tpu.pipeline_mode<synchronous>, transform_indices = @transform_36, window_bounds = array<i64: 4, 64>}, {pipeline_mode = #tpu.pipeline_mode<synchronous>, transform_indices = @transform_37, window_bounds = array<i64: 64, 64>}, {pipeline_mode = #tpu.pipeline_mode<synchronous>, transform_indices = @transform_38, window_bounds = array<i64: 64, 64>}, {pipeline_mode = #tpu.pipeline_mode<synchronous>, transform_indices = @transform_39, window_bounds = array<i64: 64, 64>}, {pipeline_mode = #tpu.pipeline_mode<synchronous>, transform_indices = @transform_40, window_bounds = array<i64: 1, 64>}, {pipeline_mode = #tpu.pipeline_mode<synchronous>, transform_indices = @transform_41, window_bounds = array<i64: 1, 64>}, {pipeline_mode = #tpu.pipeline_mode<synchronous>, transform_indices = @transform_42, window_bounds = array<i64: 1, 64>}, {pipeline_mode = #tpu.pipeline_mode<synchronous>, transform_indices = @transform_43, window_bounds = array<i64: 1, 64>}, {pipeline_mode = #tpu.pipeline_mode<synchronous>, transform_indices = @transform_44, window_bounds = array<i64: 1, 64>}, {pipeline_mode = #tpu.pipeline_mode<synchronous>, transform_indices = @transform_45, window_bounds = array<i64: 1, 64>}, {pipeline_mode = #tpu.pipeline_mode<synchronous>, transform_indices = @transform_46, window_bounds = array<i64: 64, 4>}, {pipeline_mode = #tpu.pipeline_mode<synchronous>, transform_indices = @transform_47, window_bounds = array<i64: 64, 4>}, {pipeline_mode = #tpu.pipeline_mode<synchronous>, transform_indices = @transform_48, window_bounds = array<i64: 1, 4>}, {pipeline_mode = #tpu.pipeline_mode<synchronous>, transform_indices = @transform_49, window_bounds = array<i64: 4, 256>}, {pipeline_mode = #tpu.pipeline_mode<synchronous>, transform_indices = @transform_50, window_bounds = array<i64: 4, 256>}, {pipeline_mode = #tpu.pipeline_mode<synchronous>, transform_indices = @transform_51, window_bounds = array<i64: 1, 256>}, {pipeline_mode = #tpu.pipeline_mode<synchronous>, transform_indices = @transform_52, window_bounds = array<i64: 256, 256>}, {pipeline_mode = #tpu.pipeline_mode<synchronous>, transform_indices = @transform_53, window_bounds = array<i64: 1, 256>}, {pipeline_mode = #tpu.pipeline_mode<synchronous>, transform_indices = @transform_54, window_bounds = array<i64: 4, 256>}, {pipeline_mode = #tpu.pipeline_mode<synchronous>, transform_indices = @transform_55, window_bounds = array<i64: 256, 128>}, {transform_indices = @transform_56, window_bounds = array<i64: 4, 1024, 128>}]} {
    %get3A = arith.constant 0 : index
    %get3A_0 = arith.constant 0 : index
    %get3A_1 = vector.load %arg2[%get3A, %get3A_0] : memref<1024x64xbf16, #tpu.memory_space<vmem>>, vector<1024x64xbf16>
    %get3A_2 = arith.constant 0 : index
    %get3A_3 = arith.constant 0 : index
    %get3A_4 = vector.load %arg3[%get3A_2, %get3A_3] : memref<1024x64xbf16, #tpu.memory_space<vmem>>, vector<1024x64xbf16>
    %get3A_5 = arith.constant 0 : index
    %get3A_6 = arith.constant 0 : index
    %get3A_7 = arith.constant 0 : index
    %get3A_8 = vector.load %arg1[%get3A_5, %get3A_6, %get3A_7] : memref<5x1024x64xbf16, #tpu.memory_space<vmem>>, vector<1x1024x64xbf16>
    %get3A_9 = vector.shape_cast %get3A_8 : vector<1x1024x64xbf16> to vector<1024x64xbf16>
    %get3A_10 = arith.constant 0 : index
    %get3A_11 = arith.constant 0 : index
    %get3A_12 = vector.load %arg15[%get3A_10, %get3A_11] : memref<64x128xf32, #tpu.memory_space<vmem>>, vector<64x128xf32>
    %convert_element_type3A = arith.truncf %get3A_12 : vector<64x128xf32> to vector<64x128xbf16>
    %dot_general3A = arith.constant dense<0.000000e+00> : vector<1024x128xf32>
    %dot_general3A_13 = tpu.matmul %get3A_1, %convert_element_type3A, %dot_general3A {dimension_numbers = #tpu.dot_dimension_numbers<[1], [0], [0], [1], [0, 0, 1, 1], [], []>, transpose_lhs_hint = false} : vector<1024x64xbf16>, vector<64x128xbf16>, vector<1024x128xf32> -> vector<1024x128xf32>
    %get3A_14 = arith.constant 0 : index
    %get3A_15 = arith.constant 0 : index
    %get3A_16 = vector.load %arg16[%get3A_14, %get3A_15] : memref<64x128xf32, #tpu.memory_space<vmem>>, vector<64x128xf32>
    %convert_element_type3A_17 = arith.truncf %get3A_16 : vector<64x128xf32> to vector<64x128xbf16>
    %dot_general3A_18 = arith.constant dense<0.000000e+00> : vector<1024x128xf32>
    %dot_general3A_19 = tpu.matmul %get3A_4, %convert_element_type3A_17, %dot_general3A_18 {dimension_numbers = #tpu.dot_dimension_numbers<[1], [0], [0], [1], [0, 0, 1, 1], [], []>, transpose_lhs_hint = false} : vector<1024x64xbf16>, vector<64x128xbf16>, vector<1024x128xf32> -> vector<1024x128xf32>
    %add3A = arith.addf %dot_general3A_13, %dot_general3A_19 : vector<1024x128xf32>
    %get3A_20 = arith.constant 0 : index
    %get3A_21 = arith.constant 0 : index
    %get3A_22 = vector.load %arg17[%get3A_20, %get3A_21] : memref<64x128xf32, #tpu.memory_space<vmem>>, vector<64x128xf32>
    %convert_element_type3A_23 = arith.truncf %get3A_22 : vector<64x128xf32> to vector<64x128xbf16>
    %dot_general3A_24 = arith.constant dense<0.000000e+00> : vector<1024x128xf32>
    %dot_general3A_25 = tpu.matmul %get3A_9, %convert_element_type3A_23, %dot_general3A_24 {dimension_numbers = #tpu.dot_dimension_numbers<[1], [0], [0], [1], [0, 0, 1, 1], [], []>, transpose_lhs_hint = false} : vector<1024x64xbf16>, vector<64x128xbf16>, vector<1024x128xf32> -> vector<1024x128xf32>
    %add3A_26 = arith.addf %add3A, %dot_general3A_25 : vector<1024x128xf32>
    %get3A_27 = arith.constant 0 : index
    %get3A_28 = arith.constant 0 : index
    %get3A_29 = vector.load %arg18[%get3A_27, %get3A_28] : memref<1x128xf32, #tpu.memory_space<vmem>>, vector<1x128xf32>
    %add3A_30 = vector.broadcast %get3A_29 : vector<1x128xf32> to vector<1024x128xf32>
    %add3A_31 = arith.addf %add3A_26, %add3A_30 : vector<1024x128xf32>
    %max3A = arith.constant 0.000000e+00 : f32
    %max3A_32 = vector.broadcast %max3A : f32 to vector<1024x128xf32>
    %max3A_33 = arith.maximumf %add3A_31, %max3A_32 : vector<1024x128xf32>
    %get3A_34 = arith.constant 0 : index
    %get3A_35 = arith.constant 0 : index
    %get3A_36 = vector.load %arg19[%get3A_34, %get3A_35] : memref<128x64xf32, #tpu.memory_space<vmem>>, vector<128x64xf32>
    %convert_element_type3A_37 = arith.truncf %max3A_33 : vector<1024x128xf32> to vector<1024x128xbf16>
    %convert_element_type3A_38 = arith.truncf %get3A_36 : vector<128x64xf32> to vector<128x64xbf16>
    %dot_general3A_39 = arith.constant dense<0.000000e+00> : vector<1024x64xf32>
    %dot_general3A_40 = tpu.matmul %convert_element_type3A_37, %convert_element_type3A_38, %dot_general3A_39 {dimension_numbers = #tpu.dot_dimension_numbers<[1], [0], [0], [1], [0, 0, 1, 1], [], []>, transpose_lhs_hint = false} : vector<1024x128xbf16>, vector<128x64xbf16>, vector<1024x64xf32> -> vector<1024x64xf32>
    %get3A_41 = arith.constant 0 : index
    %get3A_42 = arith.constant 0 : index
    %get3A_43 = vector.load %arg20[%get3A_41, %get3A_42] : memref<1x64xf32, #tpu.memory_space<vmem>>, vector<1x64xf32>
    %add3A_44 = vector.broadcast %get3A_43 : vector<1x64xf32> to vector<1024x64xf32>
    %add3A_45 = arith.addf %dot_general3A_40, %add3A_44 : vector<1024x64xf32>
    %get3A_46 = arith.constant 0 : index
    %get3A_47 = arith.constant 0 : index
    %get3A_48 = vector.load %arg21[%get3A_46, %get3A_47] : memref<64x4xf32, #tpu.memory_space<vmem>>, vector<64x4xf32>
    %convert_element_type3A_49 = arith.truncf %add3A_45 : vector<1024x64xf32> to vector<1024x64xbf16>
    %convert_element_type3A_50 = arith.truncf %get3A_48 : vector<64x4xf32> to vector<64x4xbf16>
    %dot_general3A_51 = arith.constant dense<0.000000e+00> : vector<1024x4xf32>
    %dot_general3A_52 = tpu.matmul %convert_element_type3A_49, %convert_element_type3A_50, %dot_general3A_51 {dimension_numbers = #tpu.dot_dimension_numbers<[1], [0], [0], [1], [0, 0, 1, 1], [], []>, transpose_lhs_hint = false} : vector<1024x64xbf16>, vector<64x4xbf16>, vector<1024x4xf32> -> vector<1024x4xf32>
    %get3A_53 = arith.constant 0 : index
    %get3A_54 = arith.constant 0 : index
    %get3A_55 = vector.load %arg22[%get3A_53, %get3A_54] : memref<1x4xf32, #tpu.memory_space<vmem>>, vector<1x4xf32>
    %add3A_56 = vector.broadcast %get3A_55 : vector<1x4xf32> to vector<1024x4xf32>
    %add3A_57 = arith.addf %dot_general3A_52, %add3A_56 : vector<1024x4xf32>
    %get3A_58 = arith.constant 0 : index
    %get3A_59 = arith.constant 0 : index
    %get3A_60 = vector.load %arg4[%get3A_58, %get3A_59] : memref<1024x64xbf16, #tpu.memory_space<vmem>>, vector<1024x64xbf16>
    %get3A_61 = arith.constant 0 : index
    %get3A_62 = arith.constant 0 : index
    %get3A_63 = vector.load %arg5[%get3A_61, %get3A_62] : memref<1024x64xbf16, #tpu.memory_space<vmem>>, vector<1024x64xbf16>
    %get3A_64 = arith.constant 1 : index
    %get3A_65 = arith.constant 0 : index
    %get3A_66 = arith.constant 0 : index
    %get3A_67 = vector.load %arg1[%get3A_64, %get3A_65, %get3A_66] : memref<5x1024x64xbf16, #tpu.memory_space<vmem>>, vector<1x1024x64xbf16>
    %get3A_68 = vector.shape_cast %get3A_67 : vector<1x1024x64xbf16> to vector<1024x64xbf16>
    %get3A_69 = arith.constant 0 : index
    %get3A_70 = arith.constant 0 : index
    %get3A_71 = vector.load %arg15[%get3A_69, %get3A_70] : memref<64x128xf32, #tpu.memory_space<vmem>>, vector<64x128xf32>
    %convert_element_type3A_72 = arith.truncf %get3A_71 : vector<64x128xf32> to vector<64x128xbf16>
    %dot_general3A_73 = arith.constant dense<0.000000e+00> : vector<1024x128xf32>
    %dot_general3A_74 = tpu.matmul %get3A_60, %convert_element_type3A_72, %dot_general3A_73 {dimension_numbers = #tpu.dot_dimension_numbers<[1], [0], [0], [1], [0, 0, 1, 1], [], []>, transpose_lhs_hint = false} : vector<1024x64xbf16>, vector<64x128xbf16>, vector<1024x128xf32> -> vector<1024x128xf32>
    %get3A_75 = arith.constant 0 : index
    %get3A_76 = arith.constant 0 : index
    %get3A_77 = vector.load %arg16[%get3A_75, %get3A_76] : memref<64x128xf32, #tpu.memory_space<vmem>>, vector<64x128xf32>
    %convert_element_type3A_78 = arith.truncf %get3A_77 : vector<64x128xf32> to vector<64x128xbf16>
    %dot_general3A_79 = arith.constant dense<0.000000e+00> : vector<1024x128xf32>
    %dot_general3A_80 = tpu.matmul %get3A_63, %convert_element_type3A_78, %dot_general3A_79 {dimension_numbers = #tpu.dot_dimension_numbers<[1], [0], [0], [1], [0, 0, 1, 1], [], []>, transpose_lhs_hint = false} : vector<1024x64xbf16>, vector<64x128xbf16>, vector<1024x128xf32> -> vector<1024x128xf32>
    %add3A_81 = arith.addf %dot_general3A_74, %dot_general3A_80 : vector<1024x128xf32>
    %get3A_82 = arith.constant 0 : index
    %get3A_83 = arith.constant 0 : index
    %get3A_84 = vector.load %arg17[%get3A_82, %get3A_83] : memref<64x128xf32, #tpu.memory_space<vmem>>, vector<64x128xf32>
    %convert_element_type3A_85 = arith.truncf %get3A_84 : vector<64x128xf32> to vector<64x128xbf16>
    %dot_general3A_86 = arith.constant dense<0.000000e+00> : vector<1024x128xf32>
    %dot_general3A_87 = tpu.matmul %get3A_68, %convert_element_type3A_85, %dot_general3A_86 {dimension_numbers = #tpu.dot_dimension_numbers<[1], [0], [0], [1], [0, 0, 1, 1], [], []>, transpose_lhs_hint = false} : vector<1024x64xbf16>, vector<64x128xbf16>, vector<1024x128xf32> -> vector<1024x128xf32>
    %add3A_88 = arith.addf %add3A_81, %dot_general3A_87 : vector<1024x128xf32>
    %get3A_89 = arith.constant 0 : index
    %get3A_90 = arith.constant 0 : index
    %get3A_91 = vector.load %arg18[%get3A_89, %get3A_90] : memref<1x128xf32, #tpu.memory_space<vmem>>, vector<1x128xf32>
    %add3A_92 = vector.broadcast %get3A_91 : vector<1x128xf32> to vector<1024x128xf32>
    %add3A_93 = arith.addf %add3A_88, %add3A_92 : vector<1024x128xf32>
    %max3A_94 = arith.constant 0.000000e+00 : f32
    %max3A_95 = vector.broadcast %max3A_94 : f32 to vector<1024x128xf32>
    %max3A_96 = arith.maximumf %add3A_93, %max3A_95 : vector<1024x128xf32>
    %get3A_97 = arith.constant 0 : index
    %get3A_98 = arith.constant 0 : index
    %get3A_99 = vector.load %arg19[%get3A_97, %get3A_98] : memref<128x64xf32, #tpu.memory_space<vmem>>, vector<128x64xf32>
    %convert_element_type3A_100 = arith.truncf %max3A_96 : vector<1024x128xf32> to vector<1024x128xbf16>
    %convert_element_type3A_101 = arith.truncf %get3A_99 : vector<128x64xf32> to vector<128x64xbf16>
    %dot_general3A_102 = arith.constant dense<0.000000e+00> : vector<1024x64xf32>
    %dot_general3A_103 = tpu.matmul %convert_element_type3A_100, %convert_element_type3A_101, %dot_general3A_102 {dimension_numbers = #tpu.dot_dimension_numbers<[1], [0], [0], [1], [0, 0, 1, 1], [], []>, transpose_lhs_hint = false} : vector<1024x128xbf16>, vector<128x64xbf16>, vector<1024x64xf32> -> vector<1024x64xf32>
    %get3A_104 = arith.constant 0 : index
    %get3A_105 = arith.constant 0 : index
    %get3A_106 = vector.load %arg20[%get3A_104, %get3A_105] : memref<1x64xf32, #tpu.memory_space<vmem>>, vector<1x64xf32>
    %add3A_107 = vector.broadcast %get3A_106 : vector<1x64xf32> to vector<1024x64xf32>
    %add3A_108 = arith.addf %dot_general3A_103, %add3A_107 : vector<1024x64xf32>
    %get3A_109 = arith.constant 0 : index
    %get3A_110 = arith.constant 0 : index
    %get3A_111 = vector.load %arg21[%get3A_109, %get3A_110] : memref<64x4xf32, #tpu.memory_space<vmem>>, vector<64x4xf32>
    %convert_element_type3A_112 = arith.truncf %add3A_108 : vector<1024x64xf32> to vector<1024x64xbf16>
    %convert_element_type3A_113 = arith.truncf %get3A_111 : vector<64x4xf32> to vector<64x4xbf16>
    %dot_general3A_114 = arith.constant dense<0.000000e+00> : vector<1024x4xf32>
    %dot_general3A_115 = tpu.matmul %convert_element_type3A_112, %convert_element_type3A_113, %dot_general3A_114 {dimension_numbers = #tpu.dot_dimension_numbers<[1], [0], [0], [1], [0, 0, 1, 1], [], []>, transpose_lhs_hint = false} : vector<1024x64xbf16>, vector<64x4xbf16>, vector<1024x4xf32> -> vector<1024x4xf32>
    %get3A_116 = arith.constant 0 : index
    %get3A_117 = arith.constant 0 : index
    %get3A_118 = vector.load %arg22[%get3A_116, %get3A_117] : memref<1x4xf32, #tpu.memory_space<vmem>>, vector<1x4xf32>
    %add3A_119 = vector.broadcast %get3A_118 : vector<1x4xf32> to vector<1024x4xf32>
    %add3A_120 = arith.addf %dot_general3A_115, %add3A_119 : vector<1024x4xf32>
    %get3A_121 = arith.constant 0 : index
    %get3A_122 = arith.constant 0 : index
    %get3A_123 = vector.load %arg6[%get3A_121, %get3A_122] : memref<1024x64xbf16, #tpu.memory_space<vmem>>, vector<1024x64xbf16>
    %get3A_124 = arith.constant 0 : index
    %get3A_125 = arith.constant 0 : index
    %get3A_126 = vector.load %arg7[%get3A_124, %get3A_125] : memref<1024x64xbf16, #tpu.memory_space<vmem>>, vector<1024x64xbf16>
    %get3A_127 = arith.constant 2 : index
    %get3A_128 = arith.constant 0 : index
    %get3A_129 = arith.constant 0 : index
    %get3A_130 = vector.load %arg1[%get3A_127, %get3A_128, %get3A_129] : memref<5x1024x64xbf16, #tpu.memory_space<vmem>>, vector<1x1024x64xbf16>
    %get3A_131 = vector.shape_cast %get3A_130 : vector<1x1024x64xbf16> to vector<1024x64xbf16>
    %get3A_132 = arith.constant 0 : index
    %get3A_133 = arith.constant 0 : index
    %get3A_134 = vector.load %arg15[%get3A_132, %get3A_133] : memref<64x128xf32, #tpu.memory_space<vmem>>, vector<64x128xf32>
    %convert_element_type3A_135 = arith.truncf %get3A_134 : vector<64x128xf32> to vector<64x128xbf16>
    %dot_general3A_136 = arith.constant dense<0.000000e+00> : vector<1024x128xf32>
    %dot_general3A_137 = tpu.matmul %get3A_123, %convert_element_type3A_135, %dot_general3A_136 {dimension_numbers = #tpu.dot_dimension_numbers<[1], [0], [0], [1], [0, 0, 1, 1], [], []>, transpose_lhs_hint = false} : vector<1024x64xbf16>, vector<64x128xbf16>, vector<1024x128xf32> -> vector<1024x128xf32>
    %get3A_138 = arith.constant 0 : index
    %get3A_139 = arith.constant 0 : index
    %get3A_140 = vector.load %arg16[%get3A_138, %get3A_139] : memref<64x128xf32, #tpu.memory_space<vmem>>, vector<64x128xf32>
    %convert_element_type3A_141 = arith.truncf %get3A_140 : vector<64x128xf32> to vector<64x128xbf16>
    %dot_general3A_142 = arith.constant dense<0.000000e+00> : vector<1024x128xf32>
    %dot_general3A_143 = tpu.matmul %get3A_126, %convert_element_type3A_141, %dot_general3A_142 {dimension_numbers = #tpu.dot_dimension_numbers<[1], [0], [0], [1], [0, 0, 1, 1], [], []>, transpose_lhs_hint = false} : vector<1024x64xbf16>, vector<64x128xbf16>, vector<1024x128xf32> -> vector<1024x128xf32>
    %add3A_144 = arith.addf %dot_general3A_137, %dot_general3A_143 : vector<1024x128xf32>
    %get3A_145 = arith.constant 0 : index
    %get3A_146 = arith.constant 0 : index
    %get3A_147 = vector.load %arg17[%get3A_145, %get3A_146] : memref<64x128xf32, #tpu.memory_space<vmem>>, vector<64x128xf32>
    %convert_element_type3A_148 = arith.truncf %get3A_147 : vector<64x128xf32> to vector<64x128xbf16>
    %dot_general3A_149 = arith.constant dense<0.000000e+00> : vector<1024x128xf32>
    %dot_general3A_150 = tpu.matmul %get3A_131, %convert_element_type3A_148, %dot_general3A_149 {dimension_numbers = #tpu.dot_dimension_numbers<[1], [0], [0], [1], [0, 0, 1, 1], [], []>, transpose_lhs_hint = false} : vector<1024x64xbf16>, vector<64x128xbf16>, vector<1024x128xf32> -> vector<1024x128xf32>
    %add3A_151 = arith.addf %add3A_144, %dot_general3A_150 : vector<1024x128xf32>
    %get3A_152 = arith.constant 0 : index
    %get3A_153 = arith.constant 0 : index
    %get3A_154 = vector.load %arg18[%get3A_152, %get3A_153] : memref<1x128xf32, #tpu.memory_space<vmem>>, vector<1x128xf32>
    %add3A_155 = vector.broadcast %get3A_154 : vector<1x128xf32> to vector<1024x128xf32>
    %add3A_156 = arith.addf %add3A_151, %add3A_155 : vector<1024x128xf32>
    %max3A_157 = arith.constant 0.000000e+00 : f32
    %max3A_158 = vector.broadcast %max3A_157 : f32 to vector<1024x128xf32>
    %max3A_159 = arith.maximumf %add3A_156, %max3A_158 : vector<1024x128xf32>
    %get3A_160 = arith.constant 0 : index
    %get3A_161 = arith.constant 0 : index
    %get3A_162 = vector.load %arg19[%get3A_160, %get3A_161] : memref<128x64xf32, #tpu.memory_space<vmem>>, vector<128x64xf32>
    %convert_element_type3A_163 = arith.truncf %max3A_159 : vector<1024x128xf32> to vector<1024x128xbf16>
    %convert_element_type3A_164 = arith.truncf %get3A_162 : vector<128x64xf32> to vector<128x64xbf16>
    %dot_general3A_165 = arith.constant dense<0.000000e+00> : vector<1024x64xf32>
    %dot_general3A_166 = tpu.matmul %convert_element_type3A_163, %convert_element_type3A_164, %dot_general3A_165 {dimension_numbers = #tpu.dot_dimension_numbers<[1], [0], [0], [1], [0, 0, 1, 1], [], []>, transpose_lhs_hint = false} : vector<1024x128xbf16>, vector<128x64xbf16>, vector<1024x64xf32> -> vector<1024x64xf32>
    %get3A_167 = arith.constant 0 : index
    %get3A_168 = arith.constant 0 : index
    %get3A_169 = vector.load %arg20[%get3A_167, %get3A_168] : memref<1x64xf32, #tpu.memory_space<vmem>>, vector<1x64xf32>
    %add3A_170 = vector.broadcast %get3A_169 : vector<1x64xf32> to vector<1024x64xf32>
    %add3A_171 = arith.addf %dot_general3A_166, %add3A_170 : vector<1024x64xf32>
    %get3A_172 = arith.constant 0 : index
    %get3A_173 = arith.constant 0 : index
    %get3A_174 = vector.load %arg21[%get3A_172, %get3A_173] : memref<64x4xf32, #tpu.memory_space<vmem>>, vector<64x4xf32>
    %convert_element_type3A_175 = arith.truncf %add3A_171 : vector<1024x64xf32> to vector<1024x64xbf16>
    %convert_element_type3A_176 = arith.truncf %get3A_174 : vector<64x4xf32> to vector<64x4xbf16>
    %dot_general3A_177 = arith.constant dense<0.000000e+00> : vector<1024x4xf32>
    %dot_general3A_178 = tpu.matmul %convert_element_type3A_175, %convert_element_type3A_176, %dot_general3A_177 {dimension_numbers = #tpu.dot_dimension_numbers<[1], [0], [0], [1], [0, 0, 1, 1], [], []>, transpose_lhs_hint = false} : vector<1024x64xbf16>, vector<64x4xbf16>, vector<1024x4xf32> -> vector<1024x4xf32>
    %get3A_179 = arith.constant 0 : index
    %get3A_180 = arith.constant 0 : index
    %get3A_181 = vector.load %arg22[%get3A_179, %get3A_180] : memref<1x4xf32, #tpu.memory_space<vmem>>, vector<1x4xf32>
    %add3A_182 = vector.broadcast %get3A_181 : vector<1x4xf32> to vector<1024x4xf32>
    %add3A_183 = arith.addf %dot_general3A_178, %add3A_182 : vector<1024x4xf32>
    %get3A_184 = arith.constant 0 : index
    %get3A_185 = arith.constant 0 : index
    %get3A_186 = vector.load %arg8[%get3A_184, %get3A_185] : memref<1024x64xbf16, #tpu.memory_space<vmem>>, vector<1024x64xbf16>
    %get3A_187 = arith.constant 0 : index
    %get3A_188 = arith.constant 0 : index
    %get3A_189 = vector.load %arg9[%get3A_187, %get3A_188] : memref<1024x64xbf16, #tpu.memory_space<vmem>>, vector<1024x64xbf16>
    %get3A_190 = arith.constant 3 : index
    %get3A_191 = arith.constant 0 : index
    %get3A_192 = arith.constant 0 : index
    %get3A_193 = vector.load %arg1[%get3A_190, %get3A_191, %get3A_192] : memref<5x1024x64xbf16, #tpu.memory_space<vmem>>, vector<1x1024x64xbf16>
    %get3A_194 = vector.shape_cast %get3A_193 : vector<1x1024x64xbf16> to vector<1024x64xbf16>
    %get3A_195 = arith.constant 0 : index
    %get3A_196 = arith.constant 0 : index
    %get3A_197 = vector.load %arg15[%get3A_195, %get3A_196] : memref<64x128xf32, #tpu.memory_space<vmem>>, vector<64x128xf32>
    %convert_element_type3A_198 = arith.truncf %get3A_197 : vector<64x128xf32> to vector<64x128xbf16>
    %dot_general3A_199 = arith.constant dense<0.000000e+00> : vector<1024x128xf32>
    %dot_general3A_200 = tpu.matmul %get3A_186, %convert_element_type3A_198, %dot_general3A_199 {dimension_numbers = #tpu.dot_dimension_numbers<[1], [0], [0], [1], [0, 0, 1, 1], [], []>, transpose_lhs_hint = false} : vector<1024x64xbf16>, vector<64x128xbf16>, vector<1024x128xf32> -> vector<1024x128xf32>
    %get3A_201 = arith.constant 0 : index
    %get3A_202 = arith.constant 0 : index
    %get3A_203 = vector.load %arg16[%get3A_201, %get3A_202] : memref<64x128xf32, #tpu.memory_space<vmem>>, vector<64x128xf32>
    %convert_element_type3A_204 = arith.truncf %get3A_203 : vector<64x128xf32> to vector<64x128xbf16>
    %dot_general3A_205 = arith.constant dense<0.000000e+00> : vector<1024x128xf32>
    %dot_general3A_206 = tpu.matmul %get3A_189, %convert_element_type3A_204, %dot_general3A_205 {dimension_numbers = #tpu.dot_dimension_numbers<[1], [0], [0], [1], [0, 0, 1, 1], [], []>, transpose_lhs_hint = false} : vector<1024x64xbf16>, vector<64x128xbf16>, vector<1024x128xf32> -> vector<1024x128xf32>
    %add3A_207 = arith.addf %dot_general3A_200, %dot_general3A_206 : vector<1024x128xf32>
    %get3A_208 = arith.constant 0 : index
    %get3A_209 = arith.constant 0 : index
    %get3A_210 = vector.load %arg17[%get3A_208, %get3A_209] : memref<64x128xf32, #tpu.memory_space<vmem>>, vector<64x128xf32>
    %convert_element_type3A_211 = arith.truncf %get3A_210 : vector<64x128xf32> to vector<64x128xbf16>
    %dot_general3A_212 = arith.constant dense<0.000000e+00> : vector<1024x128xf32>
    %dot_general3A_213 = tpu.matmul %get3A_194, %convert_element_type3A_211, %dot_general3A_212 {dimension_numbers = #tpu.dot_dimension_numbers<[1], [0], [0], [1], [0, 0, 1, 1], [], []>, transpose_lhs_hint = false} : vector<1024x64xbf16>, vector<64x128xbf16>, vector<1024x128xf32> -> vector<1024x128xf32>
    %add3A_214 = arith.addf %add3A_207, %dot_general3A_213 : vector<1024x128xf32>
    %get3A_215 = arith.constant 0 : index
    %get3A_216 = arith.constant 0 : index
    %get3A_217 = vector.load %arg18[%get3A_215, %get3A_216] : memref<1x128xf32, #tpu.memory_space<vmem>>, vector<1x128xf32>
    %add3A_218 = vector.broadcast %get3A_217 : vector<1x128xf32> to vector<1024x128xf32>
    %add3A_219 = arith.addf %add3A_214, %add3A_218 : vector<1024x128xf32>
    %max3A_220 = arith.constant 0.000000e+00 : f32
    %max3A_221 = vector.broadcast %max3A_220 : f32 to vector<1024x128xf32>
    %max3A_222 = arith.maximumf %add3A_219, %max3A_221 : vector<1024x128xf32>
    %get3A_223 = arith.constant 0 : index
    %get3A_224 = arith.constant 0 : index
    %get3A_225 = vector.load %arg19[%get3A_223, %get3A_224] : memref<128x64xf32, #tpu.memory_space<vmem>>, vector<128x64xf32>
    %convert_element_type3A_226 = arith.truncf %max3A_222 : vector<1024x128xf32> to vector<1024x128xbf16>
    %convert_element_type3A_227 = arith.truncf %get3A_225 : vector<128x64xf32> to vector<128x64xbf16>
    %dot_general3A_228 = arith.constant dense<0.000000e+00> : vector<1024x64xf32>
    %dot_general3A_229 = tpu.matmul %convert_element_type3A_226, %convert_element_type3A_227, %dot_general3A_228 {dimension_numbers = #tpu.dot_dimension_numbers<[1], [0], [0], [1], [0, 0, 1, 1], [], []>, transpose_lhs_hint = false} : vector<1024x128xbf16>, vector<128x64xbf16>, vector<1024x64xf32> -> vector<1024x64xf32>
    %get3A_230 = arith.constant 0 : index
    %get3A_231 = arith.constant 0 : index
    %get3A_232 = vector.load %arg20[%get3A_230, %get3A_231] : memref<1x64xf32, #tpu.memory_space<vmem>>, vector<1x64xf32>
    %add3A_233 = vector.broadcast %get3A_232 : vector<1x64xf32> to vector<1024x64xf32>
    %add3A_234 = arith.addf %dot_general3A_229, %add3A_233 : vector<1024x64xf32>
    %get3A_235 = arith.constant 0 : index
    %get3A_236 = arith.constant 0 : index
    %get3A_237 = vector.load %arg21[%get3A_235, %get3A_236] : memref<64x4xf32, #tpu.memory_space<vmem>>, vector<64x4xf32>
    %convert_element_type3A_238 = arith.truncf %add3A_234 : vector<1024x64xf32> to vector<1024x64xbf16>
    %convert_element_type3A_239 = arith.truncf %get3A_237 : vector<64x4xf32> to vector<64x4xbf16>
    %dot_general3A_240 = arith.constant dense<0.000000e+00> : vector<1024x4xf32>
    %dot_general3A_241 = tpu.matmul %convert_element_type3A_238, %convert_element_type3A_239, %dot_general3A_240 {dimension_numbers = #tpu.dot_dimension_numbers<[1], [0], [0], [1], [0, 0, 1, 1], [], []>, transpose_lhs_hint = false} : vector<1024x64xbf16>, vector<64x4xbf16>, vector<1024x4xf32> -> vector<1024x4xf32>
    %get3A_242 = arith.constant 0 : index
    %get3A_243 = arith.constant 0 : index
    %get3A_244 = vector.load %arg22[%get3A_242, %get3A_243] : memref<1x4xf32, #tpu.memory_space<vmem>>, vector<1x4xf32>
    %add3A_245 = vector.broadcast %get3A_244 : vector<1x4xf32> to vector<1024x4xf32>
    %add3A_246 = arith.addf %dot_general3A_241, %add3A_245 : vector<1024x4xf32>
    %get3A_247 = arith.constant 0 : index
    %get3A_248 = arith.constant 0 : index
    %get3A_249 = vector.load %arg10[%get3A_247, %get3A_248] : memref<1024x64xbf16, #tpu.memory_space<vmem>>, vector<1024x64xbf16>
    %get3A_250 = arith.constant 0 : index
    %get3A_251 = arith.constant 0 : index
    %get3A_252 = vector.load %arg11[%get3A_250, %get3A_251] : memref<1024x64xbf16, #tpu.memory_space<vmem>>, vector<1024x64xbf16>
    %get3A_253 = arith.constant 4 : index
    %get3A_254 = arith.constant 0 : index
    %get3A_255 = arith.constant 0 : index
    %get3A_256 = vector.load %arg1[%get3A_253, %get3A_254, %get3A_255] : memref<5x1024x64xbf16, #tpu.memory_space<vmem>>, vector<1x1024x64xbf16>
    %get3A_257 = vector.shape_cast %get3A_256 : vector<1x1024x64xbf16> to vector<1024x64xbf16>
    %get3A_258 = arith.constant 0 : index
    %get3A_259 = arith.constant 0 : index
    %get3A_260 = vector.load %arg15[%get3A_258, %get3A_259] : memref<64x128xf32, #tpu.memory_space<vmem>>, vector<64x128xf32>
    %convert_element_type3A_261 = arith.truncf %get3A_260 : vector<64x128xf32> to vector<64x128xbf16>
    %dot_general3A_262 = arith.constant dense<0.000000e+00> : vector<1024x128xf32>
    %dot_general3A_263 = tpu.matmul %get3A_249, %convert_element_type3A_261, %dot_general3A_262 {dimension_numbers = #tpu.dot_dimension_numbers<[1], [0], [0], [1], [0, 0, 1, 1], [], []>, transpose_lhs_hint = false} : vector<1024x64xbf16>, vector<64x128xbf16>, vector<1024x128xf32> -> vector<1024x128xf32>
    %get3A_264 = arith.constant 0 : index
    %get3A_265 = arith.constant 0 : index
    %get3A_266 = vector.load %arg16[%get3A_264, %get3A_265] : memref<64x128xf32, #tpu.memory_space<vmem>>, vector<64x128xf32>
    %convert_element_type3A_267 = arith.truncf %get3A_266 : vector<64x128xf32> to vector<64x128xbf16>
    %dot_general3A_268 = arith.constant dense<0.000000e+00> : vector<1024x128xf32>
    %dot_general3A_269 = tpu.matmul %get3A_252, %convert_element_type3A_267, %dot_general3A_268 {dimension_numbers = #tpu.dot_dimension_numbers<[1], [0], [0], [1], [0, 0, 1, 1], [], []>, transpose_lhs_hint = false} : vector<1024x64xbf16>, vector<64x128xbf16>, vector<1024x128xf32> -> vector<1024x128xf32>
    %add3A_270 = arith.addf %dot_general3A_263, %dot_general3A_269 : vector<1024x128xf32>
    %get3A_271 = arith.constant 0 : index
    %get3A_272 = arith.constant 0 : index
    %get3A_273 = vector.load %arg17[%get3A_271, %get3A_272] : memref<64x128xf32, #tpu.memory_space<vmem>>, vector<64x128xf32>
    %convert_element_type3A_274 = arith.truncf %get3A_273 : vector<64x128xf32> to vector<64x128xbf16>
    %dot_general3A_275 = arith.constant dense<0.000000e+00> : vector<1024x128xf32>
    %dot_general3A_276 = tpu.matmul %get3A_257, %convert_element_type3A_274, %dot_general3A_275 {dimension_numbers = #tpu.dot_dimension_numbers<[1], [0], [0], [1], [0, 0, 1, 1], [], []>, transpose_lhs_hint = false} : vector<1024x64xbf16>, vector<64x128xbf16>, vector<1024x128xf32> -> vector<1024x128xf32>
    %add3A_277 = arith.addf %add3A_270, %dot_general3A_276 : vector<1024x128xf32>
    %get3A_278 = arith.constant 0 : index
    %get3A_279 = arith.constant 0 : index
    %get3A_280 = vector.load %arg18[%get3A_278, %get3A_279] : memref<1x128xf32, #tpu.memory_space<vmem>>, vector<1x128xf32>
    %add3A_281 = vector.broadcast %get3A_280 : vector<1x128xf32> to vector<1024x128xf32>
    %add3A_282 = arith.addf %add3A_277, %add3A_281 : vector<1024x128xf32>
    %max3A_283 = arith.constant 0.000000e+00 : f32
    %max3A_284 = vector.broadcast %max3A_283 : f32 to vector<1024x128xf32>
    %max3A_285 = arith.maximumf %add3A_282, %max3A_284 : vector<1024x128xf32>
    %get3A_286 = arith.constant 0 : index
    %get3A_287 = arith.constant 0 : index
    %get3A_288 = vector.load %arg19[%get3A_286, %get3A_287] : memref<128x64xf32, #tpu.memory_space<vmem>>, vector<128x64xf32>
    %convert_element_type3A_289 = arith.truncf %max3A_285 : vector<1024x128xf32> to vector<1024x128xbf16>
    %convert_element_type3A_290 = arith.truncf %get3A_288 : vector<128x64xf32> to vector<128x64xbf16>
    %dot_general3A_291 = arith.constant dense<0.000000e+00> : vector<1024x64xf32>
    %dot_general3A_292 = tpu.matmul %convert_element_type3A_289, %convert_element_type3A_290, %dot_general3A_291 {dimension_numbers = #tpu.dot_dimension_numbers<[1], [0], [0], [1], [0, 0, 1, 1], [], []>, transpose_lhs_hint = false} : vector<1024x128xbf16>, vector<128x64xbf16>, vector<1024x64xf32> -> vector<1024x64xf32>
    %get3A_293 = arith.constant 0 : index
    %get3A_294 = arith.constant 0 : index
    %get3A_295 = vector.load %arg20[%get3A_293, %get3A_294] : memref<1x64xf32, #tpu.memory_space<vmem>>, vector<1x64xf32>
    %add3A_296 = vector.broadcast %get3A_295 : vector<1x64xf32> to vector<1024x64xf32>
    %add3A_297 = arith.addf %dot_general3A_292, %add3A_296 : vector<1024x64xf32>
    %get3A_298 = arith.constant 0 : index
    %get3A_299 = arith.constant 0 : index
    %get3A_300 = vector.load %arg21[%get3A_298, %get3A_299] : memref<64x4xf32, #tpu.memory_space<vmem>>, vector<64x4xf32>
    %convert_element_type3A_301 = arith.truncf %add3A_297 : vector<1024x64xf32> to vector<1024x64xbf16>
    %convert_element_type3A_302 = arith.truncf %get3A_300 : vector<64x4xf32> to vector<64x4xbf16>
    %dot_general3A_303 = arith.constant dense<0.000000e+00> : vector<1024x4xf32>
    %dot_general3A_304 = tpu.matmul %convert_element_type3A_301, %convert_element_type3A_302, %dot_general3A_303 {dimension_numbers = #tpu.dot_dimension_numbers<[1], [0], [0], [1], [0, 0, 1, 1], [], []>, transpose_lhs_hint = false} : vector<1024x64xbf16>, vector<64x4xbf16>, vector<1024x4xf32> -> vector<1024x4xf32>
    %get3A_305 = arith.constant 0 : index
    %get3A_306 = arith.constant 0 : index
    %get3A_307 = vector.load %arg22[%get3A_305, %get3A_306] : memref<1x4xf32, #tpu.memory_space<vmem>>, vector<1x4xf32>
    %add3A_308 = vector.broadcast %get3A_307 : vector<1x4xf32> to vector<1024x4xf32>
    %add3A_309 = arith.addf %dot_general3A_304, %add3A_308 : vector<1024x4xf32>
    %broadcast_in_dim3A = arith.constant 0.000000e+00 : f32
    %broadcast_in_dim3A_310 = vector.broadcast %broadcast_in_dim3A : f32 to vector<1024x64xf32>
    %get3A_311 = arith.constant 0 : index
    %get3A_312 = arith.constant 0 : index
    %get3A_313 = vector.load %arg23[%get3A_311, %get3A_312] : memref<4x64xf32, #tpu.memory_space<vmem>>, vector<4x64xf32>
    %convert_element_type3A_314 = arith.truncf %add3A_57 : vector<1024x4xf32> to vector<1024x4xbf16>
    %convert_element_type3A_315 = arith.truncf %get3A_313 : vector<4x64xf32> to vector<4x64xbf16>
    %dot_general3A_316 = arith.constant dense<0.000000e+00> : vector<1024x64xf32>
    %dot_general3A_317 = tpu.matmul %convert_element_type3A_314, %convert_element_type3A_315, %dot_general3A_316 {dimension_numbers = #tpu.dot_dimension_numbers<[1], [0], [0], [1], [0, 0, 1, 1], [], []>, transpose_lhs_hint = false} : vector<1024x4xbf16>, vector<4x64xbf16>, vector<1024x64xf32> -> vector<1024x64xf32>
    %get3A_318 = arith.constant 0 : index
    %get3A_319 = arith.constant 0 : index
    %get3A_320 = vector.load %arg29[%get3A_318, %get3A_319] : memref<1x64xf32, #tpu.memory_space<vmem>>, vector<1x64xf32>
    %add3A_321 = vector.broadcast %get3A_320 : vector<1x64xf32> to vector<1024x64xf32>
    %add3A_322 = arith.addf %dot_general3A_317, %add3A_321 : vector<1024x64xf32>
    %get3A_323 = arith.constant 0 : index
    %get3A_324 = arith.constant 0 : index
    %get3A_325 = vector.load %arg26[%get3A_323, %get3A_324] : memref<64x64xf32, #tpu.memory_space<vmem>>, vector<64x64xf32>
    %convert_element_type3A_326 = arith.truncf %broadcast_in_dim3A_310 : vector<1024x64xf32> to vector<1024x64xbf16>
    %convert_element_type3A_327 = arith.truncf %get3A_325 : vector<64x64xf32> to vector<64x64xbf16>
    %dot_general3A_328 = arith.constant dense<0.000000e+00> : vector<1024x64xf32>
    %dot_general3A_329 = tpu.matmul %convert_element_type3A_326, %convert_element_type3A_327, %dot_general3A_328 {dimension_numbers = #tpu.dot_dimension_numbers<[1], [0], [0], [1], [0, 0, 1, 1], [], []>, transpose_lhs_hint = false} : vector<1024x64xbf16>, vector<64x64xbf16>, vector<1024x64xf32> -> vector<1024x64xf32>
    %add3A_330 = arith.addf %add3A_322, %dot_general3A_329 : vector<1024x64xf32>
    %get3A_331 = arith.constant 0 : index
    %get3A_332 = arith.constant 0 : index
    %get3A_333 = vector.load %arg32[%get3A_331, %get3A_332] : memref<1x64xf32, #tpu.memory_space<vmem>>, vector<1x64xf32>
    %add3A_334 = vector.broadcast %get3A_333 : vector<1x64xf32> to vector<1024x64xf32>
    %add3A_335 = arith.addf %add3A_330, %add3A_334 : vector<1024x64xf32>
    %logistic3A = arith.negf %add3A_335 : vector<1024x64xf32>
    %logistic3A_336 = math.exp %logistic3A : vector<1024x64xf32>
    %logistic3A_337 = arith.constant 1.000000e+00 : f32
    %logistic3A_338 = vector.broadcast %logistic3A_337 : f32 to vector<1024x64xf32>
    %logistic3A_339 = arith.addf %logistic3A_338, %logistic3A_336 : vector<1024x64xf32>
    %logistic3A_340 = arith.divf %logistic3A_338, %logistic3A_339 : vector<1024x64xf32>
    %get3A_341 = arith.constant 0 : index
    %get3A_342 = arith.constant 0 : index
    %get3A_343 = vector.load %arg24[%get3A_341, %get3A_342] : memref<4x64xf32, #tpu.memory_space<vmem>>, vector<4x64xf32>
    %convert_element_type3A_344 = arith.truncf %add3A_57 : vector<1024x4xf32> to vector<1024x4xbf16>
    %convert_element_type3A_345 = arith.truncf %get3A_343 : vector<4x64xf32> to vector<4x64xbf16>
    %dot_general3A_346 = arith.constant dense<0.000000e+00> : vector<1024x64xf32>
    %dot_general3A_347 = tpu.matmul %convert_element_type3A_344, %convert_element_type3A_345, %dot_general3A_346 {dimension_numbers = #tpu.dot_dimension_numbers<[1], [0], [0], [1], [0, 0, 1, 1], [], []>, transpose_lhs_hint = false} : vector<1024x4xbf16>, vector<4x64xbf16>, vector<1024x64xf32> -> vector<1024x64xf32>
    %get3A_348 = arith.constant 0 : index
    %get3A_349 = arith.constant 0 : index
    %get3A_350 = vector.load %arg30[%get3A_348, %get3A_349] : memref<1x64xf32, #tpu.memory_space<vmem>>, vector<1x64xf32>
    %add3A_351 = vector.broadcast %get3A_350 : vector<1x64xf32> to vector<1024x64xf32>
    %add3A_352 = arith.addf %dot_general3A_347, %add3A_351 : vector<1024x64xf32>
    %get3A_353 = arith.constant 0 : index
    %get3A_354 = arith.constant 0 : index
    %get3A_355 = vector.load %arg27[%get3A_353, %get3A_354] : memref<64x64xf32, #tpu.memory_space<vmem>>, vector<64x64xf32>
    %convert_element_type3A_356 = arith.truncf %broadcast_in_dim3A_310 : vector<1024x64xf32> to vector<1024x64xbf16>
    %convert_element_type3A_357 = arith.truncf %get3A_355 : vector<64x64xf32> to vector<64x64xbf16>
    %dot_general3A_358 = arith.constant dense<0.000000e+00> : vector<1024x64xf32>
    %dot_general3A_359 = tpu.matmul %convert_element_type3A_356, %convert_element_type3A_357, %dot_general3A_358 {dimension_numbers = #tpu.dot_dimension_numbers<[1], [0], [0], [1], [0, 0, 1, 1], [], []>, transpose_lhs_hint = false} : vector<1024x64xbf16>, vector<64x64xbf16>, vector<1024x64xf32> -> vector<1024x64xf32>
    %add3A_360 = arith.addf %add3A_352, %dot_general3A_359 : vector<1024x64xf32>
    %get3A_361 = arith.constant 0 : index
    %get3A_362 = arith.constant 0 : index
    %get3A_363 = vector.load %arg33[%get3A_361, %get3A_362] : memref<1x64xf32, #tpu.memory_space<vmem>>, vector<1x64xf32>
    %add3A_364 = vector.broadcast %get3A_363 : vector<1x64xf32> to vector<1024x64xf32>
    %add3A_365 = arith.addf %add3A_360, %add3A_364 : vector<1024x64xf32>
    %logistic3A_366 = arith.negf %add3A_365 : vector<1024x64xf32>
    %logistic3A_367 = math.exp %logistic3A_366 : vector<1024x64xf32>
    %logistic3A_368 = arith.constant 1.000000e+00 : f32
    %logistic3A_369 = vector.broadcast %logistic3A_368 : f32 to vector<1024x64xf32>
    %logistic3A_370 = arith.addf %logistic3A_369, %logistic3A_367 : vector<1024x64xf32>
    %logistic3A_371 = arith.divf %logistic3A_369, %logistic3A_370 : vector<1024x64xf32>
    %get3A_372 = arith.constant 0 : index
    %get3A_373 = arith.constant 0 : index
    %get3A_374 = vector.load %arg25[%get3A_372, %get3A_373] : memref<4x64xf32, #tpu.memory_space<vmem>>, vector<4x64xf32>
    %convert_element_type3A_375 = arith.truncf %add3A_57 : vector<1024x4xf32> to vector<1024x4xbf16>
    %convert_element_type3A_376 = arith.truncf %get3A_374 : vector<4x64xf32> to vector<4x64xbf16>
    %dot_general3A_377 = arith.constant dense<0.000000e+00> : vector<1024x64xf32>
    %dot_general3A_378 = tpu.matmul %convert_element_type3A_375, %convert_element_type3A_376, %dot_general3A_377 {dimension_numbers = #tpu.dot_dimension_numbers<[1], [0], [0], [1], [0, 0, 1, 1], [], []>, transpose_lhs_hint = false} : vector<1024x4xbf16>, vector<4x64xbf16>, vector<1024x64xf32> -> vector<1024x64xf32>
    %get3A_379 = arith.constant 0 : index
    %get3A_380 = arith.constant 0 : index
    %get3A_381 = vector.load %arg31[%get3A_379, %get3A_380] : memref<1x64xf32, #tpu.memory_space<vmem>>, vector<1x64xf32>
    %add3A_382 = vector.broadcast %get3A_381 : vector<1x64xf32> to vector<1024x64xf32>
    %add3A_383 = arith.addf %dot_general3A_378, %add3A_382 : vector<1024x64xf32>
    %get3A_384 = arith.constant 0 : index
    %get3A_385 = arith.constant 0 : index
    %get3A_386 = vector.load %arg28[%get3A_384, %get3A_385] : memref<64x64xf32, #tpu.memory_space<vmem>>, vector<64x64xf32>
    %convert_element_type3A_387 = arith.truncf %broadcast_in_dim3A_310 : vector<1024x64xf32> to vector<1024x64xbf16>
    %convert_element_type3A_388 = arith.truncf %get3A_386 : vector<64x64xf32> to vector<64x64xbf16>
    %dot_general3A_389 = arith.constant dense<0.000000e+00> : vector<1024x64xf32>
    %dot_general3A_390 = tpu.matmul %convert_element_type3A_387, %convert_element_type3A_388, %dot_general3A_389 {dimension_numbers = #tpu.dot_dimension_numbers<[1], [0], [0], [1], [0, 0, 1, 1], [], []>, transpose_lhs_hint = false} : vector<1024x64xbf16>, vector<64x64xbf16>, vector<1024x64xf32> -> vector<1024x64xf32>
    %get3A_391 = arith.constant 0 : index
    %get3A_392 = arith.constant 0 : index
    %get3A_393 = vector.load %arg34[%get3A_391, %get3A_392] : memref<1x64xf32, #tpu.memory_space<vmem>>, vector<1x64xf32>
    %add3A_394 = vector.broadcast %get3A_393 : vector<1x64xf32> to vector<1024x64xf32>
    %add3A_395 = arith.addf %dot_general3A_390, %add3A_394 : vector<1024x64xf32>
    %mul3A = arith.mulf %logistic3A_340, %add3A_395 : vector<1024x64xf32>
    %add3A_396 = arith.addf %add3A_383, %mul3A : vector<1024x64xf32>
    %tanh3A = math.tanh %add3A_396 : vector<1024x64xf32>
    %sub3A = arith.constant 1.000000e+00 : f32
    %sub3A_397 = vector.broadcast %sub3A : f32 to vector<1024x64xf32>
    %sub3A_398 = arith.subf %sub3A_397, %logistic3A_371 : vector<1024x64xf32>
    %mul3A_399 = arith.mulf %sub3A_398, %tanh3A : vector<1024x64xf32>
    %mul3A_400 = arith.mulf %logistic3A_371, %broadcast_in_dim3A_310 : vector<1024x64xf32>
    %add3A_401 = arith.addf %mul3A_399, %mul3A_400 : vector<1024x64xf32>
    %get3A_402 = arith.constant 0 : index
    %get3A_403 = arith.constant 0 : index
    %get3A_404 = vector.load %arg23[%get3A_402, %get3A_403] : memref<4x64xf32, #tpu.memory_space<vmem>>, vector<4x64xf32>
    %convert_element_type3A_405 = arith.truncf %add3A_120 : vector<1024x4xf32> to vector<1024x4xbf16>
    %convert_element_type3A_406 = arith.truncf %get3A_404 : vector<4x64xf32> to vector<4x64xbf16>
    %dot_general3A_407 = arith.constant dense<0.000000e+00> : vector<1024x64xf32>
    %dot_general3A_408 = tpu.matmul %convert_element_type3A_405, %convert_element_type3A_406, %dot_general3A_407 {dimension_numbers = #tpu.dot_dimension_numbers<[1], [0], [0], [1], [0, 0, 1, 1], [], []>, transpose_lhs_hint = false} : vector<1024x4xbf16>, vector<4x64xbf16>, vector<1024x64xf32> -> vector<1024x64xf32>
    %get3A_409 = arith.constant 0 : index
    %get3A_410 = arith.constant 0 : index
    %get3A_411 = vector.load %arg29[%get3A_409, %get3A_410] : memref<1x64xf32, #tpu.memory_space<vmem>>, vector<1x64xf32>
    %add3A_412 = vector.broadcast %get3A_411 : vector<1x64xf32> to vector<1024x64xf32>
    %add3A_413 = arith.addf %dot_general3A_408, %add3A_412 : vector<1024x64xf32>
    %get3A_414 = arith.constant 0 : index
    %get3A_415 = arith.constant 0 : index
    %get3A_416 = vector.load %arg26[%get3A_414, %get3A_415] : memref<64x64xf32, #tpu.memory_space<vmem>>, vector<64x64xf32>
    %convert_element_type3A_417 = arith.truncf %add3A_401 : vector<1024x64xf32> to vector<1024x64xbf16>
    %convert_element_type3A_418 = arith.truncf %get3A_416 : vector<64x64xf32> to vector<64x64xbf16>
    %dot_general3A_419 = arith.constant dense<0.000000e+00> : vector<1024x64xf32>
    %dot_general3A_420 = tpu.matmul %convert_element_type3A_417, %convert_element_type3A_418, %dot_general3A_419 {dimension_numbers = #tpu.dot_dimension_numbers<[1], [0], [0], [1], [0, 0, 1, 1], [], []>, transpose_lhs_hint = false} : vector<1024x64xbf16>, vector<64x64xbf16>, vector<1024x64xf32> -> vector<1024x64xf32>
    %add3A_421 = arith.addf %add3A_413, %dot_general3A_420 : vector<1024x64xf32>
    %get3A_422 = arith.constant 0 : index
    %get3A_423 = arith.constant 0 : index
    %get3A_424 = vector.load %arg32[%get3A_422, %get3A_423] : memref<1x64xf32, #tpu.memory_space<vmem>>, vector<1x64xf32>
    %add3A_425 = vector.broadcast %get3A_424 : vector<1x64xf32> to vector<1024x64xf32>
    %add3A_426 = arith.addf %add3A_421, %add3A_425 : vector<1024x64xf32>
    %logistic3A_427 = arith.negf %add3A_426 : vector<1024x64xf32>
    %logistic3A_428 = math.exp %logistic3A_427 : vector<1024x64xf32>
    %logistic3A_429 = arith.constant 1.000000e+00 : f32
    %logistic3A_430 = vector.broadcast %logistic3A_429 : f32 to vector<1024x64xf32>
    %logistic3A_431 = arith.addf %logistic3A_430, %logistic3A_428 : vector<1024x64xf32>
    %logistic3A_432 = arith.divf %logistic3A_430, %logistic3A_431 : vector<1024x64xf32>
    %get3A_433 = arith.constant 0 : index
    %get3A_434 = arith.constant 0 : index
    %get3A_435 = vector.load %arg24[%get3A_433, %get3A_434] : memref<4x64xf32, #tpu.memory_space<vmem>>, vector<4x64xf32>
    %convert_element_type3A_436 = arith.truncf %add3A_120 : vector<1024x4xf32> to vector<1024x4xbf16>
    %convert_element_type3A_437 = arith.truncf %get3A_435 : vector<4x64xf32> to vector<4x64xbf16>
    %dot_general3A_438 = arith.constant dense<0.000000e+00> : vector<1024x64xf32>
    %dot_general3A_439 = tpu.matmul %convert_element_type3A_436, %convert_element_type3A_437, %dot_general3A_438 {dimension_numbers = #tpu.dot_dimension_numbers<[1], [0], [0], [1], [0, 0, 1, 1], [], []>, transpose_lhs_hint = false} : vector<1024x4xbf16>, vector<4x64xbf16>, vector<1024x64xf32> -> vector<1024x64xf32>
    %get3A_440 = arith.constant 0 : index
    %get3A_441 = arith.constant 0 : index
    %get3A_442 = vector.load %arg30[%get3A_440, %get3A_441] : memref<1x64xf32, #tpu.memory_space<vmem>>, vector<1x64xf32>
    %add3A_443 = vector.broadcast %get3A_442 : vector<1x64xf32> to vector<1024x64xf32>
    %add3A_444 = arith.addf %dot_general3A_439, %add3A_443 : vector<1024x64xf32>
    %get3A_445 = arith.constant 0 : index
    %get3A_446 = arith.constant 0 : index
    %get3A_447 = vector.load %arg27[%get3A_445, %get3A_446] : memref<64x64xf32, #tpu.memory_space<vmem>>, vector<64x64xf32>
    %convert_element_type3A_448 = arith.truncf %add3A_401 : vector<1024x64xf32> to vector<1024x64xbf16>
    %convert_element_type3A_449 = arith.truncf %get3A_447 : vector<64x64xf32> to vector<64x64xbf16>
    %dot_general3A_450 = arith.constant dense<0.000000e+00> : vector<1024x64xf32>
    %dot_general3A_451 = tpu.matmul %convert_element_type3A_448, %convert_element_type3A_449, %dot_general3A_450 {dimension_numbers = #tpu.dot_dimension_numbers<[1], [0], [0], [1], [0, 0, 1, 1], [], []>, transpose_lhs_hint = false} : vector<1024x64xbf16>, vector<64x64xbf16>, vector<1024x64xf32> -> vector<1024x64xf32>
    %add3A_452 = arith.addf %add3A_444, %dot_general3A_451 : vector<1024x64xf32>
    %get3A_453 = arith.constant 0 : index
    %get3A_454 = arith.constant 0 : index
    %get3A_455 = vector.load %arg33[%get3A_453, %get3A_454] : memref<1x64xf32, #tpu.memory_space<vmem>>, vector<1x64xf32>
    %add3A_456 = vector.broadcast %get3A_455 : vector<1x64xf32> to vector<1024x64xf32>
    %add3A_457 = arith.addf %add3A_452, %add3A_456 : vector<1024x64xf32>
    %logistic3A_458 = arith.negf %add3A_457 : vector<1024x64xf32>
    %logistic3A_459 = math.exp %logistic3A_458 : vector<1024x64xf32>
    %logistic3A_460 = arith.constant 1.000000e+00 : f32
    %logistic3A_461 = vector.broadcast %logistic3A_460 : f32 to vector<1024x64xf32>
    %logistic3A_462 = arith.addf %logistic3A_461, %logistic3A_459 : vector<1024x64xf32>
    %logistic3A_463 = arith.divf %logistic3A_461, %logistic3A_462 : vector<1024x64xf32>
    %get3A_464 = arith.constant 0 : index
    %get3A_465 = arith.constant 0 : index
    %get3A_466 = vector.load %arg25[%get3A_464, %get3A_465] : memref<4x64xf32, #tpu.memory_space<vmem>>, vector<4x64xf32>
    %convert_element_type3A_467 = arith.truncf %add3A_120 : vector<1024x4xf32> to vector<1024x4xbf16>
    %convert_element_type3A_468 = arith.truncf %get3A_466 : vector<4x64xf32> to vector<4x64xbf16>
    %dot_general3A_469 = arith.constant dense<0.000000e+00> : vector<1024x64xf32>
    %dot_general3A_470 = tpu.matmul %convert_element_type3A_467, %convert_element_type3A_468, %dot_general3A_469 {dimension_numbers = #tpu.dot_dimension_numbers<[1], [0], [0], [1], [0, 0, 1, 1], [], []>, transpose_lhs_hint = false} : vector<1024x4xbf16>, vector<4x64xbf16>, vector<1024x64xf32> -> vector<1024x64xf32>
    %get3A_471 = arith.constant 0 : index
    %get3A_472 = arith.constant 0 : index
    %get3A_473 = vector.load %arg31[%get3A_471, %get3A_472] : memref<1x64xf32, #tpu.memory_space<vmem>>, vector<1x64xf32>
    %add3A_474 = vector.broadcast %get3A_473 : vector<1x64xf32> to vector<1024x64xf32>
    %add3A_475 = arith.addf %dot_general3A_470, %add3A_474 : vector<1024x64xf32>
    %get3A_476 = arith.constant 0 : index
    %get3A_477 = arith.constant 0 : index
    %get3A_478 = vector.load %arg28[%get3A_476, %get3A_477] : memref<64x64xf32, #tpu.memory_space<vmem>>, vector<64x64xf32>
    %convert_element_type3A_479 = arith.truncf %add3A_401 : vector<1024x64xf32> to vector<1024x64xbf16>
    %convert_element_type3A_480 = arith.truncf %get3A_478 : vector<64x64xf32> to vector<64x64xbf16>
    %dot_general3A_481 = arith.constant dense<0.000000e+00> : vector<1024x64xf32>
    %dot_general3A_482 = tpu.matmul %convert_element_type3A_479, %convert_element_type3A_480, %dot_general3A_481 {dimension_numbers = #tpu.dot_dimension_numbers<[1], [0], [0], [1], [0, 0, 1, 1], [], []>, transpose_lhs_hint = false} : vector<1024x64xbf16>, vector<64x64xbf16>, vector<1024x64xf32> -> vector<1024x64xf32>
    %get3A_483 = arith.constant 0 : index
    %get3A_484 = arith.constant 0 : index
    %get3A_485 = vector.load %arg34[%get3A_483, %get3A_484] : memref<1x64xf32, #tpu.memory_space<vmem>>, vector<1x64xf32>
    %add3A_486 = vector.broadcast %get3A_485 : vector<1x64xf32> to vector<1024x64xf32>
    %add3A_487 = arith.addf %dot_general3A_482, %add3A_486 : vector<1024x64xf32>
    %mul3A_488 = arith.mulf %logistic3A_432, %add3A_487 : vector<1024x64xf32>
    %add3A_489 = arith.addf %add3A_475, %mul3A_488 : vector<1024x64xf32>
    %tanh3A_490 = math.tanh %add3A_489 : vector<1024x64xf32>
    %sub3A_491 = arith.constant 1.000000e+00 : f32
    %sub3A_492 = vector.broadcast %sub3A_491 : f32 to vector<1024x64xf32>
    %sub3A_493 = arith.subf %sub3A_492, %logistic3A_463 : vector<1024x64xf32>
    %mul3A_494 = arith.mulf %sub3A_493, %tanh3A_490 : vector<1024x64xf32>
    %mul3A_495 = arith.mulf %logistic3A_463, %add3A_401 : vector<1024x64xf32>
    %add3A_496 = arith.addf %mul3A_494, %mul3A_495 : vector<1024x64xf32>
    %get3A_497 = arith.constant 0 : index
    %get3A_498 = arith.constant 0 : index
    %get3A_499 = vector.load %arg23[%get3A_497, %get3A_498] : memref<4x64xf32, #tpu.memory_space<vmem>>, vector<4x64xf32>
    %convert_element_type3A_500 = arith.truncf %add3A_183 : vector<1024x4xf32> to vector<1024x4xbf16>
    %convert_element_type3A_501 = arith.truncf %get3A_499 : vector<4x64xf32> to vector<4x64xbf16>
    %dot_general3A_502 = arith.constant dense<0.000000e+00> : vector<1024x64xf32>
    %dot_general3A_503 = tpu.matmul %convert_element_type3A_500, %convert_element_type3A_501, %dot_general3A_502 {dimension_numbers = #tpu.dot_dimension_numbers<[1], [0], [0], [1], [0, 0, 1, 1], [], []>, transpose_lhs_hint = false} : vector<1024x4xbf16>, vector<4x64xbf16>, vector<1024x64xf32> -> vector<1024x64xf32>
    %get3A_504 = arith.constant 0 : index
    %get3A_505 = arith.constant 0 : index
    %get3A_506 = vector.load %arg29[%get3A_504, %get3A_505] : memref<1x64xf32, #tpu.memory_space<vmem>>, vector<1x64xf32>
    %add3A_507 = vector.broadcast %get3A_506 : vector<1x64xf32> to vector<1024x64xf32>
    %add3A_508 = arith.addf %dot_general3A_503, %add3A_507 : vector<1024x64xf32>
    %get3A_509 = arith.constant 0 : index
    %get3A_510 = arith.constant 0 : index
    %get3A_511 = vector.load %arg26[%get3A_509, %get3A_510] : memref<64x64xf32, #tpu.memory_space<vmem>>, vector<64x64xf32>
    %convert_element_type3A_512 = arith.truncf %add3A_496 : vector<1024x64xf32> to vector<1024x64xbf16>
    %convert_element_type3A_513 = arith.truncf %get3A_511 : vector<64x64xf32> to vector<64x64xbf16>
    %dot_general3A_514 = arith.constant dense<0.000000e+00> : vector<1024x64xf32>
    %dot_general3A_515 = tpu.matmul %convert_element_type3A_512, %convert_element_type3A_513, %dot_general3A_514 {dimension_numbers = #tpu.dot_dimension_numbers<[1], [0], [0], [1], [0, 0, 1, 1], [], []>, transpose_lhs_hint = false} : vector<1024x64xbf16>, vector<64x64xbf16>, vector<1024x64xf32> -> vector<1024x64xf32>
    %add3A_516 = arith.addf %add3A_508, %dot_general3A_515 : vector<1024x64xf32>
    %get3A_517 = arith.constant 0 : index
    %get3A_518 = arith.constant 0 : index
    %get3A_519 = vector.load %arg32[%get3A_517, %get3A_518] : memref<1x64xf32, #tpu.memory_space<vmem>>, vector<1x64xf32>
    %add3A_520 = vector.broadcast %get3A_519 : vector<1x64xf32> to vector<1024x64xf32>
    %add3A_521 = arith.addf %add3A_516, %add3A_520 : vector<1024x64xf32>
    %logistic3A_522 = arith.negf %add3A_521 : vector<1024x64xf32>
    %logistic3A_523 = math.exp %logistic3A_522 : vector<1024x64xf32>
    %logistic3A_524 = arith.constant 1.000000e+00 : f32
    %logistic3A_525 = vector.broadcast %logistic3A_524 : f32 to vector<1024x64xf32>
    %logistic3A_526 = arith.addf %logistic3A_525, %logistic3A_523 : vector<1024x64xf32>
    %logistic3A_527 = arith.divf %logistic3A_525, %logistic3A_526 : vector<1024x64xf32>
    %get3A_528 = arith.constant 0 : index
    %get3A_529 = arith.constant 0 : index
    %get3A_530 = vector.load %arg24[%get3A_528, %get3A_529] : memref<4x64xf32, #tpu.memory_space<vmem>>, vector<4x64xf32>
    %convert_element_type3A_531 = arith.truncf %add3A_183 : vector<1024x4xf32> to vector<1024x4xbf16>
    %convert_element_type3A_532 = arith.truncf %get3A_530 : vector<4x64xf32> to vector<4x64xbf16>
    %dot_general3A_533 = arith.constant dense<0.000000e+00> : vector<1024x64xf32>
    %dot_general3A_534 = tpu.matmul %convert_element_type3A_531, %convert_element_type3A_532, %dot_general3A_533 {dimension_numbers = #tpu.dot_dimension_numbers<[1], [0], [0], [1], [0, 0, 1, 1], [], []>, transpose_lhs_hint = false} : vector<1024x4xbf16>, vector<4x64xbf16>, vector<1024x64xf32> -> vector<1024x64xf32>
    %get3A_535 = arith.constant 0 : index
    %get3A_536 = arith.constant 0 : index
    %get3A_537 = vector.load %arg30[%get3A_535, %get3A_536] : memref<1x64xf32, #tpu.memory_space<vmem>>, vector<1x64xf32>
    %add3A_538 = vector.broadcast %get3A_537 : vector<1x64xf32> to vector<1024x64xf32>
    %add3A_539 = arith.addf %dot_general3A_534, %add3A_538 : vector<1024x64xf32>
    %get3A_540 = arith.constant 0 : index
    %get3A_541 = arith.constant 0 : index
    %get3A_542 = vector.load %arg27[%get3A_540, %get3A_541] : memref<64x64xf32, #tpu.memory_space<vmem>>, vector<64x64xf32>
    %convert_element_type3A_543 = arith.truncf %add3A_496 : vector<1024x64xf32> to vector<1024x64xbf16>
    %convert_element_type3A_544 = arith.truncf %get3A_542 : vector<64x64xf32> to vector<64x64xbf16>
    %dot_general3A_545 = arith.constant dense<0.000000e+00> : vector<1024x64xf32>
    %dot_general3A_546 = tpu.matmul %convert_element_type3A_543, %convert_element_type3A_544, %dot_general3A_545 {dimension_numbers = #tpu.dot_dimension_numbers<[1], [0], [0], [1], [0, 0, 1, 1], [], []>, transpose_lhs_hint = false} : vector<1024x64xbf16>, vector<64x64xbf16>, vector<1024x64xf32> -> vector<1024x64xf32>
    %add3A_547 = arith.addf %add3A_539, %dot_general3A_546 : vector<1024x64xf32>
    %get3A_548 = arith.constant 0 : index
    %get3A_549 = arith.constant 0 : index
    %get3A_550 = vector.load %arg33[%get3A_548, %get3A_549] : memref<1x64xf32, #tpu.memory_space<vmem>>, vector<1x64xf32>
    %add3A_551 = vector.broadcast %get3A_550 : vector<1x64xf32> to vector<1024x64xf32>
    %add3A_552 = arith.addf %add3A_547, %add3A_551 : vector<1024x64xf32>
    %logistic3A_553 = arith.negf %add3A_552 : vector<1024x64xf32>
    %logistic3A_554 = math.exp %logistic3A_553 : vector<1024x64xf32>
    %logistic3A_555 = arith.constant 1.000000e+00 : f32
    %logistic3A_556 = vector.broadcast %logistic3A_555 : f32 to vector<1024x64xf32>
    %logistic3A_557 = arith.addf %logistic3A_556, %logistic3A_554 : vector<1024x64xf32>
    %logistic3A_558 = arith.divf %logistic3A_556, %logistic3A_557 : vector<1024x64xf32>
    %get3A_559 = arith.constant 0 : index
    %get3A_560 = arith.constant 0 : index
    %get3A_561 = vector.load %arg25[%get3A_559, %get3A_560] : memref<4x64xf32, #tpu.memory_space<vmem>>, vector<4x64xf32>
    %convert_element_type3A_562 = arith.truncf %add3A_183 : vector<1024x4xf32> to vector<1024x4xbf16>
    %convert_element_type3A_563 = arith.truncf %get3A_561 : vector<4x64xf32> to vector<4x64xbf16>
    %dot_general3A_564 = arith.constant dense<0.000000e+00> : vector<1024x64xf32>
    %dot_general3A_565 = tpu.matmul %convert_element_type3A_562, %convert_element_type3A_563, %dot_general3A_564 {dimension_numbers = #tpu.dot_dimension_numbers<[1], [0], [0], [1], [0, 0, 1, 1], [], []>, transpose_lhs_hint = false} : vector<1024x4xbf16>, vector<4x64xbf16>, vector<1024x64xf32> -> vector<1024x64xf32>
    %get3A_566 = arith.constant 0 : index
    %get3A_567 = arith.constant 0 : index
    %get3A_568 = vector.load %arg31[%get3A_566, %get3A_567] : memref<1x64xf32, #tpu.memory_space<vmem>>, vector<1x64xf32>
    %add3A_569 = vector.broadcast %get3A_568 : vector<1x64xf32> to vector<1024x64xf32>
    %add3A_570 = arith.addf %dot_general3A_565, %add3A_569 : vector<1024x64xf32>
    %get3A_571 = arith.constant 0 : index
    %get3A_572 = arith.constant 0 : index
    %get3A_573 = vector.load %arg28[%get3A_571, %get3A_572] : memref<64x64xf32, #tpu.memory_space<vmem>>, vector<64x64xf32>
    %convert_element_type3A_574 = arith.truncf %add3A_496 : vector<1024x64xf32> to vector<1024x64xbf16>
    %convert_element_type3A_575 = arith.truncf %get3A_573 : vector<64x64xf32> to vector<64x64xbf16>
    %dot_general3A_576 = arith.constant dense<0.000000e+00> : vector<1024x64xf32>
    %dot_general3A_577 = tpu.matmul %convert_element_type3A_574, %convert_element_type3A_575, %dot_general3A_576 {dimension_numbers = #tpu.dot_dimension_numbers<[1], [0], [0], [1], [0, 0, 1, 1], [], []>, transpose_lhs_hint = false} : vector<1024x64xbf16>, vector<64x64xbf16>, vector<1024x64xf32> -> vector<1024x64xf32>
    %get3A_578 = arith.constant 0 : index
    %get3A_579 = arith.constant 0 : index
    %get3A_580 = vector.load %arg34[%get3A_578, %get3A_579] : memref<1x64xf32, #tpu.memory_space<vmem>>, vector<1x64xf32>
    %add3A_581 = vector.broadcast %get3A_580 : vector<1x64xf32> to vector<1024x64xf32>
    %add3A_582 = arith.addf %dot_general3A_577, %add3A_581 : vector<1024x64xf32>
    %mul3A_583 = arith.mulf %logistic3A_527, %add3A_582 : vector<1024x64xf32>
    %add3A_584 = arith.addf %add3A_570, %mul3A_583 : vector<1024x64xf32>
    %tanh3A_585 = math.tanh %add3A_584 : vector<1024x64xf32>
    %sub3A_586 = arith.constant 1.000000e+00 : f32
    %sub3A_587 = vector.broadcast %sub3A_586 : f32 to vector<1024x64xf32>
    %sub3A_588 = arith.subf %sub3A_587, %logistic3A_558 : vector<1024x64xf32>
    %mul3A_589 = arith.mulf %sub3A_588, %tanh3A_585 : vector<1024x64xf32>
    %mul3A_590 = arith.mulf %logistic3A_558, %add3A_496 : vector<1024x64xf32>
    %add3A_591 = arith.addf %mul3A_589, %mul3A_590 : vector<1024x64xf32>
    %get3A_592 = arith.constant 0 : index
    %get3A_593 = arith.constant 0 : index
    %get3A_594 = vector.load %arg23[%get3A_592, %get3A_593] : memref<4x64xf32, #tpu.memory_space<vmem>>, vector<4x64xf32>
    %convert_element_type3A_595 = arith.truncf %add3A_246 : vector<1024x4xf32> to vector<1024x4xbf16>
    %convert_element_type3A_596 = arith.truncf %get3A_594 : vector<4x64xf32> to vector<4x64xbf16>
    %dot_general3A_597 = arith.constant dense<0.000000e+00> : vector<1024x64xf32>
    %dot_general3A_598 = tpu.matmul %convert_element_type3A_595, %convert_element_type3A_596, %dot_general3A_597 {dimension_numbers = #tpu.dot_dimension_numbers<[1], [0], [0], [1], [0, 0, 1, 1], [], []>, transpose_lhs_hint = false} : vector<1024x4xbf16>, vector<4x64xbf16>, vector<1024x64xf32> -> vector<1024x64xf32>
    %get3A_599 = arith.constant 0 : index
    %get3A_600 = arith.constant 0 : index
    %get3A_601 = vector.load %arg29[%get3A_599, %get3A_600] : memref<1x64xf32, #tpu.memory_space<vmem>>, vector<1x64xf32>
    %add3A_602 = vector.broadcast %get3A_601 : vector<1x64xf32> to vector<1024x64xf32>
    %add3A_603 = arith.addf %dot_general3A_598, %add3A_602 : vector<1024x64xf32>
    %get3A_604 = arith.constant 0 : index
    %get3A_605 = arith.constant 0 : index
    %get3A_606 = vector.load %arg26[%get3A_604, %get3A_605] : memref<64x64xf32, #tpu.memory_space<vmem>>, vector<64x64xf32>
    %convert_element_type3A_607 = arith.truncf %add3A_591 : vector<1024x64xf32> to vector<1024x64xbf16>
    %convert_element_type3A_608 = arith.truncf %get3A_606 : vector<64x64xf32> to vector<64x64xbf16>
    %dot_general3A_609 = arith.constant dense<0.000000e+00> : vector<1024x64xf32>
    %dot_general3A_610 = tpu.matmul %convert_element_type3A_607, %convert_element_type3A_608, %dot_general3A_609 {dimension_numbers = #tpu.dot_dimension_numbers<[1], [0], [0], [1], [0, 0, 1, 1], [], []>, transpose_lhs_hint = false} : vector<1024x64xbf16>, vector<64x64xbf16>, vector<1024x64xf32> -> vector<1024x64xf32>
    %add3A_611 = arith.addf %add3A_603, %dot_general3A_610 : vector<1024x64xf32>
    %get3A_612 = arith.constant 0 : index
    %get3A_613 = arith.constant 0 : index
    %get3A_614 = vector.load %arg32[%get3A_612, %get3A_613] : memref<1x64xf32, #tpu.memory_space<vmem>>, vector<1x64xf32>
    %add3A_615 = vector.broadcast %get3A_614 : vector<1x64xf32> to vector<1024x64xf32>
    %add3A_616 = arith.addf %add3A_611, %add3A_615 : vector<1024x64xf32>
    %logistic3A_617 = arith.negf %add3A_616 : vector<1024x64xf32>
    %logistic3A_618 = math.exp %logistic3A_617 : vector<1024x64xf32>
    %logistic3A_619 = arith.constant 1.000000e+00 : f32
    %logistic3A_620 = vector.broadcast %logistic3A_619 : f32 to vector<1024x64xf32>
    %logistic3A_621 = arith.addf %logistic3A_620, %logistic3A_618 : vector<1024x64xf32>
    %logistic3A_622 = arith.divf %logistic3A_620, %logistic3A_621 : vector<1024x64xf32>
    %get3A_623 = arith.constant 0 : index
    %get3A_624 = arith.constant 0 : index
    %get3A_625 = vector.load %arg24[%get3A_623, %get3A_624] : memref<4x64xf32, #tpu.memory_space<vmem>>, vector<4x64xf32>
    %convert_element_type3A_626 = arith.truncf %add3A_246 : vector<1024x4xf32> to vector<1024x4xbf16>
    %convert_element_type3A_627 = arith.truncf %get3A_625 : vector<4x64xf32> to vector<4x64xbf16>
    %dot_general3A_628 = arith.constant dense<0.000000e+00> : vector<1024x64xf32>
    %dot_general3A_629 = tpu.matmul %convert_element_type3A_626, %convert_element_type3A_627, %dot_general3A_628 {dimension_numbers = #tpu.dot_dimension_numbers<[1], [0], [0], [1], [0, 0, 1, 1], [], []>, transpose_lhs_hint = false} : vector<1024x4xbf16>, vector<4x64xbf16>, vector<1024x64xf32> -> vector<1024x64xf32>
    %get3A_630 = arith.constant 0 : index
    %get3A_631 = arith.constant 0 : index
    %get3A_632 = vector.load %arg30[%get3A_630, %get3A_631] : memref<1x64xf32, #tpu.memory_space<vmem>>, vector<1x64xf32>
    %add3A_633 = vector.broadcast %get3A_632 : vector<1x64xf32> to vector<1024x64xf32>
    %add3A_634 = arith.addf %dot_general3A_629, %add3A_633 : vector<1024x64xf32>
    %get3A_635 = arith.constant 0 : index
    %get3A_636 = arith.constant 0 : index
    %get3A_637 = vector.load %arg27[%get3A_635, %get3A_636] : memref<64x64xf32, #tpu.memory_space<vmem>>, vector<64x64xf32>
    %convert_element_type3A_638 = arith.truncf %add3A_591 : vector<1024x64xf32> to vector<1024x64xbf16>
    %convert_element_type3A_639 = arith.truncf %get3A_637 : vector<64x64xf32> to vector<64x64xbf16>
    %dot_general3A_640 = arith.constant dense<0.000000e+00> : vector<1024x64xf32>
    %dot_general3A_641 = tpu.matmul %convert_element_type3A_638, %convert_element_type3A_639, %dot_general3A_640 {dimension_numbers = #tpu.dot_dimension_numbers<[1], [0], [0], [1], [0, 0, 1, 1], [], []>, transpose_lhs_hint = false} : vector<1024x64xbf16>, vector<64x64xbf16>, vector<1024x64xf32> -> vector<1024x64xf32>
    %add3A_642 = arith.addf %add3A_634, %dot_general3A_641 : vector<1024x64xf32>
    %get3A_643 = arith.constant 0 : index
    %get3A_644 = arith.constant 0 : index
    %get3A_645 = vector.load %arg33[%get3A_643, %get3A_644] : memref<1x64xf32, #tpu.memory_space<vmem>>, vector<1x64xf32>
    %add3A_646 = vector.broadcast %get3A_645 : vector<1x64xf32> to vector<1024x64xf32>
    %add3A_647 = arith.addf %add3A_642, %add3A_646 : vector<1024x64xf32>
    %logistic3A_648 = arith.negf %add3A_647 : vector<1024x64xf32>
    %logistic3A_649 = math.exp %logistic3A_648 : vector<1024x64xf32>
    %logistic3A_650 = arith.constant 1.000000e+00 : f32
    %logistic3A_651 = vector.broadcast %logistic3A_650 : f32 to vector<1024x64xf32>
    %logistic3A_652 = arith.addf %logistic3A_651, %logistic3A_649 : vector<1024x64xf32>
    %logistic3A_653 = arith.divf %logistic3A_651, %logistic3A_652 : vector<1024x64xf32>
    %get3A_654 = arith.constant 0 : index
    %get3A_655 = arith.constant 0 : index
    %get3A_656 = vector.load %arg25[%get3A_654, %get3A_655] : memref<4x64xf32, #tpu.memory_space<vmem>>, vector<4x64xf32>
    %convert_element_type3A_657 = arith.truncf %add3A_246 : vector<1024x4xf32> to vector<1024x4xbf16>
    %convert_element_type3A_658 = arith.truncf %get3A_656 : vector<4x64xf32> to vector<4x64xbf16>
    %dot_general3A_659 = arith.constant dense<0.000000e+00> : vector<1024x64xf32>
    %dot_general3A_660 = tpu.matmul %convert_element_type3A_657, %convert_element_type3A_658, %dot_general3A_659 {dimension_numbers = #tpu.dot_dimension_numbers<[1], [0], [0], [1], [0, 0, 1, 1], [], []>, transpose_lhs_hint = false} : vector<1024x4xbf16>, vector<4x64xbf16>, vector<1024x64xf32> -> vector<1024x64xf32>
    %get3A_661 = arith.constant 0 : index
    %get3A_662 = arith.constant 0 : index
    %get3A_663 = vector.load %arg31[%get3A_661, %get3A_662] : memref<1x64xf32, #tpu.memory_space<vmem>>, vector<1x64xf32>
    %add3A_664 = vector.broadcast %get3A_663 : vector<1x64xf32> to vector<1024x64xf32>
    %add3A_665 = arith.addf %dot_general3A_660, %add3A_664 : vector<1024x64xf32>
    %get3A_666 = arith.constant 0 : index
    %get3A_667 = arith.constant 0 : index
    %get3A_668 = vector.load %arg28[%get3A_666, %get3A_667] : memref<64x64xf32, #tpu.memory_space<vmem>>, vector<64x64xf32>
    %convert_element_type3A_669 = arith.truncf %add3A_591 : vector<1024x64xf32> to vector<1024x64xbf16>
    %convert_element_type3A_670 = arith.truncf %get3A_668 : vector<64x64xf32> to vector<64x64xbf16>
    %dot_general3A_671 = arith.constant dense<0.000000e+00> : vector<1024x64xf32>
    %dot_general3A_672 = tpu.matmul %convert_element_type3A_669, %convert_element_type3A_670, %dot_general3A_671 {dimension_numbers = #tpu.dot_dimension_numbers<[1], [0], [0], [1], [0, 0, 1, 1], [], []>, transpose_lhs_hint = false} : vector<1024x64xbf16>, vector<64x64xbf16>, vector<1024x64xf32> -> vector<1024x64xf32>
    %get3A_673 = arith.constant 0 : index
    %get3A_674 = arith.constant 0 : index
    %get3A_675 = vector.load %arg34[%get3A_673, %get3A_674] : memref<1x64xf32, #tpu.memory_space<vmem>>, vector<1x64xf32>
    %add3A_676 = vector.broadcast %get3A_675 : vector<1x64xf32> to vector<1024x64xf32>
    %add3A_677 = arith.addf %dot_general3A_672, %add3A_676 : vector<1024x64xf32>
    %mul3A_678 = arith.mulf %logistic3A_622, %add3A_677 : vector<1024x64xf32>
    %add3A_679 = arith.addf %add3A_665, %mul3A_678 : vector<1024x64xf32>
    %tanh3A_680 = math.tanh %add3A_679 : vector<1024x64xf32>
    %sub3A_681 = arith.constant 1.000000e+00 : f32
    %sub3A_682 = vector.broadcast %sub3A_681 : f32 to vector<1024x64xf32>
    %sub3A_683 = arith.subf %sub3A_682, %logistic3A_653 : vector<1024x64xf32>
    %mul3A_684 = arith.mulf %sub3A_683, %tanh3A_680 : vector<1024x64xf32>
    %mul3A_685 = arith.mulf %logistic3A_653, %add3A_591 : vector<1024x64xf32>
    %add3A_686 = arith.addf %mul3A_684, %mul3A_685 : vector<1024x64xf32>
    %broadcast_in_dim3A_687 = arith.constant 0.000000e+00 : f32
    %broadcast_in_dim3A_688 = vector.broadcast %broadcast_in_dim3A_687 : f32 to vector<1024x64xf32>
    %get3A_689 = arith.constant 0 : index
    %get3A_690 = arith.constant 0 : index
    %get3A_691 = vector.load %arg35[%get3A_689, %get3A_690] : memref<4x64xf32, #tpu.memory_space<vmem>>, vector<4x64xf32>
    %convert_element_type3A_692 = arith.truncf %add3A_309 : vector<1024x4xf32> to vector<1024x4xbf16>
    %convert_element_type3A_693 = arith.truncf %get3A_691 : vector<4x64xf32> to vector<4x64xbf16>
    %dot_general3A_694 = arith.constant dense<0.000000e+00> : vector<1024x64xf32>
    %dot_general3A_695 = tpu.matmul %convert_element_type3A_692, %convert_element_type3A_693, %dot_general3A_694 {dimension_numbers = #tpu.dot_dimension_numbers<[1], [0], [0], [1], [0, 0, 1, 1], [], []>, transpose_lhs_hint = false} : vector<1024x4xbf16>, vector<4x64xbf16>, vector<1024x64xf32> -> vector<1024x64xf32>
    %get3A_696 = arith.constant 0 : index
    %get3A_697 = arith.constant 0 : index
    %get3A_698 = vector.load %arg41[%get3A_696, %get3A_697] : memref<1x64xf32, #tpu.memory_space<vmem>>, vector<1x64xf32>
    %add3A_699 = vector.broadcast %get3A_698 : vector<1x64xf32> to vector<1024x64xf32>
    %add3A_700 = arith.addf %dot_general3A_695, %add3A_699 : vector<1024x64xf32>
    %get3A_701 = arith.constant 0 : index
    %get3A_702 = arith.constant 0 : index
    %get3A_703 = vector.load %arg38[%get3A_701, %get3A_702] : memref<64x64xf32, #tpu.memory_space<vmem>>, vector<64x64xf32>
    %convert_element_type3A_704 = arith.truncf %broadcast_in_dim3A_688 : vector<1024x64xf32> to vector<1024x64xbf16>
    %convert_element_type3A_705 = arith.truncf %get3A_703 : vector<64x64xf32> to vector<64x64xbf16>
    %dot_general3A_706 = arith.constant dense<0.000000e+00> : vector<1024x64xf32>
    %dot_general3A_707 = tpu.matmul %convert_element_type3A_704, %convert_element_type3A_705, %dot_general3A_706 {dimension_numbers = #tpu.dot_dimension_numbers<[1], [0], [0], [1], [0, 0, 1, 1], [], []>, transpose_lhs_hint = false} : vector<1024x64xbf16>, vector<64x64xbf16>, vector<1024x64xf32> -> vector<1024x64xf32>
    %add3A_708 = arith.addf %add3A_700, %dot_general3A_707 : vector<1024x64xf32>
    %get3A_709 = arith.constant 0 : index
    %get3A_710 = arith.constant 0 : index
    %get3A_711 = vector.load %arg44[%get3A_709, %get3A_710] : memref<1x64xf32, #tpu.memory_space<vmem>>, vector<1x64xf32>
    %add3A_712 = vector.broadcast %get3A_711 : vector<1x64xf32> to vector<1024x64xf32>
    %add3A_713 = arith.addf %add3A_708, %add3A_712 : vector<1024x64xf32>
    %logistic3A_714 = arith.negf %add3A_713 : vector<1024x64xf32>
    %logistic3A_715 = math.exp %logistic3A_714 : vector<1024x64xf32>
    %logistic3A_716 = arith.constant 1.000000e+00 : f32
    %logistic3A_717 = vector.broadcast %logistic3A_716 : f32 to vector<1024x64xf32>
    %logistic3A_718 = arith.addf %logistic3A_717, %logistic3A_715 : vector<1024x64xf32>
    %logistic3A_719 = arith.divf %logistic3A_717, %logistic3A_718 : vector<1024x64xf32>
    %get3A_720 = arith.constant 0 : index
    %get3A_721 = arith.constant 0 : index
    %get3A_722 = vector.load %arg36[%get3A_720, %get3A_721] : memref<4x64xf32, #tpu.memory_space<vmem>>, vector<4x64xf32>
    %convert_element_type3A_723 = arith.truncf %add3A_309 : vector<1024x4xf32> to vector<1024x4xbf16>
    %convert_element_type3A_724 = arith.truncf %get3A_722 : vector<4x64xf32> to vector<4x64xbf16>
    %dot_general3A_725 = arith.constant dense<0.000000e+00> : vector<1024x64xf32>
    %dot_general3A_726 = tpu.matmul %convert_element_type3A_723, %convert_element_type3A_724, %dot_general3A_725 {dimension_numbers = #tpu.dot_dimension_numbers<[1], [0], [0], [1], [0, 0, 1, 1], [], []>, transpose_lhs_hint = false} : vector<1024x4xbf16>, vector<4x64xbf16>, vector<1024x64xf32> -> vector<1024x64xf32>
    %get3A_727 = arith.constant 0 : index
    %get3A_728 = arith.constant 0 : index
    %get3A_729 = vector.load %arg42[%get3A_727, %get3A_728] : memref<1x64xf32, #tpu.memory_space<vmem>>, vector<1x64xf32>
    %add3A_730 = vector.broadcast %get3A_729 : vector<1x64xf32> to vector<1024x64xf32>
    %add3A_731 = arith.addf %dot_general3A_726, %add3A_730 : vector<1024x64xf32>
    %get3A_732 = arith.constant 0 : index
    %get3A_733 = arith.constant 0 : index
    %get3A_734 = vector.load %arg39[%get3A_732, %get3A_733] : memref<64x64xf32, #tpu.memory_space<vmem>>, vector<64x64xf32>
    %convert_element_type3A_735 = arith.truncf %broadcast_in_dim3A_688 : vector<1024x64xf32> to vector<1024x64xbf16>
    %convert_element_type3A_736 = arith.truncf %get3A_734 : vector<64x64xf32> to vector<64x64xbf16>
    %dot_general3A_737 = arith.constant dense<0.000000e+00> : vector<1024x64xf32>
    %dot_general3A_738 = tpu.matmul %convert_element_type3A_735, %convert_element_type3A_736, %dot_general3A_737 {dimension_numbers = #tpu.dot_dimension_numbers<[1], [0], [0], [1], [0, 0, 1, 1], [], []>, transpose_lhs_hint = false} : vector<1024x64xbf16>, vector<64x64xbf16>, vector<1024x64xf32> -> vector<1024x64xf32>
    %add3A_739 = arith.addf %add3A_731, %dot_general3A_738 : vector<1024x64xf32>
    %get3A_740 = arith.constant 0 : index
    %get3A_741 = arith.constant 0 : index
    %get3A_742 = vector.load %arg45[%get3A_740, %get3A_741] : memref<1x64xf32, #tpu.memory_space<vmem>>, vector<1x64xf32>
    %add3A_743 = vector.broadcast %get3A_742 : vector<1x64xf32> to vector<1024x64xf32>
    %add3A_744 = arith.addf %add3A_739, %add3A_743 : vector<1024x64xf32>
    %logistic3A_745 = arith.negf %add3A_744 : vector<1024x64xf32>
    %logistic3A_746 = math.exp %logistic3A_745 : vector<1024x64xf32>
    %logistic3A_747 = arith.constant 1.000000e+00 : f32
    %logistic3A_748 = vector.broadcast %logistic3A_747 : f32 to vector<1024x64xf32>
    %logistic3A_749 = arith.addf %logistic3A_748, %logistic3A_746 : vector<1024x64xf32>
    %logistic3A_750 = arith.divf %logistic3A_748, %logistic3A_749 : vector<1024x64xf32>
    %get3A_751 = arith.constant 0 : index
    %get3A_752 = arith.constant 0 : index
    %get3A_753 = vector.load %arg37[%get3A_751, %get3A_752] : memref<4x64xf32, #tpu.memory_space<vmem>>, vector<4x64xf32>
    %convert_element_type3A_754 = arith.truncf %add3A_309 : vector<1024x4xf32> to vector<1024x4xbf16>
    %convert_element_type3A_755 = arith.truncf %get3A_753 : vector<4x64xf32> to vector<4x64xbf16>
    %dot_general3A_756 = arith.constant dense<0.000000e+00> : vector<1024x64xf32>
    %dot_general3A_757 = tpu.matmul %convert_element_type3A_754, %convert_element_type3A_755, %dot_general3A_756 {dimension_numbers = #tpu.dot_dimension_numbers<[1], [0], [0], [1], [0, 0, 1, 1], [], []>, transpose_lhs_hint = false} : vector<1024x4xbf16>, vector<4x64xbf16>, vector<1024x64xf32> -> vector<1024x64xf32>
    %get3A_758 = arith.constant 0 : index
    %get3A_759 = arith.constant 0 : index
    %get3A_760 = vector.load %arg43[%get3A_758, %get3A_759] : memref<1x64xf32, #tpu.memory_space<vmem>>, vector<1x64xf32>
    %add3A_761 = vector.broadcast %get3A_760 : vector<1x64xf32> to vector<1024x64xf32>
    %add3A_762 = arith.addf %dot_general3A_757, %add3A_761 : vector<1024x64xf32>
    %get3A_763 = arith.constant 0 : index
    %get3A_764 = arith.constant 0 : index
    %get3A_765 = vector.load %arg40[%get3A_763, %get3A_764] : memref<64x64xf32, #tpu.memory_space<vmem>>, vector<64x64xf32>
    %convert_element_type3A_766 = arith.truncf %broadcast_in_dim3A_688 : vector<1024x64xf32> to vector<1024x64xbf16>
    %convert_element_type3A_767 = arith.truncf %get3A_765 : vector<64x64xf32> to vector<64x64xbf16>
    %dot_general3A_768 = arith.constant dense<0.000000e+00> : vector<1024x64xf32>
    %dot_general3A_769 = tpu.matmul %convert_element_type3A_766, %convert_element_type3A_767, %dot_general3A_768 {dimension_numbers = #tpu.dot_dimension_numbers<[1], [0], [0], [1], [0, 0, 1, 1], [], []>, transpose_lhs_hint = false} : vector<1024x64xbf16>, vector<64x64xbf16>, vector<1024x64xf32> -> vector<1024x64xf32>
    %get3A_770 = arith.constant 0 : index
    %get3A_771 = arith.constant 0 : index
    %get3A_772 = vector.load %arg46[%get3A_770, %get3A_771] : memref<1x64xf32, #tpu.memory_space<vmem>>, vector<1x64xf32>
    %add3A_773 = vector.broadcast %get3A_772 : vector<1x64xf32> to vector<1024x64xf32>
    %add3A_774 = arith.addf %dot_general3A_769, %add3A_773 : vector<1024x64xf32>
    %mul3A_775 = arith.mulf %logistic3A_719, %add3A_774 : vector<1024x64xf32>
    %add3A_776 = arith.addf %add3A_762, %mul3A_775 : vector<1024x64xf32>
    %tanh3A_777 = math.tanh %add3A_776 : vector<1024x64xf32>
    %sub3A_778 = arith.constant 1.000000e+00 : f32
    %sub3A_779 = vector.broadcast %sub3A_778 : f32 to vector<1024x64xf32>
    %sub3A_780 = arith.subf %sub3A_779, %logistic3A_750 : vector<1024x64xf32>
    %mul3A_781 = arith.mulf %sub3A_780, %tanh3A_777 : vector<1024x64xf32>
    %mul3A_782 = arith.mulf %logistic3A_750, %broadcast_in_dim3A_688 : vector<1024x64xf32>
    %add3A_783 = arith.addf %mul3A_781, %mul3A_782 : vector<1024x64xf32>
    %get3A_784 = arith.constant 0 : index
    %get3A_785 = arith.constant 0 : index
    %get3A_786 = vector.load %arg35[%get3A_784, %get3A_785] : memref<4x64xf32, #tpu.memory_space<vmem>>, vector<4x64xf32>
    %convert_element_type3A_787 = arith.truncf %add3A_246 : vector<1024x4xf32> to vector<1024x4xbf16>
    %convert_element_type3A_788 = arith.truncf %get3A_786 : vector<4x64xf32> to vector<4x64xbf16>
    %dot_general3A_789 = arith.constant dense<0.000000e+00> : vector<1024x64xf32>
    %dot_general3A_790 = tpu.matmul %convert_element_type3A_787, %convert_element_type3A_788, %dot_general3A_789 {dimension_numbers = #tpu.dot_dimension_numbers<[1], [0], [0], [1], [0, 0, 1, 1], [], []>, transpose_lhs_hint = false} : vector<1024x4xbf16>, vector<4x64xbf16>, vector<1024x64xf32> -> vector<1024x64xf32>
    %get3A_791 = arith.constant 0 : index
    %get3A_792 = arith.constant 0 : index
    %get3A_793 = vector.load %arg41[%get3A_791, %get3A_792] : memref<1x64xf32, #tpu.memory_space<vmem>>, vector<1x64xf32>
    %add3A_794 = vector.broadcast %get3A_793 : vector<1x64xf32> to vector<1024x64xf32>
    %add3A_795 = arith.addf %dot_general3A_790, %add3A_794 : vector<1024x64xf32>
    %get3A_796 = arith.constant 0 : index
    %get3A_797 = arith.constant 0 : index
    %get3A_798 = vector.load %arg38[%get3A_796, %get3A_797] : memref<64x64xf32, #tpu.memory_space<vmem>>, vector<64x64xf32>
    %convert_element_type3A_799 = arith.truncf %add3A_783 : vector<1024x64xf32> to vector<1024x64xbf16>
    %convert_element_type3A_800 = arith.truncf %get3A_798 : vector<64x64xf32> to vector<64x64xbf16>
    %dot_general3A_801 = arith.constant dense<0.000000e+00> : vector<1024x64xf32>
    %dot_general3A_802 = tpu.matmul %convert_element_type3A_799, %convert_element_type3A_800, %dot_general3A_801 {dimension_numbers = #tpu.dot_dimension_numbers<[1], [0], [0], [1], [0, 0, 1, 1], [], []>, transpose_lhs_hint = false} : vector<1024x64xbf16>, vector<64x64xbf16>, vector<1024x64xf32> -> vector<1024x64xf32>
    %add3A_803 = arith.addf %add3A_795, %dot_general3A_802 : vector<1024x64xf32>
    %get3A_804 = arith.constant 0 : index
    %get3A_805 = arith.constant 0 : index
    %get3A_806 = vector.load %arg44[%get3A_804, %get3A_805] : memref<1x64xf32, #tpu.memory_space<vmem>>, vector<1x64xf32>
    %add3A_807 = vector.broadcast %get3A_806 : vector<1x64xf32> to vector<1024x64xf32>
    %add3A_808 = arith.addf %add3A_803, %add3A_807 : vector<1024x64xf32>
    %logistic3A_809 = arith.negf %add3A_808 : vector<1024x64xf32>
    %logistic3A_810 = math.exp %logistic3A_809 : vector<1024x64xf32>
    %logistic3A_811 = arith.constant 1.000000e+00 : f32
    %logistic3A_812 = vector.broadcast %logistic3A_811 : f32 to vector<1024x64xf32>
    %logistic3A_813 = arith.addf %logistic3A_812, %logistic3A_810 : vector<1024x64xf32>
    %logistic3A_814 = arith.divf %logistic3A_812, %logistic3A_813 : vector<1024x64xf32>
    %get3A_815 = arith.constant 0 : index
    %get3A_816 = arith.constant 0 : index
    %get3A_817 = vector.load %arg36[%get3A_815, %get3A_816] : memref<4x64xf32, #tpu.memory_space<vmem>>, vector<4x64xf32>
    %convert_element_type3A_818 = arith.truncf %add3A_246 : vector<1024x4xf32> to vector<1024x4xbf16>
    %convert_element_type3A_819 = arith.truncf %get3A_817 : vector<4x64xf32> to vector<4x64xbf16>
    %dot_general3A_820 = arith.constant dense<0.000000e+00> : vector<1024x64xf32>
    %dot_general3A_821 = tpu.matmul %convert_element_type3A_818, %convert_element_type3A_819, %dot_general3A_820 {dimension_numbers = #tpu.dot_dimension_numbers<[1], [0], [0], [1], [0, 0, 1, 1], [], []>, transpose_lhs_hint = false} : vector<1024x4xbf16>, vector<4x64xbf16>, vector<1024x64xf32> -> vector<1024x64xf32>
    %get3A_822 = arith.constant 0 : index
    %get3A_823 = arith.constant 0 : index
    %get3A_824 = vector.load %arg42[%get3A_822, %get3A_823] : memref<1x64xf32, #tpu.memory_space<vmem>>, vector<1x64xf32>
    %add3A_825 = vector.broadcast %get3A_824 : vector<1x64xf32> to vector<1024x64xf32>
    %add3A_826 = arith.addf %dot_general3A_821, %add3A_825 : vector<1024x64xf32>
    %get3A_827 = arith.constant 0 : index
    %get3A_828 = arith.constant 0 : index
    %get3A_829 = vector.load %arg39[%get3A_827, %get3A_828] : memref<64x64xf32, #tpu.memory_space<vmem>>, vector<64x64xf32>
    %convert_element_type3A_830 = arith.truncf %add3A_783 : vector<1024x64xf32> to vector<1024x64xbf16>
    %convert_element_type3A_831 = arith.truncf %get3A_829 : vector<64x64xf32> to vector<64x64xbf16>
    %dot_general3A_832 = arith.constant dense<0.000000e+00> : vector<1024x64xf32>
    %dot_general3A_833 = tpu.matmul %convert_element_type3A_830, %convert_element_type3A_831, %dot_general3A_832 {dimension_numbers = #tpu.dot_dimension_numbers<[1], [0], [0], [1], [0, 0, 1, 1], [], []>, transpose_lhs_hint = false} : vector<1024x64xbf16>, vector<64x64xbf16>, vector<1024x64xf32> -> vector<1024x64xf32>
    %add3A_834 = arith.addf %add3A_826, %dot_general3A_833 : vector<1024x64xf32>
    %get3A_835 = arith.constant 0 : index
    %get3A_836 = arith.constant 0 : index
    %get3A_837 = vector.load %arg45[%get3A_835, %get3A_836] : memref<1x64xf32, #tpu.memory_space<vmem>>, vector<1x64xf32>
    %add3A_838 = vector.broadcast %get3A_837 : vector<1x64xf32> to vector<1024x64xf32>
    %add3A_839 = arith.addf %add3A_834, %add3A_838 : vector<1024x64xf32>
    %logistic3A_840 = arith.negf %add3A_839 : vector<1024x64xf32>
    %logistic3A_841 = math.exp %logistic3A_840 : vector<1024x64xf32>
    %logistic3A_842 = arith.constant 1.000000e+00 : f32
    %logistic3A_843 = vector.broadcast %logistic3A_842 : f32 to vector<1024x64xf32>
    %logistic3A_844 = arith.addf %logistic3A_843, %logistic3A_841 : vector<1024x64xf32>
    %logistic3A_845 = arith.divf %logistic3A_843, %logistic3A_844 : vector<1024x64xf32>
    %get3A_846 = arith.constant 0 : index
    %get3A_847 = arith.constant 0 : index
    %get3A_848 = vector.load %arg37[%get3A_846, %get3A_847] : memref<4x64xf32, #tpu.memory_space<vmem>>, vector<4x64xf32>
    %convert_element_type3A_849 = arith.truncf %add3A_246 : vector<1024x4xf32> to vector<1024x4xbf16>
    %convert_element_type3A_850 = arith.truncf %get3A_848 : vector<4x64xf32> to vector<4x64xbf16>
    %dot_general3A_851 = arith.constant dense<0.000000e+00> : vector<1024x64xf32>
    %dot_general3A_852 = tpu.matmul %convert_element_type3A_849, %convert_element_type3A_850, %dot_general3A_851 {dimension_numbers = #tpu.dot_dimension_numbers<[1], [0], [0], [1], [0, 0, 1, 1], [], []>, transpose_lhs_hint = false} : vector<1024x4xbf16>, vector<4x64xbf16>, vector<1024x64xf32> -> vector<1024x64xf32>
    %get3A_853 = arith.constant 0 : index
    %get3A_854 = arith.constant 0 : index
    %get3A_855 = vector.load %arg43[%get3A_853, %get3A_854] : memref<1x64xf32, #tpu.memory_space<vmem>>, vector<1x64xf32>
    %add3A_856 = vector.broadcast %get3A_855 : vector<1x64xf32> to vector<1024x64xf32>
    %add3A_857 = arith.addf %dot_general3A_852, %add3A_856 : vector<1024x64xf32>
    %get3A_858 = arith.constant 0 : index
    %get3A_859 = arith.constant 0 : index
    %get3A_860 = vector.load %arg40[%get3A_858, %get3A_859] : memref<64x64xf32, #tpu.memory_space<vmem>>, vector<64x64xf32>
    %convert_element_type3A_861 = arith.truncf %add3A_783 : vector<1024x64xf32> to vector<1024x64xbf16>
    %convert_element_type3A_862 = arith.truncf %get3A_860 : vector<64x64xf32> to vector<64x64xbf16>
    %dot_general3A_863 = arith.constant dense<0.000000e+00> : vector<1024x64xf32>
    %dot_general3A_864 = tpu.matmul %convert_element_type3A_861, %convert_element_type3A_862, %dot_general3A_863 {dimension_numbers = #tpu.dot_dimension_numbers<[1], [0], [0], [1], [0, 0, 1, 1], [], []>, transpose_lhs_hint = false} : vector<1024x64xbf16>, vector<64x64xbf16>, vector<1024x64xf32> -> vector<1024x64xf32>
    %get3A_865 = arith.constant 0 : index
    %get3A_866 = arith.constant 0 : index
    %get3A_867 = vector.load %arg46[%get3A_865, %get3A_866] : memref<1x64xf32, #tpu.memory_space<vmem>>, vector<1x64xf32>
    %add3A_868 = vector.broadcast %get3A_867 : vector<1x64xf32> to vector<1024x64xf32>
    %add3A_869 = arith.addf %dot_general3A_864, %add3A_868 : vector<1024x64xf32>
    %mul3A_870 = arith.mulf %logistic3A_814, %add3A_869 : vector<1024x64xf32>
    %add3A_871 = arith.addf %add3A_857, %mul3A_870 : vector<1024x64xf32>
    %tanh3A_872 = math.tanh %add3A_871 : vector<1024x64xf32>
    %sub3A_873 = arith.constant 1.000000e+00 : f32
    %sub3A_874 = vector.broadcast %sub3A_873 : f32 to vector<1024x64xf32>
    %sub3A_875 = arith.subf %sub3A_874, %logistic3A_845 : vector<1024x64xf32>
    %mul3A_876 = arith.mulf %sub3A_875, %tanh3A_872 : vector<1024x64xf32>
    %mul3A_877 = arith.mulf %logistic3A_845, %add3A_783 : vector<1024x64xf32>
    %add3A_878 = arith.addf %mul3A_876, %mul3A_877 : vector<1024x64xf32>
    %get3A_879 = arith.constant 0 : index
    %get3A_880 = arith.constant 0 : index
    %get3A_881 = vector.load %arg35[%get3A_879, %get3A_880] : memref<4x64xf32, #tpu.memory_space<vmem>>, vector<4x64xf32>
    %convert_element_type3A_882 = arith.truncf %add3A_183 : vector<1024x4xf32> to vector<1024x4xbf16>
    %convert_element_type3A_883 = arith.truncf %get3A_881 : vector<4x64xf32> to vector<4x64xbf16>
    %dot_general3A_884 = arith.constant dense<0.000000e+00> : vector<1024x64xf32>
    %dot_general3A_885 = tpu.matmul %convert_element_type3A_882, %convert_element_type3A_883, %dot_general3A_884 {dimension_numbers = #tpu.dot_dimension_numbers<[1], [0], [0], [1], [0, 0, 1, 1], [], []>, transpose_lhs_hint = false} : vector<1024x4xbf16>, vector<4x64xbf16>, vector<1024x64xf32> -> vector<1024x64xf32>
    %get3A_886 = arith.constant 0 : index
    %get3A_887 = arith.constant 0 : index
    %get3A_888 = vector.load %arg41[%get3A_886, %get3A_887] : memref<1x64xf32, #tpu.memory_space<vmem>>, vector<1x64xf32>
    %add3A_889 = vector.broadcast %get3A_888 : vector<1x64xf32> to vector<1024x64xf32>
    %add3A_890 = arith.addf %dot_general3A_885, %add3A_889 : vector<1024x64xf32>
    %get3A_891 = arith.constant 0 : index
    %get3A_892 = arith.constant 0 : index
    %get3A_893 = vector.load %arg38[%get3A_891, %get3A_892] : memref<64x64xf32, #tpu.memory_space<vmem>>, vector<64x64xf32>
    %convert_element_type3A_894 = arith.truncf %add3A_878 : vector<1024x64xf32> to vector<1024x64xbf16>
    %convert_element_type3A_895 = arith.truncf %get3A_893 : vector<64x64xf32> to vector<64x64xbf16>
    %dot_general3A_896 = arith.constant dense<0.000000e+00> : vector<1024x64xf32>
    %dot_general3A_897 = tpu.matmul %convert_element_type3A_894, %convert_element_type3A_895, %dot_general3A_896 {dimension_numbers = #tpu.dot_dimension_numbers<[1], [0], [0], [1], [0, 0, 1, 1], [], []>, transpose_lhs_hint = false} : vector<1024x64xbf16>, vector<64x64xbf16>, vector<1024x64xf32> -> vector<1024x64xf32>
    %add3A_898 = arith.addf %add3A_890, %dot_general3A_897 : vector<1024x64xf32>
    %get3A_899 = arith.constant 0 : index
    %get3A_900 = arith.constant 0 : index
    %get3A_901 = vector.load %arg44[%get3A_899, %get3A_900] : memref<1x64xf32, #tpu.memory_space<vmem>>, vector<1x64xf32>
    %add3A_902 = vector.broadcast %get3A_901 : vector<1x64xf32> to vector<1024x64xf32>
    %add3A_903 = arith.addf %add3A_898, %add3A_902 : vector<1024x64xf32>
    %logistic3A_904 = arith.negf %add3A_903 : vector<1024x64xf32>
    %logistic3A_905 = math.exp %logistic3A_904 : vector<1024x64xf32>
    %logistic3A_906 = arith.constant 1.000000e+00 : f32
    %logistic3A_907 = vector.broadcast %logistic3A_906 : f32 to vector<1024x64xf32>
    %logistic3A_908 = arith.addf %logistic3A_907, %logistic3A_905 : vector<1024x64xf32>
    %logistic3A_909 = arith.divf %logistic3A_907, %logistic3A_908 : vector<1024x64xf32>
    %get3A_910 = arith.constant 0 : index
    %get3A_911 = arith.constant 0 : index
    %get3A_912 = vector.load %arg36[%get3A_910, %get3A_911] : memref<4x64xf32, #tpu.memory_space<vmem>>, vector<4x64xf32>
    %convert_element_type3A_913 = arith.truncf %add3A_183 : vector<1024x4xf32> to vector<1024x4xbf16>
    %convert_element_type3A_914 = arith.truncf %get3A_912 : vector<4x64xf32> to vector<4x64xbf16>
    %dot_general3A_915 = arith.constant dense<0.000000e+00> : vector<1024x64xf32>
    %dot_general3A_916 = tpu.matmul %convert_element_type3A_913, %convert_element_type3A_914, %dot_general3A_915 {dimension_numbers = #tpu.dot_dimension_numbers<[1], [0], [0], [1], [0, 0, 1, 1], [], []>, transpose_lhs_hint = false} : vector<1024x4xbf16>, vector<4x64xbf16>, vector<1024x64xf32> -> vector<1024x64xf32>
    %get3A_917 = arith.constant 0 : index
    %get3A_918 = arith.constant 0 : index
    %get3A_919 = vector.load %arg42[%get3A_917, %get3A_918] : memref<1x64xf32, #tpu.memory_space<vmem>>, vector<1x64xf32>
    %add3A_920 = vector.broadcast %get3A_919 : vector<1x64xf32> to vector<1024x64xf32>
    %add3A_921 = arith.addf %dot_general3A_916, %add3A_920 : vector<1024x64xf32>
    %get3A_922 = arith.constant 0 : index
    %get3A_923 = arith.constant 0 : index
    %get3A_924 = vector.load %arg39[%get3A_922, %get3A_923] : memref<64x64xf32, #tpu.memory_space<vmem>>, vector<64x64xf32>
    %convert_element_type3A_925 = arith.truncf %add3A_878 : vector<1024x64xf32> to vector<1024x64xbf16>
    %convert_element_type3A_926 = arith.truncf %get3A_924 : vector<64x64xf32> to vector<64x64xbf16>
    %dot_general3A_927 = arith.constant dense<0.000000e+00> : vector<1024x64xf32>
    %dot_general3A_928 = tpu.matmul %convert_element_type3A_925, %convert_element_type3A_926, %dot_general3A_927 {dimension_numbers = #tpu.dot_dimension_numbers<[1], [0], [0], [1], [0, 0, 1, 1], [], []>, transpose_lhs_hint = false} : vector<1024x64xbf16>, vector<64x64xbf16>, vector<1024x64xf32> -> vector<1024x64xf32>
    %add3A_929 = arith.addf %add3A_921, %dot_general3A_928 : vector<1024x64xf32>
    %get3A_930 = arith.constant 0 : index
    %get3A_931 = arith.constant 0 : index
    %get3A_932 = vector.load %arg45[%get3A_930, %get3A_931] : memref<1x64xf32, #tpu.memory_space<vmem>>, vector<1x64xf32>
    %add3A_933 = vector.broadcast %get3A_932 : vector<1x64xf32> to vector<1024x64xf32>
    %add3A_934 = arith.addf %add3A_929, %add3A_933 : vector<1024x64xf32>
    %logistic3A_935 = arith.negf %add3A_934 : vector<1024x64xf32>
    %logistic3A_936 = math.exp %logistic3A_935 : vector<1024x64xf32>
    %logistic3A_937 = arith.constant 1.000000e+00 : f32
    %logistic3A_938 = vector.broadcast %logistic3A_937 : f32 to vector<1024x64xf32>
    %logistic3A_939 = arith.addf %logistic3A_938, %logistic3A_936 : vector<1024x64xf32>
    %logistic3A_940 = arith.divf %logistic3A_938, %logistic3A_939 : vector<1024x64xf32>
    %get3A_941 = arith.constant 0 : index
    %get3A_942 = arith.constant 0 : index
    %get3A_943 = vector.load %arg37[%get3A_941, %get3A_942] : memref<4x64xf32, #tpu.memory_space<vmem>>, vector<4x64xf32>
    %convert_element_type3A_944 = arith.truncf %add3A_183 : vector<1024x4xf32> to vector<1024x4xbf16>
    %convert_element_type3A_945 = arith.truncf %get3A_943 : vector<4x64xf32> to vector<4x64xbf16>
    %dot_general3A_946 = arith.constant dense<0.000000e+00> : vector<1024x64xf32>
    %dot_general3A_947 = tpu.matmul %convert_element_type3A_944, %convert_element_type3A_945, %dot_general3A_946 {dimension_numbers = #tpu.dot_dimension_numbers<[1], [0], [0], [1], [0, 0, 1, 1], [], []>, transpose_lhs_hint = false} : vector<1024x4xbf16>, vector<4x64xbf16>, vector<1024x64xf32> -> vector<1024x64xf32>
    %get3A_948 = arith.constant 0 : index
    %get3A_949 = arith.constant 0 : index
    %get3A_950 = vector.load %arg43[%get3A_948, %get3A_949] : memref<1x64xf32, #tpu.memory_space<vmem>>, vector<1x64xf32>
    %add3A_951 = vector.broadcast %get3A_950 : vector<1x64xf32> to vector<1024x64xf32>
    %add3A_952 = arith.addf %dot_general3A_947, %add3A_951 : vector<1024x64xf32>
    %get3A_953 = arith.constant 0 : index
    %get3A_954 = arith.constant 0 : index
    %get3A_955 = vector.load %arg40[%get3A_953, %get3A_954] : memref<64x64xf32, #tpu.memory_space<vmem>>, vector<64x64xf32>
    %convert_element_type3A_956 = arith.truncf %add3A_878 : vector<1024x64xf32> to vector<1024x64xbf16>
    %convert_element_type3A_957 = arith.truncf %get3A_955 : vector<64x64xf32> to vector<64x64xbf16>
    %dot_general3A_958 = arith.constant dense<0.000000e+00> : vector<1024x64xf32>
    %dot_general3A_959 = tpu.matmul %convert_element_type3A_956, %convert_element_type3A_957, %dot_general3A_958 {dimension_numbers = #tpu.dot_dimension_numbers<[1], [0], [0], [1], [0, 0, 1, 1], [], []>, transpose_lhs_hint = false} : vector<1024x64xbf16>, vector<64x64xbf16>, vector<1024x64xf32> -> vector<1024x64xf32>
    %get3A_960 = arith.constant 0 : index
    %get3A_961 = arith.constant 0 : index
    %get3A_962 = vector.load %arg46[%get3A_960, %get3A_961] : memref<1x64xf32, #tpu.memory_space<vmem>>, vector<1x64xf32>
    %add3A_963 = vector.broadcast %get3A_962 : vector<1x64xf32> to vector<1024x64xf32>
    %add3A_964 = arith.addf %dot_general3A_959, %add3A_963 : vector<1024x64xf32>
    %mul3A_965 = arith.mulf %logistic3A_909, %add3A_964 : vector<1024x64xf32>
    %add3A_966 = arith.addf %add3A_952, %mul3A_965 : vector<1024x64xf32>
    %tanh3A_967 = math.tanh %add3A_966 : vector<1024x64xf32>
    %sub3A_968 = arith.constant 1.000000e+00 : f32
    %sub3A_969 = vector.broadcast %sub3A_968 : f32 to vector<1024x64xf32>
    %sub3A_970 = arith.subf %sub3A_969, %logistic3A_940 : vector<1024x64xf32>
    %mul3A_971 = arith.mulf %sub3A_970, %tanh3A_967 : vector<1024x64xf32>
    %mul3A_972 = arith.mulf %logistic3A_940, %add3A_878 : vector<1024x64xf32>
    %add3A_973 = arith.addf %mul3A_971, %mul3A_972 : vector<1024x64xf32>
    %get3A_974 = arith.constant 0 : index
    %get3A_975 = arith.constant 0 : index
    %get3A_976 = vector.load %arg35[%get3A_974, %get3A_975] : memref<4x64xf32, #tpu.memory_space<vmem>>, vector<4x64xf32>
    %convert_element_type3A_977 = arith.truncf %add3A_120 : vector<1024x4xf32> to vector<1024x4xbf16>
    %convert_element_type3A_978 = arith.truncf %get3A_976 : vector<4x64xf32> to vector<4x64xbf16>
    %dot_general3A_979 = arith.constant dense<0.000000e+00> : vector<1024x64xf32>
    %dot_general3A_980 = tpu.matmul %convert_element_type3A_977, %convert_element_type3A_978, %dot_general3A_979 {dimension_numbers = #tpu.dot_dimension_numbers<[1], [0], [0], [1], [0, 0, 1, 1], [], []>, transpose_lhs_hint = false} : vector<1024x4xbf16>, vector<4x64xbf16>, vector<1024x64xf32> -> vector<1024x64xf32>
    %get3A_981 = arith.constant 0 : index
    %get3A_982 = arith.constant 0 : index
    %get3A_983 = vector.load %arg41[%get3A_981, %get3A_982] : memref<1x64xf32, #tpu.memory_space<vmem>>, vector<1x64xf32>
    %add3A_984 = vector.broadcast %get3A_983 : vector<1x64xf32> to vector<1024x64xf32>
    %add3A_985 = arith.addf %dot_general3A_980, %add3A_984 : vector<1024x64xf32>
    %get3A_986 = arith.constant 0 : index
    %get3A_987 = arith.constant 0 : index
    %get3A_988 = vector.load %arg38[%get3A_986, %get3A_987] : memref<64x64xf32, #tpu.memory_space<vmem>>, vector<64x64xf32>
    %convert_element_type3A_989 = arith.truncf %add3A_973 : vector<1024x64xf32> to vector<1024x64xbf16>
    %convert_element_type3A_990 = arith.truncf %get3A_988 : vector<64x64xf32> to vector<64x64xbf16>
    %dot_general3A_991 = arith.constant dense<0.000000e+00> : vector<1024x64xf32>
    %dot_general3A_992 = tpu.matmul %convert_element_type3A_989, %convert_element_type3A_990, %dot_general3A_991 {dimension_numbers = #tpu.dot_dimension_numbers<[1], [0], [0], [1], [0, 0, 1, 1], [], []>, transpose_lhs_hint = false} : vector<1024x64xbf16>, vector<64x64xbf16>, vector<1024x64xf32> -> vector<1024x64xf32>
    %add3A_993 = arith.addf %add3A_985, %dot_general3A_992 : vector<1024x64xf32>
    %get3A_994 = arith.constant 0 : index
    %get3A_995 = arith.constant 0 : index
    %get3A_996 = vector.load %arg44[%get3A_994, %get3A_995] : memref<1x64xf32, #tpu.memory_space<vmem>>, vector<1x64xf32>
    %add3A_997 = vector.broadcast %get3A_996 : vector<1x64xf32> to vector<1024x64xf32>
    %add3A_998 = arith.addf %add3A_993, %add3A_997 : vector<1024x64xf32>
    %logistic3A_999 = arith.negf %add3A_998 : vector<1024x64xf32>
    %logistic3A_1000 = math.exp %logistic3A_999 : vector<1024x64xf32>
    %logistic3A_1001 = arith.constant 1.000000e+00 : f32
    %logistic3A_1002 = vector.broadcast %logistic3A_1001 : f32 to vector<1024x64xf32>
    %logistic3A_1003 = arith.addf %logistic3A_1002, %logistic3A_1000 : vector<1024x64xf32>
    %logistic3A_1004 = arith.divf %logistic3A_1002, %logistic3A_1003 : vector<1024x64xf32>
    %get3A_1005 = arith.constant 0 : index
    %get3A_1006 = arith.constant 0 : index
    %get3A_1007 = vector.load %arg36[%get3A_1005, %get3A_1006] : memref<4x64xf32, #tpu.memory_space<vmem>>, vector<4x64xf32>
    %convert_element_type3A_1008 = arith.truncf %add3A_120 : vector<1024x4xf32> to vector<1024x4xbf16>
    %convert_element_type3A_1009 = arith.truncf %get3A_1007 : vector<4x64xf32> to vector<4x64xbf16>
    %dot_general3A_1010 = arith.constant dense<0.000000e+00> : vector<1024x64xf32>
    %dot_general3A_1011 = tpu.matmul %convert_element_type3A_1008, %convert_element_type3A_1009, %dot_general3A_1010 {dimension_numbers = #tpu.dot_dimension_numbers<[1], [0], [0], [1], [0, 0, 1, 1], [], []>, transpose_lhs_hint = false} : vector<1024x4xbf16>, vector<4x64xbf16>, vector<1024x64xf32> -> vector<1024x64xf32>
    %get3A_1012 = arith.constant 0 : index
    %get3A_1013 = arith.constant 0 : index
    %get3A_1014 = vector.load %arg42[%get3A_1012, %get3A_1013] : memref<1x64xf32, #tpu.memory_space<vmem>>, vector<1x64xf32>
    %add3A_1015 = vector.broadcast %get3A_1014 : vector<1x64xf32> to vector<1024x64xf32>
    %add3A_1016 = arith.addf %dot_general3A_1011, %add3A_1015 : vector<1024x64xf32>
    %get3A_1017 = arith.constant 0 : index
    %get3A_1018 = arith.constant 0 : index
    %get3A_1019 = vector.load %arg39[%get3A_1017, %get3A_1018] : memref<64x64xf32, #tpu.memory_space<vmem>>, vector<64x64xf32>
    %convert_element_type3A_1020 = arith.truncf %add3A_973 : vector<1024x64xf32> to vector<1024x64xbf16>
    %convert_element_type3A_1021 = arith.truncf %get3A_1019 : vector<64x64xf32> to vector<64x64xbf16>
    %dot_general3A_1022 = arith.constant dense<0.000000e+00> : vector<1024x64xf32>
    %dot_general3A_1023 = tpu.matmul %convert_element_type3A_1020, %convert_element_type3A_1021, %dot_general3A_1022 {dimension_numbers = #tpu.dot_dimension_numbers<[1], [0], [0], [1], [0, 0, 1, 1], [], []>, transpose_lhs_hint = false} : vector<1024x64xbf16>, vector<64x64xbf16>, vector<1024x64xf32> -> vector<1024x64xf32>
    %add3A_1024 = arith.addf %add3A_1016, %dot_general3A_1023 : vector<1024x64xf32>
    %get3A_1025 = arith.constant 0 : index
    %get3A_1026 = arith.constant 0 : index
    %get3A_1027 = vector.load %arg45[%get3A_1025, %get3A_1026] : memref<1x64xf32, #tpu.memory_space<vmem>>, vector<1x64xf32>
    %add3A_1028 = vector.broadcast %get3A_1027 : vector<1x64xf32> to vector<1024x64xf32>
    %add3A_1029 = arith.addf %add3A_1024, %add3A_1028 : vector<1024x64xf32>
    %logistic3A_1030 = arith.negf %add3A_1029 : vector<1024x64xf32>
    %logistic3A_1031 = math.exp %logistic3A_1030 : vector<1024x64xf32>
    %logistic3A_1032 = arith.constant 1.000000e+00 : f32
    %logistic3A_1033 = vector.broadcast %logistic3A_1032 : f32 to vector<1024x64xf32>
    %logistic3A_1034 = arith.addf %logistic3A_1033, %logistic3A_1031 : vector<1024x64xf32>
    %logistic3A_1035 = arith.divf %logistic3A_1033, %logistic3A_1034 : vector<1024x64xf32>
    %get3A_1036 = arith.constant 0 : index
    %get3A_1037 = arith.constant 0 : index
    %get3A_1038 = vector.load %arg37[%get3A_1036, %get3A_1037] : memref<4x64xf32, #tpu.memory_space<vmem>>, vector<4x64xf32>
    %convert_element_type3A_1039 = arith.truncf %add3A_120 : vector<1024x4xf32> to vector<1024x4xbf16>
    %convert_element_type3A_1040 = arith.truncf %get3A_1038 : vector<4x64xf32> to vector<4x64xbf16>
    %dot_general3A_1041 = arith.constant dense<0.000000e+00> : vector<1024x64xf32>
    %dot_general3A_1042 = tpu.matmul %convert_element_type3A_1039, %convert_element_type3A_1040, %dot_general3A_1041 {dimension_numbers = #tpu.dot_dimension_numbers<[1], [0], [0], [1], [0, 0, 1, 1], [], []>, transpose_lhs_hint = false} : vector<1024x4xbf16>, vector<4x64xbf16>, vector<1024x64xf32> -> vector<1024x64xf32>
    %get3A_1043 = arith.constant 0 : index
    %get3A_1044 = arith.constant 0 : index
    %get3A_1045 = vector.load %arg43[%get3A_1043, %get3A_1044] : memref<1x64xf32, #tpu.memory_space<vmem>>, vector<1x64xf32>
    %add3A_1046 = vector.broadcast %get3A_1045 : vector<1x64xf32> to vector<1024x64xf32>
    %add3A_1047 = arith.addf %dot_general3A_1042, %add3A_1046 : vector<1024x64xf32>
    %get3A_1048 = arith.constant 0 : index
    %get3A_1049 = arith.constant 0 : index
    %get3A_1050 = vector.load %arg40[%get3A_1048, %get3A_1049] : memref<64x64xf32, #tpu.memory_space<vmem>>, vector<64x64xf32>
    %convert_element_type3A_1051 = arith.truncf %add3A_973 : vector<1024x64xf32> to vector<1024x64xbf16>
    %convert_element_type3A_1052 = arith.truncf %get3A_1050 : vector<64x64xf32> to vector<64x64xbf16>
    %dot_general3A_1053 = arith.constant dense<0.000000e+00> : vector<1024x64xf32>
    %dot_general3A_1054 = tpu.matmul %convert_element_type3A_1051, %convert_element_type3A_1052, %dot_general3A_1053 {dimension_numbers = #tpu.dot_dimension_numbers<[1], [0], [0], [1], [0, 0, 1, 1], [], []>, transpose_lhs_hint = false} : vector<1024x64xbf16>, vector<64x64xbf16>, vector<1024x64xf32> -> vector<1024x64xf32>
    %get3A_1055 = arith.constant 0 : index
    %get3A_1056 = arith.constant 0 : index
    %get3A_1057 = vector.load %arg46[%get3A_1055, %get3A_1056] : memref<1x64xf32, #tpu.memory_space<vmem>>, vector<1x64xf32>
    %add3A_1058 = vector.broadcast %get3A_1057 : vector<1x64xf32> to vector<1024x64xf32>
    %add3A_1059 = arith.addf %dot_general3A_1054, %add3A_1058 : vector<1024x64xf32>
    %mul3A_1060 = arith.mulf %logistic3A_1004, %add3A_1059 : vector<1024x64xf32>
    %add3A_1061 = arith.addf %add3A_1047, %mul3A_1060 : vector<1024x64xf32>
    %tanh3A_1062 = math.tanh %add3A_1061 : vector<1024x64xf32>
    %sub3A_1063 = arith.constant 1.000000e+00 : f32
    %sub3A_1064 = vector.broadcast %sub3A_1063 : f32 to vector<1024x64xf32>
    %sub3A_1065 = arith.subf %sub3A_1064, %logistic3A_1035 : vector<1024x64xf32>
    %mul3A_1066 = arith.mulf %sub3A_1065, %tanh3A_1062 : vector<1024x64xf32>
    %mul3A_1067 = arith.mulf %logistic3A_1035, %add3A_973 : vector<1024x64xf32>
    %add3A_1068 = arith.addf %mul3A_1066, %mul3A_1067 : vector<1024x64xf32>
    %get3A_1069 = arith.constant 0 : index
    %get3A_1070 = arith.constant 0 : index
    %get3A_1071 = vector.load %arg35[%get3A_1069, %get3A_1070] : memref<4x64xf32, #tpu.memory_space<vmem>>, vector<4x64xf32>
    %convert_element_type3A_1072 = arith.truncf %add3A_57 : vector<1024x4xf32> to vector<1024x4xbf16>
    %convert_element_type3A_1073 = arith.truncf %get3A_1071 : vector<4x64xf32> to vector<4x64xbf16>
    %dot_general3A_1074 = arith.constant dense<0.000000e+00> : vector<1024x64xf32>
    %dot_general3A_1075 = tpu.matmul %convert_element_type3A_1072, %convert_element_type3A_1073, %dot_general3A_1074 {dimension_numbers = #tpu.dot_dimension_numbers<[1], [0], [0], [1], [0, 0, 1, 1], [], []>, transpose_lhs_hint = false} : vector<1024x4xbf16>, vector<4x64xbf16>, vector<1024x64xf32> -> vector<1024x64xf32>
    %get3A_1076 = arith.constant 0 : index
    %get3A_1077 = arith.constant 0 : index
    %get3A_1078 = vector.load %arg41[%get3A_1076, %get3A_1077] : memref<1x64xf32, #tpu.memory_space<vmem>>, vector<1x64xf32>
    %add3A_1079 = vector.broadcast %get3A_1078 : vector<1x64xf32> to vector<1024x64xf32>
    %add3A_1080 = arith.addf %dot_general3A_1075, %add3A_1079 : vector<1024x64xf32>
    %get3A_1081 = arith.constant 0 : index
    %get3A_1082 = arith.constant 0 : index
    %get3A_1083 = vector.load %arg38[%get3A_1081, %get3A_1082] : memref<64x64xf32, #tpu.memory_space<vmem>>, vector<64x64xf32>
    %convert_element_type3A_1084 = arith.truncf %add3A_1068 : vector<1024x64xf32> to vector<1024x64xbf16>
    %convert_element_type3A_1085 = arith.truncf %get3A_1083 : vector<64x64xf32> to vector<64x64xbf16>
    %dot_general3A_1086 = arith.constant dense<0.000000e+00> : vector<1024x64xf32>
    %dot_general3A_1087 = tpu.matmul %convert_element_type3A_1084, %convert_element_type3A_1085, %dot_general3A_1086 {dimension_numbers = #tpu.dot_dimension_numbers<[1], [0], [0], [1], [0, 0, 1, 1], [], []>, transpose_lhs_hint = false} : vector<1024x64xbf16>, vector<64x64xbf16>, vector<1024x64xf32> -> vector<1024x64xf32>
    %add3A_1088 = arith.addf %add3A_1080, %dot_general3A_1087 : vector<1024x64xf32>
    %get3A_1089 = arith.constant 0 : index
    %get3A_1090 = arith.constant 0 : index
    %get3A_1091 = vector.load %arg44[%get3A_1089, %get3A_1090] : memref<1x64xf32, #tpu.memory_space<vmem>>, vector<1x64xf32>
    %add3A_1092 = vector.broadcast %get3A_1091 : vector<1x64xf32> to vector<1024x64xf32>
    %add3A_1093 = arith.addf %add3A_1088, %add3A_1092 : vector<1024x64xf32>
    %logistic3A_1094 = arith.negf %add3A_1093 : vector<1024x64xf32>
    %logistic3A_1095 = math.exp %logistic3A_1094 : vector<1024x64xf32>
    %logistic3A_1096 = arith.constant 1.000000e+00 : f32
    %logistic3A_1097 = vector.broadcast %logistic3A_1096 : f32 to vector<1024x64xf32>
    %logistic3A_1098 = arith.addf %logistic3A_1097, %logistic3A_1095 : vector<1024x64xf32>
    %logistic3A_1099 = arith.divf %logistic3A_1097, %logistic3A_1098 : vector<1024x64xf32>
    %get3A_1100 = arith.constant 0 : index
    %get3A_1101 = arith.constant 0 : index
    %get3A_1102 = vector.load %arg36[%get3A_1100, %get3A_1101] : memref<4x64xf32, #tpu.memory_space<vmem>>, vector<4x64xf32>
    %convert_element_type3A_1103 = arith.truncf %add3A_57 : vector<1024x4xf32> to vector<1024x4xbf16>
    %convert_element_type3A_1104 = arith.truncf %get3A_1102 : vector<4x64xf32> to vector<4x64xbf16>
    %dot_general3A_1105 = arith.constant dense<0.000000e+00> : vector<1024x64xf32>
    %dot_general3A_1106 = tpu.matmul %convert_element_type3A_1103, %convert_element_type3A_1104, %dot_general3A_1105 {dimension_numbers = #tpu.dot_dimension_numbers<[1], [0], [0], [1], [0, 0, 1, 1], [], []>, transpose_lhs_hint = false} : vector<1024x4xbf16>, vector<4x64xbf16>, vector<1024x64xf32> -> vector<1024x64xf32>
    %get3A_1107 = arith.constant 0 : index
    %get3A_1108 = arith.constant 0 : index
    %get3A_1109 = vector.load %arg42[%get3A_1107, %get3A_1108] : memref<1x64xf32, #tpu.memory_space<vmem>>, vector<1x64xf32>
    %add3A_1110 = vector.broadcast %get3A_1109 : vector<1x64xf32> to vector<1024x64xf32>
    %add3A_1111 = arith.addf %dot_general3A_1106, %add3A_1110 : vector<1024x64xf32>
    %get3A_1112 = arith.constant 0 : index
    %get3A_1113 = arith.constant 0 : index
    %get3A_1114 = vector.load %arg39[%get3A_1112, %get3A_1113] : memref<64x64xf32, #tpu.memory_space<vmem>>, vector<64x64xf32>
    %convert_element_type3A_1115 = arith.truncf %add3A_1068 : vector<1024x64xf32> to vector<1024x64xbf16>
    %convert_element_type3A_1116 = arith.truncf %get3A_1114 : vector<64x64xf32> to vector<64x64xbf16>
    %dot_general3A_1117 = arith.constant dense<0.000000e+00> : vector<1024x64xf32>
    %dot_general3A_1118 = tpu.matmul %convert_element_type3A_1115, %convert_element_type3A_1116, %dot_general3A_1117 {dimension_numbers = #tpu.dot_dimension_numbers<[1], [0], [0], [1], [0, 0, 1, 1], [], []>, transpose_lhs_hint = false} : vector<1024x64xbf16>, vector<64x64xbf16>, vector<1024x64xf32> -> vector<1024x64xf32>
    %add3A_1119 = arith.addf %add3A_1111, %dot_general3A_1118 : vector<1024x64xf32>
    %get3A_1120 = arith.constant 0 : index
    %get3A_1121 = arith.constant 0 : index
    %get3A_1122 = vector.load %arg45[%get3A_1120, %get3A_1121] : memref<1x64xf32, #tpu.memory_space<vmem>>, vector<1x64xf32>
    %add3A_1123 = vector.broadcast %get3A_1122 : vector<1x64xf32> to vector<1024x64xf32>
    %add3A_1124 = arith.addf %add3A_1119, %add3A_1123 : vector<1024x64xf32>
    %logistic3A_1125 = arith.negf %add3A_1124 : vector<1024x64xf32>
    %logistic3A_1126 = math.exp %logistic3A_1125 : vector<1024x64xf32>
    %logistic3A_1127 = arith.constant 1.000000e+00 : f32
    %logistic3A_1128 = vector.broadcast %logistic3A_1127 : f32 to vector<1024x64xf32>
    %logistic3A_1129 = arith.addf %logistic3A_1128, %logistic3A_1126 : vector<1024x64xf32>
    %logistic3A_1130 = arith.divf %logistic3A_1128, %logistic3A_1129 : vector<1024x64xf32>
    %get3A_1131 = arith.constant 0 : index
    %get3A_1132 = arith.constant 0 : index
    %get3A_1133 = vector.load %arg37[%get3A_1131, %get3A_1132] : memref<4x64xf32, #tpu.memory_space<vmem>>, vector<4x64xf32>
    %convert_element_type3A_1134 = arith.truncf %add3A_57 : vector<1024x4xf32> to vector<1024x4xbf16>
    %convert_element_type3A_1135 = arith.truncf %get3A_1133 : vector<4x64xf32> to vector<4x64xbf16>
    %dot_general3A_1136 = arith.constant dense<0.000000e+00> : vector<1024x64xf32>
    %dot_general3A_1137 = tpu.matmul %convert_element_type3A_1134, %convert_element_type3A_1135, %dot_general3A_1136 {dimension_numbers = #tpu.dot_dimension_numbers<[1], [0], [0], [1], [0, 0, 1, 1], [], []>, transpose_lhs_hint = false} : vector<1024x4xbf16>, vector<4x64xbf16>, vector<1024x64xf32> -> vector<1024x64xf32>
    %get3A_1138 = arith.constant 0 : index
    %get3A_1139 = arith.constant 0 : index
    %get3A_1140 = vector.load %arg43[%get3A_1138, %get3A_1139] : memref<1x64xf32, #tpu.memory_space<vmem>>, vector<1x64xf32>
    %add3A_1141 = vector.broadcast %get3A_1140 : vector<1x64xf32> to vector<1024x64xf32>
    %add3A_1142 = arith.addf %dot_general3A_1137, %add3A_1141 : vector<1024x64xf32>
    %get3A_1143 = arith.constant 0 : index
    %get3A_1144 = arith.constant 0 : index
    %get3A_1145 = vector.load %arg40[%get3A_1143, %get3A_1144] : memref<64x64xf32, #tpu.memory_space<vmem>>, vector<64x64xf32>
    %convert_element_type3A_1146 = arith.truncf %add3A_1068 : vector<1024x64xf32> to vector<1024x64xbf16>
    %convert_element_type3A_1147 = arith.truncf %get3A_1145 : vector<64x64xf32> to vector<64x64xbf16>
    %dot_general3A_1148 = arith.constant dense<0.000000e+00> : vector<1024x64xf32>
    %dot_general3A_1149 = tpu.matmul %convert_element_type3A_1146, %convert_element_type3A_1147, %dot_general3A_1148 {dimension_numbers = #tpu.dot_dimension_numbers<[1], [0], [0], [1], [0, 0, 1, 1], [], []>, transpose_lhs_hint = false} : vector<1024x64xbf16>, vector<64x64xbf16>, vector<1024x64xf32> -> vector<1024x64xf32>
    %get3A_1150 = arith.constant 0 : index
    %get3A_1151 = arith.constant 0 : index
    %get3A_1152 = vector.load %arg46[%get3A_1150, %get3A_1151] : memref<1x64xf32, #tpu.memory_space<vmem>>, vector<1x64xf32>
    %add3A_1153 = vector.broadcast %get3A_1152 : vector<1x64xf32> to vector<1024x64xf32>
    %add3A_1154 = arith.addf %dot_general3A_1149, %add3A_1153 : vector<1024x64xf32>
    %mul3A_1155 = arith.mulf %logistic3A_1099, %add3A_1154 : vector<1024x64xf32>
    %add3A_1156 = arith.addf %add3A_1142, %mul3A_1155 : vector<1024x64xf32>
    %tanh3A_1157 = math.tanh %add3A_1156 : vector<1024x64xf32>
    %sub3A_1158 = arith.constant 1.000000e+00 : f32
    %sub3A_1159 = vector.broadcast %sub3A_1158 : f32 to vector<1024x64xf32>
    %sub3A_1160 = arith.subf %sub3A_1159, %logistic3A_1130 : vector<1024x64xf32>
    %mul3A_1161 = arith.mulf %sub3A_1160, %tanh3A_1157 : vector<1024x64xf32>
    %mul3A_1162 = arith.mulf %logistic3A_1130, %add3A_1068 : vector<1024x64xf32>
    %add3A_1163 = arith.addf %mul3A_1161, %mul3A_1162 : vector<1024x64xf32>
    %get3A_1164 = arith.constant 0 : index
    %get3A_1165 = arith.constant 0 : index
    %get3A_1166 = vector.load %arg12[%get3A_1164, %get3A_1165] : memref<1024x32xbf16, #tpu.memory_space<vmem>>, vector<1024x32xbf16>
    %get3A_1167 = arith.constant 0 : index
    %get3A_1168 = arith.constant 0 : index
    %get3A_1169 = vector.load %arg13[%get3A_1167, %get3A_1168] : memref<1024x32xbf16, #tpu.memory_space<vmem>>, vector<1024x32xbf16>
    %get3A_1170 = arith.constant 0 : index
    %get3A_1171 = arith.constant 0 : index
    %get3A_1172 = vector.load %arg14[%get3A_1170, %get3A_1171] : memref<1024x16xf32, #tpu.memory_space<vmem>>, vector<1024x16xf32>
    %get3A_1173 = arith.constant 0 : index
    %get3A_1174 = arith.constant 0 : index
    %get3A_1175 = vector.load %arg47[%get3A_1173, %get3A_1174] : memref<64x4xf32, #tpu.memory_space<vmem>>, vector<64x4xf32>
    %convert_element_type3A_1176 = arith.truncf %add3A_401 : vector<1024x64xf32> to vector<1024x64xbf16>
    %convert_element_type3A_1177 = arith.truncf %get3A_1175 : vector<64x4xf32> to vector<64x4xbf16>
    %dot_general3A_1178 = arith.constant dense<0.000000e+00> : vector<1024x4xf32>
    %dot_general3A_1179 = tpu.matmul %convert_element_type3A_1176, %convert_element_type3A_1177, %dot_general3A_1178 {dimension_numbers = #tpu.dot_dimension_numbers<[1], [0], [0], [1], [0, 0, 1, 1], [], []>, transpose_lhs_hint = false} : vector<1024x64xbf16>, vector<64x4xbf16>, vector<1024x4xf32> -> vector<1024x4xf32>
    %get3A_1180 = arith.constant 0 : index
    %get3A_1181 = arith.constant 0 : index
    %get3A_1182 = vector.load %arg48[%get3A_1180, %get3A_1181] : memref<64x4xf32, #tpu.memory_space<vmem>>, vector<64x4xf32>
    %convert_element_type3A_1183 = arith.truncf %add3A_1163 : vector<1024x64xf32> to vector<1024x64xbf16>
    %convert_element_type3A_1184 = arith.truncf %get3A_1182 : vector<64x4xf32> to vector<64x4xbf16>
    %dot_general3A_1185 = arith.constant dense<0.000000e+00> : vector<1024x4xf32>
    %dot_general3A_1186 = tpu.matmul %convert_element_type3A_1183, %convert_element_type3A_1184, %dot_general3A_1185 {dimension_numbers = #tpu.dot_dimension_numbers<[1], [0], [0], [1], [0, 0, 1, 1], [], []>, transpose_lhs_hint = false} : vector<1024x64xbf16>, vector<64x4xbf16>, vector<1024x4xf32> -> vector<1024x4xf32>
    %add3A_1187 = arith.addf %dot_general3A_1179, %dot_general3A_1186 : vector<1024x4xf32>
    %get3A_1188 = arith.constant 0 : index
    %get3A_1189 = arith.constant 0 : index
    %get3A_1190 = vector.load %arg49[%get3A_1188, %get3A_1189] : memref<1x4xf32, #tpu.memory_space<vmem>>, vector<1x4xf32>
    %add3A_1191 = vector.broadcast %get3A_1190 : vector<1x4xf32> to vector<1024x4xf32>
    %add3A_1192 = arith.addf %add3A_1187, %add3A_1191 : vector<1024x4xf32>
    %slice3A = vector.extract_strided_slice %get3A_1172 {offsets = [0, 0], sizes = [1024, 4], strides = [1, 1]} : vector<1024x16xf32> to vector<1024x4xf32>
    %add3A_1193 = arith.addf %add3A_1192, %slice3A : vector<1024x4xf32>
    %mul3A_1194 = arith.constant 2.000000e+00 : f32
    %mul3A_1195 = vector.broadcast %mul3A_1194 : f32 to vector<1024x4xf32>
    %mul3A_1196 = arith.mulf %add3A_1193, %mul3A_1195 : vector<1024x4xf32>
    %exp3A = math.exp %mul3A_1196 : vector<1024x4xf32>
    %reduce_sum3A = arith.constant dense<0.000000e+00> : vector<1024xf32>
    %reduce_sum3A_1197 = vector.multi_reduction <add>, %exp3A, %reduce_sum3A [1] : vector<1024x4xf32> to vector<1024xf32>
    %broadcast_in_dim3A_1198 = vector.shape_cast %reduce_sum3A_1197 : vector<1024xf32> to vector<1024x1xf32>
    %div3A = vector.broadcast %broadcast_in_dim3A_1198 : vector<1024x1xf32> to vector<1024x4xf32>
    %div3A_1199 = arith.divf %exp3A, %div3A : vector<1024x4xf32>
    %get3A_1200 = arith.constant 0 : index
    %get3A_1201 = arith.constant 0 : index
    %get3A_1202 = vector.load %arg55[%get3A_1200, %get3A_1201] : memref<4x256xf32, #tpu.memory_space<vmem>>, vector<4x256xf32>
    %dot_general3A_1203 = arith.constant dense<0.000000e+00> : vector<1024x256xf32>
    %dot_general3A_1204 = tpu.matmul %div3A_1199, %get3A_1202, %dot_general3A_1203 {dimension_numbers = #tpu.dot_dimension_numbers<[1], [0], [0], [1], [0, 0, 1, 1], [], []>, transpose_lhs_hint = false} : vector<1024x4xf32>, vector<4x256xf32>, vector<1024x256xf32> -> vector<1024x256xf32>
    %slice3A_1205 = vector.extract_strided_slice %get3A_1166 {offsets = [0, 0], sizes = [1024, 4], strides = [1, 1]} : vector<1024x32xbf16> to vector<1024x4xbf16>
    %slice3A_1206 = vector.extract_strided_slice %get3A_1169 {offsets = [0, 0], sizes = [1024, 4], strides = [1, 1]} : vector<1024x32xbf16> to vector<1024x4xbf16>
    %get3A_1207 = arith.constant 0 : index
    %get3A_1208 = arith.constant 0 : index
    %get3A_1209 = vector.load %arg50[%get3A_1207, %get3A_1208] : memref<4x256xf32, #tpu.memory_space<vmem>>, vector<4x256xf32>
    %convert_element_type3A_1210 = arith.truncf %get3A_1209 : vector<4x256xf32> to vector<4x256xbf16>
    %dot_general3A_1211 = arith.constant dense<0.000000e+00> : vector<1024x256xf32>
    %dot_general3A_1212 = tpu.matmul %slice3A_1205, %convert_element_type3A_1210, %dot_general3A_1211 {dimension_numbers = #tpu.dot_dimension_numbers<[1], [0], [0], [1], [0, 0, 1, 1], [], []>, transpose_lhs_hint = false} : vector<1024x4xbf16>, vector<4x256xbf16>, vector<1024x256xf32> -> vector<1024x256xf32>
    %get3A_1213 = arith.constant 0 : index
    %get3A_1214 = arith.constant 0 : index
    %get3A_1215 = vector.load %arg51[%get3A_1213, %get3A_1214] : memref<4x256xf32, #tpu.memory_space<vmem>>, vector<4x256xf32>
    %convert_element_type3A_1216 = arith.truncf %get3A_1215 : vector<4x256xf32> to vector<4x256xbf16>
    %dot_general3A_1217 = arith.constant dense<0.000000e+00> : vector<1024x256xf32>
    %dot_general3A_1218 = tpu.matmul %slice3A_1206, %convert_element_type3A_1216, %dot_general3A_1217 {dimension_numbers = #tpu.dot_dimension_numbers<[1], [0], [0], [1], [0, 0, 1, 1], [], []>, transpose_lhs_hint = false} : vector<1024x4xbf16>, vector<4x256xbf16>, vector<1024x256xf32> -> vector<1024x256xf32>
    %add3A_1219 = arith.addf %dot_general3A_1212, %dot_general3A_1218 : vector<1024x256xf32>
    %get3A_1220 = arith.constant 0 : index
    %get3A_1221 = arith.constant 0 : index
    %get3A_1222 = vector.load %arg52[%get3A_1220, %get3A_1221] : memref<1x256xf32, #tpu.memory_space<vmem>>, vector<1x256xf32>
    %add3A_1223 = vector.broadcast %get3A_1222 : vector<1x256xf32> to vector<1024x256xf32>
    %add3A_1224 = arith.addf %add3A_1219, %add3A_1223 : vector<1024x256xf32>
    %max3A_1225 = arith.constant 0.000000e+00 : f32
    %max3A_1226 = vector.broadcast %max3A_1225 : f32 to vector<1024x256xf32>
    %max3A_1227 = arith.maximumf %add3A_1224, %max3A_1226 : vector<1024x256xf32>
    %get3A_1228 = arith.constant 0 : index
    %get3A_1229 = arith.constant 0 : index
    %get3A_1230 = vector.load %arg53[%get3A_1228, %get3A_1229] : memref<256x256xf32, #tpu.memory_space<vmem>>, vector<256x256xf32>
    %convert_element_type3A_1231 = arith.truncf %max3A_1227 : vector<1024x256xf32> to vector<1024x256xbf16>
    %convert_element_type3A_1232 = arith.truncf %get3A_1230 : vector<256x256xf32> to vector<256x256xbf16>
    %dot_general3A_1233 = arith.constant dense<0.000000e+00> : vector<1024x256xf32>
    %dot_general3A_1234 = tpu.matmul %convert_element_type3A_1231, %convert_element_type3A_1232, %dot_general3A_1233 {dimension_numbers = #tpu.dot_dimension_numbers<[1], [0], [0], [1], [0, 0, 1, 1], [], []>, transpose_lhs_hint = false} : vector<1024x256xbf16>, vector<256x256xbf16>, vector<1024x256xf32> -> vector<1024x256xf32>
    %get3A_1235 = arith.constant 0 : index
    %get3A_1236 = arith.constant 0 : index
    %get3A_1237 = vector.load %arg54[%get3A_1235, %get3A_1236] : memref<1x256xf32, #tpu.memory_space<vmem>>, vector<1x256xf32>
    %add3A_1238 = vector.broadcast %get3A_1237 : vector<1x256xf32> to vector<1024x256xf32>
    %add3A_1239 = arith.addf %dot_general3A_1234, %add3A_1238 : vector<1024x256xf32>
    %max3A_1240 = arith.constant 0.000000e+00 : f32
    %max3A_1241 = vector.broadcast %max3A_1240 : f32 to vector<1024x256xf32>
    %max3A_1242 = arith.maximumf %add3A_1239, %max3A_1241 : vector<1024x256xf32>
    %mul3A_1243 = arith.mulf %max3A_1242, %dot_general3A_1204 : vector<1024x256xf32>
    %get3A_1244 = arith.constant 0 : index
    %get3A_1245 = arith.constant 0 : index
    %get3A_1246 = vector.load %arg56[%get3A_1244, %get3A_1245] : memref<256x128xf32, #tpu.memory_space<vmem>>, vector<256x128xf32>
    %dot_general3A_1247 = arith.constant dense<0.000000e+00> : vector<1024x128xf32>
    %dot_general3A_1248 = tpu.matmul %mul3A_1243, %get3A_1246, %dot_general3A_1247 {dimension_numbers = #tpu.dot_dimension_numbers<[1], [0], [0], [1], [0, 0, 1, 1], [], []>, transpose_lhs_hint = false} : vector<1024x256xf32>, vector<256x128xf32>, vector<1024x128xf32> -> vector<1024x128xf32>
    %swap3A = arith.constant 0 : index
    %swap3A_1249 = arith.constant 0 : index
    %swap3A_1250 = arith.constant 0 : index
    %swap3A_1251 = vector.load %arg57[%swap3A, %swap3A_1249, %swap3A_1250] : memref<4x1024x128xf32, #tpu.memory_space<vmem>>, vector<1x1024x128xf32>
    %swap3A_1252 = vector.shape_cast %swap3A_1251 : vector<1x1024x128xf32> to vector<1024x128xf32>
    %swap3A_1253 = vector.shape_cast %dot_general3A_1248 : vector<1024x128xf32> to vector<1x1024x128xf32>
    tpu.vector_store %arg57[%swap3A, %swap3A_1249, %swap3A_1250], %swap3A_1253 {strides = array<i32>} : memref<4x1024x128xf32, #tpu.memory_space<vmem>>, vector<1x1024x128xf32>,
    %get3A_1254 = arith.constant 0 : index
    %get3A_1255 = arith.constant 0 : index
    %get3A_1256 = vector.load %arg47[%get3A_1254, %get3A_1255] : memref<64x4xf32, #tpu.memory_space<vmem>>, vector<64x4xf32>
    %convert_element_type3A_1257 = arith.truncf %add3A_496 : vector<1024x64xf32> to vector<1024x64xbf16>
    %convert_element_type3A_1258 = arith.truncf %get3A_1256 : vector<64x4xf32> to vector<64x4xbf16>
    %dot_general3A_1259 = arith.constant dense<0.000000e+00> : vector<1024x4xf32>
    %dot_general3A_1260 = tpu.matmul %convert_element_type3A_1257, %convert_element_type3A_1258, %dot_general3A_1259 {dimension_numbers = #tpu.dot_dimension_numbers<[1], [0], [0], [1], [0, 0, 1, 1], [], []>, transpose_lhs_hint = false} : vector<1024x64xbf16>, vector<64x4xbf16>, vector<1024x4xf32> -> vector<1024x4xf32>
    %get3A_1261 = arith.constant 0 : index
    %get3A_1262 = arith.constant 0 : index
    %get3A_1263 = vector.load %arg48[%get3A_1261, %get3A_1262] : memref<64x4xf32, #tpu.memory_space<vmem>>, vector<64x4xf32>
    %convert_element_type3A_1264 = arith.truncf %add3A_1068 : vector<1024x64xf32> to vector<1024x64xbf16>
    %convert_element_type3A_1265 = arith.truncf %get3A_1263 : vector<64x4xf32> to vector<64x4xbf16>
    %dot_general3A_1266 = arith.constant dense<0.000000e+00> : vector<1024x4xf32>
    %dot_general3A_1267 = tpu.matmul %convert_element_type3A_1264, %convert_element_type3A_1265, %dot_general3A_1266 {dimension_numbers = #tpu.dot_dimension_numbers<[1], [0], [0], [1], [0, 0, 1, 1], [], []>, transpose_lhs_hint = false} : vector<1024x64xbf16>, vector<64x4xbf16>, vector<1024x4xf32> -> vector<1024x4xf32>
    %add3A_1268 = arith.addf %dot_general3A_1260, %dot_general3A_1267 : vector<1024x4xf32>
    %get3A_1269 = arith.constant 0 : index
    %get3A_1270 = arith.constant 0 : index
    %get3A_1271 = vector.load %arg49[%get3A_1269, %get3A_1270] : memref<1x4xf32, #tpu.memory_space<vmem>>, vector<1x4xf32>
    %add3A_1272 = vector.broadcast %get3A_1271 : vector<1x4xf32> to vector<1024x4xf32>
    %add3A_1273 = arith.addf %add3A_1268, %add3A_1272 : vector<1024x4xf32>
    %slice3A_1274 = vector.extract_strided_slice %get3A_1172 {offsets = [0, 4], sizes = [1024, 4], strides = [1, 1]} : vector<1024x16xf32> to vector<1024x4xf32>
    %add3A_1275 = arith.addf %add3A_1273, %slice3A_1274 : vector<1024x4xf32>
    %mul3A_1276 = arith.constant 2.000000e+00 : f32
    %mul3A_1277 = vector.broadcast %mul3A_1276 : f32 to vector<1024x4xf32>
    %mul3A_1278 = arith.mulf %add3A_1275, %mul3A_1277 : vector<1024x4xf32>
    %exp3A_1279 = math.exp %mul3A_1278 : vector<1024x4xf32>
    %reduce_sum3A_1280 = arith.constant dense<0.000000e+00> : vector<1024xf32>
    %reduce_sum3A_1281 = vector.multi_reduction <add>, %exp3A_1279, %reduce_sum3A_1280 [1] : vector<1024x4xf32> to vector<1024xf32>
    %broadcast_in_dim3A_1282 = vector.shape_cast %reduce_sum3A_1281 : vector<1024xf32> to vector<1024x1xf32>
    %div3A_1283 = vector.broadcast %broadcast_in_dim3A_1282 : vector<1024x1xf32> to vector<1024x4xf32>
    %div3A_1284 = arith.divf %exp3A_1279, %div3A_1283 : vector<1024x4xf32>
    %get3A_1285 = arith.constant 0 : index
    %get3A_1286 = arith.constant 0 : index
    %get3A_1287 = vector.load %arg55[%get3A_1285, %get3A_1286] : memref<4x256xf32, #tpu.memory_space<vmem>>, vector<4x256xf32>
    %dot_general3A_1288 = arith.constant dense<0.000000e+00> : vector<1024x256xf32>
    %dot_general3A_1289 = tpu.matmul %div3A_1284, %get3A_1287, %dot_general3A_1288 {dimension_numbers = #tpu.dot_dimension_numbers<[1], [0], [0], [1], [0, 0, 1, 1], [], []>, transpose_lhs_hint = false} : vector<1024x4xf32>, vector<4x256xf32>, vector<1024x256xf32> -> vector<1024x256xf32>
    %slice3A_1290 = vector.extract_strided_slice %get3A_1166 {offsets = [0, 4], sizes = [1024, 4], strides = [1, 1]} : vector<1024x32xbf16> to vector<1024x4xbf16>
    %slice3A_1291 = vector.extract_strided_slice %get3A_1169 {offsets = [0, 4], sizes = [1024, 4], strides = [1, 1]} : vector<1024x32xbf16> to vector<1024x4xbf16>
    %get3A_1292 = arith.constant 0 : index
    %get3A_1293 = arith.constant 0 : index
    %get3A_1294 = vector.load %arg50[%get3A_1292, %get3A_1293] : memref<4x256xf32, #tpu.memory_space<vmem>>, vector<4x256xf32>
    %convert_element_type3A_1295 = arith.truncf %get3A_1294 : vector<4x256xf32> to vector<4x256xbf16>
    %dot_general3A_1296 = arith.constant dense<0.000000e+00> : vector<1024x256xf32>
    %dot_general3A_1297 = tpu.matmul %slice3A_1290, %convert_element_type3A_1295, %dot_general3A_1296 {dimension_numbers = #tpu.dot_dimension_numbers<[1], [0], [0], [1], [0, 0, 1, 1], [], []>, transpose_lhs_hint = false} : vector<1024x4xbf16>, vector<4x256xbf16>, vector<1024x256xf32> -> vector<1024x256xf32>
    %get3A_1298 = arith.constant 0 : index
    %get3A_1299 = arith.constant 0 : index
    %get3A_1300 = vector.load %arg51[%get3A_1298, %get3A_1299] : memref<4x256xf32, #tpu.memory_space<vmem>>, vector<4x256xf32>
    %convert_element_type3A_1301 = arith.truncf %get3A_1300 : vector<4x256xf32> to vector<4x256xbf16>
    %dot_general3A_1302 = arith.constant dense<0.000000e+00> : vector<1024x256xf32>
    %dot_general3A_1303 = tpu.matmul %slice3A_1291, %convert_element_type3A_1301, %dot_general3A_1302 {dimension_numbers = #tpu.dot_dimension_numbers<[1], [0], [0], [1], [0, 0, 1, 1], [], []>, transpose_lhs_hint = false} : vector<1024x4xbf16>, vector<4x256xbf16>, vector<1024x256xf32> -> vector<1024x256xf32>
    %add3A_1304 = arith.addf %dot_general3A_1297, %dot_general3A_1303 : vector<1024x256xf32>
    %get3A_1305 = arith.constant 0 : index
    %get3A_1306 = arith.constant 0 : index
    %get3A_1307 = vector.load %arg52[%get3A_1305, %get3A_1306] : memref<1x256xf32, #tpu.memory_space<vmem>>, vector<1x256xf32>
    %add3A_1308 = vector.broadcast %get3A_1307 : vector<1x256xf32> to vector<1024x256xf32>
    %add3A_1309 = arith.addf %add3A_1304, %add3A_1308 : vector<1024x256xf32>
    %max3A_1310 = arith.constant 0.000000e+00 : f32
    %max3A_1311 = vector.broadcast %max3A_1310 : f32 to vector<1024x256xf32>
    %max3A_1312 = arith.maximumf %add3A_1309, %max3A_1311 : vector<1024x256xf32>
    %get3A_1313 = arith.constant 0 : index
    %get3A_1314 = arith.constant 0 : index
    %get3A_1315 = vector.load %arg53[%get3A_1313, %get3A_1314] : memref<256x256xf32, #tpu.memory_space<vmem>>, vector<256x256xf32>
    %convert_element_type3A_1316 = arith.truncf %max3A_1312 : vector<1024x256xf32> to vector<1024x256xbf16>
    %convert_element_type3A_1317 = arith.truncf %get3A_1315 : vector<256x256xf32> to vector<256x256xbf16>
    %dot_general3A_1318 = arith.constant dense<0.000000e+00> : vector<1024x256xf32>
    %dot_general3A_1319 = tpu.matmul %convert_element_type3A_1316, %convert_element_type3A_1317, %dot_general3A_1318 {dimension_numbers = #tpu.dot_dimension_numbers<[1], [0], [0], [1], [0, 0, 1, 1], [], []>, transpose_lhs_hint = false} : vector<1024x256xbf16>, vector<256x256xbf16>, vector<1024x256xf32> -> vector<1024x256xf32>
    %get3A_1320 = arith.constant 0 : index
    %get3A_1321 = arith.constant 0 : index
    %get3A_1322 = vector.load %arg54[%get3A_1320, %get3A_1321] : memref<1x256xf32, #tpu.memory_space<vmem>>, vector<1x256xf32>
    %add3A_1323 = vector.broadcast %get3A_1322 : vector<1x256xf32> to vector<1024x256xf32>
    %add3A_1324 = arith.addf %dot_general3A_1319, %add3A_1323 : vector<1024x256xf32>
    %max3A_1325 = arith.constant 0.000000e+00 : f32
    %max3A_1326 = vector.broadcast %max3A_1325 : f32 to vector<1024x256xf32>
    %max3A_1327 = arith.maximumf %add3A_1324, %max3A_1326 : vector<1024x256xf32>
    %mul3A_1328 = arith.mulf %max3A_1327, %dot_general3A_1289 : vector<1024x256xf32>
    %get3A_1329 = arith.constant 0 : index
    %get3A_1330 = arith.constant 0 : index
    %get3A_1331 = vector.load %arg56[%get3A_1329, %get3A_1330] : memref<256x128xf32, #tpu.memory_space<vmem>>, vector<256x128xf32>
    %dot_general3A_1332 = arith.constant dense<0.000000e+00> : vector<1024x128xf32>
    %dot_general3A_1333 = tpu.matmul %mul3A_1328, %get3A_1331, %dot_general3A_1332 {dimension_numbers = #tpu.dot_dimension_numbers<[1], [0], [0], [1], [0, 0, 1, 1], [], []>, transpose_lhs_hint = false} : vector<1024x256xf32>, vector<256x128xf32>, vector<1024x128xf32> -> vector<1024x128xf32>
    %swap3A_1334 = arith.constant 1 : index
    %swap3A_1335 = arith.constant 0 : index
    %swap3A_1336 = arith.constant 0 : index
    %swap3A_1337 = vector.load %arg57[%swap3A_1334, %swap3A_1335, %swap3A_1336] : memref<4x1024x128xf32, #tpu.memory_space<vmem>>, vector<1x1024x128xf32>
    %swap3A_1338 = vector.shape_cast %swap3A_1337 : vector<1x1024x128xf32> to vector<1024x128xf32>
    %swap3A_1339 = vector.shape_cast %dot_general3A_1333 : vector<1024x128xf32> to vector<1x1024x128xf32>
    tpu.vector_store %arg57[%swap3A_1334, %swap3A_1335, %swap3A_1336], %swap3A_1339 {strides = array<i32>} : memref<4x1024x128xf32, #tpu.memory_space<vmem>>, vector<1x1024x128xf32>,
    %get3A_1340 = arith.constant 0 : index
    %get3A_1341 = arith.constant 0 : index
    %get3A_1342 = vector.load %arg47[%get3A_1340, %get3A_1341] : memref<64x4xf32, #tpu.memory_space<vmem>>, vector<64x4xf32>
    %convert_element_type3A_1343 = arith.truncf %add3A_591 : vector<1024x64xf32> to vector<1024x64xbf16>
    %convert_element_type3A_1344 = arith.truncf %get3A_1342 : vector<64x4xf32> to vector<64x4xbf16>
    %dot_general3A_1345 = arith.constant dense<0.000000e+00> : vector<1024x4xf32>
    %dot_general3A_1346 = tpu.matmul %convert_element_type3A_1343, %convert_element_type3A_1344, %dot_general3A_1345 {dimension_numbers = #tpu.dot_dimension_numbers<[1], [0], [0], [1], [0, 0, 1, 1], [], []>, transpose_lhs_hint = false} : vector<1024x64xbf16>, vector<64x4xbf16>, vector<1024x4xf32> -> vector<1024x4xf32>
    %get3A_1347 = arith.constant 0 : index
    %get3A_1348 = arith.constant 0 : index
    %get3A_1349 = vector.load %arg48[%get3A_1347, %get3A_1348] : memref<64x4xf32, #tpu.memory_space<vmem>>, vector<64x4xf32>
    %convert_element_type3A_1350 = arith.truncf %add3A_973 : vector<1024x64xf32> to vector<1024x64xbf16>
    %convert_element_type3A_1351 = arith.truncf %get3A_1349 : vector<64x4xf32> to vector<64x4xbf16>
    %dot_general3A_1352 = arith.constant dense<0.000000e+00> : vector<1024x4xf32>
    %dot_general3A_1353 = tpu.matmul %convert_element_type3A_1350, %convert_element_type3A_1351, %dot_general3A_1352 {dimension_numbers = #tpu.dot_dimension_numbers<[1], [0], [0], [1], [0, 0, 1, 1], [], []>, transpose_lhs_hint = false} : vector<1024x64xbf16>, vector<64x4xbf16>, vector<1024x4xf32> -> vector<1024x4xf32>
    %add3A_1354 = arith.addf %dot_general3A_1346, %dot_general3A_1353 : vector<1024x4xf32>
    %get3A_1355 = arith.constant 0 : index
    %get3A_1356 = arith.constant 0 : index
    %get3A_1357 = vector.load %arg49[%get3A_1355, %get3A_1356] : memref<1x4xf32, #tpu.memory_space<vmem>>, vector<1x4xf32>
    %add3A_1358 = vector.broadcast %get3A_1357 : vector<1x4xf32> to vector<1024x4xf32>
    %add3A_1359 = arith.addf %add3A_1354, %add3A_1358 : vector<1024x4xf32>
    %slice3A_1360 = vector.extract_strided_slice %get3A_1172 {offsets = [0, 8], sizes = [1024, 4], strides = [1, 1]} : vector<1024x16xf32> to vector<1024x4xf32>
    %add3A_1361 = arith.addf %add3A_1359, %slice3A_1360 : vector<1024x4xf32>
    %mul3A_1362 = arith.constant 2.000000e+00 : f32
    %mul3A_1363 = vector.broadcast %mul3A_1362 : f32 to vector<1024x4xf32>
    %mul3A_1364 = arith.mulf %add3A_1361, %mul3A_1363 : vector<1024x4xf32>
    %exp3A_1365 = math.exp %mul3A_1364 : vector<1024x4xf32>
    %reduce_sum3A_1366 = arith.constant dense<0.000000e+00> : vector<1024xf32>
    %reduce_sum3A_1367 = vector.multi_reduction <add>, %exp3A_1365, %reduce_sum3A_1366 [1] : vector<1024x4xf32> to vector<1024xf32>
    %broadcast_in_dim3A_1368 = vector.shape_cast %reduce_sum3A_1367 : vector<1024xf32> to vector<1024x1xf32>
    %div3A_1369 = vector.broadcast %broadcast_in_dim3A_1368 : vector<1024x1xf32> to vector<1024x4xf32>
    %div3A_1370 = arith.divf %exp3A_1365, %div3A_1369 : vector<1024x4xf32>
    %get3A_1371 = arith.constant 0 : index
    %get3A_1372 = arith.constant 0 : index
    %get3A_1373 = vector.load %arg55[%get3A_1371, %get3A_1372] : memref<4x256xf32, #tpu.memory_space<vmem>>, vector<4x256xf32>
    %dot_general3A_1374 = arith.constant dense<0.000000e+00> : vector<1024x256xf32>
    %dot_general3A_1375 = tpu.matmul %div3A_1370, %get3A_1373, %dot_general3A_1374 {dimension_numbers = #tpu.dot_dimension_numbers<[1], [0], [0], [1], [0, 0, 1, 1], [], []>, transpose_lhs_hint = false} : vector<1024x4xf32>, vector<4x256xf32>, vector<1024x256xf32> -> vector<1024x256xf32>
    %slice3A_1376 = vector.extract_strided_slice %get3A_1166 {offsets = [0, 8], sizes = [1024, 4], strides = [1, 1]} : vector<1024x32xbf16> to vector<1024x4xbf16>
    %slice3A_1377 = vector.extract_strided_slice %get3A_1169 {offsets = [0, 8], sizes = [1024, 4], strides = [1, 1]} : vector<1024x32xbf16> to vector<1024x4xbf16>
    %get3A_1378 = arith.constant 0 : index
    %get3A_1379 = arith.constant 0 : index
    %get3A_1380 = vector.load %arg50[%get3A_1378, %get3A_1379] : memref<4x256xf32, #tpu.memory_space<vmem>>, vector<4x256xf32>
    %convert_element_type3A_1381 = arith.truncf %get3A_1380 : vector<4x256xf32> to vector<4x256xbf16>
    %dot_general3A_1382 = arith.constant dense<0.000000e+00> : vector<1024x256xf32>
    %dot_general3A_1383 = tpu.matmul %slice3A_1376, %convert_element_type3A_1381, %dot_general3A_1382 {dimension_numbers = #tpu.dot_dimension_numbers<[1], [0], [0], [1], [0, 0, 1, 1], [], []>, transpose_lhs_hint = false} : vector<1024x4xbf16>, vector<4x256xbf16>, vector<1024x256xf32> -> vector<1024x256xf32>
    %get3A_1384 = arith.constant 0 : index
    %get3A_1385 = arith.constant 0 : index
    %get3A_1386 = vector.load %arg51[%get3A_1384, %get3A_1385] : memref<4x256xf32, #tpu.memory_space<vmem>>, vector<4x256xf32>
    %convert_element_type3A_1387 = arith.truncf %get3A_1386 : vector<4x256xf32> to vector<4x256xbf16>
    %dot_general3A_1388 = arith.constant dense<0.000000e+00> : vector<1024x256xf32>
    %dot_general3A_1389 = tpu.matmul %slice3A_1377, %convert_element_type3A_1387, %dot_general3A_1388 {dimension_numbers = #tpu.dot_dimension_numbers<[1], [0], [0], [1], [0, 0, 1, 1], [], []>, transpose_lhs_hint = false} : vector<1024x4xbf16>, vector<4x256xbf16>, vector<1024x256xf32> -> vector<1024x256xf32>
    %add3A_1390 = arith.addf %dot_general3A_1383, %dot_general3A_1389 : vector<1024x256xf32>
    %get3A_1391 = arith.constant 0 : index
    %get3A_1392 = arith.constant 0 : index
    %get3A_1393 = vector.load %arg52[%get3A_1391, %get3A_1392] : memref<1x256xf32, #tpu.memory_space<vmem>>, vector<1x256xf32>
    %add3A_1394 = vector.broadcast %get3A_1393 : vector<1x256xf32> to vector<1024x256xf32>
    %add3A_1395 = arith.addf %add3A_1390, %add3A_1394 : vector<1024x256xf32>
    %max3A_1396 = arith.constant 0.000000e+00 : f32
    %max3A_1397 = vector.broadcast %max3A_1396 : f32 to vector<1024x256xf32>
    %max3A_1398 = arith.maximumf %add3A_1395, %max3A_1397 : vector<1024x256xf32>
    %get3A_1399 = arith.constant 0 : index
    %get3A_1400 = arith.constant 0 : index
    %get3A_1401 = vector.load %arg53[%get3A_1399, %get3A_1400] : memref<256x256xf32, #tpu.memory_space<vmem>>, vector<256x256xf32>
    %convert_element_type3A_1402 = arith.truncf %max3A_1398 : vector<1024x256xf32> to vector<1024x256xbf16>
    %convert_element_type3A_1403 = arith.truncf %get3A_1401 : vector<256x256xf32> to vector<256x256xbf16>
    %dot_general3A_1404 = arith.constant dense<0.000000e+00> : vector<1024x256xf32>
    %dot_general3A_1405 = tpu.matmul %convert_element_type3A_1402, %convert_element_type3A_1403, %dot_general3A_1404 {dimension_numbers = #tpu.dot_dimension_numbers<[1], [0], [0], [1], [0, 0, 1, 1], [], []>, transpose_lhs_hint = false} : vector<1024x256xbf16>, vector<256x256xbf16>, vector<1024x256xf32> -> vector<1024x256xf32>
    %get3A_1406 = arith.constant 0 : index
    %get3A_1407 = arith.constant 0 : index
    %get3A_1408 = vector.load %arg54[%get3A_1406, %get3A_1407] : memref<1x256xf32, #tpu.memory_space<vmem>>, vector<1x256xf32>
    %add3A_1409 = vector.broadcast %get3A_1408 : vector<1x256xf32> to vector<1024x256xf32>
    %add3A_1410 = arith.addf %dot_general3A_1405, %add3A_1409 : vector<1024x256xf32>
    %max3A_1411 = arith.constant 0.000000e+00 : f32
    %max3A_1412 = vector.broadcast %max3A_1411 : f32 to vector<1024x256xf32>
    %max3A_1413 = arith.maximumf %add3A_1410, %max3A_1412 : vector<1024x256xf32>
    %mul3A_1414 = arith.mulf %max3A_1413, %dot_general3A_1375 : vector<1024x256xf32>
    %get3A_1415 = arith.constant 0 : index
    %get3A_1416 = arith.constant 0 : index
    %get3A_1417 = vector.load %arg56[%get3A_1415, %get3A_1416] : memref<256x128xf32, #tpu.memory_space<vmem>>, vector<256x128xf32>
    %dot_general3A_1418 = arith.constant dense<0.000000e+00> : vector<1024x128xf32>
    %dot_general3A_1419 = tpu.matmul %mul3A_1414, %get3A_1417, %dot_general3A_1418 {dimension_numbers = #tpu.dot_dimension_numbers<[1], [0], [0], [1], [0, 0, 1, 1], [], []>, transpose_lhs_hint = false} : vector<1024x256xf32>, vector<256x128xf32>, vector<1024x128xf32> -> vector<1024x128xf32>
    %swap3A_1420 = arith.constant 2 : index
    %swap3A_1421 = arith.constant 0 : index
    %swap3A_1422 = arith.constant 0 : index
    %swap3A_1423 = vector.load %arg57[%swap3A_1420, %swap3A_1421, %swap3A_1422] : memref<4x1024x128xf32, #tpu.memory_space<vmem>>, vector<1x1024x128xf32>
    %swap3A_1424 = vector.shape_cast %swap3A_1423 : vector<1x1024x128xf32> to vector<1024x128xf32>
    %swap3A_1425 = vector.shape_cast %dot_general3A_1419 : vector<1024x128xf32> to vector<1x1024x128xf32>
    tpu.vector_store %arg57[%swap3A_1420, %swap3A_1421, %swap3A_1422], %swap3A_1425 {strides = array<i32>} : memref<4x1024x128xf32, #tpu.memory_space<vmem>>, vector<1x1024x128xf32>,
    %get3A_1426 = arith.constant 0 : index
    %get3A_1427 = arith.constant 0 : index
    %get3A_1428 = vector.load %arg47[%get3A_1426, %get3A_1427] : memref<64x4xf32, #tpu.memory_space<vmem>>, vector<64x4xf32>
    %convert_element_type3A_1429 = arith.truncf %add3A_686 : vector<1024x64xf32> to vector<1024x64xbf16>
    %convert_element_type3A_1430 = arith.truncf %get3A_1428 : vector<64x4xf32> to vector<64x4xbf16>
    %dot_general3A_1431 = arith.constant dense<0.000000e+00> : vector<1024x4xf32>
    %dot_general3A_1432 = tpu.matmul %convert_element_type3A_1429, %convert_element_type3A_1430, %dot_general3A_1431 {dimension_numbers = #tpu.dot_dimension_numbers<[1], [0], [0], [1], [0, 0, 1, 1], [], []>, transpose_lhs_hint = false} : vector<1024x64xbf16>, vector<64x4xbf16>, vector<1024x4xf32> -> vector<1024x4xf32>
    %get3A_1433 = arith.constant 0 : index
    %get3A_1434 = arith.constant 0 : index
    %get3A_1435 = vector.load %arg48[%get3A_1433, %get3A_1434] : memref<64x4xf32, #tpu.memory_space<vmem>>, vector<64x4xf32>
    %convert_element_type3A_1436 = arith.truncf %add3A_878 : vector<1024x64xf32> to vector<1024x64xbf16>
    %convert_element_type3A_1437 = arith.truncf %get3A_1435 : vector<64x4xf32> to vector<64x4xbf16>
    %dot_general3A_1438 = arith.constant dense<0.000000e+00> : vector<1024x4xf32>
    %dot_general3A_1439 = tpu.matmul %convert_element_type3A_1436, %convert_element_type3A_1437, %dot_general3A_1438 {dimension_numbers = #tpu.dot_dimension_numbers<[1], [0], [0], [1], [0, 0, 1, 1], [], []>, transpose_lhs_hint = false} : vector<1024x64xbf16>, vector<64x4xbf16>, vector<1024x4xf32> -> vector<1024x4xf32>
    %add3A_1440 = arith.addf %dot_general3A_1432, %dot_general3A_1439 : vector<1024x4xf32>
    %get3A_1441 = arith.constant 0 : index
    %get3A_1442 = arith.constant 0 : index
    %get3A_1443 = vector.load %arg49[%get3A_1441, %get3A_1442] : memref<1x4xf32, #tpu.memory_space<vmem>>, vector<1x4xf32>
    %add3A_1444 = vector.broadcast %get3A_1443 : vector<1x4xf32> to vector<1024x4xf32>
    %add3A_1445 = arith.addf %add3A_1440, %add3A_1444 : vector<1024x4xf32>
    %slice3A_1446 = vector.extract_strided_slice %get3A_1172 {offsets = [0, 12], sizes = [1024, 4], strides = [1, 1]} : vector<1024x16xf32> to vector<1024x4xf32>
    %add3A_1447 = arith.addf %add3A_1445, %slice3A_1446 : vector<1024x4xf32>
    %mul3A_1448 = arith.constant 2.000000e+00 : f32
    %mul3A_1449 = vector.broadcast %mul3A_1448 : f32 to vector<1024x4xf32>
    %mul3A_1450 = arith.mulf %add3A_1447, %mul3A_1449 : vector<1024x4xf32>
    %exp3A_1451 = math.exp %mul3A_1450 : vector<1024x4xf32>
    %reduce_sum3A_1452 = arith.constant dense<0.000000e+00> : vector<1024xf32>
    %reduce_sum3A_1453 = vector.multi_reduction <add>, %exp3A_1451, %reduce_sum3A_1452 [1] : vector<1024x4xf32> to vector<1024xf32>
    %broadcast_in_dim3A_1454 = vector.shape_cast %reduce_sum3A_1453 : vector<1024xf32> to vector<1024x1xf32>
    %div3A_1455 = vector.broadcast %broadcast_in_dim3A_1454 : vector<1024x1xf32> to vector<1024x4xf32>
    %div3A_1456 = arith.divf %exp3A_1451, %div3A_1455 : vector<1024x4xf32>
    %get3A_1457 = arith.constant 0 : index
    %get3A_1458 = arith.constant 0 : index
    %get3A_1459 = vector.load %arg55[%get3A_1457, %get3A_1458] : memref<4x256xf32, #tpu.memory_space<vmem>>, vector<4x256xf32>
    %dot_general3A_1460 = arith.constant dense<0.000000e+00> : vector<1024x256xf32>
    %dot_general3A_1461 = tpu.matmul %div3A_1456, %get3A_1459, %dot_general3A_1460 {dimension_numbers = #tpu.dot_dimension_numbers<[1], [0], [0], [1], [0, 0, 1, 1], [], []>, transpose_lhs_hint = false} : vector<1024x4xf32>, vector<4x256xf32>, vector<1024x256xf32> -> vector<1024x256xf32>
    %slice3A_1462 = vector.extract_strided_slice %get3A_1166 {offsets = [0, 12], sizes = [1024, 4], strides = [1, 1]} : vector<1024x32xbf16> to vector<1024x4xbf16>
    %slice3A_1463 = vector.extract_strided_slice %get3A_1169 {offsets = [0, 12], sizes = [1024, 4], strides = [1, 1]} : vector<1024x32xbf16> to vector<1024x4xbf16>
    %get3A_1464 = arith.constant 0 : index
    %get3A_1465 = arith.constant 0 : index
    %get3A_1466 = vector.load %arg50[%get3A_1464, %get3A_1465] : memref<4x256xf32, #tpu.memory_space<vmem>>, vector<4x256xf32>
    %convert_element_type3A_1467 = arith.truncf %get3A_1466 : vector<4x256xf32> to vector<4x256xbf16>
    %dot_general3A_1468 = arith.constant dense<0.000000e+00> : vector<1024x256xf32>
    %dot_general3A_1469 = tpu.matmul %slice3A_1462, %convert_element_type3A_1467, %dot_general3A_1468 {dimension_numbers = #tpu.dot_dimension_numbers<[1], [0], [0], [1], [0, 0, 1, 1], [], []>, transpose_lhs_hint = false} : vector<1024x4xbf16>, vector<4x256xbf16>, vector<1024x256xf32> -> vector<1024x256xf32>
    %get3A_1470 = arith.constant 0 : index
    %get3A_1471 = arith.constant 0 : index
    %get3A_1472 = vector.load %arg51[%get3A_1470, %get3A_1471] : memref<4x256xf32, #tpu.memory_space<vmem>>, vector<4x256xf32>
    %convert_element_type3A_1473 = arith.truncf %get3A_1472 : vector<4x256xf32> to vector<4x256xbf16>
    %dot_general3A_1474 = arith.constant dense<0.000000e+00> : vector<1024x256xf32>
    %dot_general3A_1475 = tpu.matmul %slice3A_1463, %convert_element_type3A_1473, %dot_general3A_1474 {dimension_numbers = #tpu.dot_dimension_numbers<[1], [0], [0], [1], [0, 0, 1, 1], [], []>, transpose_lhs_hint = false} : vector<1024x4xbf16>, vector<4x256xbf16>, vector<1024x256xf32> -> vector<1024x256xf32>
    %add3A_1476 = arith.addf %dot_general3A_1469, %dot_general3A_1475 : vector<1024x256xf32>
    %get3A_1477 = arith.constant 0 : index
    %get3A_1478 = arith.constant 0 : index
    %get3A_1479 = vector.load %arg52[%get3A_1477, %get3A_1478] : memref<1x256xf32, #tpu.memory_space<vmem>>, vector<1x256xf32>
    %add3A_1480 = vector.broadcast %get3A_1479 : vector<1x256xf32> to vector<1024x256xf32>
    %add3A_1481 = arith.addf %add3A_1476, %add3A_1480 : vector<1024x256xf32>
    %max3A_1482 = arith.constant 0.000000e+00 : f32
    %max3A_1483 = vector.broadcast %max3A_1482 : f32 to vector<1024x256xf32>
    %max3A_1484 = arith.maximumf %add3A_1481, %max3A_1483 : vector<1024x256xf32>
    %get3A_1485 = arith.constant 0 : index
    %get3A_1486 = arith.constant 0 : index
    %get3A_1487 = vector.load %arg53[%get3A_1485, %get3A_1486] : memref<256x256xf32, #tpu.memory_space<vmem>>, vector<256x256xf32>
    %convert_element_type3A_1488 = arith.truncf %max3A_1484 : vector<1024x256xf32> to vector<1024x256xbf16>
    %convert_element_type3A_1489 = arith.truncf %get3A_1487 : vector<256x256xf32> to vector<256x256xbf16>
    %dot_general3A_1490 = arith.constant dense<0.000000e+00> : vector<1024x256xf32>
    %dot_general3A_1491 = tpu.matmul %convert_element_type3A_1488, %convert_element_type3A_1489, %dot_general3A_1490 {dimension_numbers = #tpu.dot_dimension_numbers<[1], [0], [0], [1], [0, 0, 1, 1], [], []>, transpose_lhs_hint = false} : vector<1024x256xbf16>, vector<256x256xbf16>, vector<1024x256xf32> -> vector<1024x256xf32>
    %get3A_1492 = arith.constant 0 : index
    %get3A_1493 = arith.constant 0 : index
    %get3A_1494 = vector.load %arg54[%get3A_1492, %get3A_1493] : memref<1x256xf32, #tpu.memory_space<vmem>>, vector<1x256xf32>
    %add3A_1495 = vector.broadcast %get3A_1494 : vector<1x256xf32> to vector<1024x256xf32>
    %add3A_1496 = arith.addf %dot_general3A_1491, %add3A_1495 : vector<1024x256xf32>
    %max3A_1497 = arith.constant 0.000000e+00 : f32
    %max3A_1498 = vector.broadcast %max3A_1497 : f32 to vector<1024x256xf32>
    %max3A_1499 = arith.maximumf %add3A_1496, %max3A_1498 : vector<1024x256xf32>
    %mul3A_1500 = arith.mulf %max3A_1499, %dot_general3A_1461 : vector<1024x256xf32>
    %get3A_1501 = arith.constant 0 : index
    %get3A_1502 = arith.constant 0 : index
    %get3A_1503 = vector.load %arg56[%get3A_1501, %get3A_1502] : memref<256x128xf32, #tpu.memory_space<vmem>>, vector<256x128xf32>
    %dot_general3A_1504 = arith.constant dense<0.000000e+00> : vector<1024x128xf32>
    %dot_general3A_1505 = tpu.matmul %mul3A_1500, %get3A_1503, %dot_general3A_1504 {dimension_numbers = #tpu.dot_dimension_numbers<[1], [0], [0], [1], [0, 0, 1, 1], [], []>, transpose_lhs_hint = false} : vector<1024x256xf32>, vector<256x128xf32>, vector<1024x128xf32> -> vector<1024x128xf32>
    %swap3A_1506 = arith.constant 3 : index
    %swap3A_1507 = arith.constant 0 : index
    %swap3A_1508 = arith.constant 0 : index
    %swap3A_1509 = vector.load %arg57[%swap3A_1506, %swap3A_1507, %swap3A_1508] : memref<4x1024x128xf32, #tpu.memory_space<vmem>>, vector<1x1024x128xf32>
    %swap3A_1510 = vector.shape_cast %swap3A_1509 : vector<1x1024x128xf32> to vector<1024x128xf32>
    %swap3A_1511 = vector.shape_cast %dot_general3A_1505 : vector<1024x128xf32> to vector<1x1024x128xf32>
    tpu.vector_store %arg57[%swap3A_1506, %swap3A_1507, %swap3A_1508], %swap3A_1511 {strides = array<i32>} : memref<4x1024x128xf32, #tpu.memory_space<vmem>>, vector<1x1024x128xf32>,
    return
  }
  func.func @transform_0(%arg0: i32) -> (i32, i32, i32) {
    %c0_i32 = arith.constant 0 : i32
    %c0_i32_0 = arith.constant 0 : i32
    %c0_i32_1 = arith.constant 0 : i32
    return %c0_i32, %arg0, %c0_i32_0 : i32, i32, i32
  }
  func.func @transform_1(%arg0: i32) -> (i32, i32) {
    %add3A = arith.constant 0 : i32
    %add3A_0 = arith.addi %add3A, %arg0 : i32
    %c0_i32 = arith.constant 0 : i32
    %c0_i32_1 = arith.constant 0 : i32
    return %add3A_0, %c0_i32 : i32, i32
  }
  func.func @transform_2(%arg0: i32) -> (i32, i32) {
    %add3A = arith.constant 160 : i32
    %add3A_0 = arith.addi %add3A, %arg0 : i32
    %c0_i32 = arith.constant 0 : i32
    %c0_i32_1 = arith.constant 0 : i32
    return %add3A_0, %c0_i32 : i32, i32
  }
  func.func @transform_3(%arg0: i32) -> (i32, i32) {
    %add3A = arith.constant 320 : i32
    %add3A_0 = arith.addi %add3A, %arg0 : i32
    %c0_i32 = arith.constant 0 : i32
    %c0_i32_1 = arith.constant 0 : i32
    return %add3A_0, %c0_i32 : i32, i32
  }
  func.func @transform_4(%arg0: i32) -> (i32, i32) {
    %add3A = arith.constant 480 : i32
    %add3A_0 = arith.addi %add3A, %arg0 : i32
    %c0_i32 = arith.constant 0 : i32
    %c0_i32_1 = arith.constant 0 : i32
    return %add3A_0, %c0_i32 : i32, i32
  }
  func.func @transform_5(%arg0: i32) -> (i32, i32) {
    %add3A = arith.constant 640 : i32
    %add3A_0 = arith.addi %add3A, %arg0 : i32
    %c0_i32 = arith.constant 0 : i32
    %c0_i32_1 = arith.constant 0 : i32
    return %add3A_0, %c0_i32 : i32, i32
  }
  func.func @transform_6(%arg0: i32) -> (i32, i32) {
    %add3A = arith.constant 800 : i32
    %add3A_0 = arith.addi %add3A, %arg0 : i32
    %c0_i32 = arith.constant 0 : i32
    %c0_i32_1 = arith.constant 0 : i32
    return %add3A_0, %c0_i32 : i32, i32
  }
  func.func @transform_7(%arg0: i32) -> (i32, i32) {
    %add3A = arith.constant 960 : i32
    %add3A_0 = arith.addi %add3A, %arg0 : i32
    %c0_i32 = arith.constant 0 : i32
    %c0_i32_1 = arith.constant 0 : i32
    return %add3A_0, %c0_i32 : i32, i32
  }
  func.func @transform_8(%arg0: i32) -> (i32, i32) {
    %add3A = arith.constant 1120 : i32
    %add3A_0 = arith.addi %add3A, %arg0 : i32
    %c0_i32 = arith.constant 0 : i32
    %c0_i32_1 = arith.constant 0 : i32
    return %add3A_0, %c0_i32 : i32, i32
  }
  func.func @transform_9(%arg0: i32) -> (i32, i32) {
    %add3A = arith.constant 1280 : i32
    %add3A_0 = arith.addi %add3A, %arg0 : i32
    %c0_i32 = arith.constant 0 : i32
    %c0_i32_1 = arith.constant 0 : i32
    return %add3A_0, %c0_i32 : i32, i32
  }
  func.func @transform_10(%arg0: i32) -> (i32, i32) {
    %add3A = arith.constant 1440 : i32
    %add3A_0 = arith.addi %add3A, %arg0 : i32
    %c0_i32 = arith.constant 0 : i32
    %c0_i32_1 = arith.constant 0 : i32
    return %add3A_0, %c0_i32 : i32, i32
  }
  func.func @transform_11(%arg0: i32) -> (i32, i32) {
    %c0_i32 = arith.constant 0 : i32
    %c0_i32_0 = arith.constant 0 : i32
    return %arg0, %c0_i32 : i32, i32
  }
  func.func @transform_12(%arg0: i32) -> (i32, i32) {
    %add3A = arith.constant 160 : i32
    %add3A_0 = arith.addi %add3A, %arg0 : i32
    %c0_i32 = arith.constant 0 : i32
    %c0_i32_1 = arith.constant 0 : i32
    return %add3A_0, %c0_i32 : i32, i32
  }
  func.func @transform_13(%arg0: i32) -> (i32, i32) {
    %c0_i32 = arith.constant 0 : i32
    %c0_i32_0 = arith.constant 0 : i32
    return %arg0, %c0_i32 : i32, i32
  }
  func.func @transform_14(%arg0: i32) -> (i32, i32) {
    %c0_i32 = arith.constant 0 : i32
    %c0_i32_0 = arith.constant 0 : i32
    %c0_i32_1 = arith.constant 0 : i32
    return %c0_i32, %c0_i32_0 : i32, i32
  }
  func.func @transform_15(%arg0: i32) -> (i32, i32) {
    %c0_i32 = arith.constant 0 : i32
    %c0_i32_0 = arith.constant 0 : i32
    %c0_i32_1 = arith.constant 0 : i32
    return %c0_i32, %c0_i32_0 : i32, i32
  }
  func.func @transform_16(%arg0: i32) -> (i32, i32) {
    %c0_i32 = arith.constant 0 : i32
    %c0_i32_0 = arith.constant 0 : i32
    %c0_i32_1 = arith.constant 0 : i32
    return %c0_i32, %c0_i32_0 : i32, i32
  }
  func.func @transform_17(%arg0: i32) -> (i32, i32) {
    %c0_i32 = arith.constant 0 : i32
    %c0_i32_0 = arith.constant 0 : i32
    %c0_i32_1 = arith.constant 0 : i32
    return %c0_i32, %c0_i32_0 : i32, i32
  }
  func.func @transform_18(%arg0: i32) -> (i32, i32) {
    %c0_i32 = arith.constant 0 : i32
    %c0_i32_0 = arith.constant 0 : i32
    %c0_i32_1 = arith.constant 0 : i32
    return %c0_i32, %c0_i32_0 : i32, i32
  }
  func.func @transform_19(%arg0: i32) -> (i32, i32) {
    %c0_i32 = arith.constant 0 : i32
    %c0_i32_0 = arith.constant 0 : i32
    %c0_i32_1 = arith.constant 0 : i32
    return %c0_i32, %c0_i32_0 : i32, i32
  }
  func.func @transform_20(%arg0: i32) -> (i32, i32) {
    %c0_i32 = arith.constant 0 : i32
    %c0_i32_0 = arith.constant 0 : i32
    %c0_i32_1 = arith.constant 0 : i32
    return %c0_i32, %c0_i32_0 : i32, i32
  }
  func.func @transform_21(%arg0: i32) -> (i32, i32) {
    %c0_i32 = arith.constant 0 : i32
    %c0_i32_0 = arith.constant 0 : i32
    %c0_i32_1 = arith.constant 0 : i32
    return %c0_i32, %c0_i32_0 : i32, i32
  }
  func.func @transform_22(%arg0: i32) -> (i32, i32) {
    %c0_i32 = arith.constant 0 : i32
    %c0_i32_0 = arith.constant 0 : i32
    %c0_i32_1 = arith.constant 0 : i32
    return %c0_i32, %c0_i32_0 : i32, i32
  }
  func.func @transform_23(%arg0: i32) -> (i32, i32) {
    %c0_i32 = arith.constant 0 : i32
    %c0_i32_0 = arith.constant 0 : i32
    %c0_i32_1 = arith.constant 0 : i32
    return %c0_i32, %c0_i32_0 : i32, i32
  }
  func.func @transform_24(%arg0: i32) -> (i32, i32) {
    %c0_i32 = arith.constant 0 : i32
    %c0_i32_0 = arith.constant 0 : i32
    %c0_i32_1 = arith.constant 0 : i32
    return %c0_i32, %c0_i32_0 : i32, i32
  }
  func.func @transform_25(%arg0: i32) -> (i32, i32) {
    %c0_i32 = arith.constant 0 : i32
    %c0_i32_0 = arith.constant 0 : i32
    %c0_i32_1 = arith.constant 0 : i32
    return %c0_i32, %c0_i32_0 : i32, i32
  }
  func.func @transform_26(%arg0: i32) -> (i32, i32) {
    %c0_i32 = arith.constant 0 : i32
    %c0_i32_0 = arith.constant 0 : i32
    %c0_i32_1 = arith.constant 0 : i32
    return %c0_i32, %c0_i32_0 : i32, i32
  }
  func.func @transform_27(%arg0: i32) -> (i32, i32) {
    %c0_i32 = arith.constant 0 : i32
    %c0_i32_0 = arith.constant 0 : i32
    %c0_i32_1 = arith.constant 0 : i32
    return %c0_i32, %c0_i32_0 : i32, i32
  }
  func.func @transform_28(%arg0: i32) -> (i32, i32) {
    %c0_i32 = arith.constant 0 : i32
    %c0_i32_0 = arith.constant 0 : i32
    %c0_i32_1 = arith.constant 0 : i32
    return %c0_i32, %c0_i32_0 : i32, i32
  }
  func.func @transform_29(%arg0: i32) -> (i32, i32) {
    %c0_i32 = arith.constant 0 : i32
    %c0_i32_0 = arith.constant 0 : i32
    %c0_i32_1 = arith.constant 0 : i32
    return %c0_i32, %c0_i32_0 : i32, i32
  }
  func.func @transform_30(%arg0: i32) -> (i32, i32) {
    %c0_i32 = arith.constant 0 : i32
    %c0_i32_0 = arith.constant 0 : i32
    %c0_i32_1 = arith.constant 0 : i32
    return %c0_i32, %c0_i32_0 : i32, i32
  }
  func.func @transform_31(%arg0: i32) -> (i32, i32) {
    %c0_i32 = arith.constant 0 : i32
    %c0_i32_0 = arith.constant 0 : i32
    %c0_i32_1 = arith.constant 0 : i32
    return %c0_i32, %c0_i32_0 : i32, i32
  }
  func.func @transform_32(%arg0: i32) -> (i32, i32) {
    %c0_i32 = arith.constant 0 : i32
    %c0_i32_0 = arith.constant 0 : i32
    %c0_i32_1 = arith.constant 0 : i32
    return %c0_i32, %c0_i32_0 : i32, i32
  }
  func.func @transform_33(%arg0: i32) -> (i32, i32) {
    %c0_i32 = arith.constant 0 : i32
    %c0_i32_0 = arith.constant 0 : i32
    %c0_i32_1 = arith.constant 0 : i32
    return %c0_i32, %c0_i32_0 : i32, i32
  }
  func.func @transform_34(%arg0: i32) -> (i32, i32) {
    %c0_i32 = arith.constant 0 : i32
    %c0_i32_0 = arith.constant 0 : i32
    %c0_i32_1 = arith.constant 0 : i32
    return %c0_i32, %c0_i32_0 : i32, i32
  }
  func.func @transform_35(%arg0: i32) -> (i32, i32) {
    %c0_i32 = arith.constant 0 : i32
    %c0_i32_0 = arith.constant 0 : i32
    %c0_i32_1 = arith.constant 0 : i32
    return %c0_i32, %c0_i32_0 : i32, i32
  }
  func.func @transform_36(%arg0: i32) -> (i32, i32) {
    %c0_i32 = arith.constant 0 : i32
    %c0_i32_0 = arith.constant 0 : i32
    %c0_i32_1 = arith.constant 0 : i32
    return %c0_i32, %c0_i32_0 : i32, i32
  }
  func.func @transform_37(%arg0: i32) -> (i32, i32) {
    %c0_i32 = arith.constant 0 : i32
    %c0_i32_0 = arith.constant 0 : i32
    %c0_i32_1 = arith.constant 0 : i32
    return %c0_i32, %c0_i32_0 : i32, i32
  }
  func.func @transform_38(%arg0: i32) -> (i32, i32) {
    %c0_i32 = arith.constant 0 : i32
    %c0_i32_0 = arith.constant 0 : i32
    %c0_i32_1 = arith.constant 0 : i32
    return %c0_i32, %c0_i32_0 : i32, i32
  }
  func.func @transform_39(%arg0: i32) -> (i32, i32) {
    %c0_i32 = arith.constant 0 : i32
    %c0_i32_0 = arith.constant 0 : i32
    %c0_i32_1 = arith.constant 0 : i32
    return %c0_i32, %c0_i32_0 : i32, i32
  }
  func.func @transform_40(%arg0: i32) -> (i32, i32) {
    %c0_i32 = arith.constant 0 : i32
    %c0_i32_0 = arith.constant 0 : i32
    %c0_i32_1 = arith.constant 0 : i32
    return %c0_i32, %c0_i32_0 : i32, i32
  }
  func.func @transform_41(%arg0: i32) -> (i32, i32) {
    %c0_i32 = arith.constant 0 : i32
    %c0_i32_0 = arith.constant 0 : i32
    %c0_i32_1 = arith.constant 0 : i32
    return %c0_i32, %c0_i32_0 : i32, i32
  }
  func.func @transform_42(%arg0: i32) -> (i32, i32) {
    %c0_i32 = arith.constant 0 : i32
    %c0_i32_0 = arith.constant 0 : i32
    %c0_i32_1 = arith.constant 0 : i32
    return %c0_i32, %c0_i32_0 : i32, i32
  }
  func.func @transform_43(%arg0: i32) -> (i32, i32) {
    %c0_i32 = arith.constant 0 : i32
    %c0_i32_0 = arith.constant 0 : i32
    %c0_i32_1 = arith.constant 0 : i32
    return %c0_i32, %c0_i32_0 : i32, i32
  }
  func.func @transform_44(%arg0: i32) -> (i32, i32) {
    %c0_i32 = arith.constant 0 : i32
    %c0_i32_0 = arith.constant 0 : i32
    %c0_i32_1 = arith.constant 0 : i32
    return %c0_i32, %c0_i32_0 : i32, i32
  }
  func.func @transform_45(%arg0: i32) -> (i32, i32) {
    %c0_i32 = arith.constant 0 : i32
    %c0_i32_0 = arith.constant 0 : i32
    %c0_i32_1 = arith.constant 0 : i32
    return %c0_i32, %c0_i32_0 : i32, i32
  }
  func.func @transform_46(%arg0: i32) -> (i32, i32) {
    %c0_i32 = arith.constant 0 : i32
    %c0_i32_0 = arith.constant 0 : i32
    %c0_i32_1 = arith.constant 0 : i32
    return %c0_i32, %c0_i32_0 : i32, i32
  }
  func.func @transform_47(%arg0: i32) -> (i32, i32) {
    %c0_i32 = arith.constant 0 : i32
    %c0_i32_0 = arith.constant 0 : i32
    %c0_i32_1 = arith.constant 0 : i32
    return %c0_i32, %c0_i32_0 : i32, i32
  }
  func.func @transform_48(%arg0: i32) -> (i32, i32) {
    %c0_i32 = arith.constant 0 : i32
    %c0_i32_0 = arith.constant 0 : i32
    %c0_i32_1 = arith.constant 0 : i32
    return %c0_i32, %c0_i32_0 : i32, i32
  }
  func.func @transform_49(%arg0: i32) -> (i32, i32) {
    %c0_i32 = arith.constant 0 : i32
    %c0_i32_0 = arith.constant 0 : i32
    %c0_i32_1 = arith.constant 0 : i32
    return %c0_i32, %c0_i32_0 : i32, i32
  }
  func.func @transform_50(%arg0: i32) -> (i32, i32) {
    %c0_i32 = arith.constant 0 : i32
    %c0_i32_0 = arith.constant 0 : i32
    %c0_i32_1 = arith.constant 0 : i32
    return %c0_i32, %c0_i32_0 : i32, i32
  }
  func.func @transform_51(%arg0: i32) -> (i32, i32) {
    %c0_i32 = arith.constant 0 : i32
    %c0_i32_0 = arith.constant 0 : i32
    %c0_i32_1 = arith.constant 0 : i32
    return %c0_i32, %c0_i32_0 : i32, i32
  }
  func.func @transform_52(%arg0: i32) -> (i32, i32) {
    %c0_i32 = arith.constant 0 : i32
    %c0_i32_0 = arith.constant 0 : i32
    %c0_i32_1 = arith.constant 0 : i32
    return %c0_i32, %c0_i32_0 : i32, i32
  }
  func.func @transform_53(%arg0: i32) -> (i32, i32) {
    %c0_i32 = arith.constant 0 : i32
    %c0_i32_0 = arith.constant 0 : i32
    %c0_i32_1 = arith.constant 0 : i32
    return %c0_i32, %c0_i32_0 : i32, i32
  }
  func.func @transform_54(%arg0: i32) -> (i32, i32) {
    %c0_i32 = arith.constant 0 : i32
    %c0_i32_0 = arith.constant 0 : i32
    %c0_i32_1 = arith.constant 0 : i32
    return %c0_i32, %c0_i32_0 : i32, i32
  }
  func.func @transform_55(%arg0: i32) -> (i32, i32) {
    %c0_i32 = arith.constant 0 : i32
    %c0_i32_0 = arith.constant 0 : i32
    %c0_i32_1 = arith.constant 0 : i32
    return %c0_i32, %c0_i32_0 : i32, i32
  }
  func.func @transform_56(%arg0: i32) -> (i32, i32, i32) {
    %c0_i32 = arith.constant 0 : i32
    %c0_i32_0 = arith.constant 0 : i32
    %c0_i32_1 = arith.constant 0 : i32
    return %c0_i32, %arg0, %c0_i32_0 : i32, i32, i32
  }
}

module attributes {stable_mosaic.version = 14 : i64} {
  func.func @_node_body(%arg0: i32, %arg1: memref<2048x20xf32, #tpu.memory_space<vmem>>, %arg2: memref<2x4x2048x128xf32, #tpu.memory_space<vmem>>, %arg3: memref<4x64xf32, #tpu.memory_space<vmem>>, %arg4: memref<64x64xf32, #tpu.memory_space<vmem>>, %arg5: memref<1x64xf32, #tpu.memory_space<vmem>>, %arg6: memref<64x64xf32, #tpu.memory_space<vmem>>, %arg7: memref<1x64xf32, #tpu.memory_space<vmem>>, %arg8: memref<64x4xf32, #tpu.memory_space<vmem>>, %arg9: memref<1x4xf32, #tpu.memory_space<vmem>>, %arg10: memref<2048x4x4xf32, #tpu.memory_space<vmem>>) attributes {dimension_semantics = [#tpu.dimension_semantics<arbitrary>], iteration_bounds = array<i64: 5>, scalar_prefetch = 0 : i64, scratch_operands = 0 : i64, tpu.core_type = #tpu.core_type<tc>, window_params = [{transform_indices = @transform_0, window_bounds = array<i64: 2048, 20>}, {transform_indices = @transform_1, window_bounds = array<i64: 2, 4, 2048, 128>}, {pipeline_mode = #tpu.pipeline_mode<synchronous>, transform_indices = @transform_2, window_bounds = array<i64: 4, 64>}, {pipeline_mode = #tpu.pipeline_mode<synchronous>, transform_indices = @transform_3, window_bounds = array<i64: 64, 64>}, {pipeline_mode = #tpu.pipeline_mode<synchronous>, transform_indices = @transform_4, window_bounds = array<i64: 1, 64>}, {pipeline_mode = #tpu.pipeline_mode<synchronous>, transform_indices = @transform_5, window_bounds = array<i64: 64, 64>}, {pipeline_mode = #tpu.pipeline_mode<synchronous>, transform_indices = @transform_6, window_bounds = array<i64: 1, 64>}, {pipeline_mode = #tpu.pipeline_mode<synchronous>, transform_indices = @transform_7, window_bounds = array<i64: 64, 4>}, {pipeline_mode = #tpu.pipeline_mode<synchronous>, transform_indices = @transform_8, window_bounds = array<i64: 1, 4>}, {transform_indices = @transform_9, window_bounds = array<i64: 2048, 4, 4>}]} {
    %get3A = arith.constant 0 : index
    %get3A_0 = arith.constant 0 : index
    %get3A_1 = vector.load %arg1[%get3A, %get3A_0] : memref<2048x20xf32, #tpu.memory_space<vmem>>, vector<2048x20xf32>
    %get3A_2 = arith.constant 0 : index
    %get3A_3 = arith.constant 0 : index
    %get3A_4 = arith.constant 0 : index
    %get3A_5 = arith.constant 0 : index
    %get3A_6 = vector.load %arg2[%get3A_2, %get3A_3, %get3A_4, %get3A_5] : memref<2x4x2048x128xf32, #tpu.memory_space<vmem>>, vector<1x1x2048x64xf32>
    %get3A_7 = vector.shape_cast %get3A_6 : vector<1x1x2048x64xf32> to vector<2048x64xf32>
    %get3A_8 = arith.constant 1 : index
    %get3A_9 = arith.constant 0 : index
    %get3A_10 = arith.constant 0 : index
    %get3A_11 = arith.constant 0 : index
    %get3A_12 = vector.load %arg2[%get3A_8, %get3A_9, %get3A_10, %get3A_11] : memref<2x4x2048x128xf32, #tpu.memory_space<vmem>>, vector<1x1x2048x64xf32>
    %get3A_13 = vector.shape_cast %get3A_12 : vector<1x1x2048x64xf32> to vector<2048x64xf32>
    %add3A = arith.addf %get3A_7, %get3A_13 : vector<2048x64xf32>
    %slice3A = vector.extract_strided_slice %get3A_1 {offsets = [0, 0], sizes = [2048, 4], strides = [1, 1]} : vector<2048x20xf32> to vector<2048x4xf32>
    %get3A_14 = arith.constant 0 : index
    %get3A_15 = arith.constant 0 : index
    %get3A_16 = vector.load %arg3[%get3A_14, %get3A_15] : memref<4x64xf32, #tpu.memory_space<vmem>>, vector<4x64xf32>
    %dot_general3A = arith.constant dense<0.000000e+00> : vector<2048x64xf32>
    %dot_general3A_17 = tpu.matmul %slice3A, %get3A_16, %dot_general3A {dimension_numbers = #tpu.dot_dimension_numbers<[1], [0], [0], [1], [0, 0, 1, 1], [], []>, transpose_lhs_hint = false} : vector<2048x4xf32>, vector<4x64xf32>, vector<2048x64xf32> -> vector<2048x64xf32>
    %get3A_18 = arith.constant 0 : index
    %get3A_19 = arith.constant 0 : index
    %get3A_20 = vector.load %arg4[%get3A_18, %get3A_19] : memref<64x64xf32, #tpu.memory_space<vmem>>, vector<64x64xf32>
    %dot_general3A_21 = arith.constant dense<0.000000e+00> : vector<2048x64xf32>
    %dot_general3A_22 = tpu.matmul %add3A, %get3A_20, %dot_general3A_21 {dimension_numbers = #tpu.dot_dimension_numbers<[1], [0], [0], [1], [0, 0, 1, 1], [], []>, transpose_lhs_hint = false} : vector<2048x64xf32>, vector<64x64xf32>, vector<2048x64xf32> -> vector<2048x64xf32>
    %add3A_23 = arith.addf %dot_general3A_17, %dot_general3A_22 : vector<2048x64xf32>
    %get3A_24 = arith.constant 0 : index
    %get3A_25 = arith.constant 0 : index
    %get3A_26 = vector.load %arg5[%get3A_24, %get3A_25] : memref<1x64xf32, #tpu.memory_space<vmem>>, vector<1x64xf32>
    %add3A_27 = vector.broadcast %get3A_26 : vector<1x64xf32> to vector<2048x64xf32>
    %add3A_28 = arith.addf %add3A_23, %add3A_27 : vector<2048x64xf32>
    %max3A = arith.constant 0.000000e+00 : f32
    %max3A_29 = vector.broadcast %max3A : f32 to vector<2048x64xf32>
    %max3A_30 = arith.maximumf %add3A_28, %max3A_29 : vector<2048x64xf32>
    %get3A_31 = arith.constant 0 : index
    %get3A_32 = arith.constant 0 : index
    %get3A_33 = vector.load %arg6[%get3A_31, %get3A_32] : memref<64x64xf32, #tpu.memory_space<vmem>>, vector<64x64xf32>
    %dot_general3A_34 = arith.constant dense<0.000000e+00> : vector<2048x64xf32>
    %dot_general3A_35 = tpu.matmul %max3A_30, %get3A_33, %dot_general3A_34 {dimension_numbers = #tpu.dot_dimension_numbers<[1], [0], [0], [1], [0, 0, 1, 1], [], []>, transpose_lhs_hint = false} : vector<2048x64xf32>, vector<64x64xf32>, vector<2048x64xf32> -> vector<2048x64xf32>
    %get3A_36 = arith.constant 0 : index
    %get3A_37 = arith.constant 0 : index
    %get3A_38 = vector.load %arg7[%get3A_36, %get3A_37] : memref<1x64xf32, #tpu.memory_space<vmem>>, vector<1x64xf32>
    %add3A_39 = vector.broadcast %get3A_38 : vector<1x64xf32> to vector<2048x64xf32>
    %add3A_40 = arith.addf %dot_general3A_35, %add3A_39 : vector<2048x64xf32>
    %max3A_41 = arith.constant 0.000000e+00 : f32
    %max3A_42 = vector.broadcast %max3A_41 : f32 to vector<2048x64xf32>
    %max3A_43 = arith.maximumf %add3A_40, %max3A_42 : vector<2048x64xf32>
    %get3A_44 = arith.constant 0 : index
    %get3A_45 = arith.constant 0 : index
    %get3A_46 = vector.load %arg8[%get3A_44, %get3A_45] : memref<64x4xf32, #tpu.memory_space<vmem>>, vector<64x4xf32>
    %dot_general3A_47 = arith.constant dense<0.000000e+00> : vector<2048x4xf32>
    %dot_general3A_48 = tpu.matmul %max3A_43, %get3A_46, %dot_general3A_47 {dimension_numbers = #tpu.dot_dimension_numbers<[1], [0], [0], [1], [0, 0, 1, 1], [], []>, transpose_lhs_hint = false} : vector<2048x64xf32>, vector<64x4xf32>, vector<2048x4xf32> -> vector<2048x4xf32>
    %get3A_49 = arith.constant 0 : index
    %get3A_50 = arith.constant 0 : index
    %get3A_51 = vector.load %arg9[%get3A_49, %get3A_50] : memref<1x4xf32, #tpu.memory_space<vmem>>, vector<1x4xf32>
    %add3A_52 = vector.broadcast %get3A_51 : vector<1x4xf32> to vector<2048x4xf32>
    %add3A_53 = arith.addf %dot_general3A_48, %add3A_52 : vector<2048x4xf32>
    %add3A_54 = arith.addf %slice3A, %add3A_53 : vector<2048x4xf32>
    %swap3A = arith.constant 0 : index
    %swap3A_55 = arith.constant 0 : index
    %swap3A_56 = arith.constant 0 : index
    %swap3A_57 = vector.load %arg10[%swap3A, %swap3A_55, %swap3A_56] : memref<2048x4x4xf32, #tpu.memory_space<vmem>>, vector<2048x1x4xf32>
    %swap3A_58 = vector.shape_cast %swap3A_57 : vector<2048x1x4xf32> to vector<2048x4xf32>
    %swap3A_59 = vector.shape_cast %add3A_54 : vector<2048x4xf32> to vector<2048x1x4xf32>
    tpu.vector_store %arg10[%swap3A, %swap3A_55, %swap3A_56], %swap3A_59 {strides = array<i32>} : memref<2048x4x4xf32, #tpu.memory_space<vmem>>, vector<2048x1x4xf32>,
    %get3A_60 = arith.constant 0 : index
    %get3A_61 = arith.constant 1 : index
    %get3A_62 = arith.constant 0 : index
    %get3A_63 = arith.constant 0 : index
    %get3A_64 = vector.load %arg2[%get3A_60, %get3A_61, %get3A_62, %get3A_63] : memref<2x4x2048x128xf32, #tpu.memory_space<vmem>>, vector<1x1x2048x64xf32>
    %get3A_65 = vector.shape_cast %get3A_64 : vector<1x1x2048x64xf32> to vector<2048x64xf32>
    %get3A_66 = arith.constant 1 : index
    %get3A_67 = arith.constant 1 : index
    %get3A_68 = arith.constant 0 : index
    %get3A_69 = arith.constant 0 : index
    %get3A_70 = vector.load %arg2[%get3A_66, %get3A_67, %get3A_68, %get3A_69] : memref<2x4x2048x128xf32, #tpu.memory_space<vmem>>, vector<1x1x2048x64xf32>
    %get3A_71 = vector.shape_cast %get3A_70 : vector<1x1x2048x64xf32> to vector<2048x64xf32>
    %add3A_72 = arith.addf %get3A_65, %get3A_71 : vector<2048x64xf32>
    %slice3A_73 = vector.extract_strided_slice %get3A_1 {offsets = [0, 4], sizes = [2048, 4], strides = [1, 1]} : vector<2048x20xf32> to vector<2048x4xf32>
    %get3A_74 = arith.constant 0 : index
    %get3A_75 = arith.constant 0 : index
    %get3A_76 = vector.load %arg3[%get3A_74, %get3A_75] : memref<4x64xf32, #tpu.memory_space<vmem>>, vector<4x64xf32>
    %dot_general3A_77 = arith.constant dense<0.000000e+00> : vector<2048x64xf32>
    %dot_general3A_78 = tpu.matmul %slice3A_73, %get3A_76, %dot_general3A_77 {dimension_numbers = #tpu.dot_dimension_numbers<[1], [0], [0], [1], [0, 0, 1, 1], [], []>, transpose_lhs_hint = false} : vector<2048x4xf32>, vector<4x64xf32>, vector<2048x64xf32> -> vector<2048x64xf32>
    %get3A_79 = arith.constant 0 : index
    %get3A_80 = arith.constant 0 : index
    %get3A_81 = vector.load %arg4[%get3A_79, %get3A_80] : memref<64x64xf32, #tpu.memory_space<vmem>>, vector<64x64xf32>
    %dot_general3A_82 = arith.constant dense<0.000000e+00> : vector<2048x64xf32>
    %dot_general3A_83 = tpu.matmul %add3A_72, %get3A_81, %dot_general3A_82 {dimension_numbers = #tpu.dot_dimension_numbers<[1], [0], [0], [1], [0, 0, 1, 1], [], []>, transpose_lhs_hint = false} : vector<2048x64xf32>, vector<64x64xf32>, vector<2048x64xf32> -> vector<2048x64xf32>
    %add3A_84 = arith.addf %dot_general3A_78, %dot_general3A_83 : vector<2048x64xf32>
    %get3A_85 = arith.constant 0 : index
    %get3A_86 = arith.constant 0 : index
    %get3A_87 = vector.load %arg5[%get3A_85, %get3A_86] : memref<1x64xf32, #tpu.memory_space<vmem>>, vector<1x64xf32>
    %add3A_88 = vector.broadcast %get3A_87 : vector<1x64xf32> to vector<2048x64xf32>
    %add3A_89 = arith.addf %add3A_84, %add3A_88 : vector<2048x64xf32>
    %max3A_90 = arith.constant 0.000000e+00 : f32
    %max3A_91 = vector.broadcast %max3A_90 : f32 to vector<2048x64xf32>
    %max3A_92 = arith.maximumf %add3A_89, %max3A_91 : vector<2048x64xf32>
    %get3A_93 = arith.constant 0 : index
    %get3A_94 = arith.constant 0 : index
    %get3A_95 = vector.load %arg6[%get3A_93, %get3A_94] : memref<64x64xf32, #tpu.memory_space<vmem>>, vector<64x64xf32>
    %dot_general3A_96 = arith.constant dense<0.000000e+00> : vector<2048x64xf32>
    %dot_general3A_97 = tpu.matmul %max3A_92, %get3A_95, %dot_general3A_96 {dimension_numbers = #tpu.dot_dimension_numbers<[1], [0], [0], [1], [0, 0, 1, 1], [], []>, transpose_lhs_hint = false} : vector<2048x64xf32>, vector<64x64xf32>, vector<2048x64xf32> -> vector<2048x64xf32>
    %get3A_98 = arith.constant 0 : index
    %get3A_99 = arith.constant 0 : index
    %get3A_100 = vector.load %arg7[%get3A_98, %get3A_99] : memref<1x64xf32, #tpu.memory_space<vmem>>, vector<1x64xf32>
    %add3A_101 = vector.broadcast %get3A_100 : vector<1x64xf32> to vector<2048x64xf32>
    %add3A_102 = arith.addf %dot_general3A_97, %add3A_101 : vector<2048x64xf32>
    %max3A_103 = arith.constant 0.000000e+00 : f32
    %max3A_104 = vector.broadcast %max3A_103 : f32 to vector<2048x64xf32>
    %max3A_105 = arith.maximumf %add3A_102, %max3A_104 : vector<2048x64xf32>
    %get3A_106 = arith.constant 0 : index
    %get3A_107 = arith.constant 0 : index
    %get3A_108 = vector.load %arg8[%get3A_106, %get3A_107] : memref<64x4xf32, #tpu.memory_space<vmem>>, vector<64x4xf32>
    %dot_general3A_109 = arith.constant dense<0.000000e+00> : vector<2048x4xf32>
    %dot_general3A_110 = tpu.matmul %max3A_105, %get3A_108, %dot_general3A_109 {dimension_numbers = #tpu.dot_dimension_numbers<[1], [0], [0], [1], [0, 0, 1, 1], [], []>, transpose_lhs_hint = false} : vector<2048x64xf32>, vector<64x4xf32>, vector<2048x4xf32> -> vector<2048x4xf32>
    %get3A_111 = arith.constant 0 : index
    %get3A_112 = arith.constant 0 : index
    %get3A_113 = vector.load %arg9[%get3A_111, %get3A_112] : memref<1x4xf32, #tpu.memory_space<vmem>>, vector<1x4xf32>
    %add3A_114 = vector.broadcast %get3A_113 : vector<1x4xf32> to vector<2048x4xf32>
    %add3A_115 = arith.addf %dot_general3A_110, %add3A_114 : vector<2048x4xf32>
    %add3A_116 = arith.addf %slice3A_73, %add3A_115 : vector<2048x4xf32>
    %swap3A_117 = arith.constant 0 : index
    %swap3A_118 = arith.constant 1 : index
    %swap3A_119 = arith.constant 0 : index
    %swap3A_120 = vector.load %arg10[%swap3A_117, %swap3A_118, %swap3A_119] : memref<2048x4x4xf32, #tpu.memory_space<vmem>>, vector<2048x1x4xf32>
    %swap3A_121 = vector.shape_cast %swap3A_120 : vector<2048x1x4xf32> to vector<2048x4xf32>
    %swap3A_122 = vector.shape_cast %add3A_116 : vector<2048x4xf32> to vector<2048x1x4xf32>
    tpu.vector_store %arg10[%swap3A_117, %swap3A_118, %swap3A_119], %swap3A_122 {strides = array<i32>} : memref<2048x4x4xf32, #tpu.memory_space<vmem>>, vector<2048x1x4xf32>,
    %get3A_123 = arith.constant 0 : index
    %get3A_124 = arith.constant 2 : index
    %get3A_125 = arith.constant 0 : index
    %get3A_126 = arith.constant 0 : index
    %get3A_127 = vector.load %arg2[%get3A_123, %get3A_124, %get3A_125, %get3A_126] : memref<2x4x2048x128xf32, #tpu.memory_space<vmem>>, vector<1x1x2048x64xf32>
    %get3A_128 = vector.shape_cast %get3A_127 : vector<1x1x2048x64xf32> to vector<2048x64xf32>
    %get3A_129 = arith.constant 1 : index
    %get3A_130 = arith.constant 2 : index
    %get3A_131 = arith.constant 0 : index
    %get3A_132 = arith.constant 0 : index
    %get3A_133 = vector.load %arg2[%get3A_129, %get3A_130, %get3A_131, %get3A_132] : memref<2x4x2048x128xf32, #tpu.memory_space<vmem>>, vector<1x1x2048x64xf32>
    %get3A_134 = vector.shape_cast %get3A_133 : vector<1x1x2048x64xf32> to vector<2048x64xf32>
    %add3A_135 = arith.addf %get3A_128, %get3A_134 : vector<2048x64xf32>
    %slice3A_136 = vector.extract_strided_slice %get3A_1 {offsets = [0, 8], sizes = [2048, 4], strides = [1, 1]} : vector<2048x20xf32> to vector<2048x4xf32>
    %get3A_137 = arith.constant 0 : index
    %get3A_138 = arith.constant 0 : index
    %get3A_139 = vector.load %arg3[%get3A_137, %get3A_138] : memref<4x64xf32, #tpu.memory_space<vmem>>, vector<4x64xf32>
    %dot_general3A_140 = arith.constant dense<0.000000e+00> : vector<2048x64xf32>
    %dot_general3A_141 = tpu.matmul %slice3A_136, %get3A_139, %dot_general3A_140 {dimension_numbers = #tpu.dot_dimension_numbers<[1], [0], [0], [1], [0, 0, 1, 1], [], []>, transpose_lhs_hint = false} : vector<2048x4xf32>, vector<4x64xf32>, vector<2048x64xf32> -> vector<2048x64xf32>
    %get3A_142 = arith.constant 0 : index
    %get3A_143 = arith.constant 0 : index
    %get3A_144 = vector.load %arg4[%get3A_142, %get3A_143] : memref<64x64xf32, #tpu.memory_space<vmem>>, vector<64x64xf32>
    %dot_general3A_145 = arith.constant dense<0.000000e+00> : vector<2048x64xf32>
    %dot_general3A_146 = tpu.matmul %add3A_135, %get3A_144, %dot_general3A_145 {dimension_numbers = #tpu.dot_dimension_numbers<[1], [0], [0], [1], [0, 0, 1, 1], [], []>, transpose_lhs_hint = false} : vector<2048x64xf32>, vector<64x64xf32>, vector<2048x64xf32> -> vector<2048x64xf32>
    %add3A_147 = arith.addf %dot_general3A_141, %dot_general3A_146 : vector<2048x64xf32>
    %get3A_148 = arith.constant 0 : index
    %get3A_149 = arith.constant 0 : index
    %get3A_150 = vector.load %arg5[%get3A_148, %get3A_149] : memref<1x64xf32, #tpu.memory_space<vmem>>, vector<1x64xf32>
    %add3A_151 = vector.broadcast %get3A_150 : vector<1x64xf32> to vector<2048x64xf32>
    %add3A_152 = arith.addf %add3A_147, %add3A_151 : vector<2048x64xf32>
    %max3A_153 = arith.constant 0.000000e+00 : f32
    %max3A_154 = vector.broadcast %max3A_153 : f32 to vector<2048x64xf32>
    %max3A_155 = arith.maximumf %add3A_152, %max3A_154 : vector<2048x64xf32>
    %get3A_156 = arith.constant 0 : index
    %get3A_157 = arith.constant 0 : index
    %get3A_158 = vector.load %arg6[%get3A_156, %get3A_157] : memref<64x64xf32, #tpu.memory_space<vmem>>, vector<64x64xf32>
    %dot_general3A_159 = arith.constant dense<0.000000e+00> : vector<2048x64xf32>
    %dot_general3A_160 = tpu.matmul %max3A_155, %get3A_158, %dot_general3A_159 {dimension_numbers = #tpu.dot_dimension_numbers<[1], [0], [0], [1], [0, 0, 1, 1], [], []>, transpose_lhs_hint = false} : vector<2048x64xf32>, vector<64x64xf32>, vector<2048x64xf32> -> vector<2048x64xf32>
    %get3A_161 = arith.constant 0 : index
    %get3A_162 = arith.constant 0 : index
    %get3A_163 = vector.load %arg7[%get3A_161, %get3A_162] : memref<1x64xf32, #tpu.memory_space<vmem>>, vector<1x64xf32>
    %add3A_164 = vector.broadcast %get3A_163 : vector<1x64xf32> to vector<2048x64xf32>
    %add3A_165 = arith.addf %dot_general3A_160, %add3A_164 : vector<2048x64xf32>
    %max3A_166 = arith.constant 0.000000e+00 : f32
    %max3A_167 = vector.broadcast %max3A_166 : f32 to vector<2048x64xf32>
    %max3A_168 = arith.maximumf %add3A_165, %max3A_167 : vector<2048x64xf32>
    %get3A_169 = arith.constant 0 : index
    %get3A_170 = arith.constant 0 : index
    %get3A_171 = vector.load %arg8[%get3A_169, %get3A_170] : memref<64x4xf32, #tpu.memory_space<vmem>>, vector<64x4xf32>
    %dot_general3A_172 = arith.constant dense<0.000000e+00> : vector<2048x4xf32>
    %dot_general3A_173 = tpu.matmul %max3A_168, %get3A_171, %dot_general3A_172 {dimension_numbers = #tpu.dot_dimension_numbers<[1], [0], [0], [1], [0, 0, 1, 1], [], []>, transpose_lhs_hint = false} : vector<2048x64xf32>, vector<64x4xf32>, vector<2048x4xf32> -> vector<2048x4xf32>
    %get3A_174 = arith.constant 0 : index
    %get3A_175 = arith.constant 0 : index
    %get3A_176 = vector.load %arg9[%get3A_174, %get3A_175] : memref<1x4xf32, #tpu.memory_space<vmem>>, vector<1x4xf32>
    %add3A_177 = vector.broadcast %get3A_176 : vector<1x4xf32> to vector<2048x4xf32>
    %add3A_178 = arith.addf %dot_general3A_173, %add3A_177 : vector<2048x4xf32>
    %add3A_179 = arith.addf %slice3A_136, %add3A_178 : vector<2048x4xf32>
    %swap3A_180 = arith.constant 0 : index
    %swap3A_181 = arith.constant 2 : index
    %swap3A_182 = arith.constant 0 : index
    %swap3A_183 = vector.load %arg10[%swap3A_180, %swap3A_181, %swap3A_182] : memref<2048x4x4xf32, #tpu.memory_space<vmem>>, vector<2048x1x4xf32>
    %swap3A_184 = vector.shape_cast %swap3A_183 : vector<2048x1x4xf32> to vector<2048x4xf32>
    %swap3A_185 = vector.shape_cast %add3A_179 : vector<2048x4xf32> to vector<2048x1x4xf32>
    tpu.vector_store %arg10[%swap3A_180, %swap3A_181, %swap3A_182], %swap3A_185 {strides = array<i32>} : memref<2048x4x4xf32, #tpu.memory_space<vmem>>, vector<2048x1x4xf32>,
    %get3A_186 = arith.constant 0 : index
    %get3A_187 = arith.constant 3 : index
    %get3A_188 = arith.constant 0 : index
    %get3A_189 = arith.constant 0 : index
    %get3A_190 = vector.load %arg2[%get3A_186, %get3A_187, %get3A_188, %get3A_189] : memref<2x4x2048x128xf32, #tpu.memory_space<vmem>>, vector<1x1x2048x64xf32>
    %get3A_191 = vector.shape_cast %get3A_190 : vector<1x1x2048x64xf32> to vector<2048x64xf32>
    %get3A_192 = arith.constant 1 : index
    %get3A_193 = arith.constant 3 : index
    %get3A_194 = arith.constant 0 : index
    %get3A_195 = arith.constant 0 : index
    %get3A_196 = vector.load %arg2[%get3A_192, %get3A_193, %get3A_194, %get3A_195] : memref<2x4x2048x128xf32, #tpu.memory_space<vmem>>, vector<1x1x2048x64xf32>
    %get3A_197 = vector.shape_cast %get3A_196 : vector<1x1x2048x64xf32> to vector<2048x64xf32>
    %add3A_198 = arith.addf %get3A_191, %get3A_197 : vector<2048x64xf32>
    %slice3A_199 = vector.extract_strided_slice %get3A_1 {offsets = [0, 12], sizes = [2048, 4], strides = [1, 1]} : vector<2048x20xf32> to vector<2048x4xf32>
    %get3A_200 = arith.constant 0 : index
    %get3A_201 = arith.constant 0 : index
    %get3A_202 = vector.load %arg3[%get3A_200, %get3A_201] : memref<4x64xf32, #tpu.memory_space<vmem>>, vector<4x64xf32>
    %dot_general3A_203 = arith.constant dense<0.000000e+00> : vector<2048x64xf32>
    %dot_general3A_204 = tpu.matmul %slice3A_199, %get3A_202, %dot_general3A_203 {dimension_numbers = #tpu.dot_dimension_numbers<[1], [0], [0], [1], [0, 0, 1, 1], [], []>, transpose_lhs_hint = false} : vector<2048x4xf32>, vector<4x64xf32>, vector<2048x64xf32> -> vector<2048x64xf32>
    %get3A_205 = arith.constant 0 : index
    %get3A_206 = arith.constant 0 : index
    %get3A_207 = vector.load %arg4[%get3A_205, %get3A_206] : memref<64x64xf32, #tpu.memory_space<vmem>>, vector<64x64xf32>
    %dot_general3A_208 = arith.constant dense<0.000000e+00> : vector<2048x64xf32>
    %dot_general3A_209 = tpu.matmul %add3A_198, %get3A_207, %dot_general3A_208 {dimension_numbers = #tpu.dot_dimension_numbers<[1], [0], [0], [1], [0, 0, 1, 1], [], []>, transpose_lhs_hint = false} : vector<2048x64xf32>, vector<64x64xf32>, vector<2048x64xf32> -> vector<2048x64xf32>
    %add3A_210 = arith.addf %dot_general3A_204, %dot_general3A_209 : vector<2048x64xf32>
    %get3A_211 = arith.constant 0 : index
    %get3A_212 = arith.constant 0 : index
    %get3A_213 = vector.load %arg5[%get3A_211, %get3A_212] : memref<1x64xf32, #tpu.memory_space<vmem>>, vector<1x64xf32>
    %add3A_214 = vector.broadcast %get3A_213 : vector<1x64xf32> to vector<2048x64xf32>
    %add3A_215 = arith.addf %add3A_210, %add3A_214 : vector<2048x64xf32>
    %max3A_216 = arith.constant 0.000000e+00 : f32
    %max3A_217 = vector.broadcast %max3A_216 : f32 to vector<2048x64xf32>
    %max3A_218 = arith.maximumf %add3A_215, %max3A_217 : vector<2048x64xf32>
    %get3A_219 = arith.constant 0 : index
    %get3A_220 = arith.constant 0 : index
    %get3A_221 = vector.load %arg6[%get3A_219, %get3A_220] : memref<64x64xf32, #tpu.memory_space<vmem>>, vector<64x64xf32>
    %dot_general3A_222 = arith.constant dense<0.000000e+00> : vector<2048x64xf32>
    %dot_general3A_223 = tpu.matmul %max3A_218, %get3A_221, %dot_general3A_222 {dimension_numbers = #tpu.dot_dimension_numbers<[1], [0], [0], [1], [0, 0, 1, 1], [], []>, transpose_lhs_hint = false} : vector<2048x64xf32>, vector<64x64xf32>, vector<2048x64xf32> -> vector<2048x64xf32>
    %get3A_224 = arith.constant 0 : index
    %get3A_225 = arith.constant 0 : index
    %get3A_226 = vector.load %arg7[%get3A_224, %get3A_225] : memref<1x64xf32, #tpu.memory_space<vmem>>, vector<1x64xf32>
    %add3A_227 = vector.broadcast %get3A_226 : vector<1x64xf32> to vector<2048x64xf32>
    %add3A_228 = arith.addf %dot_general3A_223, %add3A_227 : vector<2048x64xf32>
    %max3A_229 = arith.constant 0.000000e+00 : f32
    %max3A_230 = vector.broadcast %max3A_229 : f32 to vector<2048x64xf32>
    %max3A_231 = arith.maximumf %add3A_228, %max3A_230 : vector<2048x64xf32>
    %get3A_232 = arith.constant 0 : index
    %get3A_233 = arith.constant 0 : index
    %get3A_234 = vector.load %arg8[%get3A_232, %get3A_233] : memref<64x4xf32, #tpu.memory_space<vmem>>, vector<64x4xf32>
    %dot_general3A_235 = arith.constant dense<0.000000e+00> : vector<2048x4xf32>
    %dot_general3A_236 = tpu.matmul %max3A_231, %get3A_234, %dot_general3A_235 {dimension_numbers = #tpu.dot_dimension_numbers<[1], [0], [0], [1], [0, 0, 1, 1], [], []>, transpose_lhs_hint = false} : vector<2048x64xf32>, vector<64x4xf32>, vector<2048x4xf32> -> vector<2048x4xf32>
    %get3A_237 = arith.constant 0 : index
    %get3A_238 = arith.constant 0 : index
    %get3A_239 = vector.load %arg9[%get3A_237, %get3A_238] : memref<1x4xf32, #tpu.memory_space<vmem>>, vector<1x4xf32>
    %add3A_240 = vector.broadcast %get3A_239 : vector<1x4xf32> to vector<2048x4xf32>
    %add3A_241 = arith.addf %dot_general3A_236, %add3A_240 : vector<2048x4xf32>
    %add3A_242 = arith.addf %slice3A_199, %add3A_241 : vector<2048x4xf32>
    %swap3A_243 = arith.constant 0 : index
    %swap3A_244 = arith.constant 3 : index
    %swap3A_245 = arith.constant 0 : index
    %swap3A_246 = vector.load %arg10[%swap3A_243, %swap3A_244, %swap3A_245] : memref<2048x4x4xf32, #tpu.memory_space<vmem>>, vector<2048x1x4xf32>
    %swap3A_247 = vector.shape_cast %swap3A_246 : vector<2048x1x4xf32> to vector<2048x4xf32>
    %swap3A_248 = vector.shape_cast %add3A_242 : vector<2048x4xf32> to vector<2048x1x4xf32>
    tpu.vector_store %arg10[%swap3A_243, %swap3A_244, %swap3A_245], %swap3A_248 {strides = array<i32>} : memref<2048x4x4xf32, #tpu.memory_space<vmem>>, vector<2048x1x4xf32>,
    return
  }
  func.func @transform_0(%arg0: i32) -> (i32, i32) {
    %c0_i32 = arith.constant 0 : i32
    %c0_i32_0 = arith.constant 0 : i32
    return %arg0, %c0_i32 : i32, i32
  }
  func.func @transform_1(%arg0: i32) -> (i32, i32, i32, i32) {
    %c0_i32 = arith.constant 0 : i32
    %c0_i32_0 = arith.constant 0 : i32
    %c0_i32_1 = arith.constant 0 : i32
    %c0_i32_2 = arith.constant 0 : i32
    return %c0_i32, %c0_i32_0, %arg0, %c0_i32_1 : i32, i32, i32, i32
  }
  func.func @transform_2(%arg0: i32) -> (i32, i32) {
    %c0_i32 = arith.constant 0 : i32
    %c0_i32_0 = arith.constant 0 : i32
    %c0_i32_1 = arith.constant 0 : i32
    return %c0_i32, %c0_i32_0 : i32, i32
  }
  func.func @transform_3(%arg0: i32) -> (i32, i32) {
    %c0_i32 = arith.constant 0 : i32
    %c0_i32_0 = arith.constant 0 : i32
    %c0_i32_1 = arith.constant 0 : i32
    return %c0_i32, %c0_i32_0 : i32, i32
  }
  func.func @transform_4(%arg0: i32) -> (i32, i32) {
    %c0_i32 = arith.constant 0 : i32
    %c0_i32_0 = arith.constant 0 : i32
    %c0_i32_1 = arith.constant 0 : i32
    return %c0_i32, %c0_i32_0 : i32, i32
  }
  func.func @transform_5(%arg0: i32) -> (i32, i32) {
    %c0_i32 = arith.constant 0 : i32
    %c0_i32_0 = arith.constant 0 : i32
    %c0_i32_1 = arith.constant 0 : i32
    return %c0_i32, %c0_i32_0 : i32, i32
  }
  func.func @transform_6(%arg0: i32) -> (i32, i32) {
    %c0_i32 = arith.constant 0 : i32
    %c0_i32_0 = arith.constant 0 : i32
    %c0_i32_1 = arith.constant 0 : i32
    return %c0_i32, %c0_i32_0 : i32, i32
  }
  func.func @transform_7(%arg0: i32) -> (i32, i32) {
    %c0_i32 = arith.constant 0 : i32
    %c0_i32_0 = arith.constant 0 : i32
    %c0_i32_1 = arith.constant 0 : i32
    return %c0_i32, %c0_i32_0 : i32, i32
  }
  func.func @transform_8(%arg0: i32) -> (i32, i32) {
    %c0_i32 = arith.constant 0 : i32
    %c0_i32_0 = arith.constant 0 : i32
    %c0_i32_1 = arith.constant 0 : i32
    return %c0_i32, %c0_i32_0 : i32, i32
  }
  func.func @transform_9(%arg0: i32) -> (i32, i32, i32) {
    %c0_i32 = arith.constant 0 : i32
    %c0_i32_0 = arith.constant 0 : i32
    %c0_i32_1 = arith.constant 0 : i32
    return %arg0, %c0_i32, %c0_i32_0 : i32, i32, i32
  }
}

</mosaic_0001>

<sc_bundles>
// kernel: kernel.10.cloned.1.call-start
scs
__scs_entry_jumppad:
0x0: {  	(pc) =	sbr.rel $0x88, $3  }
0x1: {  	(tag) =	ssettag $0x0;
	lr =	simm.s32 $0x1  }
0x2: {  	[smem:$0x3F6C] =	sst lr;
	_ =	strace $0xD0000000  }
0x3: {  	_ = 	snop  }
0x4: {  	_ = 	snop  }
0x5: {  	_ = 	snop  }
0x6: {  	_ = 	snop  }
0x7: {  	_ = 	snop  }
__scs_overlays_trampoline_lowered:
0x8: {  	[smem:$0x3F7B] =	sst s0  }
0x9: {  	[smem:$0x3F7C] =	sst s1  }
0xa: {  	[smem:$0x3F7D] =	sst s2  }
0xb: {  	[smem:$0x3F7E] =	sst s3  }
0xc: {  	[smem:$0x3F7F] =	sst s4  }
0xd: {  	[smem:$0x3F80] =	sst s5  }
0xe: {  	[smem:$0x3F81] =	sst s6  }
0xf: {  	[smem:$0x3F82] =	sst s7  }
0x10: {  	[smem:$0x3F83] =	sst s8  }
0x11: {  	[smem:$0x3F84] =	sst s9;
	s0 =	simm.s32 @!p0 $0x0  }
0x12: {  	s1 =	sld [smem:$0x3F6A];
	s0 =	simm.s32 @p0 $0x1  }
0x13: {  	[smem:$0x3F85] =	sst s0;
	s0 =	simm.s32 @!p1 $0x0  }
0x14: {  	s2 =	sld [smem:$0x3F69];
	s0 =	simm.s32 @p1 $0x1  }
0x15: {  	[smem:$0x3F86] =	sst s0;
	s0 =	simm.s32 @!p2 $0x0  }
0x16: {  	s3 =	sld [smem:$0x3FDB];
	s0 =	simm.s32 @p2 $0x1  }
0x17: {  	s4 =	simm.s32 $0x1BF5;
	[smem:$0x3F88] =	sst s0  }
0x18: {  	s0 =	sld [smem:$0x3F6B];
	_ =	swait.ge [sflag:s4], $0x0  }
0x19: {  	s7 =	sld [smem:$0x3F6C]  }
0x1a: {  	s8 =	sadd.s32 $0xFFFFE003, lr  }
0x1b: {  	s9 =	sadd.s32 $0xFFFFFEF7, lr;
	s5 =	simm.s32 $0xFFFFFFFF;
	p2 =	slt.u32 s8, $0xFFFFF086  }
0x1c: {  	p1 =	slt.u32 s9, $0xF7A;
	s5 =	simm.s32 @!p2 $0x0  }
0x1d: {  	s5 =	simm.s32 @p1 $0x1;
	p0 =	seq.s32 s7, s2  }
0x1e: {  	s7 =	smul.u32 @!p0 $0xF7A, s2;
	p2 =	seq.s32 @!p0 s5, $0x0  }
0x1f: {  	s9 =	smul.u32 $0xF7A, s1;
	s8 =	simm.s32 @!p0 $0x1BF5;
	p2 =	por !p2, p0  }
0x20: {  	[sflag:s8] =	ssyncset.s32 @!p0 $0xFFFFF086;
	s6 =	sadd.s32 @!p0 s3, s7;
	s7 =	simm.s32 @!p0 $0x108  }
0x21: {  	s3 =	sadd.s32 s3, s9;
	s6 =	sadd.s32 @!p0 $0x88, s6;
	s7 =	simm.s32 @p2 $0x1082  }
0x22: {  	[simem:s7], [sflag:s8] =	dma.local @!p0 [hbm:s6], $0xF7A  }
0x23: {  	s9 =	sor.u32 $0xD0000000, s2;
	s6 =	simm.s32 $0x108;
	_ =	swait.ge @!p0 [sflag:s8], $0x0  }
0x24: {  	s3 =	sadd.s32 $0x88, s3;
	s6 =	simm.s32 @!p1 $0x1082;
	[sflag:s4] =	ssyncset.s32 $0xFFFFF086  }
0x25: {  	[simem:s6], [sflag:s4] =	dma.local [hbm:s3], $0xF7A  }
0x26: {  	[smem:$0x3F6C] =	sst s1;
	(tag) =	ssettag s2;
	_ =	strace s9  }
0x27: {  	s1 =	sld [smem:$0x3F7C]  }
0x28: {  	s2 =	sld [smem:$0x3F7D]  }
0x29: {  	s4 =	sld [smem:$0x3F7F]  }
0x2a: {  	p0 =	seq.s32 s5, $0x0;
	s5 =	sld [smem:$0x3F80]  }
0x2b: {  	s6 =	sld [smem:$0x3F81]  }
0x2c: {  	s7 =	sld [smem:$0x3F82]  }
0x2d: {  	s3 =	simm.s32 $0x108;
	s8 =	sld [smem:$0x3F83]  }
0x2e: {  	s3 =	simm.s32 @!p0 $0x1082;
	s9 =	sld [smem:$0x3F84]  }
0x2f: {  	lr =	sadd.s32 s0, s3;
	s0 =	sld [smem:$0x3F7B]  }
0x30: {  	s3 =	sld [smem:$0x3F7E]  }
0x31: {  	[smem:$0x3F87] =	sst s10  }
0x32: {  	s10 =	sld [smem:$0x3F85];
	_ =	sdelay $0x3  }
0x33: {  	p0 =	seq.s32 s10, $0x1;
	s10 =	sld [smem:$0x3F87];
	_ =	sdelay $0x3  }
0x34: {  	[smem:$0x3F87] =	sst s10  }
0x35: {  	s10 =	sld [smem:$0x3F86];
	_ =	sdelay $0x3  }
0x36: {  	p1 =	seq.s32 s10, $0x1;
	s10 =	sld [smem:$0x3F87];
	_ =	sdelay $0x3  }
0x37: {  	[smem:$0x3F87] =	sst s10  }
0x38: {  	s10 =	sld [smem:$0x3F88]  }
0x39: {  	_ = 	snop;
	(pc) =	sbr.ind lr, $3  }
0x3a: {  	_ = 	snop  }
0x3b: {  	_ = 	snop  }
0x3c: {  	p2 =	seq.s32 s10, $0x1;
	s10 =	sld [smem:$0x3F87]  }
0x3d: {  	_ =	shalt  }
0x3e: {  	_ =	shalt  }
0x3f: {  	_ =	shalt  }
0x40: {  	_ =	shalt  }
0x41: {  	_ =	shalt  }
0x42: {  	_ =	shalt  }
0x43: {  	_ =	shalt  }
0x44: {  	_ =	shalt  }
0x45: {  	_ =	shalt  }
0x46: {  	_ =	shalt  }
0x47: {  	_ =	shalt  }
0x48: {  	_ =	shalt  }
0x49: {  	_ =	shalt  }
0x4a: {  	_ =	shalt  }
0x4b: {  	_ =	shalt  }
0x4c: {  	_ =	shalt  }
0x4d: {  	_ =	shalt  }
0x4e: {  	_ =	shalt  }
0x4f: {  	_ =	shalt  }
0x50: {  	_ =	shalt  }
0x51: {  	_ =	shalt  }
0x52: {  	_ =	shalt  }
0x53: {  	_ =	shalt  }
0x54: {  	_ =	shalt  }
0x55: {  	_ =	shalt  }
0x56: {  	_ =	shalt  }
0x57: {  	_ =	shalt  }
0x58: {  	_ =	shalt  }
0x59: {  	_ =	shalt  }
0x5a: {  	_ =	shalt  }
0x5b: {  	_ =	shalt  }
0x5c: {  	_ =	shalt  }
0x5d: {  	_ =	shalt  }
0x5e: {  	_ =	shalt  }
0x5f: {  	_ =	shalt  }
0x60: {  	_ =	shalt  }
0x61: {  	_ =	shalt  }
0x62: {  	_ =	shalt  }
0x63: {  	_ =	shalt  }
0x64: {  	_ =	shalt  }
0x65: {  	_ =	shalt  }
0x66: {  	_ =	shalt  }
0x67: {  	_ =	shalt  }
0x68: {  	_ =	shalt  }
0x69: {  	_ =	shalt  }
0x6a: {  	_ =	shalt  }
0x6b: {  	_ =	shalt  }
0x6c: {  	_ =	shalt  }
0x6d: {  	_ =	shalt  }
0x6e: {  	_ =	shalt  }
0x6f: {  	_ =	shalt  }
0x70: {  	_ =	shalt  }
0x71: {  	_ =	shalt  }
0x72: {  	_ =	shalt  }
0x73: {  	_ =	shalt  }
0x74: {  	_ =	shalt  }
0x75: {  	_ =	shalt  }
0x76: {  	_ =	shalt  }
0x77: {  	_ =	shalt  }
0x78: {  	_ =	shalt  }
0x79: {  	_ =	shalt  }
0x7a: {  	_ =	shalt  }
0x7b: {  	_ =	shalt  }
0x7c: {  	_ =	shalt  }
0x7d: {  	_ =	shalt  }
0x7e: {  	_ =	shalt  }
0x7f: {  	_ =	shalt  }
0x80: {  	_ =	shalt  }
0x81: {  	_ =	shalt  }
0x82: {  	_ =	shalt  }
0x83: {  	_ =	shalt  }
0x84: {  	_ =	shalt  }
0x85: {  	_ =	shalt  }
0x86: {  	_ =	shalt  }
0x87: {  	_ =	shalt  }
.Lfunc_end0:
.L_simem_size_0:
called_computation_lowered:
.L_overlay_start_0:
0x88: {  	s2 =	sld [smem:$0x3FD9]  }
0x89: {  	s3 =	sld [smem:$0x3FFE];
	_ =	sdelay $0x1  }
0x8a: {  	s1 =	srdreg.scid  }
0x8b: {  	s0 =	sand.u32 $0x1, s1  }
0x8c: {  	s17 =	sshll.u32 s0, $0xA;
	s2 =	sadd.s32 s3, s2  }
0x8d: {  	s2 =	sadd.s32 s2, s17  }
0x8e: {  	[smem:$0x3F93] =	sst s2  }
0x8f: {  	_ = 	snop  }
0x90: {  	s2 =	sld [smem:$0x3FD0];
	(tm) =	ssettm $0x1  }
0x91: {  	s18 =	sld [smem:$0x3FFB];
	_ =	sdelay $0x3  }
0x92: {  	_ =	strace s18  }
0x93: {  	s3 =	sld [smem:$0x3FFC];
	_ =	sdelay $0x3  }
0x94: {  	_ =	strace s3  }
0x95: {  	s3 =	sld [smem:$0x3FFD];
	_ =	sdelay $0x3  }
0x96: {  	_ =	strace s3  }
0x97: {  	_ =	strace $0x8FFFFFFF  }
0x98: {  	s19 =	sld [smem:$0x3FDB];
	_ =	sdelay $0x1  }
0x99: {  	s4 =	simm.s32 $_scs_section_size  }
0x9a: {  	s5 =	simm.s32 $_size__tile_overlayer_lowered;
	s6 =	simm.s32 $_tile_overlayer_lowered  }
0x9b: {  	s22 =	simm.s32 $0x1BFF;
	s21 =	sshll.u32 s6, $0x1;
	s3 =	sadd.s32 s4, s19  }
0x9c: {  	s7 =	simm.s32 $0x0;
	s20 =	sshll.u32 s5, $0x1;
	s5 =	sadd.s32 s21, s3  }
0x9d: {  	[timem:s7], [sflag:s22] =	dma.local [hbm:s5], s20  }
0x9e: {  	_ =	swait.ge [sflag:s22], s20  }
0x9f: {  	s4 =	ssub.s32 $0x0, s20;
	[sflag:s22] =	ssyncset.done $0x0  }
0xa0: {  	[sflag:s22] =	ssyncadd.s32 s4;
	_ =	sdelay $0x1  }
0xa1: {  	s23 =	simm.s32 $0x1B8B  }
0xa2: {  	_ =	swait.ge [sflag:s23], $0x1  }
0xa3: {  	[sflag:s23] =	ssyncset.done $0x0  }
0xa4: {  	s25 =	simm.s32 $0x1B8E;
	s24 =	sld [smem:$0x3FFE];
	[sflag:s23] =	ssyncadd.s32 $0xFFFFFFFF  }
0xa5: {  	s26 =	simm.s32 $execute0_lowered;
	[smem:$0x3FD2] =	sst s25  }
0xa6: {  	s5 =	sshll.u32 s26, $0x1;
	_ =	strace $0x80000046;
	[dreg:$0x1] =	wrdreg $0xFFFFFFFF  }
0xa7: {  	s28 =	simm.s32 $_size_execute0_lowered;
	s3 =	sadd.s32 s3, s5;
	[dreg:$0x0] =	wrdreg $0x0  }
0xa8: {  	s5 =	sshll.u32 s28, $0x1;
	[dreg:$0x2] =	wrdreg s3  }
0xa9: {  	[dreg:$0x3] =	wrdreg s5  }
0xaa: {  	[dreg:$0x4] =	wrdreg $0xC0  }
0xab: {  	_ =	task [dreg:s7], $0x5FFFF  }
0xac: {  	[dreg:$0x1] =	wrdreg $0xFFFFFFFF  }
0xad: {  	[dreg:$0x0] =	wrdreg $0x60  }
0xae: {  	[dreg:$0x2] =	wrdreg s2  }
0xaf: {  	[dreg:$0x3] =	wrdreg s24  }
0xb0: {  	[dreg:$0x4] =	wrdreg $0x9  }
0xb1: {  	_ =	task.clear_ibuf [dreg:s7], $0x5FFFF;
	_ =	strace $0x90000046  }
0xb2: {  	s29 =	simm.s32 $0x9;
	_ =	strace $0x80000048  }
0xb3: {  	_ =	swait.ge [sflag:s29], $0x1  }
0xb4: {  	[sflag:s29] =	ssyncadd.s32 $0xFFFFFFFF  }
0xb5: {  	_ =	strace $0x90000048  }
0xb6: {  	_ =	sfence  }
0xb7: {  	s30 =	sld [smem:$0x0];
	_ =	sdelay $0x2  }
0xb8: {  	s31 =	sshll.u32 s1, $0xD;
	s1 =	sshrl.u32 s1, $0x2  }
0xb9: {  	s3 =	sand.u32 $0x4000, s31;
	s1 =	sadd.s32 s1, s30  }
0xba: {  	s0 =	sor.u32 s3, s0;
	s1 =	sshll.u32 s1, $0x11  }
0xbb: {  	s0 =	sor.u32 s1, s0  }
0xbc: {  	s0 =	sadd.s32 $0x8F2B, s0  }
0xbd: {  	[sflag:s0] =	ssyncadd.remote.s32 $0x1  }
0xbe: {  	_ =	sfence.sel $0xFFFF  }
0xbf: {  	[dreg:$0x0] =	wrdreg $0xFFFFFFFF;
	(pc) =	sbr.abs _section_cstart, $3  }
0xc0: {  	[dreg:$0x1] =	wrdreg $0xFFFFFFFF  }
0xc1: {  	_ =	task.clear_ibuf [dreg:s7], $0x2FFFF;
	_ =	strace $0x9FFFFFFF  }
0xc2: {  	(tm) =	ssettm $0x7FFFFFFF  }
0xc3: {  	_ =	shalt  }
tec
execute0_lowered:
.L_overlay_start_1:
0x0: {  	(tag) =	ssettag $0x1  }
0x1: {  	s2 =	rddreg [dreg:$0x0]  }
0x2: {  	s4 =	rddreg [dreg:$0x1];
	s3 =	srdreg.scid  }
0x3: {  	s1 =	stileid.u32;
	s0 =	rddreg [dreg:$0x2];
	s9 =	simm.s32 $0x2800  }
0x4: {  	s10 =	simm.s32 $0x3000;
	s11 =	simm.s32 $0x3800;
	s12 =	simm.s32 $0x4000  }
0x5: {  	s13 =	simm.s32 $0x4800;
	s14 =	simm.s32 $0x5000;
	s15 =	simm.s32 $0x5800  }
0x6: {  	s16 =	simm.s32 $0x6000;
	s17 =	simm.s32 $0x1;
	s18 =	simm.s32 $0x0  }
0x7: {  	s5 =	sand.u32 $0x1, s3;
	s6 =	smul.u32 $0xA0000, s1;
	s7 =	sshll.u32 s1, $0x1  }
0x8: {  	s3 =	simm.s32 $0x0;
	s8 =	smul.u32 $0x50000, s5;
	s7 =	sor.u32 s5, s7  }
0x9: {  	[smem:$0x7FF] =	sst s3;
	s5 =	ssub.s32 $0x2, s5;
	s7 =	smul.u32 $0x500, s7  }
0xa: {  	_ =	strace $0x80000047;
	s31 =	sshrl.u32 s5, $0x1;
	s6 =	sadd.s32 s8, s6  }
0xb: {  	s5 =	ssub.s32 s5, s31;
	s8 =	simm.s32 $0x80;
	s6 =	sshrl.u32 s6, $0x4  }
0xc: {  	s7 =	sadd.s32 s7, s4;
	s5 =	smax.u32 s5, $0x1;
	s6 =	sadd.s32 s6, s4  }
0xd: {  	s4 =	sadd.s32 $0x45A00, s7;
	s7 =	simm.s32 $0x2;
	s6 =	sadd.s32 $0x4FA00, s6  }
.LBB2_1:
0xe: {  	[tilespmem:s3], [sflag:$0x2] =	stream.linear.gather [hbm4b:s4+s3], $0x2800, $0x38;
	[tilespmem:$0x6800] =	vst v63  }
0xf: {  	_ =	swait.ge [sflag:s7], $0x2800  }
0x10: {  	[sflag:s7] =	ssyncset.done $0x0  }
0x11: {  	s19 =	simm.s32 $0x0;
	[sflag:s7] =	ssyncadd.s32 $0xFFFFD800  }
0x12: {  	[tilespmem:s9], [sflag:$0x1] =	stream.indirect.gather [hbm4b:s2+s8], $0x10, s19, s8, $0xb8;
	[tilespmem:$0x6800] =	vst v63  }
0x13: {  	s24 =	simm.s32 $0x80  }
0x14: {  	[tilespmem:s10], [sflag:$0x1] =	stream.indirect.gather [hbm4b:s2+s8], $0x10, s24, s8, $0xb8;
	[tilespmem:$0x6800] =	vst v63  }
0x15: {  	s25 =	simm.s32 $0x100  }
0x16: {  	[tilespmem:s11], [sflag:$0x1] =	stream.indirect.gather [hbm4b:s2+s8], $0x10, s25, s8, $0xb8;
	[tilespmem:$0x6800] =	vst v63  }
0x17: {  	s26 =	simm.s32 $0x180  }
0x18: {  	[tilespmem:s12], [sflag:$0x1] =	stream.indirect.gather [hbm4b:s2+s8], $0x10, s26, s8, $0xb8;
	[tilespmem:$0x6800] =	vst v63  }
0x19: {  	s28 =	simm.s32 $0x200  }
0x1a: {  	[tilespmem:s13], [sflag:$0x1] =	stream.indirect.gather [hbm4b:s2+s8], $0x10, s28, s8, $0xb8;
	[tilespmem:$0x6800] =	vst v63  }
0x1b: {  	s29 =	simm.s32 $0x280  }
0x1c: {  	[tilespmem:s14], [sflag:$0x1] =	stream.indirect.gather [hbm4b:s2+s8], $0x10, s29, s8, $0xb8;
	[tilespmem:$0x6800] =	vst v63  }
0x1d: {  	s30 =	simm.s32 $0x300  }
0x1e: {  	[tilespmem:s15], [sflag:$0x1] =	stream.indirect.gather [hbm4b:s2+s8], $0x10, s30, s8, $0xb8;
	[tilespmem:$0x6800] =	vst v63  }
0x1f: {  	s31 =	simm.s32 $0x380  }
0x20: {  	[tilespmem:s16], [sflag:$0x1] =	stream.indirect.gather [hbm4b:s2+s8], $0x10, s31, s8, $0xb8;
	[tilespmem:$0x6800] =	vst v63  }
0x21: {  	_ =	swait.ge [sflag:s17], $0x800  }
0x22: {  	[sflag:s17] =	ssyncset.done $0x0  }
0x23: {  	[sflag:s17] =	ssyncadd.s32 $0xFFFFF800  }
0x24: {  	_ =	swait.ge [sflag:s17], $0x800  }
0x25: {  	[sflag:s17] =	ssyncset.done $0x0  }
0x26: {  	[sflag:s17] =	ssyncadd.s32 $0xFFFFF800  }
0x27: {  	_ =	swait.ge [sflag:s17], $0x800  }
0x28: {  	[sflag:s17] =	ssyncset.done $0x0  }
0x29: {  	[sflag:s17] =	ssyncadd.s32 $0xFFFFF800  }
0x2a: {  	_ =	swait.ge [sflag:s17], $0x800  }
0x2b: {  	[sflag:s17] =	ssyncset.done $0x0  }
0x2c: {  	[sflag:s17] =	ssyncadd.s32 $0xFFFFF800  }
0x2d: {  	_ =	swait.ge [sflag:s17], $0x800  }
0x2e: {  	[sflag:s17] =	ssyncset.done $0x0  }
0x2f: {  	[sflag:s17] =	ssyncadd.s32 $0xFFFFF800  }
0x30: {  	_ =	swait.ge [sflag:s17], $0x800  }
0x31: {  	[sflag:s17] =	ssyncset.done $0x0  }
0x32: {  	[sflag:s17] =	ssyncadd.s32 $0xFFFFF800  }
0x33: {  	_ =	swait.ge [sflag:s17], $0x800  }
0x34: {  	[sflag:s17] =	ssyncset.done $0x0  }
0x35: {  	[sflag:s17] =	ssyncadd.s32 $0xFFFFF800  }
0x36: {  	_ =	swait.ge [sflag:s17], $0x800  }
0x37: {  	[sflag:s17] =	ssyncset.done $0x0  }
0x38: {  	[sflag:s17] =	ssyncadd.s32 $0xFFFFF800  }
0x39: {  	[hbm4b:s6+s3] =	stream.linear.scatter [tilespmem:s9], [sflag:$0x2], $0x4000, $0x38;
	[tilespmem:$0x6800] =	vst v63  }
0x3a: {  	s20 =	simm.s32 $0x1000;
	_ =	swait.ge [sflag:s7], $0x4000  }
0x3b: {  	s22 =	simm.s32 $0x2000;
	s19 =	sadd.s32 $0x800, s6;
	[sflag:s7] =	ssyncset.done $0x0  }
.LBB2_2:
0x3c: {  	s23 =	sshra.s32 s20, $0x2  }
0x3d: {  	[sflag:s7] =	ssyncadd.s32 $0xFFFFC000;
	s20 =	smov.u32 s22;
	s21 =	sadd.s32 $0x1000, s22  }
0x3e: {  	[tilespmem:s9], [sflag:$0x1] =	stream.indirect.gather [hbm4b:s2+s8], $0x10, s23, s8, $0xb8;
	[tilespmem:$0x6800] =	vst v63  }
0x3f: {  	p0 =	sne.s32 s22, $0x9000;
	s22 =	sadd.s32 $0x80, s23  }
0x40: {  	[tilespmem:s10], [sflag:$0x1] =	stream.indirect.gather [hbm4b:s2+s8], $0x10, s22, s8, $0xb8;
	[tilespmem:$0x6800] =	vst v63  }
0x41: {  	s22 =	sadd.s32 $0x100, s23  }
0x42: {  	[tilespmem:s11], [sflag:$0x1] =	stream.indirect.gather [hbm4b:s2+s8], $0x10, s22, s8, $0xb8;
	[tilespmem:$0x6800] =	vst v63  }
0x43: {  	s22 =	sadd.s32 $0x180, s23  }
0x44: {  	[tilespmem:s12], [sflag:$0x1] =	stream.indirect.gather [hbm4b:s2+s8], $0x10, s22, s8, $0xb8;
	[tilespmem:$0x6800] =	vst v63  }
0x45: {  	s22 =	sadd.s32 $0x200, s23  }
0x46: {  	[tilespmem:s13], [sflag:$0x1] =	stream.indirect.gather [hbm4b:s2+s8], $0x10, s22, s8, $0xb8;
	[tilespmem:$0x6800] =	vst v63  }
0x47: {  	s22 =	sadd.s32 $0x280, s23  }
0x48: {  	[tilespmem:s14], [sflag:$0x1] =	stream.indirect.gather [hbm4b:s2+s8], $0x10, s22, s8, $0xb8;
	[tilespmem:$0x6800] =	vst v63  }
0x49: {  	s22 =	sadd.s32 $0x300, s23  }
0x4a: {  	[tilespmem:s15], [sflag:$0x1] =	stream.indirect.gather [hbm4b:s2+s8], $0x10, s22, s8, $0xb8;
	[tilespmem:$0x6800] =	vst v63  }
0x4b: {  	s22 =	sadd.s32 $0x380, s23  }
0x4c: {  	[tilespmem:s16], [sflag:$0x1] =	stream.indirect.gather [hbm4b:s2+s8], $0x10, s22, s8, $0xb8;
	[tilespmem:$0x6800] =	vst v63  }
0x4d: {  	_ =	swait.ge [sflag:s17], $0x800  }
0x4e: {  	[sflag:s17] =	ssyncset.done $0x0  }
0x4f: {  	[sflag:s17] =	ssyncadd.s32 $0xFFFFF800  }
0x50: {  	_ =	swait.ge [sflag:s17], $0x800  }
0x51: {  	[sflag:s17] =	ssyncset.done $0x0  }
0x52: {  	[sflag:s17] =	ssyncadd.s32 $0xFFFFF800  }
0x53: {  	_ =	swait.ge [sflag:s17], $0x800  }
0x54: {  	[sflag:s17] =	ssyncset.done $0x0  }
0x55: {  	[sflag:s17] =	ssyncadd.s32 $0xFFFFF800  }
0x56: {  	_ =	swait.ge [sflag:s17], $0x800  }
0x57: {  	[sflag:s17] =	ssyncset.done $0x0  }
0x58: {  	[sflag:s17] =	ssyncadd.s32 $0xFFFFF800  }
0x59: {  	_ =	swait.ge [sflag:s17], $0x800  }
0x5a: {  	[sflag:s17] =	ssyncset.done $0x0  }
0x5b: {  	[sflag:s17] =	ssyncadd.s32 $0xFFFFF800  }
0x5c: {  	_ =	swait.ge [sflag:s17], $0x800  }
0x5d: {  	[sflag:s17] =	ssyncset.done $0x0  }
0x5e: {  	[sflag:s17] =	ssyncadd.s32 $0xFFFFF800  }
0x5f: {  	_ =	swait.ge [sflag:s17], $0x800  }
0x60: {  	[sflag:s17] =	ssyncset.done $0x0  }
0x61: {  	[sflag:s17] =	ssyncadd.s32 $0xFFFFF800  }
0x62: {  	_ =	swait.ge [sflag:s17], $0x800  }
.Ltmp0:
0x63: {  	[sflag:s17] =	ssyncset.done $0x0;
	(pc) =	sbr.rel @p0 .LBB2_2-.Ltmp0, $4  }
0x64: {  	[sflag:s17] =	ssyncadd.s32 $0xFFFFF800  }
0x65: {  	[hbm4b:s19+s3] =	stream.linear.scatter [tilespmem:s9], [sflag:$0x2], $0x4000, $0x38;
	[tilespmem:$0x6800] =	vst v63  }
0x66: {  	_ =	swait.ge [sflag:s7], $0x4000  }
0x67: {  	s22 =	smov.u32 s21;
	s19 =	sadd.s32 $0x800, s19;
	[sflag:s7] =	ssyncset.done $0x0  }
0x68: {  	s20 =	sshra.s32 s20, $0x2;
	[sflag:s7] =	ssyncadd.s32 $0xFFFFC000  }
0x69: {  	[tilespmem:s9], [sflag:$0x1] =	stream.indirect.gather [hbm4b:s2+s8], $0x10, s20, s8, $0xb8;
	[tilespmem:$0x6800] =	vst v63  }
0x6a: {  	s21 =	sadd.s32 $0x80, s20  }
0x6b: {  	[tilespmem:s10], [sflag:$0x1] =	stream.indirect.gather [hbm4b:s2+s8], $0x10, s21, s8, $0xb8;
	[tilespmem:$0x6800] =	vst v63  }
0x6c: {  	s26 =	sadd.s32 $0x100, s20  }
0x6d: {  	[tilespmem:s11], [sflag:$0x1] =	stream.indirect.gather [hbm4b:s2+s8], $0x10, s26, s8, $0xb8;
	[tilespmem:$0x6800] =	vst v63  }
0x6e: {  	s28 =	sadd.s32 $0x180, s20  }
0x6f: {  	[tilespmem:s12], [sflag:$0x1] =	stream.indirect.gather [hbm4b:s2+s8], $0x10, s28, s8, $0xb8;
	[tilespmem:$0x6800] =	vst v63  }
0x70: {  	s29 =	sadd.s32 $0x200, s20  }
0x71: {  	[tilespmem:s13], [sflag:$0x1] =	stream.indirect.gather [hbm4b:s2+s8], $0x10, s29, s8, $0xb8;
	[tilespmem:$0x6800] =	vst v63  }
0x72: {  	s30 =	sadd.s32 $0x280, s20  }
0x73: {  	[tilespmem:s14], [sflag:$0x1] =	stream.indirect.gather [hbm4b:s2+s8], $0x10, s30, s8, $0xb8;
	[tilespmem:$0x6800] =	vst v63  }
0x74: {  	s31 =	sadd.s32 $0x300, s20  }
0x75: {  	[tilespmem:s15], [sflag:$0x1] =	stream.indirect.gather [hbm4b:s2+s8], $0x10, s31, s8, $0xb8;
	[tilespmem:$0x6800] =	vst v63  }
0x76: {  	s20 =	sadd.s32 $0x380, s20  }
0x77: {  	[tilespmem:s16], [sflag:$0x1] =	stream.indirect.gather [hbm4b:s2+s8], $0x10, s20, s8, $0xb8;
	[tilespmem:$0x6800] =	vst v63  }
0x78: {  	_ =	swait.ge [sflag:s17], $0x800  }
0x79: {  	[sflag:s17] =	ssyncset.done $0x0  }
0x7a: {  	[sflag:s17] =	ssyncadd.s32 $0xFFFFF800  }
0x7b: {  	_ =	swait.ge [sflag:s17], $0x800  }
0x7c: {  	[sflag:s17] =	ssyncset.done $0x0  }
0x7d: {  	[sflag:s17] =	ssyncadd.s32 $0xFFFFF800  }
0x7e: {  	_ =	swait.ge [sflag:s17], $0x800  }
0x7f: {  	[sflag:s17] =	ssyncset.done $0x0  }
0x80: {  	[sflag:s17] =	ssyncadd.s32 $0xFFFFF800  }
0x81: {  	_ =	swait.ge [sflag:s17], $0x800  }
0x82: {  	[sflag:s17] =	ssyncset.done $0x0  }
0x83: {  	[sflag:s17] =	ssyncadd.s32 $0xFFFFF800  }
0x84: {  	_ =	swait.ge [sflag:s17], $0x800  }
0x85: {  	[sflag:s17] =	ssyncset.done $0x0  }
0x86: {  	[sflag:s17] =	ssyncadd.s32 $0xFFFFF800  }
0x87: {  	_ =	swait.ge [sflag:s17], $0x800  }
0x88: {  	[sflag:s17] =	ssyncset.done $0x0  }
0x89: {  	[sflag:s17] =	ssyncadd.s32 $0xFFFFF800  }
0x8a: {  	_ =	swait.ge [sflag:s17], $0x800  }
0x8b: {  	[sflag:s17] =	ssyncset.done $0x0  }
0x8c: {  	[sflag:s17] =	ssyncadd.s32 $0xFFFFF800  }
0x8d: {  	s18 =	sadd.s32 $0x1, s18;
	_ =	swait.ge [sflag:s17], $0x800  }
0x8e: {  	p0 =	sne.s32 s18, s5;
	[sflag:s17] =	ssyncset.done $0x0  }
.Ltmp1:
0x8f: {  	[sflag:s17] =	ssyncadd.s32 $0xFFFFF800;
	(pc) =	sbr.rel @p0 .LBB2_1-.Ltmp1, $4  }
0x90: {  	[hbm4b:s19+s3] =	stream.linear.scatter [tilespmem:s9], [sflag:$0x2], $0x4000, $0x38;
	[tilespmem:$0x6800] =	vst v63  }
0x91: {  	_ =	swait.ge [sflag:s7], $0x4000  }
0x92: {  	[sflag:s7] =	ssyncset.done $0x0  }
0x93: {  	[sflag:s7] =	ssyncadd.s32 $0xFFFFC000  }
0x94: {  	_ =	sfence.sel $0x180000  }
0x95: {  	[bflag:$0x0] =	sbarrier.arrive $0xFFFF  }
0x96: {  	p0 =	sne.s32 s1, $0x0;
	_ =	strace $0x90000047  }
0x97: {  	s0 =	sadd.s32 @!p0 $0x100000, s0;
	[bflag:$0x2] =	sbarrier.arrive $0xFFFF  }
0x98: {  	[sflag:s0] =	ssyncadd.tile.s32 @!p0 $0x1;
	_ =	shalt  }
.Lfunc_end2:
_tile_overlayer_lowered:
.L_overlay_start_2:
0x99: {  	(tag) =	ssettag $0x2  }
0x9a: {  	s0 =	rddreg [dreg:$0x0];
	s2 =	stileid.u32  }
0x9b: {  	s1 =	rddreg [dreg:$0x1];
	p0 =	sne.s32 s2, $0x0  }
0x9c: {  	s3 =	rddreg [dreg:$0x2];
	[bflag:$0x3] =	sbarrier.arrive $0xFFFF;
	s2 =	simm.s32 @!p0 $0x1C02  }
0x9d: {  	[timem:s3], [sflag:s2] =	dma.local @!p0 [hbm:s0], s1  }
0x9e: {  	s0 =	simm.s32 @!p0 $0x2  }
0x9f: {  	_ =	swait.ge @!p0 [sflag:s0], s1  }
0xa0: {  	s1 =	ssub.s32 @!p0 $0x0, s1;
	[sflag:s0] =	ssyncset.done @!p0 $0x0  }
0xa1: {  	[sflag:s0] =	ssyncadd.s32 @!p0 s1  }
0xa2: {  	[bflag:$0x3] =	sbarrier.arrive $0xFFFF  }
0xa3: {  	_ =	shalt  }

// kernel: kernel.13.cloned.1.call-start
scs
__scs_entry_jumppad:
0x0: {  	(pc) =	sbr.rel $0x88, $3  }
0x1: {  	(tag) =	ssettag $0x0;
	lr =	simm.s32 $0x1  }
0x2: {  	[smem:$0x3F6C] =	sst lr;
	_ =	strace $0xD0000000  }
0x3: {  	_ = 	snop  }
0x4: {  	_ = 	snop  }
0x5: {  	_ = 	snop  }
0x6: {  	_ = 	snop  }
0x7: {  	_ = 	snop  }
__scs_overlays_trampoline_lowered:
0x8: {  	[smem:$0x3F7B] =	sst s0  }
0x9: {  	[smem:$0x3F7C] =	sst s1  }
0xa: {  	[smem:$0x3F7D] =	sst s2  }
0xb: {  	[smem:$0x3F7E] =	sst s3  }
0xc: {  	[smem:$0x3F7F] =	sst s4  }
0xd: {  	[smem:$0x3F80] =	sst s5  }
0xe: {  	[smem:$0x3F81] =	sst s6  }
0xf: {  	[smem:$0x3F82] =	sst s7  }
0x10: {  	[smem:$0x3F83] =	sst s8  }
0x11: {  	[smem:$0x3F84] =	sst s9;
	s0 =	simm.s32 @!p0 $0x0  }
0x12: {  	s1 =	sld [smem:$0x3F6A];
	s0 =	simm.s32 @p0 $0x1  }
0x13: {  	[smem:$0x3F85] =	sst s0;
	s0 =	simm.s32 @!p1 $0x0  }
0x14: {  	s2 =	sld [smem:$0x3F69];
	s0 =	simm.s32 @p1 $0x1  }
0x15: {  	[smem:$0x3F86] =	sst s0;
	s0 =	simm.s32 @!p2 $0x0  }
0x16: {  	s3 =	sld [smem:$0x3FDB];
	s0 =	simm.s32 @p2 $0x1  }
0x17: {  	s4 =	simm.s32 $0x1BF5;
	[smem:$0x3F88] =	sst s0  }
0x18: {  	s0 =	sld [smem:$0x3F6B];
	_ =	swait.ge [sflag:s4], $0x0  }
0x19: {  	s7 =	sld [smem:$0x3F6C]  }
0x1a: {  	s8 =	sadd.s32 $0xFFFFE003, lr  }
0x1b: {  	s9 =	sadd.s32 $0xFFFFFEF7, lr;
	s5 =	simm.s32 $0xFFFFFFFF;
	p2 =	slt.u32 s8, $0xFFFFF086  }
0x1c: {  	p1 =	slt.u32 s9, $0xF7A;
	s5 =	simm.s32 @!p2 $0x0  }
0x1d: {  	s5 =	simm.s32 @p1 $0x1;
	p0 =	seq.s32 s7, s2  }
0x1e: {  	s7 =	smul.u32 @!p0 $0xF7A, s2;
	p2 =	seq.s32 @!p0 s5, $0x0  }
0x1f: {  	s9 =	smul.u32 $0xF7A, s1;
	s8 =	simm.s32 @!p0 $0x1BF5;
	p2 =	por !p2, p0  }
0x20: {  	[sflag:s8] =	ssyncset.s32 @!p0 $0xFFFFF086;
	s6 =	sadd.s32 @!p0 s3, s7;
	s7 =	simm.s32 @!p0 $0x108  }
0x21: {  	s3 =	sadd.s32 s3, s9;
	s6 =	sadd.s32 @!p0 $0x88, s6;
	s7 =	simm.s32 @p2 $0x1082  }
0x22: {  	[simem:s7], [sflag:s8] =	dma.local @!p0 [hbm:s6], $0xF7A  }
0x23: {  	s9 =	sor.u32 $0xD0000000, s2;
	s6 =	simm.s32 $0x108;
	_ =	swait.ge @!p0 [sflag:s8], $0x0  }
0x24: {  	s3 =	sadd.s32 $0x88, s3;
	s6 =	simm.s32 @!p1 $0x1082;
	[sflag:s4] =	ssyncset.s32 $0xFFFFF086  }
0x25: {  	[simem:s6], [sflag:s4] =	dma.local [hbm:s3], $0xF7A  }
0x26: {  	[smem:$0x3F6C] =	sst s1;
	(tag) =	ssettag s2;
	_ =	strace s9  }
0x27: {  	s1 =	sld [smem:$0x3F7C]  }
0x28: {  	s2 =	sld [smem:$0x3F7D]  }
0x29: {  	s4 =	sld [smem:$0x3F7F]  }
0x2a: {  	p0 =	seq.s32 s5, $0x0;
	s5 =	sld [smem:$0x3F80]  }
0x2b: {  	s6 =	sld [smem:$0x3F81]  }
0x2c: {  	s7 =	sld [smem:$0x3F82]  }
0x2d: {  	s3 =	simm.s32 $0x108;
	s8 =	sld [smem:$0x3F83]  }
0x2e: {  	s3 =	simm.s32 @!p0 $0x1082;
	s9 =	sld [smem:$0x3F84]  }
0x2f: {  	lr =	sadd.s32 s0, s3;
	s0 =	sld [smem:$0x3F7B]  }
0x30: {  	s3 =	sld [smem:$0x3F7E]  }
0x31: {  	[smem:$0x3F87] =	sst s10  }
0x32: {  	s10 =	sld [smem:$0x3F85];
	_ =	sdelay $0x3  }
0x33: {  	p0 =	seq.s32 s10, $0x1;
	s10 =	sld [smem:$0x3F87];
	_ =	sdelay $0x3  }
0x34: {  	[smem:$0x3F87] =	sst s10  }
0x35: {  	s10 =	sld [smem:$0x3F86];
	_ =	sdelay $0x3  }
0x36: {  	p1 =	seq.s32 s10, $0x1;
	s10 =	sld [smem:$0x3F87];
	_ =	sdelay $0x3  }
0x37: {  	[smem:$0x3F87] =	sst s10  }
0x38: {  	s10 =	sld [smem:$0x3F88]  }
0x39: {  	_ = 	snop;
	(pc) =	sbr.ind lr, $3  }
0x3a: {  	_ = 	snop  }
0x3b: {  	_ = 	snop  }
0x3c: {  	p2 =	seq.s32 s10, $0x1;
	s10 =	sld [smem:$0x3F87]  }
0x3d: {  	_ =	shalt  }
0x3e: {  	_ =	shalt  }
0x3f: {  	_ =	shalt  }
0x40: {  	_ =	shalt  }
0x41: {  	_ =	shalt  }
0x42: {  	_ =	shalt  }
0x43: {  	_ =	shalt  }
0x44: {  	_ =	shalt  }
0x45: {  	_ =	shalt  }
0x46: {  	_ =	shalt  }
0x47: {  	_ =	shalt  }
0x48: {  	_ =	shalt  }
0x49: {  	_ =	shalt  }
0x4a: {  	_ =	shalt  }
0x4b: {  	_ =	shalt  }
0x4c: {  	_ =	shalt  }
0x4d: {  	_ =	shalt  }
0x4e: {  	_ =	shalt  }
0x4f: {  	_ =	shalt  }
0x50: {  	_ =	shalt  }
0x51: {  	_ =	shalt  }
0x52: {  	_ =	shalt  }
0x53: {  	_ =	shalt  }
0x54: {  	_ =	shalt  }
0x55: {  	_ =	shalt  }
0x56: {  	_ =	shalt  }
0x57: {  	_ =	shalt  }
0x58: {  	_ =	shalt  }
0x59: {  	_ =	shalt  }
0x5a: {  	_ =	shalt  }
0x5b: {  	_ =	shalt  }
0x5c: {  	_ =	shalt  }
0x5d: {  	_ =	shalt  }
0x5e: {  	_ =	shalt  }
0x5f: {  	_ =	shalt  }
0x60: {  	_ =	shalt  }
0x61: {  	_ =	shalt  }
0x62: {  	_ =	shalt  }
0x63: {  	_ =	shalt  }
0x64: {  	_ =	shalt  }
0x65: {  	_ =	shalt  }
0x66: {  	_ =	shalt  }
0x67: {  	_ =	shalt  }
0x68: {  	_ =	shalt  }
0x69: {  	_ =	shalt  }
0x6a: {  	_ =	shalt  }
0x6b: {  	_ =	shalt  }
0x6c: {  	_ =	shalt  }
0x6d: {  	_ =	shalt  }
0x6e: {  	_ =	shalt  }
0x6f: {  	_ =	shalt  }
0x70: {  	_ =	shalt  }
0x71: {  	_ =	shalt  }
0x72: {  	_ =	shalt  }
0x73: {  	_ =	shalt  }
0x74: {  	_ =	shalt  }
0x75: {  	_ =	shalt  }
0x76: {  	_ =	shalt  }
0x77: {  	_ =	shalt  }
0x78: {  	_ =	shalt  }
0x79: {  	_ =	shalt  }
0x7a: {  	_ =	shalt  }
0x7b: {  	_ =	shalt  }
0x7c: {  	_ =	shalt  }
0x7d: {  	_ =	shalt  }
0x7e: {  	_ =	shalt  }
0x7f: {  	_ =	shalt  }
0x80: {  	_ =	shalt  }
0x81: {  	_ =	shalt  }
0x82: {  	_ =	shalt  }
0x83: {  	_ =	shalt  }
0x84: {  	_ =	shalt  }
0x85: {  	_ =	shalt  }
0x86: {  	_ =	shalt  }
0x87: {  	_ =	shalt  }
.Lfunc_end0:
.L_simem_size_0:
called_computation.1_lowered:
.L_overlay_start_0:
0x88: {  	s2 =	sld [smem:$0x3FD9]  }
0x89: {  	s3 =	sld [smem:$0x3FFE];
	_ =	sdelay $0x1  }
0x8a: {  	s1 =	srdreg.scid  }
0x8b: {  	s0 =	sand.u32 $0x1, s1  }
0x8c: {  	s16 =	sshll.u32 s0, $0xA;
	s2 =	sadd.s32 s3, s2  }
0x8d: {  	s2 =	sadd.s32 s2, s16  }
0x8e: {  	[smem:$0x3F93] =	sst s2  }
0x8f: {  	_ = 	snop  }
0x90: {  	(tm) =	ssettm $0x1  }
0x91: {  	s17 =	sld [smem:$0x3FFB];
	_ =	sdelay $0x3  }
0x92: {  	_ =	strace s17  }
0x93: {  	s2 =	sld [smem:$0x3FFC];
	_ =	sdelay $0x3  }
0x94: {  	_ =	strace s2  }
0x95: {  	s2 =	sld [smem:$0x3FFD];
	_ =	sdelay $0x3  }
0x96: {  	_ =	strace s2  }
0x97: {  	_ =	strace $0x8FFFFFFF  }
0x98: {  	s18 =	sld [smem:$0x3FDB];
	_ =	sdelay $0x1  }
0x99: {  	s19 =	simm.s32 $_scs_section_size  }
0x9a: {  	s4 =	simm.s32 $_size__tile_overlayer_lowered;
	s5 =	simm.s32 $_tile_overlayer_lowered  }
0x9b: {  	s22 =	simm.s32 $0x1BFF;
	s21 =	sshll.u32 s5, $0x1;
	s2 =	sadd.s32 s19, s18  }
0x9c: {  	s6 =	simm.s32 $0x0;
	s20 =	sshll.u32 s4, $0x1;
	s4 =	sadd.s32 s21, s2  }
0x9d: {  	[timem:s6], [sflag:s22] =	dma.local [hbm:s4], s20  }
0x9e: {  	_ =	swait.ge [sflag:s22], s20  }
0x9f: {  	s3 =	ssub.s32 $0x0, s20;
	[sflag:s22] =	ssyncset.done $0x0  }
0xa0: {  	[sflag:s22] =	ssyncadd.s32 s3;
	_ =	sdelay $0x1  }
0xa1: {  	s23 =	simm.s32 $0x1B8B  }
0xa2: {  	_ =	swait.ge [sflag:s23], $0x1  }
0xa3: {  	[sflag:s23] =	ssyncset.done $0x0  }
0xa4: {  	s25 =	simm.s32 $0x1B8E;
	s24 =	sld [smem:$0x3FFE];
	[sflag:s23] =	ssyncadd.s32 $0xFFFFFFFF  }
0xa5: {  	s26 =	simm.s32 $execute0_lowered;
	[smem:$0x3FD2] =	sst s25  }
0xa6: {  	s4 =	sshll.u32 s26, $0x1;
	_ =	strace $0x80000049;
	[dreg:$0x1] =	wrdreg $0xFFFFFFFF  }
0xa7: {  	s28 =	simm.s32 $_size_execute0_lowered;
	s2 =	sadd.s32 s2, s4;
	[dreg:$0x0] =	wrdreg $0x0  }
0xa8: {  	s4 =	sshll.u32 s28, $0x1;
	[dreg:$0x2] =	wrdreg s2  }
0xa9: {  	[dreg:$0x3] =	wrdreg s4  }
0xaa: {  	[dreg:$0x4] =	wrdreg $0xC0  }
0xab: {  	_ =	task [dreg:s6], $0x5FFFF  }
0xac: {  	[dreg:$0x1] =	wrdreg $0xFFFFFFFF  }
0xad: {  	[dreg:$0x0] =	wrdreg $0x60  }
0xae: {  	[dreg:$0x2] =	wrdreg s24  }
0xaf: {  	[dreg:$0x3] =	wrdreg $0x94000  }
0xb0: {  	[dreg:$0x4] =	wrdreg $0x9  }
0xb1: {  	_ =	task.clear_ibuf [dreg:s6], $0x5FFFF;
	_ =	strace $0x90000049  }
0xb2: {  	s29 =	simm.s32 $0x9;
	_ =	strace $0x8000004B  }
0xb3: {  	_ =	swait.ge [sflag:s29], $0x1  }
0xb4: {  	[sflag:s29] =	ssyncadd.s32 $0xFFFFFFFF  }
0xb5: {  	_ =	strace $0x9000004B  }
0xb6: {  	_ =	sfence  }
0xb7: {  	s30 =	sld [smem:$0x0];
	_ =	sdelay $0x2  }
0xb8: {  	s31 =	sshll.u32 s1, $0xD;
	s1 =	sshrl.u32 s1, $0x2  }
0xb9: {  	s3 =	sand.u32 $0x4000, s31;
	s1 =	sadd.s32 s1, s30  }
0xba: {  	s0 =	sor.u32 s3, s0;
	s1 =	sshll.u32 s1, $0x11  }
0xbb: {  	s0 =	sor.u32 s1, s0  }
0xbc: {  	s0 =	sadd.s32 $0x8F2B, s0  }
0xbd: {  	[sflag:s0] =	ssyncadd.remote.s32 $0x1  }
0xbe: {  	_ =	sfence.sel $0xFFFF  }
0xbf: {  	[dreg:$0x0] =	wrdreg $0xFFFFFFFF;
	(pc) =	sbr.abs _section_cstart, $3  }
0xc0: {  	[dreg:$0x1] =	wrdreg $0xFFFFFFFF  }
0xc1: {  	_ =	task.clear_ibuf [dreg:s6], $0x2FFFF;
	_ =	strace $0x9FFFFFFF  }
0xc2: {  	(tm) =	ssettm $0x7FFFFFFF  }
0xc3: {  	_ =	shalt  }
tec
execute0_lowered:
.L_overlay_start_1:
0x0: {  	(tag) =	ssettag $0x1  }
0x1: {  	s1 =	srdreg.scid  }
0x2: {  	s0 =	stileid.u32;
	s6 =	rddreg [dreg:$0x0]  }
0x3: {  	s2 =	rddreg [dreg:$0x1];
	s3 =	simm.s32 $0x0;
	s16 =	simm.s32 $0x5400  }
0x4: {  	s17 =	simm.s32 $0x0;
	s7 =	sand.u32 $0x1, s1;
	s8 =	smul.u32 $0x14000, s0  }
0x5: {  	s28 =	sshll.u32 s0, $0x1;
	s1 =	rddreg [dreg:$0x2];
	s14 =	smul.u32 $0x140000, s0  }
0x6: {  	[smem:$0x7FF] =	sst s3;
	s31 =	sshll.u32 s0, $0x6;
	s10 =	smul.u32 $0xC8000, s7  }
0x7: {  	s4 =	sor.u32 s7, s28;
	_ =	strace $0x8000004A;
	s29 =	smul.u32 $0xA0000, s7  }
0x8: {  	s11 =	ssub.s32 $0x2, s7;
	s5 =	smul.u32 $0x280, s4;
	s4 =	sadd.s32 $0x5E0A00, s6  }
0x9: {  	s13 =	sshrl.u32 s11, $0x1;
	s15 =	sadd.s32 s8, s2;
	s10 =	sadd.s32 s10, s6  }
0xa: {  	s11 =	ssub.s32 s11, s13;
	s30 =	sadd.s32 s29, s14;
	s13 =	sshrl.u32 s15, $0x3  }
0xb: {  	s14 =	simm.s32 $0x1400;
	s15 =	simm.s32 $0x80;
	s9 =	sadd.s32 s5, s6  }
0xc: {  	s5 =	sshrl.u32 s8, $0x3;
	s8 =	sadd.s32 $0x2EDA00, s10;
	s10 =	sshrl.u32 s30, $0x3  }
0xd: {  	s12 =	sadd.s32 s5, s6;
	s6 =	sadd.s32 $0x40A00, s9;
	s9 =	smax.u32 s11, $0x1  }
0xe: {  	s11 =	simm.s32 $0x1;
	s7 =	sadd.s32 $0x2C5A00, s12;
	s12 =	sor.u32 $0x1C01, s31  }
.LBB2_1:
0xf: {  	[tilespmem:s3], [sflag:$0x1] =	stream.linear.gather [hbm4b:s6+s3], $0x1400, $0x38;
	[tilespmem:$0x1D400] =	vst v63  }
0x10: {  	_ =	swait.ge [sflag:s11], $0x1400  }
0x11: {  	[sflag:s11] =	ssyncset.done $0x0  }
0x12: {  	s18 =	simm.s32 $0x0;
	[sflag:s11] =	ssyncadd.s32 $0xFFFFEC00  }
.LBB2_2:
0x13: {  	[spmem:s13], [sflag:s12] =	dma.local [hbm:s7], $0x2800  }
0x14: {  	s19 =	smul.u32 $0x280000, s18  }
0x15: {  	_ =	swait.ge [sflag:s11], $0x2800  }
0x16: {  	[sflag:s11] =	ssyncset.done $0x0;
	s19 =	sadd.s32 s4, s19  }
0x17: {  	[sflag:s11] =	ssyncadd.s32 $0xFFFFD800;
	s19 =	sadd.s32 s19, s10  }
0x18: {  	[bflag:$0x0] =	sbarrier.arrive $0xFFFF;
	s20 =	sadd.s32 $0x0, s19  }
0x19: {  	[tilespmem:s14], [sflag:$0x1] =	stream.linear.gather [hbm4b:s20+s3], $0x8000, $0x38;
	[tilespmem:$0x1D400] =	vst v63  }
0x1a: {  	_ =	swait.ge [sflag:s11], $0x8000  }
0x1b: {  	[sflag:s11] =	ssyncset.done $0x0  }
0x1c: {  	s30 =	simm.s32 $0x0;
	[sflag:s11] =	ssyncadd.s32 $0xFFFF8000  }
0x1d: {  	[spmem:s2] =	stream.indirect.scatter.add.f32 [tilespmem:s14], [sflag:$0x1], $0x80, s30, s15, $0xb8;
	[tilespmem:$0x1D400] =	vst v63  }
0x1e: {  	_ =	swait.ge [sflag:s11], $0x4000  }
0x1f: {  	[sflag:s11] =	ssyncset.done $0x0  }
0x20: {  	s31 =	simm.s32 $0x80;
	[sflag:s11] =	ssyncadd.s32 $0xFFFFC000  }
0x21: {  	[spmem:s2] =	stream.indirect.scatter.add.f32 [tilespmem:s16], [sflag:$0x1], $0x80, s31, s15, $0xb8;
	[tilespmem:$0x1D400] =	vst v63  }
0x22: {  	s21 =	simm.s32 $0x1000;
	_ =	swait.ge [sflag:s11], $0x4000  }
0x23: {  	s22 =	simm.s32 $0x2000;
	s20 =	simm.s32 $0x180;
	[sflag:s11] =	ssyncset.done $0x0  }
.LBB2_3:
0x24: {  	s23 =	sadd.s32 s21, s19  }
0x25: {  	[sflag:s11] =	ssyncadd.s32 $0xFFFFC000;
	s21 =	smov.u32 s22;
	s24 =	sadd.s32 $0x1000, s22  }
0x26: {  	[tilespmem:s14], [sflag:$0x1] =	stream.linear.gather [hbm4b:s23+s3], $0x8000, $0x38;
	[tilespmem:$0x1D400] =	vst v63  }
0x27: {  	p0 =	sne.s32 s22, $0x13000;
	_ =	swait.ge [sflag:s11], $0x8000  }
0x28: {  	[sflag:s11] =	ssyncset.done $0x0  }
0x29: {  	s22 =	sadd.s32 $0xFFFFFF80, s20;
	[sflag:s11] =	ssyncadd.s32 $0xFFFF8000  }
0x2a: {  	[spmem:s2] =	stream.indirect.scatter.add.f32 [tilespmem:s14], [sflag:$0x1], $0x80, s22, s15, $0xb8;
	[tilespmem:$0x1D400] =	vst v63  }
0x2b: {  	_ =	swait.ge [sflag:s11], $0x4000  }
.Ltmp0:
0x2c: {  	[sflag:s11] =	ssyncset.done $0x0;
	(pc) =	sbr.rel @p0 .LBB2_3-.Ltmp0, $4  }
0x2d: {  	[sflag:s11] =	ssyncadd.s32 $0xFFFFC000  }
0x2e: {  	[spmem:s2] =	stream.indirect.scatter.add.f32 [tilespmem:s16], [sflag:$0x1], $0x80, s20, s15, $0xb8;
	[tilespmem:$0x1D400] =	vst v63  }
0x2f: {  	_ =	swait.ge [sflag:s11], $0x4000  }
0x30: {  	s22 =	smov.u32 s24;
	s20 =	sadd.s32 $0x100, s20;
	[sflag:s11] =	ssyncset.done $0x0  }
0x31: {  	s19 =	sadd.s32 s21, s19;
	[sflag:s11] =	ssyncadd.s32 $0xFFFFC000  }
0x32: {  	[tilespmem:s14], [sflag:$0x1] =	stream.linear.gather [hbm4b:s19+s3], $0x8000, $0x38;
	[tilespmem:$0x1D400] =	vst v63  }
0x33: {  	_ =	swait.ge [sflag:s11], $0x8000  }
0x34: {  	[sflag:s11] =	ssyncset.done $0x0  }
0x35: {  	s30 =	sadd.s32 $0xFFFFFF80, s20;
	[sflag:s11] =	ssyncadd.s32 $0xFFFF8000  }
0x36: {  	[spmem:s2] =	stream.indirect.scatter.add.f32 [tilespmem:s14], [sflag:$0x1], $0x80, s30, s15, $0xb8;
	[tilespmem:$0x1D400] =	vst v63  }
0x37: {  	_ =	swait.ge [sflag:s11], $0x4000  }
0x38: {  	[sflag:s11] =	ssyncset.done $0x0  }
0x39: {  	[sflag:s11] =	ssyncadd.s32 $0xFFFFC000  }
0x3a: {  	[spmem:s2] =	stream.indirect.scatter.add.f32 [tilespmem:s16], [sflag:$0x1], $0x80, s20, s15, $0xb8;
	[tilespmem:$0x1D400] =	vst v63  }
0x3b: {  	s31 =	smul.u32 $0x28000, s18;
	_ =	swait.ge [sflag:s11], $0x4000  }
0x3c: {  	[sflag:s11] =	ssyncset.done $0x0  }
0x3d: {  	s18 =	sadd.s32 $0x1, s18;
	s19 =	sadd.s32 s31, s8;
	[sflag:s11] =	ssyncadd.s32 $0xFFFFC000  }
0x3e: {  	p0 =	sne.s32 s18, $0x5;
	s19 =	sadd.s32 s5, s19;
	[bflag:$0x0] =	sbarrier.arrive $0xFFFF  }
0x3f: {  	[hbm:s19], [sflag:s12] =	dma.local [spmem:s13], $0x2800  }
.Ltmp1:
0x40: {  	_ =	swait.ge [sflag:s11], $0x2800;
	(pc) =	sbr.rel @p0 .LBB2_2-.Ltmp1, $3  }
0x41: {  	[sflag:s11] =	ssyncset.done $0x0  }
0x42: {  	[sflag:s11] =	ssyncadd.s32 $0xFFFFD800  }
0x43: {  	[bflag:$0x0] =	sbarrier.arrive $0xFFFF;
	_ =	sdelay $0x1  }
0x44: {  	s17 =	sadd.s32 $0x1, s17  }
0x45: {  	p0 =	sne.s32 s17, s9  }
.Ltmp2:
0x46: {  	_ = 	snop;
	(pc) =	sbr.rel @p0 .LBB2_1-.Ltmp2, $1  }
0x47: {  	_ =	sdelay $0x3  }
0x48: {  	_ =	sfence.sel $0x180000  }
0x49: {  	[bflag:$0x0] =	sbarrier.arrive $0xFFFF  }
0x4a: {  	p0 =	sne.s32 s0, $0x0;
	_ =	strace $0x9000004A  }
0x4b: {  	s0 =	sadd.s32 @!p0 $0x100000, s1;
	[bflag:$0x2] =	sbarrier.arrive $0xFFFF  }
0x4c: {  	[sflag:s0] =	ssyncadd.tile.s32 @!p0 $0x1;
	_ =	shalt  }
.Lfunc_end2:
_tile_overlayer_lowered:
.L_overlay_start_2:
0x4d: {  	(tag) =	ssettag $0x2  }
0x4e: {  	s0 =	rddreg [dreg:$0x0];
	s2 =	stileid.u32  }
0x4f: {  	s1 =	rddreg [dreg:$0x1];
	p0 =	sne.s32 s2, $0x0  }
0x50: {  	s3 =	rddreg [dreg:$0x2];
	[bflag:$0x3] =	sbarrier.arrive $0xFFFF;
	s2 =	simm.s32 @!p0 $0x1C01  }
0x51: {  	[timem:s3], [sflag:s2] =	dma.local @!p0 [hbm:s0], s1  }
0x52: {  	s0 =	simm.s32 @!p0 $0x1  }
0x53: {  	_ =	swait.ge @!p0 [sflag:s0], s1  }
0x54: {  	s1 =	ssub.s32 @!p0 $0x0, s1;
	[sflag:s0] =	ssyncset.done @!p0 $0x0  }
0x55: {  	[sflag:s0] =	ssyncadd.s32 @!p0 s1  }
0x56: {  	[bflag:$0x3] =	sbarrier.arrive $0xFFFF  }
0x57: {  	_ =	shalt  }

// kernel: kernel.16.cloned.1.call-start
scs
__scs_entry_jumppad:
0x0: {  	(pc) =	sbr.rel $0x88, $3  }
0x1: {  	(tag) =	ssettag $0x0;
	lr =	simm.s32 $0x1  }
0x2: {  	[smem:$0x3F6C] =	sst lr;
	_ =	strace $0xD0000000  }
0x3: {  	_ = 	snop  }
0x4: {  	_ = 	snop  }
0x5: {  	_ = 	snop  }
0x6: {  	_ = 	snop  }
0x7: {  	_ = 	snop  }
__scs_overlays_trampoline_lowered:
0x8: {  	[smem:$0x3F7B] =	sst s0  }
0x9: {  	[smem:$0x3F7C] =	sst s1  }
0xa: {  	[smem:$0x3F7D] =	sst s2  }
0xb: {  	[smem:$0x3F7E] =	sst s3  }
0xc: {  	[smem:$0x3F7F] =	sst s4  }
0xd: {  	[smem:$0x3F80] =	sst s5  }
0xe: {  	[smem:$0x3F81] =	sst s6  }
0xf: {  	[smem:$0x3F82] =	sst s7  }
0x10: {  	[smem:$0x3F83] =	sst s8  }
0x11: {  	[smem:$0x3F84] =	sst s9;
	s0 =	simm.s32 @!p0 $0x0  }
0x12: {  	s1 =	sld [smem:$0x3F6A];
	s0 =	simm.s32 @p0 $0x1  }
0x13: {  	[smem:$0x3F85] =	sst s0;
	s0 =	simm.s32 @!p1 $0x0  }
0x14: {  	s2 =	sld [smem:$0x3F69];
	s0 =	simm.s32 @p1 $0x1  }
0x15: {  	[smem:$0x3F86] =	sst s0;
	s0 =	simm.s32 @!p2 $0x0  }
0x16: {  	s3 =	sld [smem:$0x3FDB];
	s0 =	simm.s32 @p2 $0x1  }
0x17: {  	s4 =	simm.s32 $0x1BF5;
	[smem:$0x3F88] =	sst s0  }
0x18: {  	s0 =	sld [smem:$0x3F6B];
	_ =	swait.ge [sflag:s4], $0x0  }
0x19: {  	s7 =	sld [smem:$0x3F6C]  }
0x1a: {  	s8 =	sadd.s32 $0xFFFFE003, lr  }
0x1b: {  	s9 =	sadd.s32 $0xFFFFFEF7, lr;
	s5 =	simm.s32 $0xFFFFFFFF;
	p2 =	slt.u32 s8, $0xFFFFF086  }
0x1c: {  	p1 =	slt.u32 s9, $0xF7A;
	s5 =	simm.s32 @!p2 $0x0  }
0x1d: {  	s5 =	simm.s32 @p1 $0x1;
	p0 =	seq.s32 s7, s2  }
0x1e: {  	s7 =	smul.u32 @!p0 $0xF7A, s2;
	p2 =	seq.s32 @!p0 s5, $0x0  }
0x1f: {  	s9 =	smul.u32 $0xF7A, s1;
	s8 =	simm.s32 @!p0 $0x1BF5;
	p2 =	por !p2, p0  }
0x20: {  	[sflag:s8] =	ssyncset.s32 @!p0 $0xFFFFF086;
	s6 =	sadd.s32 @!p0 s3, s7;
	s7 =	simm.s32 @!p0 $0x108  }
0x21: {  	s3 =	sadd.s32 s3, s9;
	s6 =	sadd.s32 @!p0 $0x88, s6;
	s7 =	simm.s32 @p2 $0x1082  }
0x22: {  	[simem:s7], [sflag:s8] =	dma.local @!p0 [hbm:s6], $0xF7A  }
0x23: {  	s9 =	sor.u32 $0xD0000000, s2;
	s6 =	simm.s32 $0x108;
	_ =	swait.ge @!p0 [sflag:s8], $0x0  }
0x24: {  	s3 =	sadd.s32 $0x88, s3;
	s6 =	simm.s32 @!p1 $0x1082;
	[sflag:s4] =	ssyncset.s32 $0xFFFFF086  }
0x25: {  	[simem:s6], [sflag:s4] =	dma.local [hbm:s3], $0xF7A  }
0x26: {  	[smem:$0x3F6C] =	sst s1;
	(tag) =	ssettag s2;
	_ =	strace s9  }
0x27: {  	s1 =	sld [smem:$0x3F7C]  }
0x28: {  	s2 =	sld [smem:$0x3F7D]  }
0x29: {  	s4 =	sld [smem:$0x3F7F]  }
0x2a: {  	p0 =	seq.s32 s5, $0x0;
	s5 =	sld [smem:$0x3F80]  }
0x2b: {  	s6 =	sld [smem:$0x3F81]  }
0x2c: {  	s7 =	sld [smem:$0x3F82]  }
0x2d: {  	s3 =	simm.s32 $0x108;
	s8 =	sld [smem:$0x3F83]  }
0x2e: {  	s3 =	simm.s32 @!p0 $0x1082;
	s9 =	sld [smem:$0x3F84]  }
0x2f: {  	lr =	sadd.s32 s0, s3;
	s0 =	sld [smem:$0x3F7B]  }
0x30: {  	s3 =	sld [smem:$0x3F7E]  }
0x31: {  	[smem:$0x3F87] =	sst s10  }
0x32: {  	s10 =	sld [smem:$0x3F85];
	_ =	sdelay $0x3  }
0x33: {  	p0 =	seq.s32 s10, $0x1;
	s10 =	sld [smem:$0x3F87];
	_ =	sdelay $0x3  }
0x34: {  	[smem:$0x3F87] =	sst s10  }
0x35: {  	s10 =	sld [smem:$0x3F86];
	_ =	sdelay $0x3  }
0x36: {  	p1 =	seq.s32 s10, $0x1;
	s10 =	sld [smem:$0x3F87];
	_ =	sdelay $0x3  }
0x37: {  	[smem:$0x3F87] =	sst s10  }
0x38: {  	s10 =	sld [smem:$0x3F88]  }
0x39: {  	_ = 	snop;
	(pc) =	sbr.ind lr, $3  }
0x3a: {  	_ = 	snop  }
0x3b: {  	_ = 	snop  }
0x3c: {  	p2 =	seq.s32 s10, $0x1;
	s10 =	sld [smem:$0x3F87]  }
0x3d: {  	_ =	shalt  }
0x3e: {  	_ =	shalt  }
0x3f: {  	_ =	shalt  }
0x40: {  	_ =	shalt  }
0x41: {  	_ =	shalt  }
0x42: {  	_ =	shalt  }
0x43: {  	_ =	shalt  }
0x44: {  	_ =	shalt  }
0x45: {  	_ =	shalt  }
0x46: {  	_ =	shalt  }
0x47: {  	_ =	shalt  }
0x48: {  	_ =	shalt  }
0x49: {  	_ =	shalt  }
0x4a: {  	_ =	shalt  }
0x4b: {  	_ =	shalt  }
0x4c: {  	_ =	shalt  }
0x4d: {  	_ =	shalt  }
0x4e: {  	_ =	shalt  }
0x4f: {  	_ =	shalt  }
0x50: {  	_ =	shalt  }
0x51: {  	_ =	shalt  }
0x52: {  	_ =	shalt  }
0x53: {  	_ =	shalt  }
0x54: {  	_ =	shalt  }
0x55: {  	_ =	shalt  }
0x56: {  	_ =	shalt  }
0x57: {  	_ =	shalt  }
0x58: {  	_ =	shalt  }
0x59: {  	_ =	shalt  }
0x5a: {  	_ =	shalt  }
0x5b: {  	_ =	shalt  }
0x5c: {  	_ =	shalt  }
0x5d: {  	_ =	shalt  }
0x5e: {  	_ =	shalt  }
0x5f: {  	_ =	shalt  }
0x60: {  	_ =	shalt  }
0x61: {  	_ =	shalt  }
0x62: {  	_ =	shalt  }
0x63: {  	_ =	shalt  }
0x64: {  	_ =	shalt  }
0x65: {  	_ =	shalt  }
0x66: {  	_ =	shalt  }
0x67: {  	_ =	shalt  }
0x68: {  	_ =	shalt  }
0x69: {  	_ =	shalt  }
0x6a: {  	_ =	shalt  }
0x6b: {  	_ =	shalt  }
0x6c: {  	_ =	shalt  }
0x6d: {  	_ =	shalt  }
0x6e: {  	_ =	shalt  }
0x6f: {  	_ =	shalt  }
0x70: {  	_ =	shalt  }
0x71: {  	_ =	shalt  }
0x72: {  	_ =	shalt  }
0x73: {  	_ =	shalt  }
0x74: {  	_ =	shalt  }
0x75: {  	_ =	shalt  }
0x76: {  	_ =	shalt  }
0x77: {  	_ =	shalt  }
0x78: {  	_ =	shalt  }
0x79: {  	_ =	shalt  }
0x7a: {  	_ =	shalt  }
0x7b: {  	_ =	shalt  }
0x7c: {  	_ =	shalt  }
0x7d: {  	_ =	shalt  }
0x7e: {  	_ =	shalt  }
0x7f: {  	_ =	shalt  }
0x80: {  	_ =	shalt  }
0x81: {  	_ =	shalt  }
0x82: {  	_ =	shalt  }
0x83: {  	_ =	shalt  }
0x84: {  	_ =	shalt  }
0x85: {  	_ =	shalt  }
0x86: {  	_ =	shalt  }
0x87: {  	_ =	shalt  }
.Lfunc_end0:
.L_simem_size_0:
called_computation.2_lowered:
.L_overlay_start_0:
0x88: {  	s2 =	sld [smem:$0x3FD9]  }
0x89: {  	s3 =	sld [smem:$0x3FFE];
	_ =	sdelay $0x1  }
0x8a: {  	s1 =	srdreg.scid  }
0x8b: {  	s0 =	sand.u32 $0x1, s1  }
0x8c: {  	s16 =	sshll.u32 s0, $0xA;
	s2 =	sadd.s32 s3, s2  }
0x8d: {  	s2 =	sadd.s32 s2, s16  }
0x8e: {  	[smem:$0x3F93] =	sst s2  }
0x8f: {  	_ = 	snop  }
0x90: {  	(tm) =	ssettm $0x1  }
0x91: {  	s17 =	sld [smem:$0x3FFB];
	_ =	sdelay $0x3  }
0x92: {  	_ =	strace s17  }
0x93: {  	s2 =	sld [smem:$0x3FFC];
	_ =	sdelay $0x3  }
0x94: {  	_ =	strace s2  }
0x95: {  	s2 =	sld [smem:$0x3FFD];
	_ =	sdelay $0x3  }
0x96: {  	_ =	strace s2  }
0x97: {  	_ =	strace $0x8FFFFFFF  }
0x98: {  	s18 =	sld [smem:$0x3FDB];
	_ =	sdelay $0x1  }
0x99: {  	s19 =	simm.s32 $_scs_section_size  }
0x9a: {  	s4 =	simm.s32 $_size__tile_overlayer_lowered;
	s5 =	simm.s32 $_tile_overlayer_lowered  }
0x9b: {  	s22 =	simm.s32 $0x1BFF;
	s21 =	sshll.u32 s5, $0x1;
	s2 =	sadd.s32 s19, s18  }
0x9c: {  	s6 =	simm.s32 $0x0;
	s20 =	sshll.u32 s4, $0x1;
	s4 =	sadd.s32 s21, s2  }
0x9d: {  	[timem:s6], [sflag:s22] =	dma.local [hbm:s4], s20  }
0x9e: {  	_ =	swait.ge [sflag:s22], s20  }
0x9f: {  	s3 =	ssub.s32 $0x0, s20;
	[sflag:s22] =	ssyncset.done $0x0  }
0xa0: {  	[sflag:s22] =	ssyncadd.s32 s3;
	_ =	sdelay $0x1  }
0xa1: {  	s23 =	simm.s32 $0x1B8B  }
0xa2: {  	_ =	swait.ge [sflag:s23], $0x1  }
0xa3: {  	[sflag:s23] =	ssyncset.done $0x0  }
0xa4: {  	s25 =	simm.s32 $0x1B8E;
	s24 =	sld [smem:$0x3FFE];
	[sflag:s23] =	ssyncadd.s32 $0xFFFFFFFF  }
0xa5: {  	s26 =	simm.s32 $execute0_lowered;
	[smem:$0x3FD2] =	sst s25  }
0xa6: {  	s4 =	sshll.u32 s26, $0x1;
	_ =	strace $0x8000004C;
	[dreg:$0x1] =	wrdreg $0xFFFFFFFF  }
0xa7: {  	s28 =	simm.s32 $_size_execute0_lowered;
	s2 =	sadd.s32 s2, s4;
	[dreg:$0x0] =	wrdreg $0x0  }
0xa8: {  	s4 =	sshll.u32 s28, $0x1;
	[dreg:$0x2] =	wrdreg s2  }
0xa9: {  	[dreg:$0x3] =	wrdreg s4  }
0xaa: {  	[dreg:$0x4] =	wrdreg $0xC0  }
0xab: {  	_ =	task [dreg:s6], $0x5FFFF  }
0xac: {  	[dreg:$0x1] =	wrdreg $0xFFFFFFFF  }
0xad: {  	[dreg:$0x0] =	wrdreg $0x60  }
0xae: {  	[dreg:$0x2] =	wrdreg s24  }
0xaf: {  	[dreg:$0x3] =	wrdreg $0x9  }
0xb0: {  	_ =	task.clear_ibuf [dreg:s6], $0x4FFFF;
	_ =	strace $0x9000004C  }
0xb1: {  	s29 =	simm.s32 $0x9;
	_ =	strace $0x8000004E  }
0xb2: {  	_ =	swait.ge [sflag:s29], $0x1  }
0xb3: {  	[sflag:s29] =	ssyncadd.s32 $0xFFFFFFFF  }
0xb4: {  	_ =	strace $0x9000004E  }
0xb5: {  	_ =	sfence  }
0xb6: {  	s30 =	sld [smem:$0x0];
	_ =	sdelay $0x2  }
0xb7: {  	s31 =	sshll.u32 s1, $0xD;
	s1 =	sshrl.u32 s1, $0x2  }
0xb8: {  	s3 =	sand.u32 $0x4000, s31;
	s1 =	sadd.s32 s1, s30  }
0xb9: {  	s0 =	sor.u32 s3, s0;
	s1 =	sshll.u32 s1, $0x11  }
0xba: {  	s0 =	sor.u32 s1, s0  }
0xbb: {  	s0 =	sadd.s32 $0x8F2B, s0  }
0xbc: {  	[sflag:s0] =	ssyncadd.remote.s32 $0x1  }
0xbd: {  	_ =	sfence.sel $0xFFFF  }
0xbe: {  	[dreg:$0x0] =	wrdreg $0xFFFFFFFF;
	(pc) =	sbr.abs _section_cstart, $3  }
0xbf: {  	[dreg:$0x1] =	wrdreg $0xFFFFFFFF  }
0xc0: {  	_ =	task.clear_ibuf [dreg:s6], $0x2FFFF;
	_ =	strace $0x9FFFFFFF  }
0xc1: {  	(tm) =	ssettm $0x7FFFFFFF  }
tec
execute0_lowered:
.L_overlay_start_1:
0x0: {  	(tag) =	ssettag $0x1  }
0x1: {  	s4 =	rddreg [dreg:$0x0]  }
0x2: {  	s0 =	rddreg [dreg:$0x1]  }
0x3: {  	s2 =	simm.s32 $0x0;
	s3 =	srdreg.scid;
	s1 =	stileid.u32  }
0x4: {  	s9 =	simm.s32 $0xC800;
	s10 =	simm.s32 $0xD800;
	s11 =	simm.s32 $0xE800  }
0x5: {  	s12 =	simm.s32 $0xF800;
	s13 =	simm.s32 $0x1;
	s14 =	simm.s32 $0x0  }
0x6: {  	s3 =	sand.u32 $0x1, s3;
	s5 =	sshll.u32 s1, $0x1;
	s6 =	smul.u32 $0x640000, s1  }
0x7: {  	[smem:$0x7FF] =	sst s2;
	s5 =	sor.u32 s3, s5;
	s7 =	smul.u32 $0x320000, s3  }
0x8: {  	_ =	strace $0x8000004D;
	s8 =	ssub.s32 $0x2, s3;
	s5 =	smul.u32 $0x1900, s5  }
0x9: {  	s3 =	sadd.s32 $0x2EDA00, s4;
	s31 =	sshrl.u32 s8, $0x1;
	s6 =	sadd.s32 s7, s6  }
0xa: {  	s7 =	ssub.s32 s8, s31;
	s5 =	sadd.s32 s5, s4;
	s6 =	sshrl.u32 s6, $0x4  }
0xb: {  	s8 =	simm.s32 $0x80;
	s6 =	sadd.s32 s6, s4;
	s4 =	sadd.s32 $0xEA00, s5  }
0xc: {  	s5 =	smax.u32 s7, $0x1;
	s7 =	simm.s32 $0x2;
	s6 =	sadd.s32 $0x31FA00, s6  }
.LBB2_1:
0xd: {  	[tilespmem:s2], [sflag:$0x2] =	stream.linear.gather [hbm4b:s4+s2], $0xC800, $0x38;
	[tilespmem:$0x10800] =	vst v63  }
0xe: {  	_ =	swait.ge [sflag:s7], $0xC800  }
0xf: {  	[sflag:s7] =	ssyncset.done $0x0  }
0x10: {  	s15 =	simm.s32 $0x0;
	[sflag:s7] =	ssyncadd.s32 $0xFFFF3800  }
0x11: {  	[tilespmem:s9], [sflag:$0x1] =	stream.indirect.gather [hbm4b:s3+s8], $0x20, s15, s8, $0xb8;
	[tilespmem:$0x10800] =	vst v63  }
0x12: {  	s28 =	simm.s32 $0x80  }
0x13: {  	[tilespmem:s10], [sflag:$0x1] =	stream.indirect.gather [hbm4b:s3+s8], $0x20, s28, s8, $0xb8;
	[tilespmem:$0x10800] =	vst v63  }
0x14: {  	s29 =	simm.s32 $0x100  }
0x15: {  	[tilespmem:s11], [sflag:$0x1] =	stream.indirect.gather [hbm4b:s3+s8], $0x20, s29, s8, $0xb8;
	[tilespmem:$0x10800] =	vst v63  }
0x16: {  	s30 =	simm.s32 $0x180  }
0x17: {  	[tilespmem:s12], [sflag:$0x1] =	stream.indirect.gather [hbm4b:s3+s8], $0x20, s30, s8, $0xb8;
	[tilespmem:$0x10800] =	vst v63  }
0x18: {  	_ =	swait.ge [sflag:s13], $0x1000  }
0x19: {  	[sflag:s13] =	ssyncset.done $0x0  }
0x1a: {  	[sflag:s13] =	ssyncadd.s32 $0xFFFFF000  }
0x1b: {  	_ =	swait.ge [sflag:s13], $0x1000  }
0x1c: {  	[sflag:s13] =	ssyncset.done $0x0  }
0x1d: {  	[sflag:s13] =	ssyncadd.s32 $0xFFFFF000  }
0x1e: {  	_ =	swait.ge [sflag:s13], $0x1000  }
0x1f: {  	[sflag:s13] =	ssyncset.done $0x0  }
0x20: {  	[sflag:s13] =	ssyncadd.s32 $0xFFFFF000  }
0x21: {  	_ =	swait.ge [sflag:s13], $0x1000  }
0x22: {  	[sflag:s13] =	ssyncset.done $0x0  }
0x23: {  	s31 =	sadd.s32 $0x0, s6;
	[sflag:s13] =	ssyncadd.s32 $0xFFFFF000  }
0x24: {  	[hbm4b:s31+s2] =	stream.linear.scatter [tilespmem:s9], [sflag:$0x2], $0x4000, $0x38;
	[tilespmem:$0x10800] =	vst v63  }
0x25: {  	_ =	swait.ge [sflag:s7], $0x4000  }
0x26: {  	s16 =	simm.s32 $0x1000;
	s15 =	simm.s32 $0x800;
	[sflag:s7] =	ssyncset.done $0x0  }
.LBB2_2:
0x27: {  	s17 =	sshra.s32 s15, $0x2  }
0x28: {  	[sflag:s7] =	ssyncadd.s32 $0xFFFFC000;
	s18 =	smov.u32 s16;
	s19 =	sadd.s32 $0x800, s16  }
0x29: {  	[tilespmem:s9], [sflag:$0x1] =	stream.indirect.gather [hbm4b:s3+s8], $0x20, s17, s8, $0xb8;
	[tilespmem:$0x10800] =	vst v63  }
0x2a: {  	p0 =	sne.s32 s16, $0x31800;
	s16 =	sadd.s32 $0x80, s17  }
0x2b: {  	[tilespmem:s10], [sflag:$0x1] =	stream.indirect.gather [hbm4b:s3+s8], $0x20, s16, s8, $0xb8;
	[tilespmem:$0x10800] =	vst v63  }
0x2c: {  	s16 =	sadd.s32 $0x100, s17  }
0x2d: {  	[tilespmem:s11], [sflag:$0x1] =	stream.indirect.gather [hbm4b:s3+s8], $0x20, s16, s8, $0xb8;
	[tilespmem:$0x10800] =	vst v63  }
0x2e: {  	s16 =	sadd.s32 $0x180, s17  }
0x2f: {  	[tilespmem:s12], [sflag:$0x1] =	stream.indirect.gather [hbm4b:s3+s8], $0x20, s16, s8, $0xb8;
	[tilespmem:$0x10800] =	vst v63  }
0x30: {  	_ =	swait.ge [sflag:s13], $0x1000  }
0x31: {  	[sflag:s13] =	ssyncset.done $0x0  }
0x32: {  	[sflag:s13] =	ssyncadd.s32 $0xFFFFF000  }
0x33: {  	_ =	swait.ge [sflag:s13], $0x1000  }
0x34: {  	[sflag:s13] =	ssyncset.done $0x0  }
0x35: {  	[sflag:s13] =	ssyncadd.s32 $0xFFFFF000  }
0x36: {  	_ =	swait.ge [sflag:s13], $0x1000  }
0x37: {  	[sflag:s13] =	ssyncset.done $0x0  }
0x38: {  	[sflag:s13] =	ssyncadd.s32 $0xFFFFF000  }
0x39: {  	_ =	swait.ge [sflag:s13], $0x1000  }
.Ltmp0:
0x3a: {  	[sflag:s13] =	ssyncset.done $0x0;
	(pc) =	sbr.rel @p0 .LBB2_2-.Ltmp0, $4  }
0x3b: {  	s16 =	sadd.s32 s15, s6;
	s15 =	smov.u32 s18;
	[sflag:s13] =	ssyncadd.s32 $0xFFFFF000  }
0x3c: {  	[hbm4b:s16+s2] =	stream.linear.scatter [tilespmem:s9], [sflag:$0x2], $0x4000, $0x38;
	[tilespmem:$0x10800] =	vst v63  }
0x3d: {  	_ =	swait.ge [sflag:s7], $0x4000  }
0x3e: {  	s16 =	smov.u32 s19;
	[sflag:s7] =	ssyncset.done $0x0  }
0x3f: {  	s16 =	sshra.s32 s15, $0x2;
	[sflag:s7] =	ssyncadd.s32 $0xFFFFC000  }
0x40: {  	[tilespmem:s9], [sflag:$0x1] =	stream.indirect.gather [hbm4b:s3+s8], $0x20, s16, s8, $0xb8;
	[tilespmem:$0x10800] =	vst v63  }
0x41: {  	s17 =	sadd.s32 $0x80, s16  }
0x42: {  	[tilespmem:s10], [sflag:$0x1] =	stream.indirect.gather [hbm4b:s3+s8], $0x20, s17, s8, $0xb8;
	[tilespmem:$0x10800] =	vst v63  }
0x43: {  	s30 =	sadd.s32 $0x100, s16  }
0x44: {  	[tilespmem:s11], [sflag:$0x1] =	stream.indirect.gather [hbm4b:s3+s8], $0x20, s30, s8, $0xb8;
	[tilespmem:$0x10800] =	vst v63  }
0x45: {  	s16 =	sadd.s32 $0x180, s16  }
0x46: {  	[tilespmem:s12], [sflag:$0x1] =	stream.indirect.gather [hbm4b:s3+s8], $0x20, s16, s8, $0xb8;
	[tilespmem:$0x10800] =	vst v63  }
0x47: {  	_ =	swait.ge [sflag:s13], $0x1000  }
0x48: {  	[sflag:s13] =	ssyncset.done $0x0  }
0x49: {  	[sflag:s13] =	ssyncadd.s32 $0xFFFFF000  }
0x4a: {  	_ =	swait.ge [sflag:s13], $0x1000  }
0x4b: {  	[sflag:s13] =	ssyncset.done $0x0  }
0x4c: {  	[sflag:s13] =	ssyncadd.s32 $0xFFFFF000  }
0x4d: {  	_ =	swait.ge [sflag:s13], $0x1000  }
0x4e: {  	[sflag:s13] =	ssyncset.done $0x0  }
0x4f: {  	[sflag:s13] =	ssyncadd.s32 $0xFFFFF000  }
0x50: {  	s14 =	sadd.s32 $0x1, s14;
	_ =	swait.ge [sflag:s13], $0x1000  }
0x51: {  	p0 =	sne.s32 s14, s5;
	[sflag:s13] =	ssyncset.done $0x0  }
.Ltmp1:
0x52: {  	s31 =	sadd.s32 s15, s6;
	[sflag:s13] =	ssyncadd.s32 $0xFFFFF000;
	(pc) =	sbr.rel @p0 .LBB2_1-.Ltmp1, $4  }
0x53: {  	[hbm4b:s31+s2] =	stream.linear.scatter [tilespmem:s9], [sflag:$0x2], $0x4000, $0x38;
	[tilespmem:$0x10800] =	vst v63  }
0x54: {  	_ =	swait.ge [sflag:s7], $0x4000  }
0x55: {  	[sflag:s7] =	ssyncset.done $0x0  }
0x56: {  	[sflag:s7] =	ssyncadd.s32 $0xFFFFC000  }
0x57: {  	_ =	sfence.sel $0x180000  }
0x58: {  	[bflag:$0x0] =	sbarrier.arrive $0xFFFF  }
0x59: {  	p0 =	sne.s32 s1, $0x0;
	_ =	strace $0x9000004D  }
0x5a: {  	s0 =	sadd.s32 @!p0 $0x100000, s0;
	[bflag:$0x2] =	sbarrier.arrive $0xFFFF  }
0x5b: {  	[sflag:s0] =	ssyncadd.tile.s32 @!p0 $0x1;
	_ =	shalt  }
.Lfunc_end2:
_tile_overlayer_lowered:
.L_overlay_start_2:
0x5c: {  	(tag) =	ssettag $0x2  }
0x5d: {  	s0 =	rddreg [dreg:$0x0];
	s2 =	stileid.u32  }
0x5e: {  	s1 =	rddreg [dreg:$0x1];
	p0 =	sne.s32 s2, $0x0  }
0x5f: {  	s3 =	rddreg [dreg:$0x2];
	[bflag:$0x3] =	sbarrier.arrive $0xFFFF;
	s2 =	simm.s32 @!p0 $0x1C02  }
0x60: {  	[timem:s3], [sflag:s2] =	dma.local @!p0 [hbm:s0], s1  }
0x61: {  	s0 =	simm.s32 @!p0 $0x2  }
0x62: {  	_ =	swait.ge @!p0 [sflag:s0], s1  }
0x63: {  	s1 =	ssub.s32 @!p0 $0x0, s1;
	[sflag:s0] =	ssyncset.done @!p0 $0x0  }
0x64: {  	[sflag:s0] =	ssyncadd.s32 @!p0 s1  }
0x65: {  	[bflag:$0x3] =	sbarrier.arrive $0xFFFF  }
0x66: {  	_ =	shalt  }

// kernel: kernel.19.cloned.1.call-start
scs
__scs_entry_jumppad:
0x0: {  	(pc) =	sbr.rel $0x88, $3  }
0x1: {  	(tag) =	ssettag $0x0;
	lr =	simm.s32 $0x1  }
0x2: {  	[smem:$0x3F6C] =	sst lr;
	_ =	strace $0xD0000000  }
0x3: {  	_ = 	snop  }
0x4: {  	_ = 	snop  }
0x5: {  	_ = 	snop  }
0x6: {  	_ = 	snop  }
0x7: {  	_ = 	snop  }
__scs_overlays_trampoline_lowered:
0x8: {  	[smem:$0x3F7B] =	sst s0  }
0x9: {  	[smem:$0x3F7C] =	sst s1  }
0xa: {  	[smem:$0x3F7D] =	sst s2  }
0xb: {  	[smem:$0x3F7E] =	sst s3  }
0xc: {  	[smem:$0x3F7F] =	sst s4  }
0xd: {  	[smem:$0x3F80] =	sst s5  }
0xe: {  	[smem:$0x3F81] =	sst s6  }
0xf: {  	[smem:$0x3F82] =	sst s7  }
0x10: {  	[smem:$0x3F83] =	sst s8  }
0x11: {  	[smem:$0x3F84] =	sst s9;
	s0 =	simm.s32 @!p0 $0x0  }
0x12: {  	s1 =	sld [smem:$0x3F6A];
	s0 =	simm.s32 @p0 $0x1  }
0x13: {  	[smem:$0x3F85] =	sst s0;
	s0 =	simm.s32 @!p1 $0x0  }
0x14: {  	s2 =	sld [smem:$0x3F69];
	s0 =	simm.s32 @p1 $0x1  }
0x15: {  	[smem:$0x3F86] =	sst s0;
	s0 =	simm.s32 @!p2 $0x0  }
0x16: {  	s3 =	sld [smem:$0x3FDB];
	s0 =	simm.s32 @p2 $0x1  }
0x17: {  	s4 =	simm.s32 $0x1BF5;
	[smem:$0x3F88] =	sst s0  }
0x18: {  	s0 =	sld [smem:$0x3F6B];
	_ =	swait.ge [sflag:s4], $0x0  }
0x19: {  	s7 =	sld [smem:$0x3F6C]  }
0x1a: {  	s8 =	sadd.s32 $0xFFFFE003, lr  }
0x1b: {  	s9 =	sadd.s32 $0xFFFFFEF7, lr;
	s5 =	simm.s32 $0xFFFFFFFF;
	p2 =	slt.u32 s8, $0xFFFFF086  }
0x1c: {  	p1 =	slt.u32 s9, $0xF7A;
	s5 =	simm.s32 @!p2 $0x0  }
0x1d: {  	s5 =	simm.s32 @p1 $0x1;
	p0 =	seq.s32 s7, s2  }
0x1e: {  	s7 =	smul.u32 @!p0 $0xF7A, s2;
	p2 =	seq.s32 @!p0 s5, $0x0  }
0x1f: {  	s9 =	smul.u32 $0xF7A, s1;
	s8 =	simm.s32 @!p0 $0x1BF5;
	p2 =	por !p2, p0  }
0x20: {  	[sflag:s8] =	ssyncset.s32 @!p0 $0xFFFFF086;
	s6 =	sadd.s32 @!p0 s3, s7;
	s7 =	simm.s32 @!p0 $0x108  }
0x21: {  	s3 =	sadd.s32 s3, s9;
	s6 =	sadd.s32 @!p0 $0x88, s6;
	s7 =	simm.s32 @p2 $0x1082  }
0x22: {  	[simem:s7], [sflag:s8] =	dma.local @!p0 [hbm:s6], $0xF7A  }
0x23: {  	s9 =	sor.u32 $0xD0000000, s2;
	s6 =	simm.s32 $0x108;
	_ =	swait.ge @!p0 [sflag:s8], $0x0  }
0x24: {  	s3 =	sadd.s32 $0x88, s3;
	s6 =	simm.s32 @!p1 $0x1082;
	[sflag:s4] =	ssyncset.s32 $0xFFFFF086  }
0x25: {  	[simem:s6], [sflag:s4] =	dma.local [hbm:s3], $0xF7A  }
0x26: {  	[smem:$0x3F6C] =	sst s1;
	(tag) =	ssettag s2;
	_ =	strace s9  }
0x27: {  	s1 =	sld [smem:$0x3F7C]  }
0x28: {  	s2 =	sld [smem:$0x3F7D]  }
0x29: {  	s4 =	sld [smem:$0x3F7F]  }
0x2a: {  	p0 =	seq.s32 s5, $0x0;
	s5 =	sld [smem:$0x3F80]  }
0x2b: {  	s6 =	sld [smem:$0x3F81]  }
0x2c: {  	s7 =	sld [smem:$0x3F82]  }
0x2d: {  	s3 =	simm.s32 $0x108;
	s8 =	sld [smem:$0x3F83]  }
0x2e: {  	s3 =	simm.s32 @!p0 $0x1082;
	s9 =	sld [smem:$0x3F84]  }
0x2f: {  	lr =	sadd.s32 s0, s3;
	s0 =	sld [smem:$0x3F7B]  }
0x30: {  	s3 =	sld [smem:$0x3F7E]  }
0x31: {  	[smem:$0x3F87] =	sst s10  }
0x32: {  	s10 =	sld [smem:$0x3F85];
	_ =	sdelay $0x3  }
0x33: {  	p0 =	seq.s32 s10, $0x1;
	s10 =	sld [smem:$0x3F87];
	_ =	sdelay $0x3  }
0x34: {  	[smem:$0x3F87] =	sst s10  }
0x35: {  	s10 =	sld [smem:$0x3F86];
	_ =	sdelay $0x3  }
0x36: {  	p1 =	seq.s32 s10, $0x1;
	s10 =	sld [smem:$0x3F87];
	_ =	sdelay $0x3  }
0x37: {  	[smem:$0x3F87] =	sst s10  }
0x38: {  	s10 =	sld [smem:$0x3F88]  }
0x39: {  	_ = 	snop;
	(pc) =	sbr.ind lr, $3  }
0x3a: {  	_ = 	snop  }
0x3b: {  	_ = 	snop  }
0x3c: {  	p2 =	seq.s32 s10, $0x1;
	s10 =	sld [smem:$0x3F87]  }
0x3d: {  	_ =	shalt  }
0x3e: {  	_ =	shalt  }
0x3f: {  	_ =	shalt  }
0x40: {  	_ =	shalt  }
0x41: {  	_ =	shalt  }
0x42: {  	_ =	shalt  }
0x43: {  	_ =	shalt  }
0x44: {  	_ =	shalt  }
0x45: {  	_ =	shalt  }
0x46: {  	_ =	shalt  }
0x47: {  	_ =	shalt  }
0x48: {  	_ =	shalt  }
0x49: {  	_ =	shalt  }
0x4a: {  	_ =	shalt  }
0x4b: {  	_ =	shalt  }
0x4c: {  	_ =	shalt  }
0x4d: {  	_ =	shalt  }
0x4e: {  	_ =	shalt  }
0x4f: {  	_ =	shalt  }
0x50: {  	_ =	shalt  }
0x51: {  	_ =	shalt  }
0x52: {  	_ =	shalt  }
0x53: {  	_ =	shalt  }
0x54: {  	_ =	shalt  }
0x55: {  	_ =	shalt  }
0x56: {  	_ =	shalt  }
0x57: {  	_ =	shalt  }
0x58: {  	_ =	shalt  }
0x59: {  	_ =	shalt  }
0x5a: {  	_ =	shalt  }
0x5b: {  	_ =	shalt  }
0x5c: {  	_ =	shalt  }
0x5d: {  	_ =	shalt  }
0x5e: {  	_ =	shalt  }
0x5f: {  	_ =	shalt  }
0x60: {  	_ =	shalt  }
0x61: {  	_ =	shalt  }
0x62: {  	_ =	shalt  }
0x63: {  	_ =	shalt  }
0x64: {  	_ =	shalt  }
0x65: {  	_ =	shalt  }
0x66: {  	_ =	shalt  }
0x67: {  	_ =	shalt  }
0x68: {  	_ =	shalt  }
0x69: {  	_ =	shalt  }
0x6a: {  	_ =	shalt  }
0x6b: {  	_ =	shalt  }
0x6c: {  	_ =	shalt  }
0x6d: {  	_ =	shalt  }
0x6e: {  	_ =	shalt  }
0x6f: {  	_ =	shalt  }
0x70: {  	_ =	shalt  }
0x71: {  	_ =	shalt  }
0x72: {  	_ =	shalt  }
0x73: {  	_ =	shalt  }
0x74: {  	_ =	shalt  }
0x75: {  	_ =	shalt  }
0x76: {  	_ =	shalt  }
0x77: {  	_ =	shalt  }
0x78: {  	_ =	shalt  }
0x79: {  	_ =	shalt  }
0x7a: {  	_ =	shalt  }
0x7b: {  	_ =	shalt  }
0x7c: {  	_ =	shalt  }
0x7d: {  	_ =	shalt  }
0x7e: {  	_ =	shalt  }
0x7f: {  	_ =	shalt  }
0x80: {  	_ =	shalt  }
0x81: {  	_ =	shalt  }
0x82: {  	_ =	shalt  }
0x83: {  	_ =	shalt  }
0x84: {  	_ =	shalt  }
0x85: {  	_ =	shalt  }
0x86: {  	_ =	shalt  }
0x87: {  	_ =	shalt  }
.Lfunc_end0:
.L_simem_size_0:
called_computation.3_lowered:
.L_overlay_start_0:
0x88: {  	s2 =	sld [smem:$0x3FD9]  }
0x89: {  	s3 =	sld [smem:$0x3FFE];
	_ =	sdelay $0x1  }
0x8a: {  	s1 =	srdreg.scid  }
0x8b: {  	s0 =	sand.u32 $0x1, s1  }
0x8c: {  	s16 =	sshll.u32 s0, $0xA;
	s2 =	sadd.s32 s3, s2  }
0x8d: {  	s2 =	sadd.s32 s2, s16  }
0x8e: {  	[smem:$0x3F93] =	sst s2  }
0x8f: {  	_ = 	snop  }
0x90: {  	(tm) =	ssettm $0x1  }
0x91: {  	s17 =	sld [smem:$0x3FFB];
	_ =	sdelay $0x3  }
0x92: {  	_ =	strace s17  }
0x93: {  	s2 =	sld [smem:$0x3FFC];
	_ =	sdelay $0x3  }
0x94: {  	_ =	strace s2  }
0x95: {  	s2 =	sld [smem:$0x3FFD];
	_ =	sdelay $0x3  }
0x96: {  	_ =	strace s2  }
0x97: {  	_ =	strace $0x8FFFFFFF  }
0x98: {  	s18 =	sld [smem:$0x3FDB];
	_ =	sdelay $0x1  }
0x99: {  	s19 =	simm.s32 $_scs_section_size  }
0x9a: {  	s4 =	simm.s32 $_size__tile_overlayer_lowered;
	s5 =	simm.s32 $_tile_overlayer_lowered  }
0x9b: {  	s22 =	simm.s32 $0x1BFF;
	s21 =	sshll.u32 s5, $0x1;
	s2 =	sadd.s32 s19, s18  }
0x9c: {  	s6 =	simm.s32 $0x0;
	s20 =	sshll.u32 s4, $0x1;
	s4 =	sadd.s32 s21, s2  }
0x9d: {  	[timem:s6], [sflag:s22] =	dma.local [hbm:s4], s20  }
0x9e: {  	_ =	swait.ge [sflag:s22], s20  }
0x9f: {  	s3 =	ssub.s32 $0x0, s20;
	[sflag:s22] =	ssyncset.done $0x0  }
0xa0: {  	[sflag:s22] =	ssyncadd.s32 s3;
	_ =	sdelay $0x1  }
0xa1: {  	s23 =	simm.s32 $0x1B8B  }
0xa2: {  	_ =	swait.ge [sflag:s23], $0x1  }
0xa3: {  	[sflag:s23] =	ssyncset.done $0x0  }
0xa4: {  	s25 =	simm.s32 $0x1B8E;
	s24 =	sld [smem:$0x3FFE];
	[sflag:s23] =	ssyncadd.s32 $0xFFFFFFFF  }
0xa5: {  	s26 =	simm.s32 $execute0_lowered;
	[smem:$0x3FD2] =	sst s25  }
0xa6: {  	s4 =	sshll.u32 s26, $0x1;
	_ =	strace $0x8000004F;
	[dreg:$0x1] =	wrdreg $0xFFFFFFFF  }
0xa7: {  	s28 =	simm.s32 $_size_execute0_lowered;
	s2 =	sadd.s32 s2, s4;
	[dreg:$0x0] =	wrdreg $0x0  }
0xa8: {  	s4 =	sshll.u32 s28, $0x1;
	[dreg:$0x2] =	wrdreg s2  }
0xa9: {  	[dreg:$0x3] =	wrdreg s4  }
0xaa: {  	[dreg:$0x4] =	wrdreg $0xC0  }
0xab: {  	_ =	task [dreg:s6], $0x5FFFF  }
0xac: {  	[dreg:$0x1] =	wrdreg $0xFFFFFFFF  }
0xad: {  	[dreg:$0x0] =	wrdreg $0x60  }
0xae: {  	[dreg:$0x2] =	wrdreg s24  }
0xaf: {  	[dreg:$0x3] =	wrdreg $0x94000  }
0xb0: {  	[dreg:$0x4] =	wrdreg $0x9  }
0xb1: {  	_ =	task.clear_ibuf [dreg:s6], $0x5FFFF;
	_ =	strace $0x9000004F  }
0xb2: {  	s29 =	simm.s32 $0x9;
	_ =	strace $0x80000051  }
0xb3: {  	_ =	swait.ge [sflag:s29], $0x1  }
0xb4: {  	[sflag:s29] =	ssyncadd.s32 $0xFFFFFFFF  }
0xb5: {  	_ =	strace $0x90000051  }
0xb6: {  	_ =	sfence  }
0xb7: {  	s30 =	sld [smem:$0x0];
	_ =	sdelay $0x2  }
0xb8: {  	s31 =	sshll.u32 s1, $0xD;
	s1 =	sshrl.u32 s1, $0x2  }
0xb9: {  	s3 =	sand.u32 $0x4000, s31;
	s1 =	sadd.s32 s1, s30  }
0xba: {  	s0 =	sor.u32 s3, s0;
	s1 =	sshll.u32 s1, $0x11  }
0xbb: {  	s0 =	sor.u32 s1, s0  }
0xbc: {  	s0 =	sadd.s32 $0x8F2B, s0  }
0xbd: {  	[sflag:s0] =	ssyncadd.remote.s32 $0x1  }
0xbe: {  	_ =	sfence.sel $0xFFFF  }
0xbf: {  	[dreg:$0x0] =	wrdreg $0xFFFFFFFF;
	(pc) =	sbr.abs _section_cstart, $3  }
0xc0: {  	[dreg:$0x1] =	wrdreg $0xFFFFFFFF  }
0xc1: {  	_ =	task.clear_ibuf [dreg:s6], $0x2FFFF;
	_ =	strace $0x9FFFFFFF  }
0xc2: {  	(tm) =	ssettm $0x7FFFFFFF  }
0xc3: {  	_ =	shalt  }
tec
execute0_lowered:
.L_overlay_start_1:
0x0: {  	(tag) =	ssettag $0x1  }
0x1: {  	s6 =	rddreg [dreg:$0x0]  }
0x2: {  	s2 =	rddreg [dreg:$0x1]  }
0x3: {  	s0 =	rddreg [dreg:$0x2];
	s3 =	simm.s32 $0x0;
	s4 =	srdreg.scid  }
0x4: {  	s1 =	stileid.u32;
	s16 =	simm.s32 $0x5400;
	s17 =	simm.s32 $0x0  }
0x5: {  	[smem:$0x7FF] =	sst s3;
	s7 =	sand.u32 $0x1, s4;
	s8 =	smul.u32 $0x14000, s1  }
0x6: {  	s30 =	sshll.u32 s1, $0x1;
	s4 =	sadd.s32 $0x2EDA00, s6;
	s14 =	smul.u32 $0x140000, s1  }
0x7: {  	s31 =	sshll.u32 s1, $0x6;
	s5 =	sor.u32 s7, s30;
	s10 =	smul.u32 $0xA0000, s7  }
0x8: {  	_ =	strace $0x80000050;
	s7 =	ssub.s32 $0x2, s7;
	s9 =	smul.u32 $0x280, s5  }
0x9: {  	s5 =	sshrl.u32 s8, $0x3;
	s12 =	sshrl.u32 s7, $0x1;
	s15 =	sadd.s32 s8, s2  }
0xa: {  	s11 =	sadd.s32 s5, s6;
	s13 =	sadd.s32 s10, s6;
	s12 =	ssub.s32 s7, s12  }
0xb: {  	s10 =	sadd.s32 s10, s14;
	s14 =	simm.s32 $0x1400;
	s9 =	sadd.s32 s9, s6  }
0xc: {  	s7 =	sadd.s32 $0x2C5A00, s11;
	s8 =	sadd.s32 $0x45A00, s13;
	s10 =	sshrl.u32 s10, $0x3  }
0xd: {  	s11 =	simm.s32 $0x1;
	s13 =	sshrl.u32 s15, $0x3;
	s15 =	simm.s32 $0x80  }
0xe: {  	s6 =	sadd.s32 $0x40A00, s9;
	s9 =	smax.u32 s12, $0x1;
	s12 =	sor.u32 $0x1C01, s31  }
.LBB2_1:
0xf: {  	[tilespmem:s3], [sflag:$0x1] =	stream.linear.gather [hbm4b:s6+s3], $0x1400, $0x38;
	[tilespmem:$0x1D400] =	vst v63  }
0x10: {  	_ =	swait.ge [sflag:s11], $0x1400  }
0x11: {  	[sflag:s11] =	ssyncset.done $0x0  }
0x12: {  	s18 =	simm.s32 $0x0;
	[sflag:s11] =	ssyncadd.s32 $0xFFFFEC00  }
.LBB2_2:
0x13: {  	[spmem:s13], [sflag:s12] =	dma.local [hbm:s7], $0x2800  }
0x14: {  	s19 =	smul.u32 $0x280000, s18  }
0x15: {  	_ =	swait.ge [sflag:s11], $0x2800  }
0x16: {  	[sflag:s11] =	ssyncset.done $0x0;
	s19 =	sadd.s32 s4, s19  }
0x17: {  	[sflag:s11] =	ssyncadd.s32 $0xFFFFD800;
	s19 =	sadd.s32 s19, s10  }
0x18: {  	[bflag:$0x0] =	sbarrier.arrive $0xFFFF;
	s20 =	sadd.s32 $0x0, s19  }
0x19: {  	[tilespmem:s14], [sflag:$0x1] =	stream.linear.gather [hbm4b:s20+s3], $0x8000, $0x38;
	[tilespmem:$0x1D400] =	vst v63  }
0x1a: {  	_ =	swait.ge [sflag:s11], $0x8000  }
0x1b: {  	[sflag:s11] =	ssyncset.done $0x0  }
0x1c: {  	s30 =	simm.s32 $0x0;
	[sflag:s11] =	ssyncadd.s32 $0xFFFF8000  }
0x1d: {  	[spmem:s2] =	stream.indirect.scatter.add.f32 [tilespmem:s14], [sflag:$0x1], $0x80, s30, s15, $0xb8;
	[tilespmem:$0x1D400] =	vst v63  }
0x1e: {  	_ =	swait.ge [sflag:s11], $0x4000  }
0x1f: {  	[sflag:s11] =	ssyncset.done $0x0  }
0x20: {  	s31 =	simm.s32 $0x80;
	[sflag:s11] =	ssyncadd.s32 $0xFFFFC000  }
0x21: {  	[spmem:s2] =	stream.indirect.scatter.add.f32 [tilespmem:s16], [sflag:$0x1], $0x80, s31, s15, $0xb8;
	[tilespmem:$0x1D400] =	vst v63  }
0x22: {  	s21 =	simm.s32 $0x1000;
	_ =	swait.ge [sflag:s11], $0x4000  }
0x23: {  	s22 =	simm.s32 $0x2000;
	s20 =	simm.s32 $0x180;
	[sflag:s11] =	ssyncset.done $0x0  }
.LBB2_3:
0x24: {  	s23 =	sadd.s32 s21, s19  }
0x25: {  	[sflag:s11] =	ssyncadd.s32 $0xFFFFC000;
	s21 =	smov.u32 s22;
	s24 =	sadd.s32 $0x1000, s22  }
0x26: {  	[tilespmem:s14], [sflag:$0x1] =	stream.linear.gather [hbm4b:s23+s3], $0x8000, $0x38;
	[tilespmem:$0x1D400] =	vst v63  }
0x27: {  	p0 =	sne.s32 s22, $0x13000;
	_ =	swait.ge [sflag:s11], $0x8000  }
0x28: {  	[sflag:s11] =	ssyncset.done $0x0  }
0x29: {  	s22 =	sadd.s32 $0xFFFFFF80, s20;
	[sflag:s11] =	ssyncadd.s32 $0xFFFF8000  }
0x2a: {  	[spmem:s2] =	stream.indirect.scatter.add.f32 [tilespmem:s14], [sflag:$0x1], $0x80, s22, s15, $0xb8;
	[tilespmem:$0x1D400] =	vst v63  }
0x2b: {  	_ =	swait.ge [sflag:s11], $0x4000  }
.Ltmp0:
0x2c: {  	[sflag:s11] =	ssyncset.done $0x0;
	(pc) =	sbr.rel @p0 .LBB2_3-.Ltmp0, $4  }
0x2d: {  	[sflag:s11] =	ssyncadd.s32 $0xFFFFC000  }
0x2e: {  	[spmem:s2] =	stream.indirect.scatter.add.f32 [tilespmem:s16], [sflag:$0x1], $0x80, s20, s15, $0xb8;
	[tilespmem:$0x1D400] =	vst v63  }
0x2f: {  	_ =	swait.ge [sflag:s11], $0x4000  }
0x30: {  	s22 =	smov.u32 s24;
	s20 =	sadd.s32 $0x100, s20;
	[sflag:s11] =	ssyncset.done $0x0  }
0x31: {  	s19 =	sadd.s32 s21, s19;
	[sflag:s11] =	ssyncadd.s32 $0xFFFFC000  }
0x32: {  	[tilespmem:s14], [sflag:$0x1] =	stream.linear.gather [hbm4b:s19+s3], $0x8000, $0x38;
	[tilespmem:$0x1D400] =	vst v63  }
0x33: {  	_ =	swait.ge [sflag:s11], $0x8000  }
0x34: {  	[sflag:s11] =	ssyncset.done $0x0  }
0x35: {  	s30 =	sadd.s32 $0xFFFFFF80, s20;
	[sflag:s11] =	ssyncadd.s32 $0xFFFF8000  }
0x36: {  	[spmem:s2] =	stream.indirect.scatter.add.f32 [tilespmem:s14], [sflag:$0x1], $0x80, s30, s15, $0xb8;
	[tilespmem:$0x1D400] =	vst v63  }
0x37: {  	_ =	swait.ge [sflag:s11], $0x4000  }
0x38: {  	[sflag:s11] =	ssyncset.done $0x0  }
0x39: {  	[sflag:s11] =	ssyncadd.s32 $0xFFFFC000  }
0x3a: {  	[spmem:s2] =	stream.indirect.scatter.add.f32 [tilespmem:s16], [sflag:$0x1], $0x80, s20, s15, $0xb8;
	[tilespmem:$0x1D400] =	vst v63  }
0x3b: {  	s31 =	smul.u32 $0x28000, s18;
	_ =	swait.ge [sflag:s11], $0x4000  }
0x3c: {  	[sflag:s11] =	ssyncset.done $0x0  }
0x3d: {  	s18 =	sadd.s32 $0x1, s18;
	s19 =	sadd.s32 s31, s8;
	[sflag:s11] =	ssyncadd.s32 $0xFFFFC000  }
0x3e: {  	p0 =	sne.s32 s18, $0x4;
	s19 =	sadd.s32 s5, s19;
	[bflag:$0x0] =	sbarrier.arrive $0xFFFF  }
0x3f: {  	[hbm:s19], [sflag:s12] =	dma.local [spmem:s13], $0x2800  }
.Ltmp1:
0x40: {  	_ =	swait.ge [sflag:s11], $0x2800;
	(pc) =	sbr.rel @p0 .LBB2_2-.Ltmp1, $3  }
0x41: {  	[sflag:s11] =	ssyncset.done $0x0  }
0x42: {  	[sflag:s11] =	ssyncadd.s32 $0xFFFFD800  }
0x43: {  	[bflag:$0x0] =	sbarrier.arrive $0xFFFF;
	_ =	sdelay $0x1  }
0x44: {  	s17 =	sadd.s32 $0x1, s17  }
0x45: {  	p0 =	sne.s32 s17, s9  }
.Ltmp2:
0x46: {  	_ = 	snop;
	(pc) =	sbr.rel @p0 .LBB2_1-.Ltmp2, $1  }
0x47: {  	_ =	sdelay $0x3  }
0x48: {  	_ =	sfence.sel $0x180000  }
0x49: {  	[bflag:$0x0] =	sbarrier.arrive $0xFFFF  }
0x4a: {  	p0 =	sne.s32 s1, $0x0;
	_ =	strace $0x90000050  }
0x4b: {  	s0 =	sadd.s32 @!p0 $0x100000, s0;
	[bflag:$0x2] =	sbarrier.arrive $0xFFFF  }
0x4c: {  	[sflag:s0] =	ssyncadd.tile.s32 @!p0 $0x1;
	_ =	shalt  }
.Lfunc_end2:
_tile_overlayer_lowered:
.L_overlay_start_2:
0x4d: {  	(tag) =	ssettag $0x2  }
0x4e: {  	s0 =	rddreg [dreg:$0x0];
	s2 =	stileid.u32  }
0x4f: {  	s1 =	rddreg [dreg:$0x1];
	p0 =	sne.s32 s2, $0x0  }
0x50: {  	s3 =	rddreg [dreg:$0x2];
	[bflag:$0x3] =	sbarrier.arrive $0xFFFF;
	s2 =	simm.s32 @!p0 $0x1C01  }
0x51: {  	[timem:s3], [sflag:s2] =	dma.local @!p0 [hbm:s0], s1  }
0x52: {  	s0 =	simm.s32 @!p0 $0x1  }
0x53: {  	_ =	swait.ge @!p0 [sflag:s0], s1  }
0x54: {  	s1 =	ssub.s32 @!p0 $0x0, s1;
	[sflag:s0] =	ssyncset.done @!p0 $0x0  }
0x55: {  	[sflag:s0] =	ssyncadd.s32 @!p0 s1  }
0x56: {  	[bflag:$0x3] =	sbarrier.arrive $0xFFFF  }
0x57: {  	_ =	shalt  }

</sc_bundles>
